<compile_context>
chip_gen: v7x
topology: tpu7x:2x2x1
jax: 0.10.2.dev20260603
libtpu: 0.0.44.dev20260713+nightly
codegen_flags: <defaults>
</compile_context>

<pallas_src>
import functools

import jax
import jax.numpy as jnp
from jax import lax
from jax.experimental import pallas as pl
from jax.experimental.pallas import tpu as pltpu
from jax.experimental.pallas import tpu_sc as plsc

_K = 8
_NEG_INF = float("-inf")

_LSC = 7168
_LC = 256
_TC_LBLK = 1024



def _tc_body(mixed_ref, panel_ref, vals_ref, idx_ref):
    x = panel_ref[0] * mixed_ref[0]
    n = x.shape[0]
    iota = jax.lax.broadcasted_iota(jnp.int32, x.shape, 0)
    for k in range(_K):
        m = jnp.max(x, axis=0, keepdims=True)
        amax = jnp.argmax(x, axis=0)
        vals_ref[0, k, :] = m[0]
        if k == 0:
            first = jnp.min(jnp.where(x == m, iota, n), axis=0)
            idx_ref[0, 0, :] = first.astype(jnp.int32)
        if k + 1 < _K:
            x = jnp.where(iota == amax[None, :], _NEG_INF, x)


def _tc_topk(mixed, panel, lsc, lblk):
    p, n, l = panel.shape
    b = mixed.shape[0]
    ltc = l - lsc
    off = lsc // lblk
    mixed3 = mixed.reshape(b, 1, l)
    grid = (p, ltc // lblk)
    vals, idx = pl.pallas_call(
        _tc_body,
        grid=grid,
        in_specs=[
            pl.BlockSpec((1, 1, lblk), lambda i, j: (i // 4, 0, j + off)),
            pl.BlockSpec((1, n, lblk), lambda i, j: (i, 0, j + off)),
        ],
        out_specs=[
            pl.BlockSpec((1, _K, lblk), lambda i, j: (i, 0, j)),
            pl.BlockSpec((1, 1, lblk), lambda i, j: (i, 0, j)),
        ],
        out_shape=[
            jax.ShapeDtypeStruct((p, _K, ltc), jnp.float32),
            jax.ShapeDtypeStruct((p, 1, ltc), jnp.int32),
        ],
    )(mixed3, panel)
    return vals, idx.reshape(p, ltc)



def _sc_topk(mixed, panel, lsc):
    p, n, l = panel.shape
    half = lsc // 2
    nchunks = half // _LC

    mesh = plsc.VectorSubcoreMesh(core_axis_name="c", subcore_axis_name="s")

    @functools.partial(
        pl.kernel,
        mesh=mesh,
        out_type=[
            jax.ShapeDtypeStruct((p, _K, lsc), jnp.float32),
            jax.ShapeDtypeStruct((p, lsc), jnp.int32),
        ],
        scratch_types=[
            pltpu.VMEM((2, n, _LC), jnp.float32),
            pltpu.VMEM((half,), jnp.float32),
            pltpu.VMEM((_K, _LC), jnp.float32),
            pltpu.VMEM((_LC,), jnp.int32),
            pltpu.SemaphoreType.DMA,
            pltpu.SemaphoreType.DMA,
        ],
    )
    def sc_kernel(mixed_hbm, panel_hbm, vals_hbm, idx_hbm,
                  pbuf2, mbuf, vbuf, ibuf, sem0, sem1):
        wid = lax.axis_index("s") * 2 + lax.axis_index("c")
        pair = wid // 2
        b = pair // 4
        base = (wid % 2) * half

        pltpu.sync_copy(mixed_hbm.at[b, pl.ds(base, half)], mbuf)

        def panel_src(ci):
            return panel_hbm.at[pair, :, pl.ds(base + ci * _LC, _LC)]

        pltpu.async_copy(panel_src(0), pbuf2.at[0], sem0)

        def per_chunk(ci, _):
            c0 = base + ci * _LC
            par = lax.rem(ci, 2)
            nxt = jnp.minimum(ci + 1, nchunks - 1)

            @pl.when(par == 1)
            def _():
                pltpu.async_copy(panel_src(nxt), pbuf2.at[0], sem0)

            @pl.when(par == 0)
            def _():
                pltpu.async_copy(panel_src(nxt), pbuf2.at[1], sem1)

            @pl.when(par == 0)
            def _():
                pltpu.make_async_copy(panel_src(ci), pbuf2.at[0], sem0).wait()

            @pl.when(par == 1)
            def _():
                pltpu.make_async_copy(panel_src(ci), pbuf2.at[1], sem1).wait()

            pbuf = pbuf2.at[par]

            def per_group(g, _):
                nw = 2
                sls = [pl.ds(g * (16 * nw) + 16 * t, 16) for t in range(nw)]
                moff = ci * _LC
                mvs = [pl.ds(moff + g * (16 * nw) + 16 * t, 16)
                       for t in range(nw)]
                mvs = [mbuf[s] for s in mvs]
                neg = jnp.full((16,), _NEG_INF, jnp.float32)
                zero = jnp.zeros((16,), jnp.int32)
                init = tuple(((neg,) * _K, zero) for _ in range(nw))

                def ladder(rs, i0, v, ni):
                    c = [v > rs[j] for j in range(_K - 1)]
                    out = [jnp.maximum(rs[0], v)]
                    for j in range(1, _K):
                        out.append(jnp.where(
                            c[j - 1], rs[j - 1], jnp.maximum(v, rs[j])))
                    nsplat = jnp.full((16,), ni, jnp.int32)
                    return tuple(out), jnp.where(c[0], nsplat, i0)

                def per_n(ni, carry):
                    vs = [pbuf[ni, sls[t]] * mvs[t] for t in range(nw)]
                    return tuple(
                        ladder(carry[t][0], carry[t][1], vs[t], ni)
                        for t in range(nw))

                fin = lax.fori_loop(0, n, per_n, init, unroll=32)
                for t in range(nw):
                    for j in range(_K):
                        vbuf[j, sls[t]] = fin[t][0][j]
                    ibuf[sls[t]] = fin[t][1]
                return 0

            lax.fori_loop(0, _LC // 32, per_group, 0)
            pltpu.sync_copy(vbuf, vals_hbm.at[pair, :, pl.ds(c0, _LC)])
            pltpu.sync_copy(ibuf, idx_hbm.at[pair, pl.ds(c0, _LC)])
            return 0

        lax.fori_loop(0, nchunks, per_chunk, 0)
        fpar = nchunks % 2
        if fpar == 0:
            pltpu.make_async_copy(
                panel_src(nchunks - 1), pbuf2.at[0], sem0).wait()
        else:
            pltpu.make_async_copy(
                panel_src(nchunks - 1), pbuf2.at[1], sem1).wait()

    return sc_kernel(mixed, panel)



@jax.jit
def _run(input_mixed, ref_panel):
    b, a, n, l = ref_panel.shape
    panel = ref_panel.reshape(b * a, n, l)

    parts = []
    if _LSC > 0:
        parts.append(_sc_topk(input_mixed, panel, _LSC))
    if _LSC < l:
        parts.append(_tc_topk(input_mixed, panel, _LSC, _TC_LBLK))

    if len(parts) == 1:
        vals, idx = parts[0]
    else:
        vals = jnp.concatenate([parts[0][0], parts[1][0]], axis=2)
        idx = jnp.concatenate([parts[0][1], parts[1][1]], axis=1)
    return vals.reshape(b, a, _K, l), idx.reshape(b, a, l)


def kernel(input_mixed, ref_panel):
    return _run(input_mixed, ref_panel)

# --- scband reference (transcript-rebuilt; emitter-appended) ---
"""Pipeline reference for scband-base-model-36275293782829 (READ-ONLY COPY).

The authoritative reference and input builder live on the scoring server;
editing this copy changes nothing except your own understanding.
"""

import jax, jax.numpy as jnp
import numpy as np

B, A, N, L, K = 4, 4, 128, 16384, 8

def setup_inputs(seed: int = 0) -> dict:
    key = jax.random.key(seed)
    k1, k2 = jax.random.split(key)
    input_mixed = jax.random.normal(k1, (B, L), dtype=jnp.float32)
    ref_panel = jax.random.normal(k2, (B, A, N, L), dtype=jnp.float32)
    return {"input_mixed": input_mixed, "ref_panel": ref_panel}

def reference(input_mixed, ref_panel):
    # XOR step: multiply_ref_panel -> mixed.unsqueeze(0) * ref_panel[ancestry]
    # vectorized over batch b and ancestry a: [B,A,N,L]
    multi = input_mixed[:, None, None, :] * ref_panel
    # TopKPool: torch.topk(inp, k, dim=0) over the N (reference haplotype) axis.
    # lax.top_k operates on the last axis, so move N to the end.
    mt = jnp.transpose(multi, (0, 1, 3, 2))          # [B,A,L,N]
    vals, idx = jax.lax.top_k(mt, K)                  # [B,A,L,K]
    maximums = jnp.transpose(vals, (0, 1, 3, 2))      # [B,A,K,L] == torch maximums per (b,a)
    # torch returns indices[0]: the argmax (top-1) index per column -> [L]
    max_indices_batch = idx[..., 0].astype(jnp.int32) # [B,A,L] == stacked max_indices_batch
    return (maximums, max_indices_batch)

if __name__ == "__main__":
    import jax
    _d = setup_inputs()
    print(jax.jit(kernel)(*tuple(_d.values())))

</pallas_src>

<mosaic_0001>
#map = affine_map<(d0, d1) -> (0, 0)>
#map1 = affine_map<(d0, d1) -> (0, 0, 0)>
module attributes {stable_mosaic.version = 14 : i64} {
  func.func @sc_kernel(%arg0: i32, %arg1: i32, %arg2: memref<4x16384xf32, #tpu.memory_space<hbm>>, %arg3: memref<16x128x16384xf32, #tpu.memory_space<hbm>>, %arg4: memref<16x8x7168xf32, #tpu.memory_space<hbm>>, %arg5: memref<16x7168xi32, #tpu.memory_space<hbm>>, %arg6: memref<2x128x256xf32, #tpu.memory_space<vmem>>, %arg7: memref<3584xf32, #tpu.memory_space<vmem>>, %arg8: memref<8x256xf32, #tpu.memory_space<vmem>>, %arg9: memref<256xi32, #tpu.memory_space<vmem>>, %arg10: memref<!tpu.dma_semaphore, #tpu.memory_space<semaphore_mem>>, %arg11: memref<!tpu.dma_semaphore, #tpu.memory_space<semaphore_mem>>) attributes {dimension_semantics = [#tpu.dimension_semantics<core_parallel>, #tpu.dimension_semantics<subcore_parallel>], iteration_bounds = array<i64: 2, 16>, scalar_prefetch = 0 : i64, scratch_operands = 6 : i64, tpu.core_type = #tpu.core_type<sc_vector_subcore>, window_params = [{transform_indices = #map}, {transform_indices = #map1}, {transform_indices = #map1}, {transform_indices = #map}]} {
    %mul3A = arith.constant 2 : i32
    %mul3A_0 = arith.muli %arg1, %mul3A : i32
    %add3A = arith.addi %mul3A_0, %arg0 : i32
    %jit3A = arith.constant 2 : i32
    %div3A = arith.divsi %add3A, %jit3A : i32
    %sign3A = arith.constant 0 : i32
    %sign3A_1 = arith.cmpi sgt, %add3A, %sign3A : i32
    %sign3A_2 = arith.extui %sign3A_1 : i1 to i32
    %sign3A_3 = arith.constant 0 : i32
    %sign3A_4 = arith.cmpi slt, %add3A, %sign3A_3 : i32
    %sign3A_5 = arith.extui %sign3A_4 : i1 to i32
    %sign3A_6 = arith.subi %sign3A_2, %sign3A_5 : i32
    %sign3A_7 = arith.constant 0 : i32
    %sign3A_8 = arith.cmpi sgt, %jit3A, %sign3A_7 : i32
    %sign3A_9 = arith.extui %sign3A_8 : i1 to i32
    %sign3A_10 = arith.constant 0 : i32
    %sign3A_11 = arith.cmpi slt, %jit3A, %sign3A_10 : i32
    %sign3A_12 = arith.extui %sign3A_11 : i1 to i32
    %sign3A_13 = arith.subi %sign3A_9, %sign3A_12 : i32
    %ne3A = arith.cmpi ne, %sign3A_6, %sign3A_13 : i32
    %rem3A = arith.remsi %add3A, %jit3A : i32
    %ne3A_14 = arith.constant 0 : i32
    %ne3A_15 = arith.cmpi ne, %rem3A, %ne3A_14 : i32
    %and3A = arith.andi %ne3A, %ne3A_15 : i1
    %sub3A = arith.constant 1 : i32
    %sub3A_16 = arith.subi %div3A, %sub3A : i32
    %select_n3A = arith.select %and3A, %sub3A_16, %div3A : i32
    %jit3A_17 = arith.constant 4 : i32
    %div3A_18 = arith.divsi %select_n3A, %jit3A_17 : i32
    %sign3A_19 = arith.constant 0 : i32
    %sign3A_20 = arith.cmpi sgt, %select_n3A, %sign3A_19 : i32
    %sign3A_21 = arith.extui %sign3A_20 : i1 to i32
    %sign3A_22 = arith.constant 0 : i32
    %sign3A_23 = arith.cmpi slt, %select_n3A, %sign3A_22 : i32
    %sign3A_24 = arith.extui %sign3A_23 : i1 to i32
    %sign3A_25 = arith.subi %sign3A_21, %sign3A_24 : i32
    %sign3A_26 = arith.constant 0 : i32
    %sign3A_27 = arith.cmpi sgt, %jit3A_17, %sign3A_26 : i32
    %sign3A_28 = arith.extui %sign3A_27 : i1 to i32
    %sign3A_29 = arith.constant 0 : i32
    %sign3A_30 = arith.cmpi slt, %jit3A_17, %sign3A_29 : i32
    %sign3A_31 = arith.extui %sign3A_30 : i1 to i32
    %sign3A_32 = arith.subi %sign3A_28, %sign3A_31 : i32
    %ne3A_33 = arith.cmpi ne, %sign3A_25, %sign3A_32 : i32
    %rem3A_34 = arith.remsi %select_n3A, %jit3A_17 : i32
    %ne3A_35 = arith.constant 0 : i32
    %ne3A_36 = arith.cmpi ne, %rem3A_34, %ne3A_35 : i32
    %and3A_37 = arith.andi %ne3A_33, %ne3A_36 : i1
    %sub3A_38 = arith.constant 1 : i32
    %sub3A_39 = arith.subi %div3A_18, %sub3A_38 : i32
    %select_n3A_40 = arith.select %and3A_37, %sub3A_39, %div3A_18 : i32
    %jit3A_41 = arith.constant 2 : i32
    %eq3A = arith.constant 0 : i32
    %eq3A_42 = arith.cmpi eq, %jit3A_41, %eq3A : i32
    %jit3A_43 = arith.constant 1 : i32
    %select_n3A_44 = arith.select %eq3A_42, %jit3A_43, %jit3A_41 : i32
    %rem3A_45 = arith.remsi %add3A, %select_n3A_44 : i32
    %ne3A_46 = arith.constant 0 : i32
    %ne3A_47 = arith.cmpi ne, %rem3A_45, %ne3A_46 : i32
    %lt3A = arith.constant 0 : i32
    %lt3A_48 = arith.cmpi slt, %rem3A_45, %lt3A : i32
    %lt3A_49 = arith.constant 0 : i32
    %lt3A_50 = arith.cmpi slt, %select_n3A_44, %lt3A_49 : i32
    %ne3A_51 = arith.xori %lt3A_48, %lt3A_50 : i1
    %and3A_52 = arith.andi %ne3A_51, %ne3A_47 : i1
    %add3A_53 = arith.addi %rem3A_45, %select_n3A_44 : i32
    %select_n3A_54 = arith.select %and3A_52, %add3A_53, %rem3A_45 : i32
    %mul3A_55 = arith.constant 3584 : i32
    %mul3A_56 = arith.muli %select_n3A_54, %mul3A_55 : i32
    "tpu.region"() ({
      %run_scoped3A = tpu.sem_alloc : memref<!tpu.dma_semaphore, #tpu.memory_space<semaphore_mem>>
      %dma_start3A_95 = tpu.memref_slice %arg2[%select_n3A_40, %mul3A_56] : memref<4x16384xf32, #tpu.memory_space<hbm>> -> memref<1x3584xf32, #tpu.memory_space<hbm>>
      %dma_start3A_96 = tpu.memref_squeeze %dma_start3A_95 : memref<1x3584xf32, #tpu.memory_space<hbm>> -> memref<3584xf32, #tpu.memory_space<hbm>>
      %dma_start3A_97 = tpu.memref_slice %arg2[%select_n3A_40, %mul3A_56] : memref<4x16384xf32, #tpu.memory_space<hbm>> -> memref<1x3584xf32, #tpu.memory_space<hbm>>
      %dma_start3A_98 = tpu.memref_squeeze %dma_start3A_97 : memref<1x3584xf32, #tpu.memory_space<hbm>> -> memref<3584xf32, #tpu.memory_space<hbm>>
      tpu.enqueue_dma source(%dma_start3A_98 : memref<3584xf32, #tpu.memory_space<hbm>>) target(%arg7 : memref<3584xf32, #tpu.memory_space<vmem>>) target_semaphore(%run_scoped3A : memref<!tpu.dma_semaphore, #tpu.memory_space<semaphore_mem>>)
      %dma_wait3A_99 = tpu.memref_slice %arg2[%select_n3A_40, %mul3A_56] : memref<4x16384xf32, #tpu.memory_space<hbm>> -> memref<1x3584xf32, #tpu.memory_space<hbm>>
      %dma_wait3A_100 = tpu.memref_squeeze %dma_wait3A_99 : memref<1x3584xf32, #tpu.memory_space<hbm>> -> memref<3584xf32, #tpu.memory_space<hbm>>
      %dma_wait3A_101 = tpu.memref_slice %arg2[%select_n3A_40, %mul3A_56] : memref<4x16384xf32, #tpu.memory_space<hbm>> -> memref<1x3584xf32, #tpu.memory_space<hbm>>
      %dma_wait3A_102 = tpu.memref_squeeze %dma_wait3A_101 : memref<1x3584xf32, #tpu.memory_space<hbm>> -> memref<3584xf32, #tpu.memory_space<hbm>>
      tpu.wait_dma2 semaphore(%run_scoped3A : memref<!tpu.dma_semaphore, #tpu.memory_space<semaphore_mem>>) src(%dma_wait3A_102 : memref<3584xf32, #tpu.memory_space<hbm>>) dst(%arg7 : memref<3584xf32, #tpu.memory_space<vmem>>)
      tpu.yield
    }) : () -> ()
    %add3A_57 = arith.constant 0 : i32
    %add3A_58 = arith.addi %mul3A_56, %add3A_57 : i32
    %dma_start3A = arith.constant 0 : i32
    %dma_start3A_59 = arith.constant 0 : i32
    %dma_start3A_60 = arith.constant 0 : i32
    %dma_start3A_61 = tpu.memref_slice %arg6[%dma_start3A, %dma_start3A_59, %dma_start3A_60] : memref<2x128x256xf32, #tpu.memory_space<vmem>> -> memref<1x128x256xf32, #tpu.memory_space<vmem>>
    %dma_start3A_62 = tpu.memref_squeeze %dma_start3A_61 : memref<1x128x256xf32, #tpu.memory_space<vmem>> -> memref<128x256xf32, #tpu.memory_space<vmem>>
    %dma_start3A_63 = arith.constant 0 : i32
    %dma_start3A_64 = tpu.memref_slice %arg3[%select_n3A, %dma_start3A_63, %add3A_58] : memref<16x128x16384xf32, #tpu.memory_space<hbm>> -> memref<1x128x256xf32, #tpu.memory_space<hbm>>
    %dma_start3A_65 = tpu.memref_squeeze %dma_start3A_64 : memref<1x128x256xf32, #tpu.memory_space<hbm>> -> memref<128x256xf32, #tpu.memory_space<hbm>>
    %dma_start3A_66 = arith.constant 0 : i32
    %dma_start3A_67 = arith.constant 0 : i32
    %dma_start3A_68 = tpu.memref_slice %arg6[%dma_start3A, %dma_start3A_66, %dma_start3A_67] : memref<2x128x256xf32, #tpu.memory_space<vmem>> -> memref<1x128x256xf32, #tpu.memory_space<vmem>>
    %dma_start3A_69 = tpu.memref_squeeze %dma_start3A_68 : memref<1x128x256xf32, #tpu.memory_space<vmem>> -> memref<128x256xf32, #tpu.memory_space<vmem>>
    %dma_start3A_70 = arith.constant 0 : i32
    %dma_start3A_71 = tpu.memref_slice %arg3[%select_n3A, %dma_start3A_70, %add3A_58] : memref<16x128x16384xf32, #tpu.memory_space<hbm>> -> memref<1x128x256xf32, #tpu.memory_space<hbm>>
    %dma_start3A_72 = tpu.memref_squeeze %dma_start3A_71 : memref<1x128x256xf32, #tpu.memory_space<hbm>> -> memref<128x256xf32, #tpu.memory_space<hbm>>
    tpu.enqueue_dma source(%dma_start3A_72 : memref<128x256xf32, #tpu.memory_space<hbm>>) target(%dma_start3A_69 : memref<128x256xf32, #tpu.memory_space<vmem>>) target_semaphore(%arg10 : memref<!tpu.dma_semaphore, #tpu.memory_space<semaphore_mem>>)
    %scan3A = arith.constant 0 : i32
    %scan3A_73 = arith.constant 0 : i32
    %scan3A_74 = arith.constant 14 : i32
    %scan3A_75 = arith.addi %scan3A_73, %scan3A_74 : i32
    %scan3A_76 = arith.constant 1 : i32
    %scan3A_77 = scf.for %scan3A_95 = %scan3A_73 to %scan3A_75 step %scan3A_76 iter_args(%scan3A_96 = %scan3A) -> (i32)  : i32 {
      %mul3A_97 = arith.constant 256 : i32
      %mul3A_98 = arith.muli %scan3A_95, %mul3A_97 : i32
      %add3A_99 = arith.addi %mul3A_56, %mul3A_98 : i32
      %rem3A_100 = arith.constant 2 : i32
      %rem3A_101 = arith.remsi %scan3A_95, %rem3A_100 : i32
      %add3A_102 = arith.constant 1 : i32
      %add3A_103 = arith.addi %scan3A_95, %add3A_102 : i32
      %min3A = arith.constant 13 : i32
      %min3A_104 = arith.minsi %add3A_103, %min3A : i32
      %eq3A_105 = arith.constant 1 : i32
      %eq3A_106 = arith.cmpi eq, %rem3A_101, %eq3A_105 : i32
      %convert_element_type3A = arith.extui %eq3A_106 : i1 to i32
      %cond3A = arith.constant 0 : i32
      %cond3A_107 = arith.cmpi ne, %convert_element_type3A, %cond3A : i32
      scf.if %cond3A_107 {
        %mul3A_131 = arith.constant 256 : i32
        %mul3A_132 = arith.muli %min3A_104, %mul3A_131 : i32
        %add3A_133 = arith.addi %mul3A_56, %mul3A_132 : i32
        %dma_start3A_134 = arith.constant 0 : i32
        %dma_start3A_135 = arith.constant 0 : i32
        %dma_start3A_136 = arith.constant 0 : i32
        %dma_start3A_137 = tpu.memref_slice %arg6[%dma_start3A_134, %dma_start3A_135, %dma_start3A_136] : memref<2x128x256xf32, #tpu.memory_space<vmem>> -> memref<1x128x256xf32, #tpu.memory_space<vmem>>
        %dma_start3A_138 = tpu.memref_squeeze %dma_start3A_137 : memref<1x128x256xf32, #tpu.memory_space<vmem>> -> memref<128x256xf32, #tpu.memory_space<vmem>>
        %dma_start3A_139 = arith.constant 0 : i32
        %dma_start3A_140 = tpu.memref_slice %arg3[%select_n3A, %dma_start3A_139, %add3A_133] : memref<16x128x16384xf32, #tpu.memory_space<hbm>> -> memref<1x128x256xf32, #tpu.memory_space<hbm>>
        %dma_start3A_141 = tpu.memref_squeeze %dma_start3A_140 : memref<1x128x256xf32, #tpu.memory_space<hbm>> -> memref<128x256xf32, #tpu.memory_space<hbm>>
        %dma_start3A_142 = arith.constant 0 : i32
        %dma_start3A_143 = arith.constant 0 : i32
        %dma_start3A_144 = tpu.memref_slice %arg6[%dma_start3A_134, %dma_start3A_142, %dma_start3A_143] : memref<2x128x256xf32, #tpu.memory_space<vmem>> -> memref<1x128x256xf32, #tpu.memory_space<vmem>>
        %dma_start3A_145 = tpu.memref_squeeze %dma_start3A_144 : memref<1x128x256xf32, #tpu.memory_space<vmem>> -> memref<128x256xf32, #tpu.memory_space<vmem>>
        %dma_start3A_146 = arith.constant 0 : i32
        %dma_start3A_147 = tpu.memref_slice %arg3[%select_n3A, %dma_start3A_146, %add3A_133] : memref<16x128x16384xf32, #tpu.memory_space<hbm>> -> memref<1x128x256xf32, #tpu.memory_space<hbm>>
        %dma_start3A_148 = tpu.memref_squeeze %dma_start3A_147 : memref<1x128x256xf32, #tpu.memory_space<hbm>> -> memref<128x256xf32, #tpu.memory_space<hbm>>
        tpu.enqueue_dma source(%dma_start3A_148 : memref<128x256xf32, #tpu.memory_space<hbm>>) target(%dma_start3A_145 : memref<128x256xf32, #tpu.memory_space<vmem>>) target_semaphore(%arg10 : memref<!tpu.dma_semaphore, #tpu.memory_space<semaphore_mem>>)
      } else {
      }
      %eq3A_108 = arith.constant 0 : i32
      %eq3A_109 = arith.cmpi eq, %rem3A_101, %eq3A_108 : i32
      %convert_element_type3A_110 = arith.extui %eq3A_109 : i1 to i32
      %cond3A_111 = arith.constant 0 : i32
      %cond3A_112 = arith.cmpi ne, %convert_element_type3A_110, %cond3A_111 : i32
      scf.if %cond3A_112 {
        %mul3A_131 = arith.constant 256 : i32
        %mul3A_132 = arith.muli %min3A_104, %mul3A_131 : i32
        %add3A_133 = arith.addi %mul3A_56, %mul3A_132 : i32
        %dma_start3A_134 = arith.constant 1 : i32
        %dma_start3A_135 = arith.constant 0 : i32
        %dma_start3A_136 = arith.constant 0 : i32
        %dma_start3A_137 = tpu.memref_slice %arg6[%dma_start3A_134, %dma_start3A_135, %dma_start3A_136] : memref<2x128x256xf32, #tpu.memory_space<vmem>> -> memref<1x128x256xf32, #tpu.memory_space<vmem>>
        %dma_start3A_138 = tpu.memref_squeeze %dma_start3A_137 : memref<1x128x256xf32, #tpu.memory_space<vmem>> -> memref<128x256xf32, #tpu.memory_space<vmem>>
        %dma_start3A_139 = arith.constant 0 : i32
        %dma_start3A_140 = tpu.memref_slice %arg3[%select_n3A, %dma_start3A_139, %add3A_133] : memref<16x128x16384xf32, #tpu.memory_space<hbm>> -> memref<1x128x256xf32, #tpu.memory_space<hbm>>
        %dma_start3A_141 = tpu.memref_squeeze %dma_start3A_140 : memref<1x128x256xf32, #tpu.memory_space<hbm>> -> memref<128x256xf32, #tpu.memory_space<hbm>>
        %dma_start3A_142 = arith.constant 0 : i32
        %dma_start3A_143 = arith.constant 0 : i32
        %dma_start3A_144 = tpu.memref_slice %arg6[%dma_start3A_134, %dma_start3A_142, %dma_start3A_143] : memref<2x128x256xf32, #tpu.memory_space<vmem>> -> memref<1x128x256xf32, #tpu.memory_space<vmem>>
        %dma_start3A_145 = tpu.memref_squeeze %dma_start3A_144 : memref<1x128x256xf32, #tpu.memory_space<vmem>> -> memref<128x256xf32, #tpu.memory_space<vmem>>
        %dma_start3A_146 = arith.constant 0 : i32
        %dma_start3A_147 = tpu.memref_slice %arg3[%select_n3A, %dma_start3A_146, %add3A_133] : memref<16x128x16384xf32, #tpu.memory_space<hbm>> -> memref<1x128x256xf32, #tpu.memory_space<hbm>>
        %dma_start3A_148 = tpu.memref_squeeze %dma_start3A_147 : memref<1x128x256xf32, #tpu.memory_space<hbm>> -> memref<128x256xf32, #tpu.memory_space<hbm>>
        tpu.enqueue_dma source(%dma_start3A_148 : memref<128x256xf32, #tpu.memory_space<hbm>>) target(%dma_start3A_145 : memref<128x256xf32, #tpu.memory_space<vmem>>) target_semaphore(%arg11 : memref<!tpu.dma_semaphore, #tpu.memory_space<semaphore_mem>>)
      } else {
      }
      %eq3A_113 = arith.constant 0 : i32
      %eq3A_114 = arith.cmpi eq, %rem3A_101, %eq3A_113 : i32
      %convert_element_type3A_115 = arith.extui %eq3A_114 : i1 to i32
      %cond3A_116 = arith.constant 0 : i32
      %cond3A_117 = arith.cmpi ne, %convert_element_type3A_115, %cond3A_116 : i32
      scf.if %cond3A_117 {
        %mul3A_131 = arith.constant 256 : i32
        %mul3A_132 = arith.muli %scan3A_95, %mul3A_131 : i32
        %add3A_133 = arith.addi %mul3A_56, %mul3A_132 : i32
        %dma_wait3A_134 = arith.constant 0 : i32
        %dma_wait3A_135 = arith.constant 0 : i32
        %dma_wait3A_136 = arith.constant 0 : i32
        %dma_wait3A_137 = tpu.memref_slice %arg6[%dma_wait3A_134, %dma_wait3A_135, %dma_wait3A_136] : memref<2x128x256xf32, #tpu.memory_space<vmem>> -> memref<1x128x256xf32, #tpu.memory_space<vmem>>
        %dma_wait3A_138 = tpu.memref_squeeze %dma_wait3A_137 : memref<1x128x256xf32, #tpu.memory_space<vmem>> -> memref<128x256xf32, #tpu.memory_space<vmem>>
        %dma_wait3A_139 = arith.constant 0 : i32
        %dma_wait3A_140 = tpu.memref_slice %arg3[%select_n3A, %dma_wait3A_139, %add3A_133] : memref<16x128x16384xf32, #tpu.memory_space<hbm>> -> memref<1x128x256xf32, #tpu.memory_space<hbm>>
        %dma_wait3A_141 = tpu.memref_squeeze %dma_wait3A_140 : memref<1x128x256xf32, #tpu.memory_space<hbm>> -> memref<128x256xf32, #tpu.memory_space<hbm>>
        %dma_wait3A_142 = arith.constant 0 : i32
        %dma_wait3A_143 = arith.constant 0 : i32
        %dma_wait3A_144 = tpu.memref_slice %arg6[%dma_wait3A_134, %dma_wait3A_142, %dma_wait3A_143] : memref<2x128x256xf32, #tpu.memory_space<vmem>> -> memref<1x128x256xf32, #tpu.memory_space<vmem>>
        %dma_wait3A_145 = tpu.memref_squeeze %dma_wait3A_144 : memref<1x128x256xf32, #tpu.memory_space<vmem>> -> memref<128x256xf32, #tpu.memory_space<vmem>>
        %dma_wait3A_146 = arith.constant 0 : i32
        %dma_wait3A_147 = tpu.memref_slice %arg3[%select_n3A, %dma_wait3A_146, %add3A_133] : memref<16x128x16384xf32, #tpu.memory_space<hbm>> -> memref<1x128x256xf32, #tpu.memory_space<hbm>>
        %dma_wait3A_148 = tpu.memref_squeeze %dma_wait3A_147 : memref<1x128x256xf32, #tpu.memory_space<hbm>> -> memref<128x256xf32, #tpu.memory_space<hbm>>
        tpu.wait_dma2 semaphore(%arg10 : memref<!tpu.dma_semaphore, #tpu.memory_space<semaphore_mem>>) src(%dma_wait3A_148 : memref<128x256xf32, #tpu.memory_space<hbm>>) dst(%dma_wait3A_145 : memref<128x256xf32, #tpu.memory_space<vmem>>)
      } else {
      }
      %eq3A_118 = arith.constant 1 : i32
      %eq3A_119 = arith.cmpi eq, %rem3A_101, %eq3A_118 : i32
      %convert_element_type3A_120 = arith.extui %eq3A_119 : i1 to i32
      %cond3A_121 = arith.constant 0 : i32
      %cond3A_122 = arith.cmpi ne, %convert_element_type3A_120, %cond3A_121 : i32
      scf.if %cond3A_122 {
        %mul3A_131 = arith.constant 256 : i32
        %mul3A_132 = arith.muli %scan3A_95, %mul3A_131 : i32
        %add3A_133 = arith.addi %mul3A_56, %mul3A_132 : i32
        %dma_wait3A_134 = arith.constant 1 : i32
        %dma_wait3A_135 = arith.constant 0 : i32
        %dma_wait3A_136 = arith.constant 0 : i32
        %dma_wait3A_137 = tpu.memref_slice %arg6[%dma_wait3A_134, %dma_wait3A_135, %dma_wait3A_136] : memref<2x128x256xf32, #tpu.memory_space<vmem>> -> memref<1x128x256xf32, #tpu.memory_space<vmem>>
        %dma_wait3A_138 = tpu.memref_squeeze %dma_wait3A_137 : memref<1x128x256xf32, #tpu.memory_space<vmem>> -> memref<128x256xf32, #tpu.memory_space<vmem>>
        %dma_wait3A_139 = arith.constant 0 : i32
        %dma_wait3A_140 = tpu.memref_slice %arg3[%select_n3A, %dma_wait3A_139, %add3A_133] : memref<16x128x16384xf32, #tpu.memory_space<hbm>> -> memref<1x128x256xf32, #tpu.memory_space<hbm>>
        %dma_wait3A_141 = tpu.memref_squeeze %dma_wait3A_140 : memref<1x128x256xf32, #tpu.memory_space<hbm>> -> memref<128x256xf32, #tpu.memory_space<hbm>>
        %dma_wait3A_142 = arith.constant 0 : i32
        %dma_wait3A_143 = arith.constant 0 : i32
        %dma_wait3A_144 = tpu.memref_slice %arg6[%dma_wait3A_134, %dma_wait3A_142, %dma_wait3A_143] : memref<2x128x256xf32, #tpu.memory_space<vmem>> -> memref<1x128x256xf32, #tpu.memory_space<vmem>>
        %dma_wait3A_145 = tpu.memref_squeeze %dma_wait3A_144 : memref<1x128x256xf32, #tpu.memory_space<vmem>> -> memref<128x256xf32, #tpu.memory_space<vmem>>
        %dma_wait3A_146 = arith.constant 0 : i32
        %dma_wait3A_147 = tpu.memref_slice %arg3[%select_n3A, %dma_wait3A_146, %add3A_133] : memref<16x128x16384xf32, #tpu.memory_space<hbm>> -> memref<1x128x256xf32, #tpu.memory_space<hbm>>
        %dma_wait3A_148 = tpu.memref_squeeze %dma_wait3A_147 : memref<1x128x256xf32, #tpu.memory_space<hbm>> -> memref<128x256xf32, #tpu.memory_space<hbm>>
        tpu.wait_dma2 semaphore(%arg11 : memref<!tpu.dma_semaphore, #tpu.memory_space<semaphore_mem>>) src(%dma_wait3A_148 : memref<128x256xf32, #tpu.memory_space<hbm>>) dst(%dma_wait3A_145 : memref<128x256xf32, #tpu.memory_space<vmem>>)
      } else {
      }
      %scan3A_123 = arith.constant 0 : i32
      %scan3A_124 = arith.constant 0 : i32
      %scan3A_125 = arith.constant 8 : i32
      %scan3A_126 = arith.addi %scan3A_124, %scan3A_125 : i32
      %scan3A_127 = arith.constant 1 : i32
      %scan3A_128 = scf.for %scan3A_131 = %scan3A_124 to %scan3A_126 step %scan3A_127 iter_args(%scan3A_132 = %scan3A_123) -> (i32)  : i32 {
        %mul3A_133 = arith.constant 32 : i32
        %mul3A_134 = arith.muli %scan3A_131, %mul3A_133 : i32
        %add3A_135 = arith.constant 0 : i32
        %add3A_136 = arith.addi %mul3A_134, %add3A_135 : i32
        %mul3A_137 = arith.constant 32 : i32
        %mul3A_138 = arith.muli %scan3A_131, %mul3A_137 : i32
        %add3A_139 = arith.constant 16 : i32
        %add3A_140 = arith.addi %mul3A_138, %add3A_139 : i32
        %mul3A_141 = arith.constant 256 : i32
        %mul3A_142 = arith.muli %scan3A_95, %mul3A_141 : i32
        %mul3A_143 = arith.constant 32 : i32
        %mul3A_144 = arith.muli %scan3A_131, %mul3A_143 : i32
        %add3A_145 = arith.addi %mul3A_142, %mul3A_144 : i32
        %add3A_146 = arith.constant 0 : i32
        %add3A_147 = arith.addi %add3A_145, %add3A_146 : i32
        %mul3A_148 = arith.constant 32 : i32
        %mul3A_149 = arith.muli %scan3A_131, %mul3A_148 : i32
        %add3A_150 = arith.addi %mul3A_142, %mul3A_149 : i32
        %add3A_151 = arith.constant 16 : i32
        %add3A_152 = arith.addi %add3A_150, %add3A_151 : i32
        %get3A = arith.index_cast %add3A_147 : i32 to index
        %get3A_153 = tpu.vector_load %arg7[%get3A] {strides = array<i32>} : memref<3584xf32, #tpu.memory_space<vmem>>, vector<16xf32>,
        %get3A_154 = vector.shape_cast %get3A_153 : vector<16xf32> to vector<16xf32>
        %get3A_155 = arith.index_cast %add3A_152 : i32 to index
        %get3A_156 = tpu.vector_load %arg7[%get3A_155] {strides = array<i32>} : memref<3584xf32, #tpu.memory_space<vmem>>, vector<16xf32>,
        %get3A_157 = vector.shape_cast %get3A_156 : vector<16xf32> to vector<16xf32>
        %broadcast_in_dim3A = arith.constant 0xFF800000 : f32
        %broadcast_in_dim3A_158 = vector.broadcast %broadcast_in_dim3A : f32 to vector<16xf32>
        %broadcast_in_dim3A_159 = arith.constant 0 : i32
        %broadcast_in_dim3A_160 = vector.broadcast %broadcast_in_dim3A_159 : i32 to vector<16xi32>
        %scan3A_161 = arith.constant 0 : i32
        %scan3A_162 = arith.constant 128 : i32
        %scan3A_163 = arith.addi %scan3A_161, %scan3A_162 : i32
        %scan3A_164 = arith.constant 32 : i32
        %scan3A_165:18 = scf.for %scan3A_271 = %scan3A_161 to %scan3A_163 step %scan3A_164 iter_args(%scan3A_272 = %broadcast_in_dim3A_158, %scan3A_273 = %broadcast_in_dim3A_158, %scan3A_274 = %broadcast_in_dim3A_158, %scan3A_275 = %broadcast_in_dim3A_158, %scan3A_276 = %broadcast_in_dim3A_158, %scan3A_277 = %broadcast_in_dim3A_158, %scan3A_278 = %broadcast_in_dim3A_158, %scan3A_279 = %broadcast_in_dim3A_158, %scan3A_280 = %broadcast_in_dim3A_160, %scan3A_281 = %broadcast_in_dim3A_158, %scan3A_282 = %broadcast_in_dim3A_158, %scan3A_283 = %broadcast_in_dim3A_158, %scan3A_284 = %broadcast_in_dim3A_158, %scan3A_285 = %broadcast_in_dim3A_158, %scan3A_286 = %broadcast_in_dim3A_158, %scan3A_287 = %broadcast_in_dim3A_158, %scan3A_288 = %broadcast_in_dim3A_158, %scan3A_289 = %broadcast_in_dim3A_160) -> (vector<16xf32>, vector<16xf32>, vector<16xf32>, vector<16xf32>, vector<16xf32>, vector<16xf32>, vector<16xf32>, vector<16xf32>, vector<16xi32>, vector<16xf32>, vector<16xf32>, vector<16xf32>, vector<16xf32>, vector<16xf32>, vector<16xf32>, vector<16xf32>, vector<16xf32>, vector<16xi32>)  : i32 {
          %get3A_290 = arith.constant 0 : i32
          %get3A_291 = arith.constant 0 : i32
          %get3A_292 = tpu.memref_slice %arg6[%rem3A_101, %get3A_290, %get3A_291] : memref<2x128x256xf32, #tpu.memory_space<vmem>> -> memref<1x128x256xf32, #tpu.memory_space<vmem>>
          %get3A_293 = tpu.memref_squeeze %get3A_292 : memref<1x128x256xf32, #tpu.memory_space<vmem>> -> memref<128x256xf32, #tpu.memory_space<vmem>>
          %get3A_294 = arith.index_cast %scan3A_271 : i32 to index
          %get3A_295 = arith.index_cast %add3A_136 : i32 to index
          %get3A_296 = tpu.vector_load %get3A_293[%get3A_294, %get3A_295] {strides = array<i32>} : memref<128x256xf32, #tpu.memory_space<vmem>>, vector<1x16xf32>,
          %get3A_297 = vector.shape_cast %get3A_296 : vector<1x16xf32> to vector<16xf32>
          %mul3A_298 = arith.mulf %get3A_297, %get3A_154 : vector<16xf32>
          %get3A_299 = arith.constant 0 : i32
          %get3A_300 = arith.constant 0 : i32
          %get3A_301 = tpu.memref_slice %arg6[%rem3A_101, %get3A_299, %get3A_300] : memref<2x128x256xf32, #tpu.memory_space<vmem>> -> memref<1x128x256xf32, #tpu.memory_space<vmem>>
          %get3A_302 = tpu.memref_squeeze %get3A_301 : memref<1x128x256xf32, #tpu.memory_space<vmem>> -> memref<128x256xf32, #tpu.memory_space<vmem>>
          %get3A_303 = arith.index_cast %scan3A_271 : i32 to index
          %get3A_304 = arith.index_cast %add3A_140 : i32 to index
          %get3A_305 = tpu.vector_load %get3A_302[%get3A_303, %get3A_304] {strides = array<i32>} : memref<128x256xf32, #tpu.memory_space<vmem>>, vector<1x16xf32>,
          %get3A_306 = vector.shape_cast %get3A_305 : vector<1x16xf32> to vector<16xf32>
          %mul3A_307 = arith.mulf %get3A_306, %get3A_157 : vector<16xf32>
          %gt3A = arith.cmpf ogt, %mul3A_298, %scan3A_272 : vector<16xf32>
          %gt3A_308 = arith.cmpf ogt, %mul3A_298, %scan3A_273 : vector<16xf32>
          %gt3A_309 = arith.cmpf ogt, %mul3A_298, %scan3A_274 : vector<16xf32>
          %gt3A_310 = arith.cmpf ogt, %mul3A_298, %scan3A_275 : vector<16xf32>
          %gt3A_311 = arith.cmpf ogt, %mul3A_298, %scan3A_276 : vector<16xf32>
          %gt3A_312 = arith.cmpf ogt, %mul3A_298, %scan3A_277 : vector<16xf32>
          %gt3A_313 = arith.cmpf ogt, %mul3A_298, %scan3A_278 : vector<16xf32>
          %max3A = arith.maximumf %scan3A_272, %mul3A_298 : vector<16xf32>
          %max3A_314 = arith.maximumf %mul3A_298, %scan3A_273 : vector<16xf32>
          %select_n3A_315 = arith.select %gt3A, %scan3A_272, %max3A_314 : vector<16xi1>, vector<16xf32>
          %max3A_316 = arith.maximumf %mul3A_298, %scan3A_274 : vector<16xf32>
          %select_n3A_317 = arith.select %gt3A_308, %scan3A_273, %max3A_316 : vector<16xi1>, vector<16xf32>
          %max3A_318 = arith.maximumf %mul3A_298, %scan3A_275 : vector<16xf32>
          %select_n3A_319 = arith.select %gt3A_309, %scan3A_274, %max3A_318 : vector<16xi1>, vector<16xf32>
          %max3A_320 = arith.maximumf %mul3A_298, %scan3A_276 : vector<16xf32>
          %select_n3A_321 = arith.select %gt3A_310, %scan3A_275, %max3A_320 : vector<16xi1>, vector<16xf32>
          %max3A_322 = arith.maximumf %mul3A_298, %scan3A_277 : vector<16xf32>
          %select_n3A_323 = arith.select %gt3A_311, %scan3A_276, %max3A_322 : vector<16xi1>, vector<16xf32>
          %max3A_324 = arith.maximumf %mul3A_298, %scan3A_278 : vector<16xf32>
          %select_n3A_325 = arith.select %gt3A_312, %scan3A_277, %max3A_324 : vector<16xi1>, vector<16xf32>
          %max3A_326 = arith.maximumf %mul3A_298, %scan3A_279 : vector<16xf32>
          %select_n3A_327 = arith.select %gt3A_313, %scan3A_278, %max3A_326 : vector<16xi1>, vector<16xf32>
          %broadcast_in_dim3A_328 = vector.broadcast %scan3A_271 : i32 to vector<16xi32>
          %select_n3A_329 = arith.select %gt3A, %broadcast_in_dim3A_328, %scan3A_280 : vector<16xi1>, vector<16xi32>
          %gt3A_330 = arith.cmpf ogt, %mul3A_307, %scan3A_281 : vector<16xf32>
          %gt3A_331 = arith.cmpf ogt, %mul3A_307, %scan3A_282 : vector<16xf32>
          %gt3A_332 = arith.cmpf ogt, %mul3A_307, %scan3A_283 : vector<16xf32>
          %gt3A_333 = arith.cmpf ogt, %mul3A_307, %scan3A_284 : vector<16xf32>
          %gt3A_334 = arith.cmpf ogt, %mul3A_307, %scan3A_285 : vector<16xf32>
          %gt3A_335 = arith.cmpf ogt, %mul3A_307, %scan3A_286 : vector<16xf32>
          %gt3A_336 = arith.cmpf ogt, %mul3A_307, %scan3A_287 : vector<16xf32>
          %max3A_337 = arith.maximumf %scan3A_281, %mul3A_307 : vector<16xf32>
          %max3A_338 = arith.maximumf %mul3A_307, %scan3A_282 : vector<16xf32>
          %select_n3A_339 = arith.select %gt3A_330, %scan3A_281, %max3A_338 : vector<16xi1>, vector<16xf32>
          %max3A_340 = arith.maximumf %mul3A_307, %scan3A_283 : vector<16xf32>
          %select_n3A_341 = arith.select %gt3A_331, %scan3A_282, %max3A_340 : vector<16xi1>, vector<16xf32>
          %max3A_342 = arith.maximumf %mul3A_307, %scan3A_284 : vector<16xf32>
          %select_n3A_343 = arith.select %gt3A_332, %scan3A_283, %max3A_342 : vector<16xi1>, vector<16xf32>
          %max3A_344 = arith.maximumf %mul3A_307, %scan3A_285 : vector<16xf32>
          %select_n3A_345 = arith.select %gt3A_333, %scan3A_284, %max3A_344 : vector<16xi1>, vector<16xf32>
          %max3A_346 = arith.maximumf %mul3A_307, %scan3A_286 : vector<16xf32>
          %select_n3A_347 = arith.select %gt3A_334, %scan3A_285, %max3A_346 : vector<16xi1>, vector<16xf32>
          %max3A_348 = arith.maximumf %mul3A_307, %scan3A_287 : vector<16xf32>
          %select_n3A_349 = arith.select %gt3A_335, %scan3A_286, %max3A_348 : vector<16xi1>, vector<16xf32>
          %max3A_350 = arith.maximumf %mul3A_307, %scan3A_288 : vector<16xf32>
          %select_n3A_351 = arith.select %gt3A_336, %scan3A_287, %max3A_350 : vector<16xi1>, vector<16xf32>
          %broadcast_in_dim3A_352 = vector.broadcast %scan3A_271 : i32 to vector<16xi32>
          %select_n3A_353 = arith.select %gt3A_330, %broadcast_in_dim3A_352, %scan3A_289 : vector<16xi1>, vector<16xi32>
          %scan3A_354 = arith.constant 1 : i32
          %scan3A_355 = arith.addi %scan3A_271, %scan3A_354 : i32
          %get3A_356 = arith.constant 0 : i32
          %get3A_357 = arith.constant 0 : i32
          %get3A_358 = tpu.memref_slice %arg6[%rem3A_101, %get3A_356, %get3A_357] : memref<2x128x256xf32, #tpu.memory_space<vmem>> -> memref<1x128x256xf32, #tpu.memory_space<vmem>>
          %get3A_359 = tpu.memref_squeeze %get3A_358 : memref<1x128x256xf32, #tpu.memory_space<vmem>> -> memref<128x256xf32, #tpu.memory_space<vmem>>
          %get3A_360 = arith.index_cast %scan3A_355 : i32 to index
          %get3A_361 = arith.index_cast %add3A_136 : i32 to index
          %get3A_362 = tpu.vector_load %get3A_359[%get3A_360, %get3A_361] {strides = array<i32>} : memref<128x256xf32, #tpu.memory_space<vmem>>, vector<1x16xf32>,
          %get3A_363 = vector.shape_cast %get3A_362 : vector<1x16xf32> to vector<16xf32>
          %mul3A_364 = arith.mulf %get3A_363, %get3A_154 : vector<16xf32>
          %get3A_365 = arith.constant 0 : i32
          %get3A_366 = arith.constant 0 : i32
          %get3A_367 = tpu.memref_slice %arg6[%rem3A_101, %get3A_365, %get3A_366] : memref<2x128x256xf32, #tpu.memory_space<vmem>> -> memref<1x128x256xf32, #tpu.memory_space<vmem>>
          %get3A_368 = tpu.memref_squeeze %get3A_367 : memref<1x128x256xf32, #tpu.memory_space<vmem>> -> memref<128x256xf32, #tpu.memory_space<vmem>>
          %get3A_369 = arith.index_cast %scan3A_355 : i32 to index
          %get3A_370 = arith.index_cast %add3A_140 : i32 to index
          %get3A_371 = tpu.vector_load %get3A_368[%get3A_369, %get3A_370] {strides = array<i32>} : memref<128x256xf32, #tpu.memory_space<vmem>>, vector<1x16xf32>,
          %get3A_372 = vector.shape_cast %get3A_371 : vector<1x16xf32> to vector<16xf32>
          %mul3A_373 = arith.mulf %get3A_372, %get3A_157 : vector<16xf32>
          %gt3A_374 = arith.cmpf ogt, %mul3A_364, %max3A : vector<16xf32>
          %gt3A_375 = arith.cmpf ogt, %mul3A_364, %select_n3A_315 : vector<16xf32>
          %gt3A_376 = arith.cmpf ogt, %mul3A_364, %select_n3A_317 : vector<16xf32>
          %gt3A_377 = arith.cmpf ogt, %mul3A_364, %select_n3A_319 : vector<16xf32>
          %gt3A_378 = arith.cmpf ogt, %mul3A_364, %select_n3A_321 : vector<16xf32>
          %gt3A_379 = arith.cmpf ogt, %mul3A_364, %select_n3A_323 : vector<16xf32>
          %gt3A_380 = arith.cmpf ogt, %mul3A_364, %select_n3A_325 : vector<16xf32>
          %max3A_381 = arith.maximumf %max3A, %mul3A_364 : vector<16xf32>
          %max3A_382 = arith.maximumf %mul3A_364, %select_n3A_315 : vector<16xf32>
          %select_n3A_383 = arith.select %gt3A_374, %max3A, %max3A_382 : vector<16xi1>, vector<16xf32>
          %max3A_384 = arith.maximumf %mul3A_364, %select_n3A_317 : vector<16xf32>
          %select_n3A_385 = arith.select %gt3A_375, %select_n3A_315, %max3A_384 : vector<16xi1>, vector<16xf32>
          %max3A_386 = arith.maximumf %mul3A_364, %select_n3A_319 : vector<16xf32>
          %select_n3A_387 = arith.select %gt3A_376, %select_n3A_317, %max3A_386 : vector<16xi1>, vector<16xf32>
          %max3A_388 = arith.maximumf %mul3A_364, %select_n3A_321 : vector<16xf32>
          %select_n3A_389 = arith.select %gt3A_377, %select_n3A_319, %max3A_388 : vector<16xi1>, vector<16xf32>
          %max3A_390 = arith.maximumf %mul3A_364, %select_n3A_323 : vector<16xf32>
          %select_n3A_391 = arith.select %gt3A_378, %select_n3A_321, %max3A_390 : vector<16xi1>, vector<16xf32>
          %max3A_392 = arith.maximumf %mul3A_364, %select_n3A_325 : vector<16xf32>
          %select_n3A_393 = arith.select %gt3A_379, %select_n3A_323, %max3A_392 : vector<16xi1>, vector<16xf32>
          %max3A_394 = arith.maximumf %mul3A_364, %select_n3A_327 : vector<16xf32>
          %select_n3A_395 = arith.select %gt3A_380, %select_n3A_325, %max3A_394 : vector<16xi1>, vector<16xf32>
          %broadcast_in_dim3A_396 = vector.broadcast %scan3A_355 : i32 to vector<16xi32>
          %select_n3A_397 = arith.select %gt3A_374, %broadcast_in_dim3A_396, %select_n3A_329 : vector<16xi1>, vector<16xi32>
          %gt3A_398 = arith.cmpf ogt, %mul3A_373, %max3A_337 : vector<16xf32>
          %gt3A_399 = arith.cmpf ogt, %mul3A_373, %select_n3A_339 : vector<16xf32>
          %gt3A_400 = arith.cmpf ogt, %mul3A_373, %select_n3A_341 : vector<16xf32>
          %gt3A_401 = arith.cmpf ogt, %mul3A_373, %select_n3A_343 : vector<16xf32>
          %gt3A_402 = arith.cmpf ogt, %mul3A_373, %select_n3A_345 : vector<16xf32>
          %gt3A_403 = arith.cmpf ogt, %mul3A_373, %select_n3A_347 : vector<16xf32>
          %gt3A_404 = arith.cmpf ogt, %mul3A_373, %select_n3A_349 : vector<16xf32>
          %max3A_405 = arith.maximumf %max3A_337, %mul3A_373 : vector<16xf32>
          %max3A_406 = arith.maximumf %mul3A_373, %select_n3A_339 : vector<16xf32>
          %select_n3A_407 = arith.select %gt3A_398, %max3A_337, %max3A_406 : vector<16xi1>, vector<16xf32>
          %max3A_408 = arith.maximumf %mul3A_373, %select_n3A_341 : vector<16xf32>
          %select_n3A_409 = arith.select %gt3A_399, %select_n3A_339, %max3A_408 : vector<16xi1>, vector<16xf32>
          %max3A_410 = arith.maximumf %mul3A_373, %select_n3A_343 : vector<16xf32>
          %select_n3A_411 = arith.select %gt3A_400, %select_n3A_341, %max3A_410 : vector<16xi1>, vector<16xf32>
          %max3A_412 = arith.maximumf %mul3A_373, %select_n3A_345 : vector<16xf32>
          %select_n3A_413 = arith.select %gt3A_401, %select_n3A_343, %max3A_412 : vector<16xi1>, vector<16xf32>
          %max3A_414 = arith.maximumf %mul3A_373, %select_n3A_347 : vector<16xf32>
          %select_n3A_415 = arith.select %gt3A_402, %select_n3A_345, %max3A_414 : vector<16xi1>, vector<16xf32>
          %max3A_416 = arith.maximumf %mul3A_373, %select_n3A_349 : vector<16xf32>
          %select_n3A_417 = arith.select %gt3A_403, %select_n3A_347, %max3A_416 : vector<16xi1>, vector<16xf32>
          %max3A_418 = arith.maximumf %mul3A_373, %select_n3A_351 : vector<16xf32>
          %select_n3A_419 = arith.select %gt3A_404, %select_n3A_349, %max3A_418 : vector<16xi1>, vector<16xf32>
          %broadcast_in_dim3A_420 = vector.broadcast %scan3A_355 : i32 to vector<16xi32>
          %select_n3A_421 = arith.select %gt3A_398, %broadcast_in_dim3A_420, %select_n3A_353 : vector<16xi1>, vector<16xi32>
          %scan3A_422 = arith.constant 2 : i32
          %scan3A_423 = arith.addi %scan3A_271, %scan3A_422 : i32
          %get3A_424 = arith.constant 0 : i32
          %get3A_425 = arith.constant 0 : i32
          %get3A_426 = tpu.memref_slice %arg6[%rem3A_101, %get3A_424, %get3A_425] : memref<2x128x256xf32, #tpu.memory_space<vmem>> -> memref<1x128x256xf32, #tpu.memory_space<vmem>>
          %get3A_427 = tpu.memref_squeeze %get3A_426 : memref<1x128x256xf32, #tpu.memory_space<vmem>> -> memref<128x256xf32, #tpu.memory_space<vmem>>
          %get3A_428 = arith.index_cast %scan3A_423 : i32 to index
          %get3A_429 = arith.index_cast %add3A_136 : i32 to index
          %get3A_430 = tpu.vector_load %get3A_427[%get3A_428, %get3A_429] {strides = array<i32>} : memref<128x256xf32, #tpu.memory_space<vmem>>, vector<1x16xf32>,
          %get3A_431 = vector.shape_cast %get3A_430 : vector<1x16xf32> to vector<16xf32>
          %mul3A_432 = arith.mulf %get3A_431, %get3A_154 : vector<16xf32>
          %get3A_433 = arith.constant 0 : i32
          %get3A_434 = arith.constant 0 : i32
          %get3A_435 = tpu.memref_slice %arg6[%rem3A_101, %get3A_433, %get3A_434] : memref<2x128x256xf32, #tpu.memory_space<vmem>> -> memref<1x128x256xf32, #tpu.memory_space<vmem>>
          %get3A_436 = tpu.memref_squeeze %get3A_435 : memref<1x128x256xf32, #tpu.memory_space<vmem>> -> memref<128x256xf32, #tpu.memory_space<vmem>>
          %get3A_437 = arith.index_cast %scan3A_423 : i32 to index
          %get3A_438 = arith.index_cast %add3A_140 : i32 to index
          %get3A_439 = tpu.vector_load %get3A_436[%get3A_437, %get3A_438] {strides = array<i32>} : memref<128x256xf32, #tpu.memory_space<vmem>>, vector<1x16xf32>,
          %get3A_440 = vector.shape_cast %get3A_439 : vector<1x16xf32> to vector<16xf32>
          %mul3A_441 = arith.mulf %get3A_440, %get3A_157 : vector<16xf32>
          %gt3A_442 = arith.cmpf ogt, %mul3A_432, %max3A_381 : vector<16xf32>
          %gt3A_443 = arith.cmpf ogt, %mul3A_432, %select_n3A_383 : vector<16xf32>
          %gt3A_444 = arith.cmpf ogt, %mul3A_432, %select_n3A_385 : vector<16xf32>
          %gt3A_445 = arith.cmpf ogt, %mul3A_432, %select_n3A_387 : vector<16xf32>
          %gt3A_446 = arith.cmpf ogt, %mul3A_432, %select_n3A_389 : vector<16xf32>
          %gt3A_447 = arith.cmpf ogt, %mul3A_432, %select_n3A_391 : vector<16xf32>
          %gt3A_448 = arith.cmpf ogt, %mul3A_432, %select_n3A_393 : vector<16xf32>
          %max3A_449 = arith.maximumf %max3A_381, %mul3A_432 : vector<16xf32>
          %max3A_450 = arith.maximumf %mul3A_432, %select_n3A_383 : vector<16xf32>
          %select_n3A_451 = arith.select %gt3A_442, %max3A_381, %max3A_450 : vector<16xi1>, vector<16xf32>
          %max3A_452 = arith.maximumf %mul3A_432, %select_n3A_385 : vector<16xf32>
          %select_n3A_453 = arith.select %gt3A_443, %select_n3A_383, %max3A_452 : vector<16xi1>, vector<16xf32>
          %max3A_454 = arith.maximumf %mul3A_432, %select_n3A_387 : vector<16xf32>
          %select_n3A_455 = arith.select %gt3A_444, %select_n3A_385, %max3A_454 : vector<16xi1>, vector<16xf32>
          %max3A_456 = arith.maximumf %mul3A_432, %select_n3A_389 : vector<16xf32>
          %select_n3A_457 = arith.select %gt3A_445, %select_n3A_387, %max3A_456 : vector<16xi1>, vector<16xf32>
          %max3A_458 = arith.maximumf %mul3A_432, %select_n3A_391 : vector<16xf32>
          %select_n3A_459 = arith.select %gt3A_446, %select_n3A_389, %max3A_458 : vector<16xi1>, vector<16xf32>
          %max3A_460 = arith.maximumf %mul3A_432, %select_n3A_393 : vector<16xf32>
          %select_n3A_461 = arith.select %gt3A_447, %select_n3A_391, %max3A_460 : vector<16xi1>, vector<16xf32>
          %max3A_462 = arith.maximumf %mul3A_432, %select_n3A_395 : vector<16xf32>
          %select_n3A_463 = arith.select %gt3A_448, %select_n3A_393, %max3A_462 : vector<16xi1>, vector<16xf32>
          %broadcast_in_dim3A_464 = vector.broadcast %scan3A_423 : i32 to vector<16xi32>
          %select_n3A_465 = arith.select %gt3A_442, %broadcast_in_dim3A_464, %select_n3A_397 : vector<16xi1>, vector<16xi32>
          %gt3A_466 = arith.cmpf ogt, %mul3A_441, %max3A_405 : vector<16xf32>
          %gt3A_467 = arith.cmpf ogt, %mul3A_441, %select_n3A_407 : vector<16xf32>
          %gt3A_468 = arith.cmpf ogt, %mul3A_441, %select_n3A_409 : vector<16xf32>
          %gt3A_469 = arith.cmpf ogt, %mul3A_441, %select_n3A_411 : vector<16xf32>
          %gt3A_470 = arith.cmpf ogt, %mul3A_441, %select_n3A_413 : vector<16xf32>
          %gt3A_471 = arith.cmpf ogt, %mul3A_441, %select_n3A_415 : vector<16xf32>
          %gt3A_472 = arith.cmpf ogt, %mul3A_441, %select_n3A_417 : vector<16xf32>
          %max3A_473 = arith.maximumf %max3A_405, %mul3A_441 : vector<16xf32>
          %max3A_474 = arith.maximumf %mul3A_441, %select_n3A_407 : vector<16xf32>
          %select_n3A_475 = arith.select %gt3A_466, %max3A_405, %max3A_474 : vector<16xi1>, vector<16xf32>
          %max3A_476 = arith.maximumf %mul3A_441, %select_n3A_409 : vector<16xf32>
          %select_n3A_477 = arith.select %gt3A_467, %select_n3A_407, %max3A_476 : vector<16xi1>, vector<16xf32>
          %max3A_478 = arith.maximumf %mul3A_441, %select_n3A_411 : vector<16xf32>
          %select_n3A_479 = arith.select %gt3A_468, %select_n3A_409, %max3A_478 : vector<16xi1>, vector<16xf32>
          %max3A_480 = arith.maximumf %mul3A_441, %select_n3A_413 : vector<16xf32>
          %select_n3A_481 = arith.select %gt3A_469, %select_n3A_411, %max3A_480 : vector<16xi1>, vector<16xf32>
          %max3A_482 = arith.maximumf %mul3A_441, %select_n3A_415 : vector<16xf32>
          %select_n3A_483 = arith.select %gt3A_470, %select_n3A_413, %max3A_482 : vector<16xi1>, vector<16xf32>
          %max3A_484 = arith.maximumf %mul3A_441, %select_n3A_417 : vector<16xf32>
          %select_n3A_485 = arith.select %gt3A_471, %select_n3A_415, %max3A_484 : vector<16xi1>, vector<16xf32>
          %max3A_486 = arith.maximumf %mul3A_441, %select_n3A_419 : vector<16xf32>
          %select_n3A_487 = arith.select %gt3A_472, %select_n3A_417, %max3A_486 : vector<16xi1>, vector<16xf32>
          %broadcast_in_dim3A_488 = vector.broadcast %scan3A_423 : i32 to vector<16xi32>
          %select_n3A_489 = arith.select %gt3A_466, %broadcast_in_dim3A_488, %select_n3A_421 : vector<16xi1>, vector<16xi32>
          %scan3A_490 = arith.constant 3 : i32
          %scan3A_491 = arith.addi %scan3A_271, %scan3A_490 : i32
          %get3A_492 = arith.constant 0 : i32
          %get3A_493 = arith.constant 0 : i32
          %get3A_494 = tpu.memref_slice %arg6[%rem3A_101, %get3A_492, %get3A_493] : memref<2x128x256xf32, #tpu.memory_space<vmem>> -> memref<1x128x256xf32, #tpu.memory_space<vmem>>
          %get3A_495 = tpu.memref_squeeze %get3A_494 : memref<1x128x256xf32, #tpu.memory_space<vmem>> -> memref<128x256xf32, #tpu.memory_space<vmem>>
          %get3A_496 = arith.index_cast %scan3A_491 : i32 to index
          %get3A_497 = arith.index_cast %add3A_136 : i32 to index
          %get3A_498 = tpu.vector_load %get3A_495[%get3A_496, %get3A_497] {strides = array<i32>} : memref<128x256xf32, #tpu.memory_space<vmem>>, vector<1x16xf32>,
          %get3A_499 = vector.shape_cast %get3A_498 : vector<1x16xf32> to vector<16xf32>
          %mul3A_500 = arith.mulf %get3A_499, %get3A_154 : vector<16xf32>
          %get3A_501 = arith.constant 0 : i32
          %get3A_502 = arith.constant 0 : i32
          %get3A_503 = tpu.memref_slice %arg6[%rem3A_101, %get3A_501, %get3A_502] : memref<2x128x256xf32, #tpu.memory_space<vmem>> -> memref<1x128x256xf32, #tpu.memory_space<vmem>>
          %get3A_504 = tpu.memref_squeeze %get3A_503 : memref<1x128x256xf32, #tpu.memory_space<vmem>> -> memref<128x256xf32, #tpu.memory_space<vmem>>
          %get3A_505 = arith.index_cast %scan3A_491 : i32 to index
          %get3A_506 = arith.index_cast %add3A_140 : i32 to index
          %get3A_507 = tpu.vector_load %get3A_504[%get3A_505, %get3A_506] {strides = array<i32>} : memref<128x256xf32, #tpu.memory_space<vmem>>, vector<1x16xf32>,
          %get3A_508 = vector.shape_cast %get3A_507 : vector<1x16xf32> to vector<16xf32>
          %mul3A_509 = arith.mulf %get3A_508, %get3A_157 : vector<16xf32>
          %gt3A_510 = arith.cmpf ogt, %mul3A_500, %max3A_449 : vector<16xf32>
          %gt3A_511 = arith.cmpf ogt, %mul3A_500, %select_n3A_451 : vector<16xf32>
          %gt3A_512 = arith.cmpf ogt, %mul3A_500, %select_n3A_453 : vector<16xf32>
          %gt3A_513 = arith.cmpf ogt, %mul3A_500, %select_n3A_455 : vector<16xf32>
          %gt3A_514 = arith.cmpf ogt, %mul3A_500, %select_n3A_457 : vector<16xf32>
          %gt3A_515 = arith.cmpf ogt, %mul3A_500, %select_n3A_459 : vector<16xf32>
          %gt3A_516 = arith.cmpf ogt, %mul3A_500, %select_n3A_461 : vector<16xf32>
          %max3A_517 = arith.maximumf %max3A_449, %mul3A_500 : vector<16xf32>
          %max3A_518 = arith.maximumf %mul3A_500, %select_n3A_451 : vector<16xf32>
          %select_n3A_519 = arith.select %gt3A_510, %max3A_449, %max3A_518 : vector<16xi1>, vector<16xf32>
          %max3A_520 = arith.maximumf %mul3A_500, %select_n3A_453 : vector<16xf32>
          %select_n3A_521 = arith.select %gt3A_511, %select_n3A_451, %max3A_520 : vector<16xi1>, vector<16xf32>
          %max3A_522 = arith.maximumf %mul3A_500, %select_n3A_455 : vector<16xf32>
          %select_n3A_523 = arith.select %gt3A_512, %select_n3A_453, %max3A_522 : vector<16xi1>, vector<16xf32>
          %max3A_524 = arith.maximumf %mul3A_500, %select_n3A_457 : vector<16xf32>
          %select_n3A_525 = arith.select %gt3A_513, %select_n3A_455, %max3A_524 : vector<16xi1>, vector<16xf32>
          %max3A_526 = arith.maximumf %mul3A_500, %select_n3A_459 : vector<16xf32>
          %select_n3A_527 = arith.select %gt3A_514, %select_n3A_457, %max3A_526 : vector<16xi1>, vector<16xf32>
          %max3A_528 = arith.maximumf %mul3A_500, %select_n3A_461 : vector<16xf32>
          %select_n3A_529 = arith.select %gt3A_515, %select_n3A_459, %max3A_528 : vector<16xi1>, vector<16xf32>
          %max3A_530 = arith.maximumf %mul3A_500, %select_n3A_463 : vector<16xf32>
          %select_n3A_531 = arith.select %gt3A_516, %select_n3A_461, %max3A_530 : vector<16xi1>, vector<16xf32>
          %broadcast_in_dim3A_532 = vector.broadcast %scan3A_491 : i32 to vector<16xi32>
          %select_n3A_533 = arith.select %gt3A_510, %broadcast_in_dim3A_532, %select_n3A_465 : vector<16xi1>, vector<16xi32>
          %gt3A_534 = arith.cmpf ogt, %mul3A_509, %max3A_473 : vector<16xf32>
          %gt3A_535 = arith.cmpf ogt, %mul3A_509, %select_n3A_475 : vector<16xf32>
          %gt3A_536 = arith.cmpf ogt, %mul3A_509, %select_n3A_477 : vector<16xf32>
          %gt3A_537 = arith.cmpf ogt, %mul3A_509, %select_n3A_479 : vector<16xf32>
          %gt3A_538 = arith.cmpf ogt, %mul3A_509, %select_n3A_481 : vector<16xf32>
          %gt3A_539 = arith.cmpf ogt, %mul3A_509, %select_n3A_483 : vector<16xf32>
          %gt3A_540 = arith.cmpf ogt, %mul3A_509, %select_n3A_485 : vector<16xf32>
          %max3A_541 = arith.maximumf %max3A_473, %mul3A_509 : vector<16xf32>
          %max3A_542 = arith.maximumf %mul3A_509, %select_n3A_475 : vector<16xf32>
          %select_n3A_543 = arith.select %gt3A_534, %max3A_473, %max3A_542 : vector<16xi1>, vector<16xf32>
          %max3A_544 = arith.maximumf %mul3A_509, %select_n3A_477 : vector<16xf32>
          %select_n3A_545 = arith.select %gt3A_535, %select_n3A_475, %max3A_544 : vector<16xi1>, vector<16xf32>
          %max3A_546 = arith.maximumf %mul3A_509, %select_n3A_479 : vector<16xf32>
          %select_n3A_547 = arith.select %gt3A_536, %select_n3A_477, %max3A_546 : vector<16xi1>, vector<16xf32>
          %max3A_548 = arith.maximumf %mul3A_509, %select_n3A_481 : vector<16xf32>
          %select_n3A_549 = arith.select %gt3A_537, %select_n3A_479, %max3A_548 : vector<16xi1>, vector<16xf32>
          %max3A_550 = arith.maximumf %mul3A_509, %select_n3A_483 : vector<16xf32>
          %select_n3A_551 = arith.select %gt3A_538, %select_n3A_481, %max3A_550 : vector<16xi1>, vector<16xf32>
          %max3A_552 = arith.maximumf %mul3A_509, %select_n3A_485 : vector<16xf32>
          %select_n3A_553 = arith.select %gt3A_539, %select_n3A_483, %max3A_552 : vector<16xi1>, vector<16xf32>
          %max3A_554 = arith.maximumf %mul3A_509, %select_n3A_487 : vector<16xf32>
          %select_n3A_555 = arith.select %gt3A_540, %select_n3A_485, %max3A_554 : vector<16xi1>, vector<16xf32>
          %broadcast_in_dim3A_556 = vector.broadcast %scan3A_491 : i32 to vector<16xi32>
          %select_n3A_557 = arith.select %gt3A_534, %broadcast_in_dim3A_556, %select_n3A_489 : vector<16xi1>, vector<16xi32>
          %scan3A_558 = arith.constant 4 : i32
          %scan3A_559 = arith.addi %scan3A_271, %scan3A_558 : i32
          %get3A_560 = arith.constant 0 : i32
          %get3A_561 = arith.constant 0 : i32
          %get3A_562 = tpu.memref_slice %arg6[%rem3A_101, %get3A_560, %get3A_561] : memref<2x128x256xf32, #tpu.memory_space<vmem>> -> memref<1x128x256xf32, #tpu.memory_space<vmem>>
          %get3A_563 = tpu.memref_squeeze %get3A_562 : memref<1x128x256xf32, #tpu.memory_space<vmem>> -> memref<128x256xf32, #tpu.memory_space<vmem>>
          %get3A_564 = arith.index_cast %scan3A_559 : i32 to index
          %get3A_565 = arith.index_cast %add3A_136 : i32 to index
          %get3A_566 = tpu.vector_load %get3A_563[%get3A_564, %get3A_565] {strides = array<i32>} : memref<128x256xf32, #tpu.memory_space<vmem>>, vector<1x16xf32>,
          %get3A_567 = vector.shape_cast %get3A_566 : vector<1x16xf32> to vector<16xf32>
          %mul3A_568 = arith.mulf %get3A_567, %get3A_154 : vector<16xf32>
          %get3A_569 = arith.constant 0 : i32
          %get3A_570 = arith.constant 0 : i32
          %get3A_571 = tpu.memref_slice %arg6[%rem3A_101, %get3A_569, %get3A_570] : memref<2x128x256xf32, #tpu.memory_space<vmem>> -> memref<1x128x256xf32, #tpu.memory_space<vmem>>
          %get3A_572 = tpu.memref_squeeze %get3A_571 : memref<1x128x256xf32, #tpu.memory_space<vmem>> -> memref<128x256xf32, #tpu.memory_space<vmem>>
          %get3A_573 = arith.index_cast %scan3A_559 : i32 to index
          %get3A_574 = arith.index_cast %add3A_140 : i32 to index
          %get3A_575 = tpu.vector_load %get3A_572[%get3A_573, %get3A_574] {strides = array<i32>} : memref<128x256xf32, #tpu.memory_space<vmem>>, vector<1x16xf32>,
          %get3A_576 = vector.shape_cast %get3A_575 : vector<1x16xf32> to vector<16xf32>
          %mul3A_577 = arith.mulf %get3A_576, %get3A_157 : vector<16xf32>
          %gt3A_578 = arith.cmpf ogt, %mul3A_568, %max3A_517 : vector<16xf32>
          %gt3A_579 = arith.cmpf ogt, %mul3A_568, %select_n3A_519 : vector<16xf32>
          %gt3A_580 = arith.cmpf ogt, %mul3A_568, %select_n3A_521 : vector<16xf32>
          %gt3A_581 = arith.cmpf ogt, %mul3A_568, %select_n3A_523 : vector<16xf32>
          %gt3A_582 = arith.cmpf ogt, %mul3A_568, %select_n3A_525 : vector<16xf32>
          %gt3A_583 = arith.cmpf ogt, %mul3A_568, %select_n3A_527 : vector<16xf32>
          %gt3A_584 = arith.cmpf ogt, %mul3A_568, %select_n3A_529 : vector<16xf32>
          %max3A_585 = arith.maximumf %max3A_517, %mul3A_568 : vector<16xf32>
          %max3A_586 = arith.maximumf %mul3A_568, %select_n3A_519 : vector<16xf32>
          %select_n3A_587 = arith.select %gt3A_578, %max3A_517, %max3A_586 : vector<16xi1>, vector<16xf32>
          %max3A_588 = arith.maximumf %mul3A_568, %select_n3A_521 : vector<16xf32>
          %select_n3A_589 = arith.select %gt3A_579, %select_n3A_519, %max3A_588 : vector<16xi1>, vector<16xf32>
          %max3A_590 = arith.maximumf %mul3A_568, %select_n3A_523 : vector<16xf32>
          %select_n3A_591 = arith.select %gt3A_580, %select_n3A_521, %max3A_590 : vector<16xi1>, vector<16xf32>
          %max3A_592 = arith.maximumf %mul3A_568, %select_n3A_525 : vector<16xf32>
          %select_n3A_593 = arith.select %gt3A_581, %select_n3A_523, %max3A_592 : vector<16xi1>, vector<16xf32>
          %max3A_594 = arith.maximumf %mul3A_568, %select_n3A_527 : vector<16xf32>
          %select_n3A_595 = arith.select %gt3A_582, %select_n3A_525, %max3A_594 : vector<16xi1>, vector<16xf32>
          %max3A_596 = arith.maximumf %mul3A_568, %select_n3A_529 : vector<16xf32>
          %select_n3A_597 = arith.select %gt3A_583, %select_n3A_527, %max3A_596 : vector<16xi1>, vector<16xf32>
          %max3A_598 = arith.maximumf %mul3A_568, %select_n3A_531 : vector<16xf32>
          %select_n3A_599 = arith.select %gt3A_584, %select_n3A_529, %max3A_598 : vector<16xi1>, vector<16xf32>
          %broadcast_in_dim3A_600 = vector.broadcast %scan3A_559 : i32 to vector<16xi32>
          %select_n3A_601 = arith.select %gt3A_578, %broadcast_in_dim3A_600, %select_n3A_533 : vector<16xi1>, vector<16xi32>
          %gt3A_602 = arith.cmpf ogt, %mul3A_577, %max3A_541 : vector<16xf32>
          %gt3A_603 = arith.cmpf ogt, %mul3A_577, %select_n3A_543 : vector<16xf32>
          %gt3A_604 = arith.cmpf ogt, %mul3A_577, %select_n3A_545 : vector<16xf32>
          %gt3A_605 = arith.cmpf ogt, %mul3A_577, %select_n3A_547 : vector<16xf32>
          %gt3A_606 = arith.cmpf ogt, %mul3A_577, %select_n3A_549 : vector<16xf32>
          %gt3A_607 = arith.cmpf ogt, %mul3A_577, %select_n3A_551 : vector<16xf32>
          %gt3A_608 = arith.cmpf ogt, %mul3A_577, %select_n3A_553 : vector<16xf32>
          %max3A_609 = arith.maximumf %max3A_541, %mul3A_577 : vector<16xf32>
          %max3A_610 = arith.maximumf %mul3A_577, %select_n3A_543 : vector<16xf32>
          %select_n3A_611 = arith.select %gt3A_602, %max3A_541, %max3A_610 : vector<16xi1>, vector<16xf32>
          %max3A_612 = arith.maximumf %mul3A_577, %select_n3A_545 : vector<16xf32>
          %select_n3A_613 = arith.select %gt3A_603, %select_n3A_543, %max3A_612 : vector<16xi1>, vector<16xf32>
          %max3A_614 = arith.maximumf %mul3A_577, %select_n3A_547 : vector<16xf32>
          %select_n3A_615 = arith.select %gt3A_604, %select_n3A_545, %max3A_614 : vector<16xi1>, vector<16xf32>
          %max3A_616 = arith.maximumf %mul3A_577, %select_n3A_549 : vector<16xf32>
          %select_n3A_617 = arith.select %gt3A_605, %select_n3A_547, %max3A_616 : vector<16xi1>, vector<16xf32>
          %max3A_618 = arith.maximumf %mul3A_577, %select_n3A_551 : vector<16xf32>
          %select_n3A_619 = arith.select %gt3A_606, %select_n3A_549, %max3A_618 : vector<16xi1>, vector<16xf32>
          %max3A_620 = arith.maximumf %mul3A_577, %select_n3A_553 : vector<16xf32>
          %select_n3A_621 = arith.select %gt3A_607, %select_n3A_551, %max3A_620 : vector<16xi1>, vector<16xf32>
          %max3A_622 = arith.maximumf %mul3A_577, %select_n3A_555 : vector<16xf32>
          %select_n3A_623 = arith.select %gt3A_608, %select_n3A_553, %max3A_622 : vector<16xi1>, vector<16xf32>
          %broadcast_in_dim3A_624 = vector.broadcast %scan3A_559 : i32 to vector<16xi32>
          %select_n3A_625 = arith.select %gt3A_602, %broadcast_in_dim3A_624, %select_n3A_557 : vector<16xi1>, vector<16xi32>
          %scan3A_626 = arith.constant 5 : i32
          %scan3A_627 = arith.addi %scan3A_271, %scan3A_626 : i32
          %get3A_628 = arith.constant 0 : i32
          %get3A_629 = arith.constant 0 : i32
          %get3A_630 = tpu.memref_slice %arg6[%rem3A_101, %get3A_628, %get3A_629] : memref<2x128x256xf32, #tpu.memory_space<vmem>> -> memref<1x128x256xf32, #tpu.memory_space<vmem>>
          %get3A_631 = tpu.memref_squeeze %get3A_630 : memref<1x128x256xf32, #tpu.memory_space<vmem>> -> memref<128x256xf32, #tpu.memory_space<vmem>>
          %get3A_632 = arith.index_cast %scan3A_627 : i32 to index
          %get3A_633 = arith.index_cast %add3A_136 : i32 to index
          %get3A_634 = tpu.vector_load %get3A_631[%get3A_632, %get3A_633] {strides = array<i32>} : memref<128x256xf32, #tpu.memory_space<vmem>>, vector<1x16xf32>,
          %get3A_635 = vector.shape_cast %get3A_634 : vector<1x16xf32> to vector<16xf32>
          %mul3A_636 = arith.mulf %get3A_635, %get3A_154 : vector<16xf32>
          %get3A_637 = arith.constant 0 : i32
          %get3A_638 = arith.constant 0 : i32
          %get3A_639 = tpu.memref_slice %arg6[%rem3A_101, %get3A_637, %get3A_638] : memref<2x128x256xf32, #tpu.memory_space<vmem>> -> memref<1x128x256xf32, #tpu.memory_space<vmem>>
          %get3A_640 = tpu.memref_squeeze %get3A_639 : memref<1x128x256xf32, #tpu.memory_space<vmem>> -> memref<128x256xf32, #tpu.memory_space<vmem>>
          %get3A_641 = arith.index_cast %scan3A_627 : i32 to index
          %get3A_642 = arith.index_cast %add3A_140 : i32 to index
          %get3A_643 = tpu.vector_load %get3A_640[%get3A_641, %get3A_642] {strides = array<i32>} : memref<128x256xf32, #tpu.memory_space<vmem>>, vector<1x16xf32>,
          %get3A_644 = vector.shape_cast %get3A_643 : vector<1x16xf32> to vector<16xf32>
          %mul3A_645 = arith.mulf %get3A_644, %get3A_157 : vector<16xf32>
          %gt3A_646 = arith.cmpf ogt, %mul3A_636, %max3A_585 : vector<16xf32>
          %gt3A_647 = arith.cmpf ogt, %mul3A_636, %select_n3A_587 : vector<16xf32>
          %gt3A_648 = arith.cmpf ogt, %mul3A_636, %select_n3A_589 : vector<16xf32>
          %gt3A_649 = arith.cmpf ogt, %mul3A_636, %select_n3A_591 : vector<16xf32>
          %gt3A_650 = arith.cmpf ogt, %mul3A_636, %select_n3A_593 : vector<16xf32>
          %gt3A_651 = arith.cmpf ogt, %mul3A_636, %select_n3A_595 : vector<16xf32>
          %gt3A_652 = arith.cmpf ogt, %mul3A_636, %select_n3A_597 : vector<16xf32>
          %max3A_653 = arith.maximumf %max3A_585, %mul3A_636 : vector<16xf32>
          %max3A_654 = arith.maximumf %mul3A_636, %select_n3A_587 : vector<16xf32>
          %select_n3A_655 = arith.select %gt3A_646, %max3A_585, %max3A_654 : vector<16xi1>, vector<16xf32>
          %max3A_656 = arith.maximumf %mul3A_636, %select_n3A_589 : vector<16xf32>
          %select_n3A_657 = arith.select %gt3A_647, %select_n3A_587, %max3A_656 : vector<16xi1>, vector<16xf32>
          %max3A_658 = arith.maximumf %mul3A_636, %select_n3A_591 : vector<16xf32>
          %select_n3A_659 = arith.select %gt3A_648, %select_n3A_589, %max3A_658 : vector<16xi1>, vector<16xf32>
          %max3A_660 = arith.maximumf %mul3A_636, %select_n3A_593 : vector<16xf32>
          %select_n3A_661 = arith.select %gt3A_649, %select_n3A_591, %max3A_660 : vector<16xi1>, vector<16xf32>
          %max3A_662 = arith.maximumf %mul3A_636, %select_n3A_595 : vector<16xf32>
          %select_n3A_663 = arith.select %gt3A_650, %select_n3A_593, %max3A_662 : vector<16xi1>, vector<16xf32>
          %max3A_664 = arith.maximumf %mul3A_636, %select_n3A_597 : vector<16xf32>
          %select_n3A_665 = arith.select %gt3A_651, %select_n3A_595, %max3A_664 : vector<16xi1>, vector<16xf32>
          %max3A_666 = arith.maximumf %mul3A_636, %select_n3A_599 : vector<16xf32>
          %select_n3A_667 = arith.select %gt3A_652, %select_n3A_597, %max3A_666 : vector<16xi1>, vector<16xf32>
          %broadcast_in_dim3A_668 = vector.broadcast %scan3A_627 : i32 to vector<16xi32>
          %select_n3A_669 = arith.select %gt3A_646, %broadcast_in_dim3A_668, %select_n3A_601 : vector<16xi1>, vector<16xi32>
          %gt3A_670 = arith.cmpf ogt, %mul3A_645, %max3A_609 : vector<16xf32>
          %gt3A_671 = arith.cmpf ogt, %mul3A_645, %select_n3A_611 : vector<16xf32>
          %gt3A_672 = arith.cmpf ogt, %mul3A_645, %select_n3A_613 : vector<16xf32>
          %gt3A_673 = arith.cmpf ogt, %mul3A_645, %select_n3A_615 : vector<16xf32>
          %gt3A_674 = arith.cmpf ogt, %mul3A_645, %select_n3A_617 : vector<16xf32>
          %gt3A_675 = arith.cmpf ogt, %mul3A_645, %select_n3A_619 : vector<16xf32>
          %gt3A_676 = arith.cmpf ogt, %mul3A_645, %select_n3A_621 : vector<16xf32>
          %max3A_677 = arith.maximumf %max3A_609, %mul3A_645 : vector<16xf32>
          %max3A_678 = arith.maximumf %mul3A_645, %select_n3A_611 : vector<16xf32>
          %select_n3A_679 = arith.select %gt3A_670, %max3A_609, %max3A_678 : vector<16xi1>, vector<16xf32>
          %max3A_680 = arith.maximumf %mul3A_645, %select_n3A_613 : vector<16xf32>
          %select_n3A_681 = arith.select %gt3A_671, %select_n3A_611, %max3A_680 : vector<16xi1>, vector<16xf32>
          %max3A_682 = arith.maximumf %mul3A_645, %select_n3A_615 : vector<16xf32>
          %select_n3A_683 = arith.select %gt3A_672, %select_n3A_613, %max3A_682 : vector<16xi1>, vector<16xf32>
          %max3A_684 = arith.maximumf %mul3A_645, %select_n3A_617 : vector<16xf32>
          %select_n3A_685 = arith.select %gt3A_673, %select_n3A_615, %max3A_684 : vector<16xi1>, vector<16xf32>
          %max3A_686 = arith.maximumf %mul3A_645, %select_n3A_619 : vector<16xf32>
          %select_n3A_687 = arith.select %gt3A_674, %select_n3A_617, %max3A_686 : vector<16xi1>, vector<16xf32>
          %max3A_688 = arith.maximumf %mul3A_645, %select_n3A_621 : vector<16xf32>
          %select_n3A_689 = arith.select %gt3A_675, %select_n3A_619, %max3A_688 : vector<16xi1>, vector<16xf32>
          %max3A_690 = arith.maximumf %mul3A_645, %select_n3A_623 : vector<16xf32>
          %select_n3A_691 = arith.select %gt3A_676, %select_n3A_621, %max3A_690 : vector<16xi1>, vector<16xf32>
          %broadcast_in_dim3A_692 = vector.broadcast %scan3A_627 : i32 to vector<16xi32>
          %select_n3A_693 = arith.select %gt3A_670, %broadcast_in_dim3A_692, %select_n3A_625 : vector<16xi1>, vector<16xi32>
          %scan3A_694 = arith.constant 6 : i32
          %scan3A_695 = arith.addi %scan3A_271, %scan3A_694 : i32
          %get3A_696 = arith.constant 0 : i32
          %get3A_697 = arith.constant 0 : i32
          %get3A_698 = tpu.memref_slice %arg6[%rem3A_101, %get3A_696, %get3A_697] : memref<2x128x256xf32, #tpu.memory_space<vmem>> -> memref<1x128x256xf32, #tpu.memory_space<vmem>>
          %get3A_699 = tpu.memref_squeeze %get3A_698 : memref<1x128x256xf32, #tpu.memory_space<vmem>> -> memref<128x256xf32, #tpu.memory_space<vmem>>
          %get3A_700 = arith.index_cast %scan3A_695 : i32 to index
          %get3A_701 = arith.index_cast %add3A_136 : i32 to index
          %get3A_702 = tpu.vector_load %get3A_699[%get3A_700, %get3A_701] {strides = array<i32>} : memref<128x256xf32, #tpu.memory_space<vmem>>, vector<1x16xf32>,
          %get3A_703 = vector.shape_cast %get3A_702 : vector<1x16xf32> to vector<16xf32>
          %mul3A_704 = arith.mulf %get3A_703, %get3A_154 : vector<16xf32>
          %get3A_705 = arith.constant 0 : i32
          %get3A_706 = arith.constant 0 : i32
          %get3A_707 = tpu.memref_slice %arg6[%rem3A_101, %get3A_705, %get3A_706] : memref<2x128x256xf32, #tpu.memory_space<vmem>> -> memref<1x128x256xf32, #tpu.memory_space<vmem>>
          %get3A_708 = tpu.memref_squeeze %get3A_707 : memref<1x128x256xf32, #tpu.memory_space<vmem>> -> memref<128x256xf32, #tpu.memory_space<vmem>>
          %get3A_709 = arith.index_cast %scan3A_695 : i32 to index
          %get3A_710 = arith.index_cast %add3A_140 : i32 to index
          %get3A_711 = tpu.vector_load %get3A_708[%get3A_709, %get3A_710] {strides = array<i32>} : memref<128x256xf32, #tpu.memory_space<vmem>>, vector<1x16xf32>,
          %get3A_712 = vector.shape_cast %get3A_711 : vector<1x16xf32> to vector<16xf32>
          %mul3A_713 = arith.mulf %get3A_712, %get3A_157 : vector<16xf32>
          %gt3A_714 = arith.cmpf ogt, %mul3A_704, %max3A_653 : vector<16xf32>
          %gt3A_715 = arith.cmpf ogt, %mul3A_704, %select_n3A_655 : vector<16xf32>
          %gt3A_716 = arith.cmpf ogt, %mul3A_704, %select_n3A_657 : vector<16xf32>
          %gt3A_717 = arith.cmpf ogt, %mul3A_704, %select_n3A_659 : vector<16xf32>
          %gt3A_718 = arith.cmpf ogt, %mul3A_704, %select_n3A_661 : vector<16xf32>
          %gt3A_719 = arith.cmpf ogt, %mul3A_704, %select_n3A_663 : vector<16xf32>
          %gt3A_720 = arith.cmpf ogt, %mul3A_704, %select_n3A_665 : vector<16xf32>
          %max3A_721 = arith.maximumf %max3A_653, %mul3A_704 : vector<16xf32>
          %max3A_722 = arith.maximumf %mul3A_704, %select_n3A_655 : vector<16xf32>
          %select_n3A_723 = arith.select %gt3A_714, %max3A_653, %max3A_722 : vector<16xi1>, vector<16xf32>
          %max3A_724 = arith.maximumf %mul3A_704, %select_n3A_657 : vector<16xf32>
          %select_n3A_725 = arith.select %gt3A_715, %select_n3A_655, %max3A_724 : vector<16xi1>, vector<16xf32>
          %max3A_726 = arith.maximumf %mul3A_704, %select_n3A_659 : vector<16xf32>
          %select_n3A_727 = arith.select %gt3A_716, %select_n3A_657, %max3A_726 : vector<16xi1>, vector<16xf32>
          %max3A_728 = arith.maximumf %mul3A_704, %select_n3A_661 : vector<16xf32>
          %select_n3A_729 = arith.select %gt3A_717, %select_n3A_659, %max3A_728 : vector<16xi1>, vector<16xf32>
          %max3A_730 = arith.maximumf %mul3A_704, %select_n3A_663 : vector<16xf32>
          %select_n3A_731 = arith.select %gt3A_718, %select_n3A_661, %max3A_730 : vector<16xi1>, vector<16xf32>
          %max3A_732 = arith.maximumf %mul3A_704, %select_n3A_665 : vector<16xf32>
          %select_n3A_733 = arith.select %gt3A_719, %select_n3A_663, %max3A_732 : vector<16xi1>, vector<16xf32>
          %max3A_734 = arith.maximumf %mul3A_704, %select_n3A_667 : vector<16xf32>
          %select_n3A_735 = arith.select %gt3A_720, %select_n3A_665, %max3A_734 : vector<16xi1>, vector<16xf32>
          %broadcast_in_dim3A_736 = vector.broadcast %scan3A_695 : i32 to vector<16xi32>
          %select_n3A_737 = arith.select %gt3A_714, %broadcast_in_dim3A_736, %select_n3A_669 : vector<16xi1>, vector<16xi32>
          %gt3A_738 = arith.cmpf ogt, %mul3A_713, %max3A_677 : vector<16xf32>
          %gt3A_739 = arith.cmpf ogt, %mul3A_713, %select_n3A_679 : vector<16xf32>
          %gt3A_740 = arith.cmpf ogt, %mul3A_713, %select_n3A_681 : vector<16xf32>
          %gt3A_741 = arith.cmpf ogt, %mul3A_713, %select_n3A_683 : vector<16xf32>
          %gt3A_742 = arith.cmpf ogt, %mul3A_713, %select_n3A_685 : vector<16xf32>
          %gt3A_743 = arith.cmpf ogt, %mul3A_713, %select_n3A_687 : vector<16xf32>
          %gt3A_744 = arith.cmpf ogt, %mul3A_713, %select_n3A_689 : vector<16xf32>
          %max3A_745 = arith.maximumf %max3A_677, %mul3A_713 : vector<16xf32>
          %max3A_746 = arith.maximumf %mul3A_713, %select_n3A_679 : vector<16xf32>
          %select_n3A_747 = arith.select %gt3A_738, %max3A_677, %max3A_746 : vector<16xi1>, vector<16xf32>
          %max3A_748 = arith.maximumf %mul3A_713, %select_n3A_681 : vector<16xf32>
          %select_n3A_749 = arith.select %gt3A_739, %select_n3A_679, %max3A_748 : vector<16xi1>, vector<16xf32>
          %max3A_750 = arith.maximumf %mul3A_713, %select_n3A_683 : vector<16xf32>
          %select_n3A_751 = arith.select %gt3A_740, %select_n3A_681, %max3A_750 : vector<16xi1>, vector<16xf32>
          %max3A_752 = arith.maximumf %mul3A_713, %select_n3A_685 : vector<16xf32>
          %select_n3A_753 = arith.select %gt3A_741, %select_n3A_683, %max3A_752 : vector<16xi1>, vector<16xf32>
          %max3A_754 = arith.maximumf %mul3A_713, %select_n3A_687 : vector<16xf32>
          %select_n3A_755 = arith.select %gt3A_742, %select_n3A_685, %max3A_754 : vector<16xi1>, vector<16xf32>
          %max3A_756 = arith.maximumf %mul3A_713, %select_n3A_689 : vector<16xf32>
          %select_n3A_757 = arith.select %gt3A_743, %select_n3A_687, %max3A_756 : vector<16xi1>, vector<16xf32>
          %max3A_758 = arith.maximumf %mul3A_713, %select_n3A_691 : vector<16xf32>
          %select_n3A_759 = arith.select %gt3A_744, %select_n3A_689, %max3A_758 : vector<16xi1>, vector<16xf32>
          %broadcast_in_dim3A_760 = vector.broadcast %scan3A_695 : i32 to vector<16xi32>
          %select_n3A_761 = arith.select %gt3A_738, %broadcast_in_dim3A_760, %select_n3A_693 : vector<16xi1>, vector<16xi32>
          %scan3A_762 = arith.constant 7 : i32
          %scan3A_763 = arith.addi %scan3A_271, %scan3A_762 : i32
          %get3A_764 = arith.constant 0 : i32
          %get3A_765 = arith.constant 0 : i32
          %get3A_766 = tpu.memref_slice %arg6[%rem3A_101, %get3A_764, %get3A_765] : memref<2x128x256xf32, #tpu.memory_space<vmem>> -> memref<1x128x256xf32, #tpu.memory_space<vmem>>
          %get3A_767 = tpu.memref_squeeze %get3A_766 : memref<1x128x256xf32, #tpu.memory_space<vmem>> -> memref<128x256xf32, #tpu.memory_space<vmem>>
          %get3A_768 = arith.index_cast %scan3A_763 : i32 to index
          %get3A_769 = arith.index_cast %add3A_136 : i32 to index
          %get3A_770 = tpu.vector_load %get3A_767[%get3A_768, %get3A_769] {strides = array<i32>} : memref<128x256xf32, #tpu.memory_space<vmem>>, vector<1x16xf32>,
          %get3A_771 = vector.shape_cast %get3A_770 : vector<1x16xf32> to vector<16xf32>
          %mul3A_772 = arith.mulf %get3A_771, %get3A_154 : vector<16xf32>
          %get3A_773 = arith.constant 0 : i32
          %get3A_774 = arith.constant 0 : i32
          %get3A_775 = tpu.memref_slice %arg6[%rem3A_101, %get3A_773, %get3A_774] : memref<2x128x256xf32, #tpu.memory_space<vmem>> -> memref<1x128x256xf32, #tpu.memory_space<vmem>>
          %get3A_776 = tpu.memref_squeeze %get3A_775 : memref<1x128x256xf32, #tpu.memory_space<vmem>> -> memref<128x256xf32, #tpu.memory_space<vmem>>
          %get3A_777 = arith.index_cast %scan3A_763 : i32 to index
          %get3A_778 = arith.index_cast %add3A_140 : i32 to index
          %get3A_779 = tpu.vector_load %get3A_776[%get3A_777, %get3A_778] {strides = array<i32>} : memref<128x256xf32, #tpu.memory_space<vmem>>, vector<1x16xf32>,
          %get3A_780 = vector.shape_cast %get3A_779 : vector<1x16xf32> to vector<16xf32>
          %mul3A_781 = arith.mulf %get3A_780, %get3A_157 : vector<16xf32>
          %gt3A_782 = arith.cmpf ogt, %mul3A_772, %max3A_721 : vector<16xf32>
          %gt3A_783 = arith.cmpf ogt, %mul3A_772, %select_n3A_723 : vector<16xf32>
          %gt3A_784 = arith.cmpf ogt, %mul3A_772, %select_n3A_725 : vector<16xf32>
          %gt3A_785 = arith.cmpf ogt, %mul3A_772, %select_n3A_727 : vector<16xf32>
          %gt3A_786 = arith.cmpf ogt, %mul3A_772, %select_n3A_729 : vector<16xf32>
          %gt3A_787 = arith.cmpf ogt, %mul3A_772, %select_n3A_731 : vector<16xf32>
          %gt3A_788 = arith.cmpf ogt, %mul3A_772, %select_n3A_733 : vector<16xf32>
          %max3A_789 = arith.maximumf %max3A_721, %mul3A_772 : vector<16xf32>
          %max3A_790 = arith.maximumf %mul3A_772, %select_n3A_723 : vector<16xf32>
          %select_n3A_791 = arith.select %gt3A_782, %max3A_721, %max3A_790 : vector<16xi1>, vector<16xf32>
          %max3A_792 = arith.maximumf %mul3A_772, %select_n3A_725 : vector<16xf32>
          %select_n3A_793 = arith.select %gt3A_783, %select_n3A_723, %max3A_792 : vector<16xi1>, vector<16xf32>
          %max3A_794 = arith.maximumf %mul3A_772, %select_n3A_727 : vector<16xf32>
          %select_n3A_795 = arith.select %gt3A_784, %select_n3A_725, %max3A_794 : vector<16xi1>, vector<16xf32>
          %max3A_796 = arith.maximumf %mul3A_772, %select_n3A_729 : vector<16xf32>
          %select_n3A_797 = arith.select %gt3A_785, %select_n3A_727, %max3A_796 : vector<16xi1>, vector<16xf32>
          %max3A_798 = arith.maximumf %mul3A_772, %select_n3A_731 : vector<16xf32>
          %select_n3A_799 = arith.select %gt3A_786, %select_n3A_729, %max3A_798 : vector<16xi1>, vector<16xf32>
          %max3A_800 = arith.maximumf %mul3A_772, %select_n3A_733 : vector<16xf32>
          %select_n3A_801 = arith.select %gt3A_787, %select_n3A_731, %max3A_800 : vector<16xi1>, vector<16xf32>
          %max3A_802 = arith.maximumf %mul3A_772, %select_n3A_735 : vector<16xf32>
          %select_n3A_803 = arith.select %gt3A_788, %select_n3A_733, %max3A_802 : vector<16xi1>, vector<16xf32>
          %broadcast_in_dim3A_804 = vector.broadcast %scan3A_763 : i32 to vector<16xi32>
          %select_n3A_805 = arith.select %gt3A_782, %broadcast_in_dim3A_804, %select_n3A_737 : vector<16xi1>, vector<16xi32>
          %gt3A_806 = arith.cmpf ogt, %mul3A_781, %max3A_745 : vector<16xf32>
          %gt3A_807 = arith.cmpf ogt, %mul3A_781, %select_n3A_747 : vector<16xf32>
          %gt3A_808 = arith.cmpf ogt, %mul3A_781, %select_n3A_749 : vector<16xf32>
          %gt3A_809 = arith.cmpf ogt, %mul3A_781, %select_n3A_751 : vector<16xf32>
          %gt3A_810 = arith.cmpf ogt, %mul3A_781, %select_n3A_753 : vector<16xf32>
          %gt3A_811 = arith.cmpf ogt, %mul3A_781, %select_n3A_755 : vector<16xf32>
          %gt3A_812 = arith.cmpf ogt, %mul3A_781, %select_n3A_757 : vector<16xf32>
          %max3A_813 = arith.maximumf %max3A_745, %mul3A_781 : vector<16xf32>
          %max3A_814 = arith.maximumf %mul3A_781, %select_n3A_747 : vector<16xf32>
          %select_n3A_815 = arith.select %gt3A_806, %max3A_745, %max3A_814 : vector<16xi1>, vector<16xf32>
          %max3A_816 = arith.maximumf %mul3A_781, %select_n3A_749 : vector<16xf32>
          %select_n3A_817 = arith.select %gt3A_807, %select_n3A_747, %max3A_816 : vector<16xi1>, vector<16xf32>
          %max3A_818 = arith.maximumf %mul3A_781, %select_n3A_751 : vector<16xf32>
          %select_n3A_819 = arith.select %gt3A_808, %select_n3A_749, %max3A_818 : vector<16xi1>, vector<16xf32>
          %max3A_820 = arith.maximumf %mul3A_781, %select_n3A_753 : vector<16xf32>
          %select_n3A_821 = arith.select %gt3A_809, %select_n3A_751, %max3A_820 : vector<16xi1>, vector<16xf32>
          %max3A_822 = arith.maximumf %mul3A_781, %select_n3A_755 : vector<16xf32>
          %select_n3A_823 = arith.select %gt3A_810, %select_n3A_753, %max3A_822 : vector<16xi1>, vector<16xf32>
          %max3A_824 = arith.maximumf %mul3A_781, %select_n3A_757 : vector<16xf32>
          %select_n3A_825 = arith.select %gt3A_811, %select_n3A_755, %max3A_824 : vector<16xi1>, vector<16xf32>
          %max3A_826 = arith.maximumf %mul3A_781, %select_n3A_759 : vector<16xf32>
          %select_n3A_827 = arith.select %gt3A_812, %select_n3A_757, %max3A_826 : vector<16xi1>, vector<16xf32>
          %broadcast_in_dim3A_828 = vector.broadcast %scan3A_763 : i32 to vector<16xi32>
          %select_n3A_829 = arith.select %gt3A_806, %broadcast_in_dim3A_828, %select_n3A_761 : vector<16xi1>, vector<16xi32>
          %scan3A_830 = arith.constant 8 : i32
          %scan3A_831 = arith.addi %scan3A_271, %scan3A_830 : i32
          %get3A_832 = arith.constant 0 : i32
          %get3A_833 = arith.constant 0 : i32
          %get3A_834 = tpu.memref_slice %arg6[%rem3A_101, %get3A_832, %get3A_833] : memref<2x128x256xf32, #tpu.memory_space<vmem>> -> memref<1x128x256xf32, #tpu.memory_space<vmem>>
          %get3A_835 = tpu.memref_squeeze %get3A_834 : memref<1x128x256xf32, #tpu.memory_space<vmem>> -> memref<128x256xf32, #tpu.memory_space<vmem>>
          %get3A_836 = arith.index_cast %scan3A_831 : i32 to index
          %get3A_837 = arith.index_cast %add3A_136 : i32 to index
          %get3A_838 = tpu.vector_load %get3A_835[%get3A_836, %get3A_837] {strides = array<i32>} : memref<128x256xf32, #tpu.memory_space<vmem>>, vector<1x16xf32>,
          %get3A_839 = vector.shape_cast %get3A_838 : vector<1x16xf32> to vector<16xf32>
          %mul3A_840 = arith.mulf %get3A_839, %get3A_154 : vector<16xf32>
          %get3A_841 = arith.constant 0 : i32
          %get3A_842 = arith.constant 0 : i32
          %get3A_843 = tpu.memref_slice %arg6[%rem3A_101, %get3A_841, %get3A_842] : memref<2x128x256xf32, #tpu.memory_space<vmem>> -> memref<1x128x256xf32, #tpu.memory_space<vmem>>
          %get3A_844 = tpu.memref_squeeze %get3A_843 : memref<1x128x256xf32, #tpu.memory_space<vmem>> -> memref<128x256xf32, #tpu.memory_space<vmem>>
          %get3A_845 = arith.index_cast %scan3A_831 : i32 to index
          %get3A_846 = arith.index_cast %add3A_140 : i32 to index
          %get3A_847 = tpu.vector_load %get3A_844[%get3A_845, %get3A_846] {strides = array<i32>} : memref<128x256xf32, #tpu.memory_space<vmem>>, vector<1x16xf32>,
          %get3A_848 = vector.shape_cast %get3A_847 : vector<1x16xf32> to vector<16xf32>
          %mul3A_849 = arith.mulf %get3A_848, %get3A_157 : vector<16xf32>
          %gt3A_850 = arith.cmpf ogt, %mul3A_840, %max3A_789 : vector<16xf32>
          %gt3A_851 = arith.cmpf ogt, %mul3A_840, %select_n3A_791 : vector<16xf32>
          %gt3A_852 = arith.cmpf ogt, %mul3A_840, %select_n3A_793 : vector<16xf32>
          %gt3A_853 = arith.cmpf ogt, %mul3A_840, %select_n3A_795 : vector<16xf32>
          %gt3A_854 = arith.cmpf ogt, %mul3A_840, %select_n3A_797 : vector<16xf32>
          %gt3A_855 = arith.cmpf ogt, %mul3A_840, %select_n3A_799 : vector<16xf32>
          %gt3A_856 = arith.cmpf ogt, %mul3A_840, %select_n3A_801 : vector<16xf32>
          %max3A_857 = arith.maximumf %max3A_789, %mul3A_840 : vector<16xf32>
          %max3A_858 = arith.maximumf %mul3A_840, %select_n3A_791 : vector<16xf32>
          %select_n3A_859 = arith.select %gt3A_850, %max3A_789, %max3A_858 : vector<16xi1>, vector<16xf32>
          %max3A_860 = arith.maximumf %mul3A_840, %select_n3A_793 : vector<16xf32>
          %select_n3A_861 = arith.select %gt3A_851, %select_n3A_791, %max3A_860 : vector<16xi1>, vector<16xf32>
          %max3A_862 = arith.maximumf %mul3A_840, %select_n3A_795 : vector<16xf32>
          %select_n3A_863 = arith.select %gt3A_852, %select_n3A_793, %max3A_862 : vector<16xi1>, vector<16xf32>
          %max3A_864 = arith.maximumf %mul3A_840, %select_n3A_797 : vector<16xf32>
          %select_n3A_865 = arith.select %gt3A_853, %select_n3A_795, %max3A_864 : vector<16xi1>, vector<16xf32>
          %max3A_866 = arith.maximumf %mul3A_840, %select_n3A_799 : vector<16xf32>
          %select_n3A_867 = arith.select %gt3A_854, %select_n3A_797, %max3A_866 : vector<16xi1>, vector<16xf32>
          %max3A_868 = arith.maximumf %mul3A_840, %select_n3A_801 : vector<16xf32>
          %select_n3A_869 = arith.select %gt3A_855, %select_n3A_799, %max3A_868 : vector<16xi1>, vector<16xf32>
          %max3A_870 = arith.maximumf %mul3A_840, %select_n3A_803 : vector<16xf32>
          %select_n3A_871 = arith.select %gt3A_856, %select_n3A_801, %max3A_870 : vector<16xi1>, vector<16xf32>
          %broadcast_in_dim3A_872 = vector.broadcast %scan3A_831 : i32 to vector<16xi32>
          %select_n3A_873 = arith.select %gt3A_850, %broadcast_in_dim3A_872, %select_n3A_805 : vector<16xi1>, vector<16xi32>
          %gt3A_874 = arith.cmpf ogt, %mul3A_849, %max3A_813 : vector<16xf32>
          %gt3A_875 = arith.cmpf ogt, %mul3A_849, %select_n3A_815 : vector<16xf32>
          %gt3A_876 = arith.cmpf ogt, %mul3A_849, %select_n3A_817 : vector<16xf32>
          %gt3A_877 = arith.cmpf ogt, %mul3A_849, %select_n3A_819 : vector<16xf32>
          %gt3A_878 = arith.cmpf ogt, %mul3A_849, %select_n3A_821 : vector<16xf32>
          %gt3A_879 = arith.cmpf ogt, %mul3A_849, %select_n3A_823 : vector<16xf32>
          %gt3A_880 = arith.cmpf ogt, %mul3A_849, %select_n3A_825 : vector<16xf32>
          %max3A_881 = arith.maximumf %max3A_813, %mul3A_849 : vector<16xf32>
          %max3A_882 = arith.maximumf %mul3A_849, %select_n3A_815 : vector<16xf32>
          %select_n3A_883 = arith.select %gt3A_874, %max3A_813, %max3A_882 : vector<16xi1>, vector<16xf32>
          %max3A_884 = arith.maximumf %mul3A_849, %select_n3A_817 : vector<16xf32>
          %select_n3A_885 = arith.select %gt3A_875, %select_n3A_815, %max3A_884 : vector<16xi1>, vector<16xf32>
          %max3A_886 = arith.maximumf %mul3A_849, %select_n3A_819 : vector<16xf32>
          %select_n3A_887 = arith.select %gt3A_876, %select_n3A_817, %max3A_886 : vector<16xi1>, vector<16xf32>
          %max3A_888 = arith.maximumf %mul3A_849, %select_n3A_821 : vector<16xf32>
          %select_n3A_889 = arith.select %gt3A_877, %select_n3A_819, %max3A_888 : vector<16xi1>, vector<16xf32>
          %max3A_890 = arith.maximumf %mul3A_849, %select_n3A_823 : vector<16xf32>
          %select_n3A_891 = arith.select %gt3A_878, %select_n3A_821, %max3A_890 : vector<16xi1>, vector<16xf32>
          %max3A_892 = arith.maximumf %mul3A_849, %select_n3A_825 : vector<16xf32>
          %select_n3A_893 = arith.select %gt3A_879, %select_n3A_823, %max3A_892 : vector<16xi1>, vector<16xf32>
          %max3A_894 = arith.maximumf %mul3A_849, %select_n3A_827 : vector<16xf32>
          %select_n3A_895 = arith.select %gt3A_880, %select_n3A_825, %max3A_894 : vector<16xi1>, vector<16xf32>
          %broadcast_in_dim3A_896 = vector.broadcast %scan3A_831 : i32 to vector<16xi32>
          %select_n3A_897 = arith.select %gt3A_874, %broadcast_in_dim3A_896, %select_n3A_829 : vector<16xi1>, vector<16xi32>
          %scan3A_898 = arith.constant 9 : i32
          %scan3A_899 = arith.addi %scan3A_271, %scan3A_898 : i32
          %get3A_900 = arith.constant 0 : i32
          %get3A_901 = arith.constant 0 : i32
          %get3A_902 = tpu.memref_slice %arg6[%rem3A_101, %get3A_900, %get3A_901] : memref<2x128x256xf32, #tpu.memory_space<vmem>> -> memref<1x128x256xf32, #tpu.memory_space<vmem>>
          %get3A_903 = tpu.memref_squeeze %get3A_902 : memref<1x128x256xf32, #tpu.memory_space<vmem>> -> memref<128x256xf32, #tpu.memory_space<vmem>>
          %get3A_904 = arith.index_cast %scan3A_899 : i32 to index
          %get3A_905 = arith.index_cast %add3A_136 : i32 to index
          %get3A_906 = tpu.vector_load %get3A_903[%get3A_904, %get3A_905] {strides = array<i32>} : memref<128x256xf32, #tpu.memory_space<vmem>>, vector<1x16xf32>,
          %get3A_907 = vector.shape_cast %get3A_906 : vector<1x16xf32> to vector<16xf32>
          %mul3A_908 = arith.mulf %get3A_907, %get3A_154 : vector<16xf32>
          %get3A_909 = arith.constant 0 : i32
          %get3A_910 = arith.constant 0 : i32
          %get3A_911 = tpu.memref_slice %arg6[%rem3A_101, %get3A_909, %get3A_910] : memref<2x128x256xf32, #tpu.memory_space<vmem>> -> memref<1x128x256xf32, #tpu.memory_space<vmem>>
          %get3A_912 = tpu.memref_squeeze %get3A_911 : memref<1x128x256xf32, #tpu.memory_space<vmem>> -> memref<128x256xf32, #tpu.memory_space<vmem>>
          %get3A_913 = arith.index_cast %scan3A_899 : i32 to index
          %get3A_914 = arith.index_cast %add3A_140 : i32 to index
          %get3A_915 = tpu.vector_load %get3A_912[%get3A_913, %get3A_914] {strides = array<i32>} : memref<128x256xf32, #tpu.memory_space<vmem>>, vector<1x16xf32>,
          %get3A_916 = vector.shape_cast %get3A_915 : vector<1x16xf32> to vector<16xf32>
          %mul3A_917 = arith.mulf %get3A_916, %get3A_157 : vector<16xf32>
          %gt3A_918 = arith.cmpf ogt, %mul3A_908, %max3A_857 : vector<16xf32>
          %gt3A_919 = arith.cmpf ogt, %mul3A_908, %select_n3A_859 : vector<16xf32>
          %gt3A_920 = arith.cmpf ogt, %mul3A_908, %select_n3A_861 : vector<16xf32>
          %gt3A_921 = arith.cmpf ogt, %mul3A_908, %select_n3A_863 : vector<16xf32>
          %gt3A_922 = arith.cmpf ogt, %mul3A_908, %select_n3A_865 : vector<16xf32>
          %gt3A_923 = arith.cmpf ogt, %mul3A_908, %select_n3A_867 : vector<16xf32>
          %gt3A_924 = arith.cmpf ogt, %mul3A_908, %select_n3A_869 : vector<16xf32>
          %max3A_925 = arith.maximumf %max3A_857, %mul3A_908 : vector<16xf32>
          %max3A_926 = arith.maximumf %mul3A_908, %select_n3A_859 : vector<16xf32>
          %select_n3A_927 = arith.select %gt3A_918, %max3A_857, %max3A_926 : vector<16xi1>, vector<16xf32>
          %max3A_928 = arith.maximumf %mul3A_908, %select_n3A_861 : vector<16xf32>
          %select_n3A_929 = arith.select %gt3A_919, %select_n3A_859, %max3A_928 : vector<16xi1>, vector<16xf32>
          %max3A_930 = arith.maximumf %mul3A_908, %select_n3A_863 : vector<16xf32>
          %select_n3A_931 = arith.select %gt3A_920, %select_n3A_861, %max3A_930 : vector<16xi1>, vector<16xf32>
          %max3A_932 = arith.maximumf %mul3A_908, %select_n3A_865 : vector<16xf32>
          %select_n3A_933 = arith.select %gt3A_921, %select_n3A_863, %max3A_932 : vector<16xi1>, vector<16xf32>
          %max3A_934 = arith.maximumf %mul3A_908, %select_n3A_867 : vector<16xf32>
          %select_n3A_935 = arith.select %gt3A_922, %select_n3A_865, %max3A_934 : vector<16xi1>, vector<16xf32>
          %max3A_936 = arith.maximumf %mul3A_908, %select_n3A_869 : vector<16xf32>
          %select_n3A_937 = arith.select %gt3A_923, %select_n3A_867, %max3A_936 : vector<16xi1>, vector<16xf32>
          %max3A_938 = arith.maximumf %mul3A_908, %select_n3A_871 : vector<16xf32>
          %select_n3A_939 = arith.select %gt3A_924, %select_n3A_869, %max3A_938 : vector<16xi1>, vector<16xf32>
          %broadcast_in_dim3A_940 = vector.broadcast %scan3A_899 : i32 to vector<16xi32>
          %select_n3A_941 = arith.select %gt3A_918, %broadcast_in_dim3A_940, %select_n3A_873 : vector<16xi1>, vector<16xi32>
          %gt3A_942 = arith.cmpf ogt, %mul3A_917, %max3A_881 : vector<16xf32>
          %gt3A_943 = arith.cmpf ogt, %mul3A_917, %select_n3A_883 : vector<16xf32>
          %gt3A_944 = arith.cmpf ogt, %mul3A_917, %select_n3A_885 : vector<16xf32>
          %gt3A_945 = arith.cmpf ogt, %mul3A_917, %select_n3A_887 : vector<16xf32>
          %gt3A_946 = arith.cmpf ogt, %mul3A_917, %select_n3A_889 : vector<16xf32>
          %gt3A_947 = arith.cmpf ogt, %mul3A_917, %select_n3A_891 : vector<16xf32>
          %gt3A_948 = arith.cmpf ogt, %mul3A_917, %select_n3A_893 : vector<16xf32>
          %max3A_949 = arith.maximumf %max3A_881, %mul3A_917 : vector<16xf32>
          %max3A_950 = arith.maximumf %mul3A_917, %select_n3A_883 : vector<16xf32>
          %select_n3A_951 = arith.select %gt3A_942, %max3A_881, %max3A_950 : vector<16xi1>, vector<16xf32>
          %max3A_952 = arith.maximumf %mul3A_917, %select_n3A_885 : vector<16xf32>
          %select_n3A_953 = arith.select %gt3A_943, %select_n3A_883, %max3A_952 : vector<16xi1>, vector<16xf32>
          %max3A_954 = arith.maximumf %mul3A_917, %select_n3A_887 : vector<16xf32>
          %select_n3A_955 = arith.select %gt3A_944, %select_n3A_885, %max3A_954 : vector<16xi1>, vector<16xf32>
          %max3A_956 = arith.maximumf %mul3A_917, %select_n3A_889 : vector<16xf32>
          %select_n3A_957 = arith.select %gt3A_945, %select_n3A_887, %max3A_956 : vector<16xi1>, vector<16xf32>
          %max3A_958 = arith.maximumf %mul3A_917, %select_n3A_891 : vector<16xf32>
          %select_n3A_959 = arith.select %gt3A_946, %select_n3A_889, %max3A_958 : vector<16xi1>, vector<16xf32>
          %max3A_960 = arith.maximumf %mul3A_917, %select_n3A_893 : vector<16xf32>
          %select_n3A_961 = arith.select %gt3A_947, %select_n3A_891, %max3A_960 : vector<16xi1>, vector<16xf32>
          %max3A_962 = arith.maximumf %mul3A_917, %select_n3A_895 : vector<16xf32>
          %select_n3A_963 = arith.select %gt3A_948, %select_n3A_893, %max3A_962 : vector<16xi1>, vector<16xf32>
          %broadcast_in_dim3A_964 = vector.broadcast %scan3A_899 : i32 to vector<16xi32>
          %select_n3A_965 = arith.select %gt3A_942, %broadcast_in_dim3A_964, %select_n3A_897 : vector<16xi1>, vector<16xi32>
          %scan3A_966 = arith.constant 10 : i32
          %scan3A_967 = arith.addi %scan3A_271, %scan3A_966 : i32
          %get3A_968 = arith.constant 0 : i32
          %get3A_969 = arith.constant 0 : i32
          %get3A_970 = tpu.memref_slice %arg6[%rem3A_101, %get3A_968, %get3A_969] : memref<2x128x256xf32, #tpu.memory_space<vmem>> -> memref<1x128x256xf32, #tpu.memory_space<vmem>>
          %get3A_971 = tpu.memref_squeeze %get3A_970 : memref<1x128x256xf32, #tpu.memory_space<vmem>> -> memref<128x256xf32, #tpu.memory_space<vmem>>
          %get3A_972 = arith.index_cast %scan3A_967 : i32 to index
          %get3A_973 = arith.index_cast %add3A_136 : i32 to index
          %get3A_974 = tpu.vector_load %get3A_971[%get3A_972, %get3A_973] {strides = array<i32>} : memref<128x256xf32, #tpu.memory_space<vmem>>, vector<1x16xf32>,
          %get3A_975 = vector.shape_cast %get3A_974 : vector<1x16xf32> to vector<16xf32>
          %mul3A_976 = arith.mulf %get3A_975, %get3A_154 : vector<16xf32>
          %get3A_977 = arith.constant 0 : i32
          %get3A_978 = arith.constant 0 : i32
          %get3A_979 = tpu.memref_slice %arg6[%rem3A_101, %get3A_977, %get3A_978] : memref<2x128x256xf32, #tpu.memory_space<vmem>> -> memref<1x128x256xf32, #tpu.memory_space<vmem>>
          %get3A_980 = tpu.memref_squeeze %get3A_979 : memref<1x128x256xf32, #tpu.memory_space<vmem>> -> memref<128x256xf32, #tpu.memory_space<vmem>>
          %get3A_981 = arith.index_cast %scan3A_967 : i32 to index
          %get3A_982 = arith.index_cast %add3A_140 : i32 to index
          %get3A_983 = tpu.vector_load %get3A_980[%get3A_981, %get3A_982] {strides = array<i32>} : memref<128x256xf32, #tpu.memory_space<vmem>>, vector<1x16xf32>,
          %get3A_984 = vector.shape_cast %get3A_983 : vector<1x16xf32> to vector<16xf32>
          %mul3A_985 = arith.mulf %get3A_984, %get3A_157 : vector<16xf32>
          %gt3A_986 = arith.cmpf ogt, %mul3A_976, %max3A_925 : vector<16xf32>
          %gt3A_987 = arith.cmpf ogt, %mul3A_976, %select_n3A_927 : vector<16xf32>
          %gt3A_988 = arith.cmpf ogt, %mul3A_976, %select_n3A_929 : vector<16xf32>
          %gt3A_989 = arith.cmpf ogt, %mul3A_976, %select_n3A_931 : vector<16xf32>
          %gt3A_990 = arith.cmpf ogt, %mul3A_976, %select_n3A_933 : vector<16xf32>
          %gt3A_991 = arith.cmpf ogt, %mul3A_976, %select_n3A_935 : vector<16xf32>
          %gt3A_992 = arith.cmpf ogt, %mul3A_976, %select_n3A_937 : vector<16xf32>
          %max3A_993 = arith.maximumf %max3A_925, %mul3A_976 : vector<16xf32>
          %max3A_994 = arith.maximumf %mul3A_976, %select_n3A_927 : vector<16xf32>
          %select_n3A_995 = arith.select %gt3A_986, %max3A_925, %max3A_994 : vector<16xi1>, vector<16xf32>
          %max3A_996 = arith.maximumf %mul3A_976, %select_n3A_929 : vector<16xf32>
          %select_n3A_997 = arith.select %gt3A_987, %select_n3A_927, %max3A_996 : vector<16xi1>, vector<16xf32>
          %max3A_998 = arith.maximumf %mul3A_976, %select_n3A_931 : vector<16xf32>
          %select_n3A_999 = arith.select %gt3A_988, %select_n3A_929, %max3A_998 : vector<16xi1>, vector<16xf32>
          %max3A_1000 = arith.maximumf %mul3A_976, %select_n3A_933 : vector<16xf32>
          %select_n3A_1001 = arith.select %gt3A_989, %select_n3A_931, %max3A_1000 : vector<16xi1>, vector<16xf32>
          %max3A_1002 = arith.maximumf %mul3A_976, %select_n3A_935 : vector<16xf32>
          %select_n3A_1003 = arith.select %gt3A_990, %select_n3A_933, %max3A_1002 : vector<16xi1>, vector<16xf32>
          %max3A_1004 = arith.maximumf %mul3A_976, %select_n3A_937 : vector<16xf32>
          %select_n3A_1005 = arith.select %gt3A_991, %select_n3A_935, %max3A_1004 : vector<16xi1>, vector<16xf32>
          %max3A_1006 = arith.maximumf %mul3A_976, %select_n3A_939 : vector<16xf32>
          %select_n3A_1007 = arith.select %gt3A_992, %select_n3A_937, %max3A_1006 : vector<16xi1>, vector<16xf32>
          %broadcast_in_dim3A_1008 = vector.broadcast %scan3A_967 : i32 to vector<16xi32>
          %select_n3A_1009 = arith.select %gt3A_986, %broadcast_in_dim3A_1008, %select_n3A_941 : vector<16xi1>, vector<16xi32>
          %gt3A_1010 = arith.cmpf ogt, %mul3A_985, %max3A_949 : vector<16xf32>
          %gt3A_1011 = arith.cmpf ogt, %mul3A_985, %select_n3A_951 : vector<16xf32>
          %gt3A_1012 = arith.cmpf ogt, %mul3A_985, %select_n3A_953 : vector<16xf32>
          %gt3A_1013 = arith.cmpf ogt, %mul3A_985, %select_n3A_955 : vector<16xf32>
          %gt3A_1014 = arith.cmpf ogt, %mul3A_985, %select_n3A_957 : vector<16xf32>
          %gt3A_1015 = arith.cmpf ogt, %mul3A_985, %select_n3A_959 : vector<16xf32>
          %gt3A_1016 = arith.cmpf ogt, %mul3A_985, %select_n3A_961 : vector<16xf32>
          %max3A_1017 = arith.maximumf %max3A_949, %mul3A_985 : vector<16xf32>
          %max3A_1018 = arith.maximumf %mul3A_985, %select_n3A_951 : vector<16xf32>
          %select_n3A_1019 = arith.select %gt3A_1010, %max3A_949, %max3A_1018 : vector<16xi1>, vector<16xf32>
          %max3A_1020 = arith.maximumf %mul3A_985, %select_n3A_953 : vector<16xf32>
          %select_n3A_1021 = arith.select %gt3A_1011, %select_n3A_951, %max3A_1020 : vector<16xi1>, vector<16xf32>
          %max3A_1022 = arith.maximumf %mul3A_985, %select_n3A_955 : vector<16xf32>
          %select_n3A_1023 = arith.select %gt3A_1012, %select_n3A_953, %max3A_1022 : vector<16xi1>, vector<16xf32>
          %max3A_1024 = arith.maximumf %mul3A_985, %select_n3A_957 : vector<16xf32>
          %select_n3A_1025 = arith.select %gt3A_1013, %select_n3A_955, %max3A_1024 : vector<16xi1>, vector<16xf32>
          %max3A_1026 = arith.maximumf %mul3A_985, %select_n3A_959 : vector<16xf32>
          %select_n3A_1027 = arith.select %gt3A_1014, %select_n3A_957, %max3A_1026 : vector<16xi1>, vector<16xf32>
          %max3A_1028 = arith.maximumf %mul3A_985, %select_n3A_961 : vector<16xf32>
          %select_n3A_1029 = arith.select %gt3A_1015, %select_n3A_959, %max3A_1028 : vector<16xi1>, vector<16xf32>
          %max3A_1030 = arith.maximumf %mul3A_985, %select_n3A_963 : vector<16xf32>
          %select_n3A_1031 = arith.select %gt3A_1016, %select_n3A_961, %max3A_1030 : vector<16xi1>, vector<16xf32>
          %broadcast_in_dim3A_1032 = vector.broadcast %scan3A_967 : i32 to vector<16xi32>
          %select_n3A_1033 = arith.select %gt3A_1010, %broadcast_in_dim3A_1032, %select_n3A_965 : vector<16xi1>, vector<16xi32>
          %scan3A_1034 = arith.constant 11 : i32
          %scan3A_1035 = arith.addi %scan3A_271, %scan3A_1034 : i32
          %get3A_1036 = arith.constant 0 : i32
          %get3A_1037 = arith.constant 0 : i32
          %get3A_1038 = tpu.memref_slice %arg6[%rem3A_101, %get3A_1036, %get3A_1037] : memref<2x128x256xf32, #tpu.memory_space<vmem>> -> memref<1x128x256xf32, #tpu.memory_space<vmem>>
          %get3A_1039 = tpu.memref_squeeze %get3A_1038 : memref<1x128x256xf32, #tpu.memory_space<vmem>> -> memref<128x256xf32, #tpu.memory_space<vmem>>
          %get3A_1040 = arith.index_cast %scan3A_1035 : i32 to index
          %get3A_1041 = arith.index_cast %add3A_136 : i32 to index
          %get3A_1042 = tpu.vector_load %get3A_1039[%get3A_1040, %get3A_1041] {strides = array<i32>} : memref<128x256xf32, #tpu.memory_space<vmem>>, vector<1x16xf32>,
          %get3A_1043 = vector.shape_cast %get3A_1042 : vector<1x16xf32> to vector<16xf32>
          %mul3A_1044 = arith.mulf %get3A_1043, %get3A_154 : vector<16xf32>
          %get3A_1045 = arith.constant 0 : i32
          %get3A_1046 = arith.constant 0 : i32
          %get3A_1047 = tpu.memref_slice %arg6[%rem3A_101, %get3A_1045, %get3A_1046] : memref<2x128x256xf32, #tpu.memory_space<vmem>> -> memref<1x128x256xf32, #tpu.memory_space<vmem>>
          %get3A_1048 = tpu.memref_squeeze %get3A_1047 : memref<1x128x256xf32, #tpu.memory_space<vmem>> -> memref<128x256xf32, #tpu.memory_space<vmem>>
          %get3A_1049 = arith.index_cast %scan3A_1035 : i32 to index
          %get3A_1050 = arith.index_cast %add3A_140 : i32 to index
          %get3A_1051 = tpu.vector_load %get3A_1048[%get3A_1049, %get3A_1050] {strides = array<i32>} : memref<128x256xf32, #tpu.memory_space<vmem>>, vector<1x16xf32>,
          %get3A_1052 = vector.shape_cast %get3A_1051 : vector<1x16xf32> to vector<16xf32>
          %mul3A_1053 = arith.mulf %get3A_1052, %get3A_157 : vector<16xf32>
          %gt3A_1054 = arith.cmpf ogt, %mul3A_1044, %max3A_993 : vector<16xf32>
          %gt3A_1055 = arith.cmpf ogt, %mul3A_1044, %select_n3A_995 : vector<16xf32>
          %gt3A_1056 = arith.cmpf ogt, %mul3A_1044, %select_n3A_997 : vector<16xf32>
          %gt3A_1057 = arith.cmpf ogt, %mul3A_1044, %select_n3A_999 : vector<16xf32>
          %gt3A_1058 = arith.cmpf ogt, %mul3A_1044, %select_n3A_1001 : vector<16xf32>
          %gt3A_1059 = arith.cmpf ogt, %mul3A_1044, %select_n3A_1003 : vector<16xf32>
          %gt3A_1060 = arith.cmpf ogt, %mul3A_1044, %select_n3A_1005 : vector<16xf32>
          %max3A_1061 = arith.maximumf %max3A_993, %mul3A_1044 : vector<16xf32>
          %max3A_1062 = arith.maximumf %mul3A_1044, %select_n3A_995 : vector<16xf32>
          %select_n3A_1063 = arith.select %gt3A_1054, %max3A_993, %max3A_1062 : vector<16xi1>, vector<16xf32>
          %max3A_1064 = arith.maximumf %mul3A_1044, %select_n3A_997 : vector<16xf32>
          %select_n3A_1065 = arith.select %gt3A_1055, %select_n3A_995, %max3A_1064 : vector<16xi1>, vector<16xf32>
          %max3A_1066 = arith.maximumf %mul3A_1044, %select_n3A_999 : vector<16xf32>
          %select_n3A_1067 = arith.select %gt3A_1056, %select_n3A_997, %max3A_1066 : vector<16xi1>, vector<16xf32>
          %max3A_1068 = arith.maximumf %mul3A_1044, %select_n3A_1001 : vector<16xf32>
          %select_n3A_1069 = arith.select %gt3A_1057, %select_n3A_999, %max3A_1068 : vector<16xi1>, vector<16xf32>
          %max3A_1070 = arith.maximumf %mul3A_1044, %select_n3A_1003 : vector<16xf32>
          %select_n3A_1071 = arith.select %gt3A_1058, %select_n3A_1001, %max3A_1070 : vector<16xi1>, vector<16xf32>
          %max3A_1072 = arith.maximumf %mul3A_1044, %select_n3A_1005 : vector<16xf32>
          %select_n3A_1073 = arith.select %gt3A_1059, %select_n3A_1003, %max3A_1072 : vector<16xi1>, vector<16xf32>
          %max3A_1074 = arith.maximumf %mul3A_1044, %select_n3A_1007 : vector<16xf32>
          %select_n3A_1075 = arith.select %gt3A_1060, %select_n3A_1005, %max3A_1074 : vector<16xi1>, vector<16xf32>
          %broadcast_in_dim3A_1076 = vector.broadcast %scan3A_1035 : i32 to vector<16xi32>
          %select_n3A_1077 = arith.select %gt3A_1054, %broadcast_in_dim3A_1076, %select_n3A_1009 : vector<16xi1>, vector<16xi32>
          %gt3A_1078 = arith.cmpf ogt, %mul3A_1053, %max3A_1017 : vector<16xf32>
          %gt3A_1079 = arith.cmpf ogt, %mul3A_1053, %select_n3A_1019 : vector<16xf32>
          %gt3A_1080 = arith.cmpf ogt, %mul3A_1053, %select_n3A_1021 : vector<16xf32>
          %gt3A_1081 = arith.cmpf ogt, %mul3A_1053, %select_n3A_1023 : vector<16xf32>
          %gt3A_1082 = arith.cmpf ogt, %mul3A_1053, %select_n3A_1025 : vector<16xf32>
          %gt3A_1083 = arith.cmpf ogt, %mul3A_1053, %select_n3A_1027 : vector<16xf32>
          %gt3A_1084 = arith.cmpf ogt, %mul3A_1053, %select_n3A_1029 : vector<16xf32>
          %max3A_1085 = arith.maximumf %max3A_1017, %mul3A_1053 : vector<16xf32>
          %max3A_1086 = arith.maximumf %mul3A_1053, %select_n3A_1019 : vector<16xf32>
          %select_n3A_1087 = arith.select %gt3A_1078, %max3A_1017, %max3A_1086 : vector<16xi1>, vector<16xf32>
          %max3A_1088 = arith.maximumf %mul3A_1053, %select_n3A_1021 : vector<16xf32>
          %select_n3A_1089 = arith.select %gt3A_1079, %select_n3A_1019, %max3A_1088 : vector<16xi1>, vector<16xf32>
          %max3A_1090 = arith.maximumf %mul3A_1053, %select_n3A_1023 : vector<16xf32>
          %select_n3A_1091 = arith.select %gt3A_1080, %select_n3A_1021, %max3A_1090 : vector<16xi1>, vector<16xf32>
          %max3A_1092 = arith.maximumf %mul3A_1053, %select_n3A_1025 : vector<16xf32>
          %select_n3A_1093 = arith.select %gt3A_1081, %select_n3A_1023, %max3A_1092 : vector<16xi1>, vector<16xf32>
          %max3A_1094 = arith.maximumf %mul3A_1053, %select_n3A_1027 : vector<16xf32>
          %select_n3A_1095 = arith.select %gt3A_1082, %select_n3A_1025, %max3A_1094 : vector<16xi1>, vector<16xf32>
          %max3A_1096 = arith.maximumf %mul3A_1053, %select_n3A_1029 : vector<16xf32>
          %select_n3A_1097 = arith.select %gt3A_1083, %select_n3A_1027, %max3A_1096 : vector<16xi1>, vector<16xf32>
          %max3A_1098 = arith.maximumf %mul3A_1053, %select_n3A_1031 : vector<16xf32>
          %select_n3A_1099 = arith.select %gt3A_1084, %select_n3A_1029, %max3A_1098 : vector<16xi1>, vector<16xf32>
          %broadcast_in_dim3A_1100 = vector.broadcast %scan3A_1035 : i32 to vector<16xi32>
          %select_n3A_1101 = arith.select %gt3A_1078, %broadcast_in_dim3A_1100, %select_n3A_1033 : vector<16xi1>, vector<16xi32>
          %scan3A_1102 = arith.constant 12 : i32
          %scan3A_1103 = arith.addi %scan3A_271, %scan3A_1102 : i32
          %get3A_1104 = arith.constant 0 : i32
          %get3A_1105 = arith.constant 0 : i32
          %get3A_1106 = tpu.memref_slice %arg6[%rem3A_101, %get3A_1104, %get3A_1105] : memref<2x128x256xf32, #tpu.memory_space<vmem>> -> memref<1x128x256xf32, #tpu.memory_space<vmem>>
          %get3A_1107 = tpu.memref_squeeze %get3A_1106 : memref<1x128x256xf32, #tpu.memory_space<vmem>> -> memref<128x256xf32, #tpu.memory_space<vmem>>
          %get3A_1108 = arith.index_cast %scan3A_1103 : i32 to index
          %get3A_1109 = arith.index_cast %add3A_136 : i32 to index
          %get3A_1110 = tpu.vector_load %get3A_1107[%get3A_1108, %get3A_1109] {strides = array<i32>} : memref<128x256xf32, #tpu.memory_space<vmem>>, vector<1x16xf32>,
          %get3A_1111 = vector.shape_cast %get3A_1110 : vector<1x16xf32> to vector<16xf32>
          %mul3A_1112 = arith.mulf %get3A_1111, %get3A_154 : vector<16xf32>
          %get3A_1113 = arith.constant 0 : i32
          %get3A_1114 = arith.constant 0 : i32
          %get3A_1115 = tpu.memref_slice %arg6[%rem3A_101, %get3A_1113, %get3A_1114] : memref<2x128x256xf32, #tpu.memory_space<vmem>> -> memref<1x128x256xf32, #tpu.memory_space<vmem>>
          %get3A_1116 = tpu.memref_squeeze %get3A_1115 : memref<1x128x256xf32, #tpu.memory_space<vmem>> -> memref<128x256xf32, #tpu.memory_space<vmem>>
          %get3A_1117 = arith.index_cast %scan3A_1103 : i32 to index
          %get3A_1118 = arith.index_cast %add3A_140 : i32 to index
          %get3A_1119 = tpu.vector_load %get3A_1116[%get3A_1117, %get3A_1118] {strides = array<i32>} : memref<128x256xf32, #tpu.memory_space<vmem>>, vector<1x16xf32>,
          %get3A_1120 = vector.shape_cast %get3A_1119 : vector<1x16xf32> to vector<16xf32>
          %mul3A_1121 = arith.mulf %get3A_1120, %get3A_157 : vector<16xf32>
          %gt3A_1122 = arith.cmpf ogt, %mul3A_1112, %max3A_1061 : vector<16xf32>
          %gt3A_1123 = arith.cmpf ogt, %mul3A_1112, %select_n3A_1063 : vector<16xf32>
          %gt3A_1124 = arith.cmpf ogt, %mul3A_1112, %select_n3A_1065 : vector<16xf32>
          %gt3A_1125 = arith.cmpf ogt, %mul3A_1112, %select_n3A_1067 : vector<16xf32>
          %gt3A_1126 = arith.cmpf ogt, %mul3A_1112, %select_n3A_1069 : vector<16xf32>
          %gt3A_1127 = arith.cmpf ogt, %mul3A_1112, %select_n3A_1071 : vector<16xf32>
          %gt3A_1128 = arith.cmpf ogt, %mul3A_1112, %select_n3A_1073 : vector<16xf32>
          %max3A_1129 = arith.maximumf %max3A_1061, %mul3A_1112 : vector<16xf32>
          %max3A_1130 = arith.maximumf %mul3A_1112, %select_n3A_1063 : vector<16xf32>
          %select_n3A_1131 = arith.select %gt3A_1122, %max3A_1061, %max3A_1130 : vector<16xi1>, vector<16xf32>
          %max3A_1132 = arith.maximumf %mul3A_1112, %select_n3A_1065 : vector<16xf32>
          %select_n3A_1133 = arith.select %gt3A_1123, %select_n3A_1063, %max3A_1132 : vector<16xi1>, vector<16xf32>
          %max3A_1134 = arith.maximumf %mul3A_1112, %select_n3A_1067 : vector<16xf32>
          %select_n3A_1135 = arith.select %gt3A_1124, %select_n3A_1065, %max3A_1134 : vector<16xi1>, vector<16xf32>
          %max3A_1136 = arith.maximumf %mul3A_1112, %select_n3A_1069 : vector<16xf32>
          %select_n3A_1137 = arith.select %gt3A_1125, %select_n3A_1067, %max3A_1136 : vector<16xi1>, vector<16xf32>
          %max3A_1138 = arith.maximumf %mul3A_1112, %select_n3A_1071 : vector<16xf32>
          %select_n3A_1139 = arith.select %gt3A_1126, %select_n3A_1069, %max3A_1138 : vector<16xi1>, vector<16xf32>
          %max3A_1140 = arith.maximumf %mul3A_1112, %select_n3A_1073 : vector<16xf32>
          %select_n3A_1141 = arith.select %gt3A_1127, %select_n3A_1071, %max3A_1140 : vector<16xi1>, vector<16xf32>
          %max3A_1142 = arith.maximumf %mul3A_1112, %select_n3A_1075 : vector<16xf32>
          %select_n3A_1143 = arith.select %gt3A_1128, %select_n3A_1073, %max3A_1142 : vector<16xi1>, vector<16xf32>
          %broadcast_in_dim3A_1144 = vector.broadcast %scan3A_1103 : i32 to vector<16xi32>
          %select_n3A_1145 = arith.select %gt3A_1122, %broadcast_in_dim3A_1144, %select_n3A_1077 : vector<16xi1>, vector<16xi32>
          %gt3A_1146 = arith.cmpf ogt, %mul3A_1121, %max3A_1085 : vector<16xf32>
          %gt3A_1147 = arith.cmpf ogt, %mul3A_1121, %select_n3A_1087 : vector<16xf32>
          %gt3A_1148 = arith.cmpf ogt, %mul3A_1121, %select_n3A_1089 : vector<16xf32>
          %gt3A_1149 = arith.cmpf ogt, %mul3A_1121, %select_n3A_1091 : vector<16xf32>
          %gt3A_1150 = arith.cmpf ogt, %mul3A_1121, %select_n3A_1093 : vector<16xf32>
          %gt3A_1151 = arith.cmpf ogt, %mul3A_1121, %select_n3A_1095 : vector<16xf32>
          %gt3A_1152 = arith.cmpf ogt, %mul3A_1121, %select_n3A_1097 : vector<16xf32>
          %max3A_1153 = arith.maximumf %max3A_1085, %mul3A_1121 : vector<16xf32>
          %max3A_1154 = arith.maximumf %mul3A_1121, %select_n3A_1087 : vector<16xf32>
          %select_n3A_1155 = arith.select %gt3A_1146, %max3A_1085, %max3A_1154 : vector<16xi1>, vector<16xf32>
          %max3A_1156 = arith.maximumf %mul3A_1121, %select_n3A_1089 : vector<16xf32>
          %select_n3A_1157 = arith.select %gt3A_1147, %select_n3A_1087, %max3A_1156 : vector<16xi1>, vector<16xf32>
          %max3A_1158 = arith.maximumf %mul3A_1121, %select_n3A_1091 : vector<16xf32>
          %select_n3A_1159 = arith.select %gt3A_1148, %select_n3A_1089, %max3A_1158 : vector<16xi1>, vector<16xf32>
          %max3A_1160 = arith.maximumf %mul3A_1121, %select_n3A_1093 : vector<16xf32>
          %select_n3A_1161 = arith.select %gt3A_1149, %select_n3A_1091, %max3A_1160 : vector<16xi1>, vector<16xf32>
          %max3A_1162 = arith.maximumf %mul3A_1121, %select_n3A_1095 : vector<16xf32>
          %select_n3A_1163 = arith.select %gt3A_1150, %select_n3A_1093, %max3A_1162 : vector<16xi1>, vector<16xf32>
          %max3A_1164 = arith.maximumf %mul3A_1121, %select_n3A_1097 : vector<16xf32>
          %select_n3A_1165 = arith.select %gt3A_1151, %select_n3A_1095, %max3A_1164 : vector<16xi1>, vector<16xf32>
          %max3A_1166 = arith.maximumf %mul3A_1121, %select_n3A_1099 : vector<16xf32>
          %select_n3A_1167 = arith.select %gt3A_1152, %select_n3A_1097, %max3A_1166 : vector<16xi1>, vector<16xf32>
          %broadcast_in_dim3A_1168 = vector.broadcast %scan3A_1103 : i32 to vector<16xi32>
          %select_n3A_1169 = arith.select %gt3A_1146, %broadcast_in_dim3A_1168, %select_n3A_1101 : vector<16xi1>, vector<16xi32>
          %scan3A_1170 = arith.constant 13 : i32
          %scan3A_1171 = arith.addi %scan3A_271, %scan3A_1170 : i32
          %get3A_1172 = arith.constant 0 : i32
          %get3A_1173 = arith.constant 0 : i32
          %get3A_1174 = tpu.memref_slice %arg6[%rem3A_101, %get3A_1172, %get3A_1173] : memref<2x128x256xf32, #tpu.memory_space<vmem>> -> memref<1x128x256xf32, #tpu.memory_space<vmem>>
          %get3A_1175 = tpu.memref_squeeze %get3A_1174 : memref<1x128x256xf32, #tpu.memory_space<vmem>> -> memref<128x256xf32, #tpu.memory_space<vmem>>
          %get3A_1176 = arith.index_cast %scan3A_1171 : i32 to index
          %get3A_1177 = arith.index_cast %add3A_136 : i32 to index
          %get3A_1178 = tpu.vector_load %get3A_1175[%get3A_1176, %get3A_1177] {strides = array<i32>} : memref<128x256xf32, #tpu.memory_space<vmem>>, vector<1x16xf32>,
          %get3A_1179 = vector.shape_cast %get3A_1178 : vector<1x16xf32> to vector<16xf32>
          %mul3A_1180 = arith.mulf %get3A_1179, %get3A_154 : vector<16xf32>
          %get3A_1181 = arith.constant 0 : i32
          %get3A_1182 = arith.constant 0 : i32
          %get3A_1183 = tpu.memref_slice %arg6[%rem3A_101, %get3A_1181, %get3A_1182] : memref<2x128x256xf32, #tpu.memory_space<vmem>> -> memref<1x128x256xf32, #tpu.memory_space<vmem>>
          %get3A_1184 = tpu.memref_squeeze %get3A_1183 : memref<1x128x256xf32, #tpu.memory_space<vmem>> -> memref<128x256xf32, #tpu.memory_space<vmem>>
          %get3A_1185 = arith.index_cast %scan3A_1171 : i32 to index
          %get3A_1186 = arith.index_cast %add3A_140 : i32 to index
          %get3A_1187 = tpu.vector_load %get3A_1184[%get3A_1185, %get3A_1186] {strides = array<i32>} : memref<128x256xf32, #tpu.memory_space<vmem>>, vector<1x16xf32>,
          %get3A_1188 = vector.shape_cast %get3A_1187 : vector<1x16xf32> to vector<16xf32>
          %mul3A_1189 = arith.mulf %get3A_1188, %get3A_157 : vector<16xf32>
          %gt3A_1190 = arith.cmpf ogt, %mul3A_1180, %max3A_1129 : vector<16xf32>
          %gt3A_1191 = arith.cmpf ogt, %mul3A_1180, %select_n3A_1131 : vector<16xf32>
          %gt3A_1192 = arith.cmpf ogt, %mul3A_1180, %select_n3A_1133 : vector<16xf32>
          %gt3A_1193 = arith.cmpf ogt, %mul3A_1180, %select_n3A_1135 : vector<16xf32>
          %gt3A_1194 = arith.cmpf ogt, %mul3A_1180, %select_n3A_1137 : vector<16xf32>
          %gt3A_1195 = arith.cmpf ogt, %mul3A_1180, %select_n3A_1139 : vector<16xf32>
          %gt3A_1196 = arith.cmpf ogt, %mul3A_1180, %select_n3A_1141 : vector<16xf32>
          %max3A_1197 = arith.maximumf %max3A_1129, %mul3A_1180 : vector<16xf32>
          %max3A_1198 = arith.maximumf %mul3A_1180, %select_n3A_1131 : vector<16xf32>
          %select_n3A_1199 = arith.select %gt3A_1190, %max3A_1129, %max3A_1198 : vector<16xi1>, vector<16xf32>
          %max3A_1200 = arith.maximumf %mul3A_1180, %select_n3A_1133 : vector<16xf32>
          %select_n3A_1201 = arith.select %gt3A_1191, %select_n3A_1131, %max3A_1200 : vector<16xi1>, vector<16xf32>
          %max3A_1202 = arith.maximumf %mul3A_1180, %select_n3A_1135 : vector<16xf32>
          %select_n3A_1203 = arith.select %gt3A_1192, %select_n3A_1133, %max3A_1202 : vector<16xi1>, vector<16xf32>
          %max3A_1204 = arith.maximumf %mul3A_1180, %select_n3A_1137 : vector<16xf32>
          %select_n3A_1205 = arith.select %gt3A_1193, %select_n3A_1135, %max3A_1204 : vector<16xi1>, vector<16xf32>
          %max3A_1206 = arith.maximumf %mul3A_1180, %select_n3A_1139 : vector<16xf32>
          %select_n3A_1207 = arith.select %gt3A_1194, %select_n3A_1137, %max3A_1206 : vector<16xi1>, vector<16xf32>
          %max3A_1208 = arith.maximumf %mul3A_1180, %select_n3A_1141 : vector<16xf32>
          %select_n3A_1209 = arith.select %gt3A_1195, %select_n3A_1139, %max3A_1208 : vector<16xi1>, vector<16xf32>
          %max3A_1210 = arith.maximumf %mul3A_1180, %select_n3A_1143 : vector<16xf32>
          %select_n3A_1211 = arith.select %gt3A_1196, %select_n3A_1141, %max3A_1210 : vector<16xi1>, vector<16xf32>
          %broadcast_in_dim3A_1212 = vector.broadcast %scan3A_1171 : i32 to vector<16xi32>
          %select_n3A_1213 = arith.select %gt3A_1190, %broadcast_in_dim3A_1212, %select_n3A_1145 : vector<16xi1>, vector<16xi32>
          %gt3A_1214 = arith.cmpf ogt, %mul3A_1189, %max3A_1153 : vector<16xf32>
          %gt3A_1215 = arith.cmpf ogt, %mul3A_1189, %select_n3A_1155 : vector<16xf32>
          %gt3A_1216 = arith.cmpf ogt, %mul3A_1189, %select_n3A_1157 : vector<16xf32>
          %gt3A_1217 = arith.cmpf ogt, %mul3A_1189, %select_n3A_1159 : vector<16xf32>
          %gt3A_1218 = arith.cmpf ogt, %mul3A_1189, %select_n3A_1161 : vector<16xf32>
          %gt3A_1219 = arith.cmpf ogt, %mul3A_1189, %select_n3A_1163 : vector<16xf32>
          %gt3A_1220 = arith.cmpf ogt, %mul3A_1189, %select_n3A_1165 : vector<16xf32>
          %max3A_1221 = arith.maximumf %max3A_1153, %mul3A_1189 : vector<16xf32>
          %max3A_1222 = arith.maximumf %mul3A_1189, %select_n3A_1155 : vector<16xf32>
          %select_n3A_1223 = arith.select %gt3A_1214, %max3A_1153, %max3A_1222 : vector<16xi1>, vector<16xf32>
          %max3A_1224 = arith.maximumf %mul3A_1189, %select_n3A_1157 : vector<16xf32>
          %select_n3A_1225 = arith.select %gt3A_1215, %select_n3A_1155, %max3A_1224 : vector<16xi1>, vector<16xf32>
          %max3A_1226 = arith.maximumf %mul3A_1189, %select_n3A_1159 : vector<16xf32>
          %select_n3A_1227 = arith.select %gt3A_1216, %select_n3A_1157, %max3A_1226 : vector<16xi1>, vector<16xf32>
          %max3A_1228 = arith.maximumf %mul3A_1189, %select_n3A_1161 : vector<16xf32>
          %select_n3A_1229 = arith.select %gt3A_1217, %select_n3A_1159, %max3A_1228 : vector<16xi1>, vector<16xf32>
          %max3A_1230 = arith.maximumf %mul3A_1189, %select_n3A_1163 : vector<16xf32>
          %select_n3A_1231 = arith.select %gt3A_1218, %select_n3A_1161, %max3A_1230 : vector<16xi1>, vector<16xf32>
          %max3A_1232 = arith.maximumf %mul3A_1189, %select_n3A_1165 : vector<16xf32>
          %select_n3A_1233 = arith.select %gt3A_1219, %select_n3A_1163, %max3A_1232 : vector<16xi1>, vector<16xf32>
          %max3A_1234 = arith.maximumf %mul3A_1189, %select_n3A_1167 : vector<16xf32>
          %select_n3A_1235 = arith.select %gt3A_1220, %select_n3A_1165, %max3A_1234 : vector<16xi1>, vector<16xf32>
          %broadcast_in_dim3A_1236 = vector.broadcast %scan3A_1171 : i32 to vector<16xi32>
          %select_n3A_1237 = arith.select %gt3A_1214, %broadcast_in_dim3A_1236, %select_n3A_1169 : vector<16xi1>, vector<16xi32>
          %scan3A_1238 = arith.constant 14 : i32
          %scan3A_1239 = arith.addi %scan3A_271, %scan3A_1238 : i32
          %get3A_1240 = arith.constant 0 : i32
          %get3A_1241 = arith.constant 0 : i32
          %get3A_1242 = tpu.memref_slice %arg6[%rem3A_101, %get3A_1240, %get3A_1241] : memref<2x128x256xf32, #tpu.memory_space<vmem>> -> memref<1x128x256xf32, #tpu.memory_space<vmem>>
          %get3A_1243 = tpu.memref_squeeze %get3A_1242 : memref<1x128x256xf32, #tpu.memory_space<vmem>> -> memref<128x256xf32, #tpu.memory_space<vmem>>
          %get3A_1244 = arith.index_cast %scan3A_1239 : i32 to index
          %get3A_1245 = arith.index_cast %add3A_136 : i32 to index
          %get3A_1246 = tpu.vector_load %get3A_1243[%get3A_1244, %get3A_1245] {strides = array<i32>} : memref<128x256xf32, #tpu.memory_space<vmem>>, vector<1x16xf32>,
          %get3A_1247 = vector.shape_cast %get3A_1246 : vector<1x16xf32> to vector<16xf32>
          %mul3A_1248 = arith.mulf %get3A_1247, %get3A_154 : vector<16xf32>
          %get3A_1249 = arith.constant 0 : i32
          %get3A_1250 = arith.constant 0 : i32
          %get3A_1251 = tpu.memref_slice %arg6[%rem3A_101, %get3A_1249, %get3A_1250] : memref<2x128x256xf32, #tpu.memory_space<vmem>> -> memref<1x128x256xf32, #tpu.memory_space<vmem>>
          %get3A_1252 = tpu.memref_squeeze %get3A_1251 : memref<1x128x256xf32, #tpu.memory_space<vmem>> -> memref<128x256xf32, #tpu.memory_space<vmem>>
          %get3A_1253 = arith.index_cast %scan3A_1239 : i32 to index
          %get3A_1254 = arith.index_cast %add3A_140 : i32 to index
          %get3A_1255 = tpu.vector_load %get3A_1252[%get3A_1253, %get3A_1254] {strides = array<i32>} : memref<128x256xf32, #tpu.memory_space<vmem>>, vector<1x16xf32>,
          %get3A_1256 = vector.shape_cast %get3A_1255 : vector<1x16xf32> to vector<16xf32>
          %mul3A_1257 = arith.mulf %get3A_1256, %get3A_157 : vector<16xf32>
          %gt3A_1258 = arith.cmpf ogt, %mul3A_1248, %max3A_1197 : vector<16xf32>
          %gt3A_1259 = arith.cmpf ogt, %mul3A_1248, %select_n3A_1199 : vector<16xf32>
          %gt3A_1260 = arith.cmpf ogt, %mul3A_1248, %select_n3A_1201 : vector<16xf32>
          %gt3A_1261 = arith.cmpf ogt, %mul3A_1248, %select_n3A_1203 : vector<16xf32>
          %gt3A_1262 = arith.cmpf ogt, %mul3A_1248, %select_n3A_1205 : vector<16xf32>
          %gt3A_1263 = arith.cmpf ogt, %mul3A_1248, %select_n3A_1207 : vector<16xf32>
          %gt3A_1264 = arith.cmpf ogt, %mul3A_1248, %select_n3A_1209 : vector<16xf32>
          %max3A_1265 = arith.maximumf %max3A_1197, %mul3A_1248 : vector<16xf32>
          %max3A_1266 = arith.maximumf %mul3A_1248, %select_n3A_1199 : vector<16xf32>
          %select_n3A_1267 = arith.select %gt3A_1258, %max3A_1197, %max3A_1266 : vector<16xi1>, vector<16xf32>
          %max3A_1268 = arith.maximumf %mul3A_1248, %select_n3A_1201 : vector<16xf32>
          %select_n3A_1269 = arith.select %gt3A_1259, %select_n3A_1199, %max3A_1268 : vector<16xi1>, vector<16xf32>
          %max3A_1270 = arith.maximumf %mul3A_1248, %select_n3A_1203 : vector<16xf32>
          %select_n3A_1271 = arith.select %gt3A_1260, %select_n3A_1201, %max3A_1270 : vector<16xi1>, vector<16xf32>
          %max3A_1272 = arith.maximumf %mul3A_1248, %select_n3A_1205 : vector<16xf32>
          %select_n3A_1273 = arith.select %gt3A_1261, %select_n3A_1203, %max3A_1272 : vector<16xi1>, vector<16xf32>
          %max3A_1274 = arith.maximumf %mul3A_1248, %select_n3A_1207 : vector<16xf32>
          %select_n3A_1275 = arith.select %gt3A_1262, %select_n3A_1205, %max3A_1274 : vector<16xi1>, vector<16xf32>
          %max3A_1276 = arith.maximumf %mul3A_1248, %select_n3A_1209 : vector<16xf32>
          %select_n3A_1277 = arith.select %gt3A_1263, %select_n3A_1207, %max3A_1276 : vector<16xi1>, vector<16xf32>
          %max3A_1278 = arith.maximumf %mul3A_1248, %select_n3A_1211 : vector<16xf32>
          %select_n3A_1279 = arith.select %gt3A_1264, %select_n3A_1209, %max3A_1278 : vector<16xi1>, vector<16xf32>
          %broadcast_in_dim3A_1280 = vector.broadcast %scan3A_1239 : i32 to vector<16xi32>
          %select_n3A_1281 = arith.select %gt3A_1258, %broadcast_in_dim3A_1280, %select_n3A_1213 : vector<16xi1>, vector<16xi32>
          %gt3A_1282 = arith.cmpf ogt, %mul3A_1257, %max3A_1221 : vector<16xf32>
          %gt3A_1283 = arith.cmpf ogt, %mul3A_1257, %select_n3A_1223 : vector<16xf32>
          %gt3A_1284 = arith.cmpf ogt, %mul3A_1257, %select_n3A_1225 : vector<16xf32>
          %gt3A_1285 = arith.cmpf ogt, %mul3A_1257, %select_n3A_1227 : vector<16xf32>
          %gt3A_1286 = arith.cmpf ogt, %mul3A_1257, %select_n3A_1229 : vector<16xf32>
          %gt3A_1287 = arith.cmpf ogt, %mul3A_1257, %select_n3A_1231 : vector<16xf32>
          %gt3A_1288 = arith.cmpf ogt, %mul3A_1257, %select_n3A_1233 : vector<16xf32>
          %max3A_1289 = arith.maximumf %max3A_1221, %mul3A_1257 : vector<16xf32>
          %max3A_1290 = arith.maximumf %mul3A_1257, %select_n3A_1223 : vector<16xf32>
          %select_n3A_1291 = arith.select %gt3A_1282, %max3A_1221, %max3A_1290 : vector<16xi1>, vector<16xf32>
          %max3A_1292 = arith.maximumf %mul3A_1257, %select_n3A_1225 : vector<16xf32>
          %select_n3A_1293 = arith.select %gt3A_1283, %select_n3A_1223, %max3A_1292 : vector<16xi1>, vector<16xf32>
          %max3A_1294 = arith.maximumf %mul3A_1257, %select_n3A_1227 : vector<16xf32>
          %select_n3A_1295 = arith.select %gt3A_1284, %select_n3A_1225, %max3A_1294 : vector<16xi1>, vector<16xf32>
          %max3A_1296 = arith.maximumf %mul3A_1257, %select_n3A_1229 : vector<16xf32>
          %select_n3A_1297 = arith.select %gt3A_1285, %select_n3A_1227, %max3A_1296 : vector<16xi1>, vector<16xf32>
          %max3A_1298 = arith.maximumf %mul3A_1257, %select_n3A_1231 : vector<16xf32>
          %select_n3A_1299 = arith.select %gt3A_1286, %select_n3A_1229, %max3A_1298 : vector<16xi1>, vector<16xf32>
          %max3A_1300 = arith.maximumf %mul3A_1257, %select_n3A_1233 : vector<16xf32>
          %select_n3A_1301 = arith.select %gt3A_1287, %select_n3A_1231, %max3A_1300 : vector<16xi1>, vector<16xf32>
          %max3A_1302 = arith.maximumf %mul3A_1257, %select_n3A_1235 : vector<16xf32>
          %select_n3A_1303 = arith.select %gt3A_1288, %select_n3A_1233, %max3A_1302 : vector<16xi1>, vector<16xf32>
          %broadcast_in_dim3A_1304 = vector.broadcast %scan3A_1239 : i32 to vector<16xi32>
          %select_n3A_1305 = arith.select %gt3A_1282, %broadcast_in_dim3A_1304, %select_n3A_1237 : vector<16xi1>, vector<16xi32>
          %scan3A_1306 = arith.constant 15 : i32
          %scan3A_1307 = arith.addi %scan3A_271, %scan3A_1306 : i32
          %get3A_1308 = arith.constant 0 : i32
          %get3A_1309 = arith.constant 0 : i32
          %get3A_1310 = tpu.memref_slice %arg6[%rem3A_101, %get3A_1308, %get3A_1309] : memref<2x128x256xf32, #tpu.memory_space<vmem>> -> memref<1x128x256xf32, #tpu.memory_space<vmem>>
          %get3A_1311 = tpu.memref_squeeze %get3A_1310 : memref<1x128x256xf32, #tpu.memory_space<vmem>> -> memref<128x256xf32, #tpu.memory_space<vmem>>
          %get3A_1312 = arith.index_cast %scan3A_1307 : i32 to index
          %get3A_1313 = arith.index_cast %add3A_136 : i32 to index
          %get3A_1314 = tpu.vector_load %get3A_1311[%get3A_1312, %get3A_1313] {strides = array<i32>} : memref<128x256xf32, #tpu.memory_space<vmem>>, vector<1x16xf32>,
          %get3A_1315 = vector.shape_cast %get3A_1314 : vector<1x16xf32> to vector<16xf32>
          %mul3A_1316 = arith.mulf %get3A_1315, %get3A_154 : vector<16xf32>
          %get3A_1317 = arith.constant 0 : i32
          %get3A_1318 = arith.constant 0 : i32
          %get3A_1319 = tpu.memref_slice %arg6[%rem3A_101, %get3A_1317, %get3A_1318] : memref<2x128x256xf32, #tpu.memory_space<vmem>> -> memref<1x128x256xf32, #tpu.memory_space<vmem>>
          %get3A_1320 = tpu.memref_squeeze %get3A_1319 : memref<1x128x256xf32, #tpu.memory_space<vmem>> -> memref<128x256xf32, #tpu.memory_space<vmem>>
          %get3A_1321 = arith.index_cast %scan3A_1307 : i32 to index
          %get3A_1322 = arith.index_cast %add3A_140 : i32 to index
          %get3A_1323 = tpu.vector_load %get3A_1320[%get3A_1321, %get3A_1322] {strides = array<i32>} : memref<128x256xf32, #tpu.memory_space<vmem>>, vector<1x16xf32>,
          %get3A_1324 = vector.shape_cast %get3A_1323 : vector<1x16xf32> to vector<16xf32>
          %mul3A_1325 = arith.mulf %get3A_1324, %get3A_157 : vector<16xf32>
          %gt3A_1326 = arith.cmpf ogt, %mul3A_1316, %max3A_1265 : vector<16xf32>
          %gt3A_1327 = arith.cmpf ogt, %mul3A_1316, %select_n3A_1267 : vector<16xf32>
          %gt3A_1328 = arith.cmpf ogt, %mul3A_1316, %select_n3A_1269 : vector<16xf32>
          %gt3A_1329 = arith.cmpf ogt, %mul3A_1316, %select_n3A_1271 : vector<16xf32>
          %gt3A_1330 = arith.cmpf ogt, %mul3A_1316, %select_n3A_1273 : vector<16xf32>
          %gt3A_1331 = arith.cmpf ogt, %mul3A_1316, %select_n3A_1275 : vector<16xf32>
          %gt3A_1332 = arith.cmpf ogt, %mul3A_1316, %select_n3A_1277 : vector<16xf32>
          %max3A_1333 = arith.maximumf %max3A_1265, %mul3A_1316 : vector<16xf32>
          %max3A_1334 = arith.maximumf %mul3A_1316, %select_n3A_1267 : vector<16xf32>
          %select_n3A_1335 = arith.select %gt3A_1326, %max3A_1265, %max3A_1334 : vector<16xi1>, vector<16xf32>
          %max3A_1336 = arith.maximumf %mul3A_1316, %select_n3A_1269 : vector<16xf32>
          %select_n3A_1337 = arith.select %gt3A_1327, %select_n3A_1267, %max3A_1336 : vector<16xi1>, vector<16xf32>
          %max3A_1338 = arith.maximumf %mul3A_1316, %select_n3A_1271 : vector<16xf32>
          %select_n3A_1339 = arith.select %gt3A_1328, %select_n3A_1269, %max3A_1338 : vector<16xi1>, vector<16xf32>
          %max3A_1340 = arith.maximumf %mul3A_1316, %select_n3A_1273 : vector<16xf32>
          %select_n3A_1341 = arith.select %gt3A_1329, %select_n3A_1271, %max3A_1340 : vector<16xi1>, vector<16xf32>
          %max3A_1342 = arith.maximumf %mul3A_1316, %select_n3A_1275 : vector<16xf32>
          %select_n3A_1343 = arith.select %gt3A_1330, %select_n3A_1273, %max3A_1342 : vector<16xi1>, vector<16xf32>
          %max3A_1344 = arith.maximumf %mul3A_1316, %select_n3A_1277 : vector<16xf32>
          %select_n3A_1345 = arith.select %gt3A_1331, %select_n3A_1275, %max3A_1344 : vector<16xi1>, vector<16xf32>
          %max3A_1346 = arith.maximumf %mul3A_1316, %select_n3A_1279 : vector<16xf32>
          %select_n3A_1347 = arith.select %gt3A_1332, %select_n3A_1277, %max3A_1346 : vector<16xi1>, vector<16xf32>
          %broadcast_in_dim3A_1348 = vector.broadcast %scan3A_1307 : i32 to vector<16xi32>
          %select_n3A_1349 = arith.select %gt3A_1326, %broadcast_in_dim3A_1348, %select_n3A_1281 : vector<16xi1>, vector<16xi32>
          %gt3A_1350 = arith.cmpf ogt, %mul3A_1325, %max3A_1289 : vector<16xf32>
          %gt3A_1351 = arith.cmpf ogt, %mul3A_1325, %select_n3A_1291 : vector<16xf32>
          %gt3A_1352 = arith.cmpf ogt, %mul3A_1325, %select_n3A_1293 : vector<16xf32>
          %gt3A_1353 = arith.cmpf ogt, %mul3A_1325, %select_n3A_1295 : vector<16xf32>
          %gt3A_1354 = arith.cmpf ogt, %mul3A_1325, %select_n3A_1297 : vector<16xf32>
          %gt3A_1355 = arith.cmpf ogt, %mul3A_1325, %select_n3A_1299 : vector<16xf32>
          %gt3A_1356 = arith.cmpf ogt, %mul3A_1325, %select_n3A_1301 : vector<16xf32>
          %max3A_1357 = arith.maximumf %max3A_1289, %mul3A_1325 : vector<16xf32>
          %max3A_1358 = arith.maximumf %mul3A_1325, %select_n3A_1291 : vector<16xf32>
          %select_n3A_1359 = arith.select %gt3A_1350, %max3A_1289, %max3A_1358 : vector<16xi1>, vector<16xf32>
          %max3A_1360 = arith.maximumf %mul3A_1325, %select_n3A_1293 : vector<16xf32>
          %select_n3A_1361 = arith.select %gt3A_1351, %select_n3A_1291, %max3A_1360 : vector<16xi1>, vector<16xf32>
          %max3A_1362 = arith.maximumf %mul3A_1325, %select_n3A_1295 : vector<16xf32>
          %select_n3A_1363 = arith.select %gt3A_1352, %select_n3A_1293, %max3A_1362 : vector<16xi1>, vector<16xf32>
          %max3A_1364 = arith.maximumf %mul3A_1325, %select_n3A_1297 : vector<16xf32>
          %select_n3A_1365 = arith.select %gt3A_1353, %select_n3A_1295, %max3A_1364 : vector<16xi1>, vector<16xf32>
          %max3A_1366 = arith.maximumf %mul3A_1325, %select_n3A_1299 : vector<16xf32>
          %select_n3A_1367 = arith.select %gt3A_1354, %select_n3A_1297, %max3A_1366 : vector<16xi1>, vector<16xf32>
          %max3A_1368 = arith.maximumf %mul3A_1325, %select_n3A_1301 : vector<16xf32>
          %select_n3A_1369 = arith.select %gt3A_1355, %select_n3A_1299, %max3A_1368 : vector<16xi1>, vector<16xf32>
          %max3A_1370 = arith.maximumf %mul3A_1325, %select_n3A_1303 : vector<16xf32>
          %select_n3A_1371 = arith.select %gt3A_1356, %select_n3A_1301, %max3A_1370 : vector<16xi1>, vector<16xf32>
          %broadcast_in_dim3A_1372 = vector.broadcast %scan3A_1307 : i32 to vector<16xi32>
          %select_n3A_1373 = arith.select %gt3A_1350, %broadcast_in_dim3A_1372, %select_n3A_1305 : vector<16xi1>, vector<16xi32>
          %scan3A_1374 = arith.constant 16 : i32
          %scan3A_1375 = arith.addi %scan3A_271, %scan3A_1374 : i32
          %get3A_1376 = arith.constant 0 : i32
          %get3A_1377 = arith.constant 0 : i32
          %get3A_1378 = tpu.memref_slice %arg6[%rem3A_101, %get3A_1376, %get3A_1377] : memref<2x128x256xf32, #tpu.memory_space<vmem>> -> memref<1x128x256xf32, #tpu.memory_space<vmem>>
          %get3A_1379 = tpu.memref_squeeze %get3A_1378 : memref<1x128x256xf32, #tpu.memory_space<vmem>> -> memref<128x256xf32, #tpu.memory_space<vmem>>
          %get3A_1380 = arith.index_cast %scan3A_1375 : i32 to index
          %get3A_1381 = arith.index_cast %add3A_136 : i32 to index
          %get3A_1382 = tpu.vector_load %get3A_1379[%get3A_1380, %get3A_1381] {strides = array<i32>} : memref<128x256xf32, #tpu.memory_space<vmem>>, vector<1x16xf32>,
          %get3A_1383 = vector.shape_cast %get3A_1382 : vector<1x16xf32> to vector<16xf32>
          %mul3A_1384 = arith.mulf %get3A_1383, %get3A_154 : vector<16xf32>
          %get3A_1385 = arith.constant 0 : i32
          %get3A_1386 = arith.constant 0 : i32
          %get3A_1387 = tpu.memref_slice %arg6[%rem3A_101, %get3A_1385, %get3A_1386] : memref<2x128x256xf32, #tpu.memory_space<vmem>> -> memref<1x128x256xf32, #tpu.memory_space<vmem>>
          %get3A_1388 = tpu.memref_squeeze %get3A_1387 : memref<1x128x256xf32, #tpu.memory_space<vmem>> -> memref<128x256xf32, #tpu.memory_space<vmem>>
          %get3A_1389 = arith.index_cast %scan3A_1375 : i32 to index
          %get3A_1390 = arith.index_cast %add3A_140 : i32 to index
          %get3A_1391 = tpu.vector_load %get3A_1388[%get3A_1389, %get3A_1390] {strides = array<i32>} : memref<128x256xf32, #tpu.memory_space<vmem>>, vector<1x16xf32>,
          %get3A_1392 = vector.shape_cast %get3A_1391 : vector<1x16xf32> to vector<16xf32>
          %mul3A_1393 = arith.mulf %get3A_1392, %get3A_157 : vector<16xf32>
          %gt3A_1394 = arith.cmpf ogt, %mul3A_1384, %max3A_1333 : vector<16xf32>
          %gt3A_1395 = arith.cmpf ogt, %mul3A_1384, %select_n3A_1335 : vector<16xf32>
          %gt3A_1396 = arith.cmpf ogt, %mul3A_1384, %select_n3A_1337 : vector<16xf32>
          %gt3A_1397 = arith.cmpf ogt, %mul3A_1384, %select_n3A_1339 : vector<16xf32>
          %gt3A_1398 = arith.cmpf ogt, %mul3A_1384, %select_n3A_1341 : vector<16xf32>
          %gt3A_1399 = arith.cmpf ogt, %mul3A_1384, %select_n3A_1343 : vector<16xf32>
          %gt3A_1400 = arith.cmpf ogt, %mul3A_1384, %select_n3A_1345 : vector<16xf32>
          %max3A_1401 = arith.maximumf %max3A_1333, %mul3A_1384 : vector<16xf32>
          %max3A_1402 = arith.maximumf %mul3A_1384, %select_n3A_1335 : vector<16xf32>
          %select_n3A_1403 = arith.select %gt3A_1394, %max3A_1333, %max3A_1402 : vector<16xi1>, vector<16xf32>
          %max3A_1404 = arith.maximumf %mul3A_1384, %select_n3A_1337 : vector<16xf32>
          %select_n3A_1405 = arith.select %gt3A_1395, %select_n3A_1335, %max3A_1404 : vector<16xi1>, vector<16xf32>
          %max3A_1406 = arith.maximumf %mul3A_1384, %select_n3A_1339 : vector<16xf32>
          %select_n3A_1407 = arith.select %gt3A_1396, %select_n3A_1337, %max3A_1406 : vector<16xi1>, vector<16xf32>
          %max3A_1408 = arith.maximumf %mul3A_1384, %select_n3A_1341 : vector<16xf32>
          %select_n3A_1409 = arith.select %gt3A_1397, %select_n3A_1339, %max3A_1408 : vector<16xi1>, vector<16xf32>
          %max3A_1410 = arith.maximumf %mul3A_1384, %select_n3A_1343 : vector<16xf32>
          %select_n3A_1411 = arith.select %gt3A_1398, %select_n3A_1341, %max3A_1410 : vector<16xi1>, vector<16xf32>
          %max3A_1412 = arith.maximumf %mul3A_1384, %select_n3A_1345 : vector<16xf32>
          %select_n3A_1413 = arith.select %gt3A_1399, %select_n3A_1343, %max3A_1412 : vector<16xi1>, vector<16xf32>
          %max3A_1414 = arith.maximumf %mul3A_1384, %select_n3A_1347 : vector<16xf32>
          %select_n3A_1415 = arith.select %gt3A_1400, %select_n3A_1345, %max3A_1414 : vector<16xi1>, vector<16xf32>
          %broadcast_in_dim3A_1416 = vector.broadcast %scan3A_1375 : i32 to vector<16xi32>
          %select_n3A_1417 = arith.select %gt3A_1394, %broadcast_in_dim3A_1416, %select_n3A_1349 : vector<16xi1>, vector<16xi32>
          %gt3A_1418 = arith.cmpf ogt, %mul3A_1393, %max3A_1357 : vector<16xf32>
          %gt3A_1419 = arith.cmpf ogt, %mul3A_1393, %select_n3A_1359 : vector<16xf32>
          %gt3A_1420 = arith.cmpf ogt, %mul3A_1393, %select_n3A_1361 : vector<16xf32>
          %gt3A_1421 = arith.cmpf ogt, %mul3A_1393, %select_n3A_1363 : vector<16xf32>
          %gt3A_1422 = arith.cmpf ogt, %mul3A_1393, %select_n3A_1365 : vector<16xf32>
          %gt3A_1423 = arith.cmpf ogt, %mul3A_1393, %select_n3A_1367 : vector<16xf32>
          %gt3A_1424 = arith.cmpf ogt, %mul3A_1393, %select_n3A_1369 : vector<16xf32>
          %max3A_1425 = arith.maximumf %max3A_1357, %mul3A_1393 : vector<16xf32>
          %max3A_1426 = arith.maximumf %mul3A_1393, %select_n3A_1359 : vector<16xf32>
          %select_n3A_1427 = arith.select %gt3A_1418, %max3A_1357, %max3A_1426 : vector<16xi1>, vector<16xf32>
          %max3A_1428 = arith.maximumf %mul3A_1393, %select_n3A_1361 : vector<16xf32>
          %select_n3A_1429 = arith.select %gt3A_1419, %select_n3A_1359, %max3A_1428 : vector<16xi1>, vector<16xf32>
          %max3A_1430 = arith.maximumf %mul3A_1393, %select_n3A_1363 : vector<16xf32>
          %select_n3A_1431 = arith.select %gt3A_1420, %select_n3A_1361, %max3A_1430 : vector<16xi1>, vector<16xf32>
          %max3A_1432 = arith.maximumf %mul3A_1393, %select_n3A_1365 : vector<16xf32>
          %select_n3A_1433 = arith.select %gt3A_1421, %select_n3A_1363, %max3A_1432 : vector<16xi1>, vector<16xf32>
          %max3A_1434 = arith.maximumf %mul3A_1393, %select_n3A_1367 : vector<16xf32>
          %select_n3A_1435 = arith.select %gt3A_1422, %select_n3A_1365, %max3A_1434 : vector<16xi1>, vector<16xf32>
          %max3A_1436 = arith.maximumf %mul3A_1393, %select_n3A_1369 : vector<16xf32>
          %select_n3A_1437 = arith.select %gt3A_1423, %select_n3A_1367, %max3A_1436 : vector<16xi1>, vector<16xf32>
          %max3A_1438 = arith.maximumf %mul3A_1393, %select_n3A_1371 : vector<16xf32>
          %select_n3A_1439 = arith.select %gt3A_1424, %select_n3A_1369, %max3A_1438 : vector<16xi1>, vector<16xf32>
          %broadcast_in_dim3A_1440 = vector.broadcast %scan3A_1375 : i32 to vector<16xi32>
          %select_n3A_1441 = arith.select %gt3A_1418, %broadcast_in_dim3A_1440, %select_n3A_1373 : vector<16xi1>, vector<16xi32>
          %scan3A_1442 = arith.constant 17 : i32
          %scan3A_1443 = arith.addi %scan3A_271, %scan3A_1442 : i32
          %get3A_1444 = arith.constant 0 : i32
          %get3A_1445 = arith.constant 0 : i32
          %get3A_1446 = tpu.memref_slice %arg6[%rem3A_101, %get3A_1444, %get3A_1445] : memref<2x128x256xf32, #tpu.memory_space<vmem>> -> memref<1x128x256xf32, #tpu.memory_space<vmem>>
          %get3A_1447 = tpu.memref_squeeze %get3A_1446 : memref<1x128x256xf32, #tpu.memory_space<vmem>> -> memref<128x256xf32, #tpu.memory_space<vmem>>
          %get3A_1448 = arith.index_cast %scan3A_1443 : i32 to index
          %get3A_1449 = arith.index_cast %add3A_136 : i32 to index
          %get3A_1450 = tpu.vector_load %get3A_1447[%get3A_1448, %get3A_1449] {strides = array<i32>} : memref<128x256xf32, #tpu.memory_space<vmem>>, vector<1x16xf32>,
          %get3A_1451 = vector.shape_cast %get3A_1450 : vector<1x16xf32> to vector<16xf32>
          %mul3A_1452 = arith.mulf %get3A_1451, %get3A_154 : vector<16xf32>
          %get3A_1453 = arith.constant 0 : i32
          %get3A_1454 = arith.constant 0 : i32
          %get3A_1455 = tpu.memref_slice %arg6[%rem3A_101, %get3A_1453, %get3A_1454] : memref<2x128x256xf32, #tpu.memory_space<vmem>> -> memref<1x128x256xf32, #tpu.memory_space<vmem>>
          %get3A_1456 = tpu.memref_squeeze %get3A_1455 : memref<1x128x256xf32, #tpu.memory_space<vmem>> -> memref<128x256xf32, #tpu.memory_space<vmem>>
          %get3A_1457 = arith.index_cast %scan3A_1443 : i32 to index
          %get3A_1458 = arith.index_cast %add3A_140 : i32 to index
          %get3A_1459 = tpu.vector_load %get3A_1456[%get3A_1457, %get3A_1458] {strides = array<i32>} : memref<128x256xf32, #tpu.memory_space<vmem>>, vector<1x16xf32>,
          %get3A_1460 = vector.shape_cast %get3A_1459 : vector<1x16xf32> to vector<16xf32>
          %mul3A_1461 = arith.mulf %get3A_1460, %get3A_157 : vector<16xf32>
          %gt3A_1462 = arith.cmpf ogt, %mul3A_1452, %max3A_1401 : vector<16xf32>
          %gt3A_1463 = arith.cmpf ogt, %mul3A_1452, %select_n3A_1403 : vector<16xf32>
          %gt3A_1464 = arith.cmpf ogt, %mul3A_1452, %select_n3A_1405 : vector<16xf32>
          %gt3A_1465 = arith.cmpf ogt, %mul3A_1452, %select_n3A_1407 : vector<16xf32>
          %gt3A_1466 = arith.cmpf ogt, %mul3A_1452, %select_n3A_1409 : vector<16xf32>
          %gt3A_1467 = arith.cmpf ogt, %mul3A_1452, %select_n3A_1411 : vector<16xf32>
          %gt3A_1468 = arith.cmpf ogt, %mul3A_1452, %select_n3A_1413 : vector<16xf32>
          %max3A_1469 = arith.maximumf %max3A_1401, %mul3A_1452 : vector<16xf32>
          %max3A_1470 = arith.maximumf %mul3A_1452, %select_n3A_1403 : vector<16xf32>
          %select_n3A_1471 = arith.select %gt3A_1462, %max3A_1401, %max3A_1470 : vector<16xi1>, vector<16xf32>
          %max3A_1472 = arith.maximumf %mul3A_1452, %select_n3A_1405 : vector<16xf32>
          %select_n3A_1473 = arith.select %gt3A_1463, %select_n3A_1403, %max3A_1472 : vector<16xi1>, vector<16xf32>
          %max3A_1474 = arith.maximumf %mul3A_1452, %select_n3A_1407 : vector<16xf32>
          %select_n3A_1475 = arith.select %gt3A_1464, %select_n3A_1405, %max3A_1474 : vector<16xi1>, vector<16xf32>
          %max3A_1476 = arith.maximumf %mul3A_1452, %select_n3A_1409 : vector<16xf32>
          %select_n3A_1477 = arith.select %gt3A_1465, %select_n3A_1407, %max3A_1476 : vector<16xi1>, vector<16xf32>
          %max3A_1478 = arith.maximumf %mul3A_1452, %select_n3A_1411 : vector<16xf32>
          %select_n3A_1479 = arith.select %gt3A_1466, %select_n3A_1409, %max3A_1478 : vector<16xi1>, vector<16xf32>
          %max3A_1480 = arith.maximumf %mul3A_1452, %select_n3A_1413 : vector<16xf32>
          %select_n3A_1481 = arith.select %gt3A_1467, %select_n3A_1411, %max3A_1480 : vector<16xi1>, vector<16xf32>
          %max3A_1482 = arith.maximumf %mul3A_1452, %select_n3A_1415 : vector<16xf32>
          %select_n3A_1483 = arith.select %gt3A_1468, %select_n3A_1413, %max3A_1482 : vector<16xi1>, vector<16xf32>
          %broadcast_in_dim3A_1484 = vector.broadcast %scan3A_1443 : i32 to vector<16xi32>
          %select_n3A_1485 = arith.select %gt3A_1462, %broadcast_in_dim3A_1484, %select_n3A_1417 : vector<16xi1>, vector<16xi32>
          %gt3A_1486 = arith.cmpf ogt, %mul3A_1461, %max3A_1425 : vector<16xf32>
          %gt3A_1487 = arith.cmpf ogt, %mul3A_1461, %select_n3A_1427 : vector<16xf32>
          %gt3A_1488 = arith.cmpf ogt, %mul3A_1461, %select_n3A_1429 : vector<16xf32>
          %gt3A_1489 = arith.cmpf ogt, %mul3A_1461, %select_n3A_1431 : vector<16xf32>
          %gt3A_1490 = arith.cmpf ogt, %mul3A_1461, %select_n3A_1433 : vector<16xf32>
          %gt3A_1491 = arith.cmpf ogt, %mul3A_1461, %select_n3A_1435 : vector<16xf32>
          %gt3A_1492 = arith.cmpf ogt, %mul3A_1461, %select_n3A_1437 : vector<16xf32>
          %max3A_1493 = arith.maximumf %max3A_1425, %mul3A_1461 : vector<16xf32>
          %max3A_1494 = arith.maximumf %mul3A_1461, %select_n3A_1427 : vector<16xf32>
          %select_n3A_1495 = arith.select %gt3A_1486, %max3A_1425, %max3A_1494 : vector<16xi1>, vector<16xf32>
          %max3A_1496 = arith.maximumf %mul3A_1461, %select_n3A_1429 : vector<16xf32>
          %select_n3A_1497 = arith.select %gt3A_1487, %select_n3A_1427, %max3A_1496 : vector<16xi1>, vector<16xf32>
          %max3A_1498 = arith.maximumf %mul3A_1461, %select_n3A_1431 : vector<16xf32>
          %select_n3A_1499 = arith.select %gt3A_1488, %select_n3A_1429, %max3A_1498 : vector<16xi1>, vector<16xf32>
          %max3A_1500 = arith.maximumf %mul3A_1461, %select_n3A_1433 : vector<16xf32>
          %select_n3A_1501 = arith.select %gt3A_1489, %select_n3A_1431, %max3A_1500 : vector<16xi1>, vector<16xf32>
          %max3A_1502 = arith.maximumf %mul3A_1461, %select_n3A_1435 : vector<16xf32>
          %select_n3A_1503 = arith.select %gt3A_1490, %select_n3A_1433, %max3A_1502 : vector<16xi1>, vector<16xf32>
          %max3A_1504 = arith.maximumf %mul3A_1461, %select_n3A_1437 : vector<16xf32>
          %select_n3A_1505 = arith.select %gt3A_1491, %select_n3A_1435, %max3A_1504 : vector<16xi1>, vector<16xf32>
          %max3A_1506 = arith.maximumf %mul3A_1461, %select_n3A_1439 : vector<16xf32>
          %select_n3A_1507 = arith.select %gt3A_1492, %select_n3A_1437, %max3A_1506 : vector<16xi1>, vector<16xf32>
          %broadcast_in_dim3A_1508 = vector.broadcast %scan3A_1443 : i32 to vector<16xi32>
          %select_n3A_1509 = arith.select %gt3A_1486, %broadcast_in_dim3A_1508, %select_n3A_1441 : vector<16xi1>, vector<16xi32>
          %scan3A_1510 = arith.constant 18 : i32
          %scan3A_1511 = arith.addi %scan3A_271, %scan3A_1510 : i32
          %get3A_1512 = arith.constant 0 : i32
          %get3A_1513 = arith.constant 0 : i32
          %get3A_1514 = tpu.memref_slice %arg6[%rem3A_101, %get3A_1512, %get3A_1513] : memref<2x128x256xf32, #tpu.memory_space<vmem>> -> memref<1x128x256xf32, #tpu.memory_space<vmem>>
          %get3A_1515 = tpu.memref_squeeze %get3A_1514 : memref<1x128x256xf32, #tpu.memory_space<vmem>> -> memref<128x256xf32, #tpu.memory_space<vmem>>
          %get3A_1516 = arith.index_cast %scan3A_1511 : i32 to index
          %get3A_1517 = arith.index_cast %add3A_136 : i32 to index
          %get3A_1518 = tpu.vector_load %get3A_1515[%get3A_1516, %get3A_1517] {strides = array<i32>} : memref<128x256xf32, #tpu.memory_space<vmem>>, vector<1x16xf32>,
          %get3A_1519 = vector.shape_cast %get3A_1518 : vector<1x16xf32> to vector<16xf32>
          %mul3A_1520 = arith.mulf %get3A_1519, %get3A_154 : vector<16xf32>
          %get3A_1521 = arith.constant 0 : i32
          %get3A_1522 = arith.constant 0 : i32
          %get3A_1523 = tpu.memref_slice %arg6[%rem3A_101, %get3A_1521, %get3A_1522] : memref<2x128x256xf32, #tpu.memory_space<vmem>> -> memref<1x128x256xf32, #tpu.memory_space<vmem>>
          %get3A_1524 = tpu.memref_squeeze %get3A_1523 : memref<1x128x256xf32, #tpu.memory_space<vmem>> -> memref<128x256xf32, #tpu.memory_space<vmem>>
          %get3A_1525 = arith.index_cast %scan3A_1511 : i32 to index
          %get3A_1526 = arith.index_cast %add3A_140 : i32 to index
          %get3A_1527 = tpu.vector_load %get3A_1524[%get3A_1525, %get3A_1526] {strides = array<i32>} : memref<128x256xf32, #tpu.memory_space<vmem>>, vector<1x16xf32>,
          %get3A_1528 = vector.shape_cast %get3A_1527 : vector<1x16xf32> to vector<16xf32>
          %mul3A_1529 = arith.mulf %get3A_1528, %get3A_157 : vector<16xf32>
          %gt3A_1530 = arith.cmpf ogt, %mul3A_1520, %max3A_1469 : vector<16xf32>
          %gt3A_1531 = arith.cmpf ogt, %mul3A_1520, %select_n3A_1471 : vector<16xf32>
          %gt3A_1532 = arith.cmpf ogt, %mul3A_1520, %select_n3A_1473 : vector<16xf32>
          %gt3A_1533 = arith.cmpf ogt, %mul3A_1520, %select_n3A_1475 : vector<16xf32>
          %gt3A_1534 = arith.cmpf ogt, %mul3A_1520, %select_n3A_1477 : vector<16xf32>
          %gt3A_1535 = arith.cmpf ogt, %mul3A_1520, %select_n3A_1479 : vector<16xf32>
          %gt3A_1536 = arith.cmpf ogt, %mul3A_1520, %select_n3A_1481 : vector<16xf32>
          %max3A_1537 = arith.maximumf %max3A_1469, %mul3A_1520 : vector<16xf32>
          %max3A_1538 = arith.maximumf %mul3A_1520, %select_n3A_1471 : vector<16xf32>
          %select_n3A_1539 = arith.select %gt3A_1530, %max3A_1469, %max3A_1538 : vector<16xi1>, vector<16xf32>
          %max3A_1540 = arith.maximumf %mul3A_1520, %select_n3A_1473 : vector<16xf32>
          %select_n3A_1541 = arith.select %gt3A_1531, %select_n3A_1471, %max3A_1540 : vector<16xi1>, vector<16xf32>
          %max3A_1542 = arith.maximumf %mul3A_1520, %select_n3A_1475 : vector<16xf32>
          %select_n3A_1543 = arith.select %gt3A_1532, %select_n3A_1473, %max3A_1542 : vector<16xi1>, vector<16xf32>
          %max3A_1544 = arith.maximumf %mul3A_1520, %select_n3A_1477 : vector<16xf32>
          %select_n3A_1545 = arith.select %gt3A_1533, %select_n3A_1475, %max3A_1544 : vector<16xi1>, vector<16xf32>
          %max3A_1546 = arith.maximumf %mul3A_1520, %select_n3A_1479 : vector<16xf32>
          %select_n3A_1547 = arith.select %gt3A_1534, %select_n3A_1477, %max3A_1546 : vector<16xi1>, vector<16xf32>
          %max3A_1548 = arith.maximumf %mul3A_1520, %select_n3A_1481 : vector<16xf32>
          %select_n3A_1549 = arith.select %gt3A_1535, %select_n3A_1479, %max3A_1548 : vector<16xi1>, vector<16xf32>
          %max3A_1550 = arith.maximumf %mul3A_1520, %select_n3A_1483 : vector<16xf32>
          %select_n3A_1551 = arith.select %gt3A_1536, %select_n3A_1481, %max3A_1550 : vector<16xi1>, vector<16xf32>
          %broadcast_in_dim3A_1552 = vector.broadcast %scan3A_1511 : i32 to vector<16xi32>
          %select_n3A_1553 = arith.select %gt3A_1530, %broadcast_in_dim3A_1552, %select_n3A_1485 : vector<16xi1>, vector<16xi32>
          %gt3A_1554 = arith.cmpf ogt, %mul3A_1529, %max3A_1493 : vector<16xf32>
          %gt3A_1555 = arith.cmpf ogt, %mul3A_1529, %select_n3A_1495 : vector<16xf32>
          %gt3A_1556 = arith.cmpf ogt, %mul3A_1529, %select_n3A_1497 : vector<16xf32>
          %gt3A_1557 = arith.cmpf ogt, %mul3A_1529, %select_n3A_1499 : vector<16xf32>
          %gt3A_1558 = arith.cmpf ogt, %mul3A_1529, %select_n3A_1501 : vector<16xf32>
          %gt3A_1559 = arith.cmpf ogt, %mul3A_1529, %select_n3A_1503 : vector<16xf32>
          %gt3A_1560 = arith.cmpf ogt, %mul3A_1529, %select_n3A_1505 : vector<16xf32>
          %max3A_1561 = arith.maximumf %max3A_1493, %mul3A_1529 : vector<16xf32>
          %max3A_1562 = arith.maximumf %mul3A_1529, %select_n3A_1495 : vector<16xf32>
          %select_n3A_1563 = arith.select %gt3A_1554, %max3A_1493, %max3A_1562 : vector<16xi1>, vector<16xf32>
          %max3A_1564 = arith.maximumf %mul3A_1529, %select_n3A_1497 : vector<16xf32>
          %select_n3A_1565 = arith.select %gt3A_1555, %select_n3A_1495, %max3A_1564 : vector<16xi1>, vector<16xf32>
          %max3A_1566 = arith.maximumf %mul3A_1529, %select_n3A_1499 : vector<16xf32>
          %select_n3A_1567 = arith.select %gt3A_1556, %select_n3A_1497, %max3A_1566 : vector<16xi1>, vector<16xf32>
          %max3A_1568 = arith.maximumf %mul3A_1529, %select_n3A_1501 : vector<16xf32>
          %select_n3A_1569 = arith.select %gt3A_1557, %select_n3A_1499, %max3A_1568 : vector<16xi1>, vector<16xf32>
          %max3A_1570 = arith.maximumf %mul3A_1529, %select_n3A_1503 : vector<16xf32>
          %select_n3A_1571 = arith.select %gt3A_1558, %select_n3A_1501, %max3A_1570 : vector<16xi1>, vector<16xf32>
          %max3A_1572 = arith.maximumf %mul3A_1529, %select_n3A_1505 : vector<16xf32>
          %select_n3A_1573 = arith.select %gt3A_1559, %select_n3A_1503, %max3A_1572 : vector<16xi1>, vector<16xf32>
          %max3A_1574 = arith.maximumf %mul3A_1529, %select_n3A_1507 : vector<16xf32>
          %select_n3A_1575 = arith.select %gt3A_1560, %select_n3A_1505, %max3A_1574 : vector<16xi1>, vector<16xf32>
          %broadcast_in_dim3A_1576 = vector.broadcast %scan3A_1511 : i32 to vector<16xi32>
          %select_n3A_1577 = arith.select %gt3A_1554, %broadcast_in_dim3A_1576, %select_n3A_1509 : vector<16xi1>, vector<16xi32>
          %scan3A_1578 = arith.constant 19 : i32
          %scan3A_1579 = arith.addi %scan3A_271, %scan3A_1578 : i32
          %get3A_1580 = arith.constant 0 : i32
          %get3A_1581 = arith.constant 0 : i32
          %get3A_1582 = tpu.memref_slice %arg6[%rem3A_101, %get3A_1580, %get3A_1581] : memref<2x128x256xf32, #tpu.memory_space<vmem>> -> memref<1x128x256xf32, #tpu.memory_space<vmem>>
          %get3A_1583 = tpu.memref_squeeze %get3A_1582 : memref<1x128x256xf32, #tpu.memory_space<vmem>> -> memref<128x256xf32, #tpu.memory_space<vmem>>
          %get3A_1584 = arith.index_cast %scan3A_1579 : i32 to index
          %get3A_1585 = arith.index_cast %add3A_136 : i32 to index
          %get3A_1586 = tpu.vector_load %get3A_1583[%get3A_1584, %get3A_1585] {strides = array<i32>} : memref<128x256xf32, #tpu.memory_space<vmem>>, vector<1x16xf32>,
          %get3A_1587 = vector.shape_cast %get3A_1586 : vector<1x16xf32> to vector<16xf32>
          %mul3A_1588 = arith.mulf %get3A_1587, %get3A_154 : vector<16xf32>
          %get3A_1589 = arith.constant 0 : i32
          %get3A_1590 = arith.constant 0 : i32
          %get3A_1591 = tpu.memref_slice %arg6[%rem3A_101, %get3A_1589, %get3A_1590] : memref<2x128x256xf32, #tpu.memory_space<vmem>> -> memref<1x128x256xf32, #tpu.memory_space<vmem>>
          %get3A_1592 = tpu.memref_squeeze %get3A_1591 : memref<1x128x256xf32, #tpu.memory_space<vmem>> -> memref<128x256xf32, #tpu.memory_space<vmem>>
          %get3A_1593 = arith.index_cast %scan3A_1579 : i32 to index
          %get3A_1594 = arith.index_cast %add3A_140 : i32 to index
          %get3A_1595 = tpu.vector_load %get3A_1592[%get3A_1593, %get3A_1594] {strides = array<i32>} : memref<128x256xf32, #tpu.memory_space<vmem>>, vector<1x16xf32>,
          %get3A_1596 = vector.shape_cast %get3A_1595 : vector<1x16xf32> to vector<16xf32>
          %mul3A_1597 = arith.mulf %get3A_1596, %get3A_157 : vector<16xf32>
          %gt3A_1598 = arith.cmpf ogt, %mul3A_1588, %max3A_1537 : vector<16xf32>
          %gt3A_1599 = arith.cmpf ogt, %mul3A_1588, %select_n3A_1539 : vector<16xf32>
          %gt3A_1600 = arith.cmpf ogt, %mul3A_1588, %select_n3A_1541 : vector<16xf32>
          %gt3A_1601 = arith.cmpf ogt, %mul3A_1588, %select_n3A_1543 : vector<16xf32>
          %gt3A_1602 = arith.cmpf ogt, %mul3A_1588, %select_n3A_1545 : vector<16xf32>
          %gt3A_1603 = arith.cmpf ogt, %mul3A_1588, %select_n3A_1547 : vector<16xf32>
          %gt3A_1604 = arith.cmpf ogt, %mul3A_1588, %select_n3A_1549 : vector<16xf32>
          %max3A_1605 = arith.maximumf %max3A_1537, %mul3A_1588 : vector<16xf32>
          %max3A_1606 = arith.maximumf %mul3A_1588, %select_n3A_1539 : vector<16xf32>
          %select_n3A_1607 = arith.select %gt3A_1598, %max3A_1537, %max3A_1606 : vector<16xi1>, vector<16xf32>
          %max3A_1608 = arith.maximumf %mul3A_1588, %select_n3A_1541 : vector<16xf32>
          %select_n3A_1609 = arith.select %gt3A_1599, %select_n3A_1539, %max3A_1608 : vector<16xi1>, vector<16xf32>
          %max3A_1610 = arith.maximumf %mul3A_1588, %select_n3A_1543 : vector<16xf32>
          %select_n3A_1611 = arith.select %gt3A_1600, %select_n3A_1541, %max3A_1610 : vector<16xi1>, vector<16xf32>
          %max3A_1612 = arith.maximumf %mul3A_1588, %select_n3A_1545 : vector<16xf32>
          %select_n3A_1613 = arith.select %gt3A_1601, %select_n3A_1543, %max3A_1612 : vector<16xi1>, vector<16xf32>
          %max3A_1614 = arith.maximumf %mul3A_1588, %select_n3A_1547 : vector<16xf32>
          %select_n3A_1615 = arith.select %gt3A_1602, %select_n3A_1545, %max3A_1614 : vector<16xi1>, vector<16xf32>
          %max3A_1616 = arith.maximumf %mul3A_1588, %select_n3A_1549 : vector<16xf32>
          %select_n3A_1617 = arith.select %gt3A_1603, %select_n3A_1547, %max3A_1616 : vector<16xi1>, vector<16xf32>
          %max3A_1618 = arith.maximumf %mul3A_1588, %select_n3A_1551 : vector<16xf32>
          %select_n3A_1619 = arith.select %gt3A_1604, %select_n3A_1549, %max3A_1618 : vector<16xi1>, vector<16xf32>
          %broadcast_in_dim3A_1620 = vector.broadcast %scan3A_1579 : i32 to vector<16xi32>
          %select_n3A_1621 = arith.select %gt3A_1598, %broadcast_in_dim3A_1620, %select_n3A_1553 : vector<16xi1>, vector<16xi32>
          %gt3A_1622 = arith.cmpf ogt, %mul3A_1597, %max3A_1561 : vector<16xf32>
          %gt3A_1623 = arith.cmpf ogt, %mul3A_1597, %select_n3A_1563 : vector<16xf32>
          %gt3A_1624 = arith.cmpf ogt, %mul3A_1597, %select_n3A_1565 : vector<16xf32>
          %gt3A_1625 = arith.cmpf ogt, %mul3A_1597, %select_n3A_1567 : vector<16xf32>
          %gt3A_1626 = arith.cmpf ogt, %mul3A_1597, %select_n3A_1569 : vector<16xf32>
          %gt3A_1627 = arith.cmpf ogt, %mul3A_1597, %select_n3A_1571 : vector<16xf32>
          %gt3A_1628 = arith.cmpf ogt, %mul3A_1597, %select_n3A_1573 : vector<16xf32>
          %max3A_1629 = arith.maximumf %max3A_1561, %mul3A_1597 : vector<16xf32>
          %max3A_1630 = arith.maximumf %mul3A_1597, %select_n3A_1563 : vector<16xf32>
          %select_n3A_1631 = arith.select %gt3A_1622, %max3A_1561, %max3A_1630 : vector<16xi1>, vector<16xf32>
          %max3A_1632 = arith.maximumf %mul3A_1597, %select_n3A_1565 : vector<16xf32>
          %select_n3A_1633 = arith.select %gt3A_1623, %select_n3A_1563, %max3A_1632 : vector<16xi1>, vector<16xf32>
          %max3A_1634 = arith.maximumf %mul3A_1597, %select_n3A_1567 : vector<16xf32>
          %select_n3A_1635 = arith.select %gt3A_1624, %select_n3A_1565, %max3A_1634 : vector<16xi1>, vector<16xf32>
          %max3A_1636 = arith.maximumf %mul3A_1597, %select_n3A_1569 : vector<16xf32>
          %select_n3A_1637 = arith.select %gt3A_1625, %select_n3A_1567, %max3A_1636 : vector<16xi1>, vector<16xf32>
          %max3A_1638 = arith.maximumf %mul3A_1597, %select_n3A_1571 : vector<16xf32>
          %select_n3A_1639 = arith.select %gt3A_1626, %select_n3A_1569, %max3A_1638 : vector<16xi1>, vector<16xf32>
          %max3A_1640 = arith.maximumf %mul3A_1597, %select_n3A_1573 : vector<16xf32>
          %select_n3A_1641 = arith.select %gt3A_1627, %select_n3A_1571, %max3A_1640 : vector<16xi1>, vector<16xf32>
          %max3A_1642 = arith.maximumf %mul3A_1597, %select_n3A_1575 : vector<16xf32>
          %select_n3A_1643 = arith.select %gt3A_1628, %select_n3A_1573, %max3A_1642 : vector<16xi1>, vector<16xf32>
          %broadcast_in_dim3A_1644 = vector.broadcast %scan3A_1579 : i32 to vector<16xi32>
          %select_n3A_1645 = arith.select %gt3A_1622, %broadcast_in_dim3A_1644, %select_n3A_1577 : vector<16xi1>, vector<16xi32>
          %scan3A_1646 = arith.constant 20 : i32
          %scan3A_1647 = arith.addi %scan3A_271, %scan3A_1646 : i32
          %get3A_1648 = arith.constant 0 : i32
          %get3A_1649 = arith.constant 0 : i32
          %get3A_1650 = tpu.memref_slice %arg6[%rem3A_101, %get3A_1648, %get3A_1649] : memref<2x128x256xf32, #tpu.memory_space<vmem>> -> memref<1x128x256xf32, #tpu.memory_space<vmem>>
          %get3A_1651 = tpu.memref_squeeze %get3A_1650 : memref<1x128x256xf32, #tpu.memory_space<vmem>> -> memref<128x256xf32, #tpu.memory_space<vmem>>
          %get3A_1652 = arith.index_cast %scan3A_1647 : i32 to index
          %get3A_1653 = arith.index_cast %add3A_136 : i32 to index
          %get3A_1654 = tpu.vector_load %get3A_1651[%get3A_1652, %get3A_1653] {strides = array<i32>} : memref<128x256xf32, #tpu.memory_space<vmem>>, vector<1x16xf32>,
          %get3A_1655 = vector.shape_cast %get3A_1654 : vector<1x16xf32> to vector<16xf32>
          %mul3A_1656 = arith.mulf %get3A_1655, %get3A_154 : vector<16xf32>
          %get3A_1657 = arith.constant 0 : i32
          %get3A_1658 = arith.constant 0 : i32
          %get3A_1659 = tpu.memref_slice %arg6[%rem3A_101, %get3A_1657, %get3A_1658] : memref<2x128x256xf32, #tpu.memory_space<vmem>> -> memref<1x128x256xf32, #tpu.memory_space<vmem>>
          %get3A_1660 = tpu.memref_squeeze %get3A_1659 : memref<1x128x256xf32, #tpu.memory_space<vmem>> -> memref<128x256xf32, #tpu.memory_space<vmem>>
          %get3A_1661 = arith.index_cast %scan3A_1647 : i32 to index
          %get3A_1662 = arith.index_cast %add3A_140 : i32 to index
          %get3A_1663 = tpu.vector_load %get3A_1660[%get3A_1661, %get3A_1662] {strides = array<i32>} : memref<128x256xf32, #tpu.memory_space<vmem>>, vector<1x16xf32>,
          %get3A_1664 = vector.shape_cast %get3A_1663 : vector<1x16xf32> to vector<16xf32>
          %mul3A_1665 = arith.mulf %get3A_1664, %get3A_157 : vector<16xf32>
          %gt3A_1666 = arith.cmpf ogt, %mul3A_1656, %max3A_1605 : vector<16xf32>
          %gt3A_1667 = arith.cmpf ogt, %mul3A_1656, %select_n3A_1607 : vector<16xf32>
          %gt3A_1668 = arith.cmpf ogt, %mul3A_1656, %select_n3A_1609 : vector<16xf32>
          %gt3A_1669 = arith.cmpf ogt, %mul3A_1656, %select_n3A_1611 : vector<16xf32>
          %gt3A_1670 = arith.cmpf ogt, %mul3A_1656, %select_n3A_1613 : vector<16xf32>
          %gt3A_1671 = arith.cmpf ogt, %mul3A_1656, %select_n3A_1615 : vector<16xf32>
          %gt3A_1672 = arith.cmpf ogt, %mul3A_1656, %select_n3A_1617 : vector<16xf32>
          %max3A_1673 = arith.maximumf %max3A_1605, %mul3A_1656 : vector<16xf32>
          %max3A_1674 = arith.maximumf %mul3A_1656, %select_n3A_1607 : vector<16xf32>
          %select_n3A_1675 = arith.select %gt3A_1666, %max3A_1605, %max3A_1674 : vector<16xi1>, vector<16xf32>
          %max3A_1676 = arith.maximumf %mul3A_1656, %select_n3A_1609 : vector<16xf32>
          %select_n3A_1677 = arith.select %gt3A_1667, %select_n3A_1607, %max3A_1676 : vector<16xi1>, vector<16xf32>
          %max3A_1678 = arith.maximumf %mul3A_1656, %select_n3A_1611 : vector<16xf32>
          %select_n3A_1679 = arith.select %gt3A_1668, %select_n3A_1609, %max3A_1678 : vector<16xi1>, vector<16xf32>
          %max3A_1680 = arith.maximumf %mul3A_1656, %select_n3A_1613 : vector<16xf32>
          %select_n3A_1681 = arith.select %gt3A_1669, %select_n3A_1611, %max3A_1680 : vector<16xi1>, vector<16xf32>
          %max3A_1682 = arith.maximumf %mul3A_1656, %select_n3A_1615 : vector<16xf32>
          %select_n3A_1683 = arith.select %gt3A_1670, %select_n3A_1613, %max3A_1682 : vector<16xi1>, vector<16xf32>
          %max3A_1684 = arith.maximumf %mul3A_1656, %select_n3A_1617 : vector<16xf32>
          %select_n3A_1685 = arith.select %gt3A_1671, %select_n3A_1615, %max3A_1684 : vector<16xi1>, vector<16xf32>
          %max3A_1686 = arith.maximumf %mul3A_1656, %select_n3A_1619 : vector<16xf32>
          %select_n3A_1687 = arith.select %gt3A_1672, %select_n3A_1617, %max3A_1686 : vector<16xi1>, vector<16xf32>
          %broadcast_in_dim3A_1688 = vector.broadcast %scan3A_1647 : i32 to vector<16xi32>
          %select_n3A_1689 = arith.select %gt3A_1666, %broadcast_in_dim3A_1688, %select_n3A_1621 : vector<16xi1>, vector<16xi32>
          %gt3A_1690 = arith.cmpf ogt, %mul3A_1665, %max3A_1629 : vector<16xf32>
          %gt3A_1691 = arith.cmpf ogt, %mul3A_1665, %select_n3A_1631 : vector<16xf32>
          %gt3A_1692 = arith.cmpf ogt, %mul3A_1665, %select_n3A_1633 : vector<16xf32>
          %gt3A_1693 = arith.cmpf ogt, %mul3A_1665, %select_n3A_1635 : vector<16xf32>
          %gt3A_1694 = arith.cmpf ogt, %mul3A_1665, %select_n3A_1637 : vector<16xf32>
          %gt3A_1695 = arith.cmpf ogt, %mul3A_1665, %select_n3A_1639 : vector<16xf32>
          %gt3A_1696 = arith.cmpf ogt, %mul3A_1665, %select_n3A_1641 : vector<16xf32>
          %max3A_1697 = arith.maximumf %max3A_1629, %mul3A_1665 : vector<16xf32>
          %max3A_1698 = arith.maximumf %mul3A_1665, %select_n3A_1631 : vector<16xf32>
          %select_n3A_1699 = arith.select %gt3A_1690, %max3A_1629, %max3A_1698 : vector<16xi1>, vector<16xf32>
          %max3A_1700 = arith.maximumf %mul3A_1665, %select_n3A_1633 : vector<16xf32>
          %select_n3A_1701 = arith.select %gt3A_1691, %select_n3A_1631, %max3A_1700 : vector<16xi1>, vector<16xf32>
          %max3A_1702 = arith.maximumf %mul3A_1665, %select_n3A_1635 : vector<16xf32>
          %select_n3A_1703 = arith.select %gt3A_1692, %select_n3A_1633, %max3A_1702 : vector<16xi1>, vector<16xf32>
          %max3A_1704 = arith.maximumf %mul3A_1665, %select_n3A_1637 : vector<16xf32>
          %select_n3A_1705 = arith.select %gt3A_1693, %select_n3A_1635, %max3A_1704 : vector<16xi1>, vector<16xf32>
          %max3A_1706 = arith.maximumf %mul3A_1665, %select_n3A_1639 : vector<16xf32>
          %select_n3A_1707 = arith.select %gt3A_1694, %select_n3A_1637, %max3A_1706 : vector<16xi1>, vector<16xf32>
          %max3A_1708 = arith.maximumf %mul3A_1665, %select_n3A_1641 : vector<16xf32>
          %select_n3A_1709 = arith.select %gt3A_1695, %select_n3A_1639, %max3A_1708 : vector<16xi1>, vector<16xf32>
          %max3A_1710 = arith.maximumf %mul3A_1665, %select_n3A_1643 : vector<16xf32>
          %select_n3A_1711 = arith.select %gt3A_1696, %select_n3A_1641, %max3A_1710 : vector<16xi1>, vector<16xf32>
          %broadcast_in_dim3A_1712 = vector.broadcast %scan3A_1647 : i32 to vector<16xi32>
          %select_n3A_1713 = arith.select %gt3A_1690, %broadcast_in_dim3A_1712, %select_n3A_1645 : vector<16xi1>, vector<16xi32>
          %scan3A_1714 = arith.constant 21 : i32
          %scan3A_1715 = arith.addi %scan3A_271, %scan3A_1714 : i32
          %get3A_1716 = arith.constant 0 : i32
          %get3A_1717 = arith.constant 0 : i32
          %get3A_1718 = tpu.memref_slice %arg6[%rem3A_101, %get3A_1716, %get3A_1717] : memref<2x128x256xf32, #tpu.memory_space<vmem>> -> memref<1x128x256xf32, #tpu.memory_space<vmem>>
          %get3A_1719 = tpu.memref_squeeze %get3A_1718 : memref<1x128x256xf32, #tpu.memory_space<vmem>> -> memref<128x256xf32, #tpu.memory_space<vmem>>
          %get3A_1720 = arith.index_cast %scan3A_1715 : i32 to index
          %get3A_1721 = arith.index_cast %add3A_136 : i32 to index
          %get3A_1722 = tpu.vector_load %get3A_1719[%get3A_1720, %get3A_1721] {strides = array<i32>} : memref<128x256xf32, #tpu.memory_space<vmem>>, vector<1x16xf32>,
          %get3A_1723 = vector.shape_cast %get3A_1722 : vector<1x16xf32> to vector<16xf32>
          %mul3A_1724 = arith.mulf %get3A_1723, %get3A_154 : vector<16xf32>
          %get3A_1725 = arith.constant 0 : i32
          %get3A_1726 = arith.constant 0 : i32
          %get3A_1727 = tpu.memref_slice %arg6[%rem3A_101, %get3A_1725, %get3A_1726] : memref<2x128x256xf32, #tpu.memory_space<vmem>> -> memref<1x128x256xf32, #tpu.memory_space<vmem>>
          %get3A_1728 = tpu.memref_squeeze %get3A_1727 : memref<1x128x256xf32, #tpu.memory_space<vmem>> -> memref<128x256xf32, #tpu.memory_space<vmem>>
          %get3A_1729 = arith.index_cast %scan3A_1715 : i32 to index
          %get3A_1730 = arith.index_cast %add3A_140 : i32 to index
          %get3A_1731 = tpu.vector_load %get3A_1728[%get3A_1729, %get3A_1730] {strides = array<i32>} : memref<128x256xf32, #tpu.memory_space<vmem>>, vector<1x16xf32>,
          %get3A_1732 = vector.shape_cast %get3A_1731 : vector<1x16xf32> to vector<16xf32>
          %mul3A_1733 = arith.mulf %get3A_1732, %get3A_157 : vector<16xf32>
          %gt3A_1734 = arith.cmpf ogt, %mul3A_1724, %max3A_1673 : vector<16xf32>
          %gt3A_1735 = arith.cmpf ogt, %mul3A_1724, %select_n3A_1675 : vector<16xf32>
          %gt3A_1736 = arith.cmpf ogt, %mul3A_1724, %select_n3A_1677 : vector<16xf32>
          %gt3A_1737 = arith.cmpf ogt, %mul3A_1724, %select_n3A_1679 : vector<16xf32>
          %gt3A_1738 = arith.cmpf ogt, %mul3A_1724, %select_n3A_1681 : vector<16xf32>
          %gt3A_1739 = arith.cmpf ogt, %mul3A_1724, %select_n3A_1683 : vector<16xf32>
          %gt3A_1740 = arith.cmpf ogt, %mul3A_1724, %select_n3A_1685 : vector<16xf32>
          %max3A_1741 = arith.maximumf %max3A_1673, %mul3A_1724 : vector<16xf32>
          %max3A_1742 = arith.maximumf %mul3A_1724, %select_n3A_1675 : vector<16xf32>
          %select_n3A_1743 = arith.select %gt3A_1734, %max3A_1673, %max3A_1742 : vector<16xi1>, vector<16xf32>
          %max3A_1744 = arith.maximumf %mul3A_1724, %select_n3A_1677 : vector<16xf32>
          %select_n3A_1745 = arith.select %gt3A_1735, %select_n3A_1675, %max3A_1744 : vector<16xi1>, vector<16xf32>
          %max3A_1746 = arith.maximumf %mul3A_1724, %select_n3A_1679 : vector<16xf32>
          %select_n3A_1747 = arith.select %gt3A_1736, %select_n3A_1677, %max3A_1746 : vector<16xi1>, vector<16xf32>
          %max3A_1748 = arith.maximumf %mul3A_1724, %select_n3A_1681 : vector<16xf32>
          %select_n3A_1749 = arith.select %gt3A_1737, %select_n3A_1679, %max3A_1748 : vector<16xi1>, vector<16xf32>
          %max3A_1750 = arith.maximumf %mul3A_1724, %select_n3A_1683 : vector<16xf32>
          %select_n3A_1751 = arith.select %gt3A_1738, %select_n3A_1681, %max3A_1750 : vector<16xi1>, vector<16xf32>
          %max3A_1752 = arith.maximumf %mul3A_1724, %select_n3A_1685 : vector<16xf32>
          %select_n3A_1753 = arith.select %gt3A_1739, %select_n3A_1683, %max3A_1752 : vector<16xi1>, vector<16xf32>
          %max3A_1754 = arith.maximumf %mul3A_1724, %select_n3A_1687 : vector<16xf32>
          %select_n3A_1755 = arith.select %gt3A_1740, %select_n3A_1685, %max3A_1754 : vector<16xi1>, vector<16xf32>
          %broadcast_in_dim3A_1756 = vector.broadcast %scan3A_1715 : i32 to vector<16xi32>
          %select_n3A_1757 = arith.select %gt3A_1734, %broadcast_in_dim3A_1756, %select_n3A_1689 : vector<16xi1>, vector<16xi32>
          %gt3A_1758 = arith.cmpf ogt, %mul3A_1733, %max3A_1697 : vector<16xf32>
          %gt3A_1759 = arith.cmpf ogt, %mul3A_1733, %select_n3A_1699 : vector<16xf32>
          %gt3A_1760 = arith.cmpf ogt, %mul3A_1733, %select_n3A_1701 : vector<16xf32>
          %gt3A_1761 = arith.cmpf ogt, %mul3A_1733, %select_n3A_1703 : vector<16xf32>
          %gt3A_1762 = arith.cmpf ogt, %mul3A_1733, %select_n3A_1705 : vector<16xf32>
          %gt3A_1763 = arith.cmpf ogt, %mul3A_1733, %select_n3A_1707 : vector<16xf32>
          %gt3A_1764 = arith.cmpf ogt, %mul3A_1733, %select_n3A_1709 : vector<16xf32>
          %max3A_1765 = arith.maximumf %max3A_1697, %mul3A_1733 : vector<16xf32>
          %max3A_1766 = arith.maximumf %mul3A_1733, %select_n3A_1699 : vector<16xf32>
          %select_n3A_1767 = arith.select %gt3A_1758, %max3A_1697, %max3A_1766 : vector<16xi1>, vector<16xf32>
          %max3A_1768 = arith.maximumf %mul3A_1733, %select_n3A_1701 : vector<16xf32>
          %select_n3A_1769 = arith.select %gt3A_1759, %select_n3A_1699, %max3A_1768 : vector<16xi1>, vector<16xf32>
          %max3A_1770 = arith.maximumf %mul3A_1733, %select_n3A_1703 : vector<16xf32>
          %select_n3A_1771 = arith.select %gt3A_1760, %select_n3A_1701, %max3A_1770 : vector<16xi1>, vector<16xf32>
          %max3A_1772 = arith.maximumf %mul3A_1733, %select_n3A_1705 : vector<16xf32>
          %select_n3A_1773 = arith.select %gt3A_1761, %select_n3A_1703, %max3A_1772 : vector<16xi1>, vector<16xf32>
          %max3A_1774 = arith.maximumf %mul3A_1733, %select_n3A_1707 : vector<16xf32>
          %select_n3A_1775 = arith.select %gt3A_1762, %select_n3A_1705, %max3A_1774 : vector<16xi1>, vector<16xf32>
          %max3A_1776 = arith.maximumf %mul3A_1733, %select_n3A_1709 : vector<16xf32>
          %select_n3A_1777 = arith.select %gt3A_1763, %select_n3A_1707, %max3A_1776 : vector<16xi1>, vector<16xf32>
          %max3A_1778 = arith.maximumf %mul3A_1733, %select_n3A_1711 : vector<16xf32>
          %select_n3A_1779 = arith.select %gt3A_1764, %select_n3A_1709, %max3A_1778 : vector<16xi1>, vector<16xf32>
          %broadcast_in_dim3A_1780 = vector.broadcast %scan3A_1715 : i32 to vector<16xi32>
          %select_n3A_1781 = arith.select %gt3A_1758, %broadcast_in_dim3A_1780, %select_n3A_1713 : vector<16xi1>, vector<16xi32>
          %scan3A_1782 = arith.constant 22 : i32
          %scan3A_1783 = arith.addi %scan3A_271, %scan3A_1782 : i32
          %get3A_1784 = arith.constant 0 : i32
          %get3A_1785 = arith.constant 0 : i32
          %get3A_1786 = tpu.memref_slice %arg6[%rem3A_101, %get3A_1784, %get3A_1785] : memref<2x128x256xf32, #tpu.memory_space<vmem>> -> memref<1x128x256xf32, #tpu.memory_space<vmem>>
          %get3A_1787 = tpu.memref_squeeze %get3A_1786 : memref<1x128x256xf32, #tpu.memory_space<vmem>> -> memref<128x256xf32, #tpu.memory_space<vmem>>
          %get3A_1788 = arith.index_cast %scan3A_1783 : i32 to index
          %get3A_1789 = arith.index_cast %add3A_136 : i32 to index
          %get3A_1790 = tpu.vector_load %get3A_1787[%get3A_1788, %get3A_1789] {strides = array<i32>} : memref<128x256xf32, #tpu.memory_space<vmem>>, vector<1x16xf32>,
          %get3A_1791 = vector.shape_cast %get3A_1790 : vector<1x16xf32> to vector<16xf32>
          %mul3A_1792 = arith.mulf %get3A_1791, %get3A_154 : vector<16xf32>
          %get3A_1793 = arith.constant 0 : i32
          %get3A_1794 = arith.constant 0 : i32
          %get3A_1795 = tpu.memref_slice %arg6[%rem3A_101, %get3A_1793, %get3A_1794] : memref<2x128x256xf32, #tpu.memory_space<vmem>> -> memref<1x128x256xf32, #tpu.memory_space<vmem>>
          %get3A_1796 = tpu.memref_squeeze %get3A_1795 : memref<1x128x256xf32, #tpu.memory_space<vmem>> -> memref<128x256xf32, #tpu.memory_space<vmem>>
          %get3A_1797 = arith.index_cast %scan3A_1783 : i32 to index
          %get3A_1798 = arith.index_cast %add3A_140 : i32 to index
          %get3A_1799 = tpu.vector_load %get3A_1796[%get3A_1797, %get3A_1798] {strides = array<i32>} : memref<128x256xf32, #tpu.memory_space<vmem>>, vector<1x16xf32>,
          %get3A_1800 = vector.shape_cast %get3A_1799 : vector<1x16xf32> to vector<16xf32>
          %mul3A_1801 = arith.mulf %get3A_1800, %get3A_157 : vector<16xf32>
          %gt3A_1802 = arith.cmpf ogt, %mul3A_1792, %max3A_1741 : vector<16xf32>
          %gt3A_1803 = arith.cmpf ogt, %mul3A_1792, %select_n3A_1743 : vector<16xf32>
          %gt3A_1804 = arith.cmpf ogt, %mul3A_1792, %select_n3A_1745 : vector<16xf32>
          %gt3A_1805 = arith.cmpf ogt, %mul3A_1792, %select_n3A_1747 : vector<16xf32>
          %gt3A_1806 = arith.cmpf ogt, %mul3A_1792, %select_n3A_1749 : vector<16xf32>
          %gt3A_1807 = arith.cmpf ogt, %mul3A_1792, %select_n3A_1751 : vector<16xf32>
          %gt3A_1808 = arith.cmpf ogt, %mul3A_1792, %select_n3A_1753 : vector<16xf32>
          %max3A_1809 = arith.maximumf %max3A_1741, %mul3A_1792 : vector<16xf32>
          %max3A_1810 = arith.maximumf %mul3A_1792, %select_n3A_1743 : vector<16xf32>
          %select_n3A_1811 = arith.select %gt3A_1802, %max3A_1741, %max3A_1810 : vector<16xi1>, vector<16xf32>
          %max3A_1812 = arith.maximumf %mul3A_1792, %select_n3A_1745 : vector<16xf32>
          %select_n3A_1813 = arith.select %gt3A_1803, %select_n3A_1743, %max3A_1812 : vector<16xi1>, vector<16xf32>
          %max3A_1814 = arith.maximumf %mul3A_1792, %select_n3A_1747 : vector<16xf32>
          %select_n3A_1815 = arith.select %gt3A_1804, %select_n3A_1745, %max3A_1814 : vector<16xi1>, vector<16xf32>
          %max3A_1816 = arith.maximumf %mul3A_1792, %select_n3A_1749 : vector<16xf32>
          %select_n3A_1817 = arith.select %gt3A_1805, %select_n3A_1747, %max3A_1816 : vector<16xi1>, vector<16xf32>
          %max3A_1818 = arith.maximumf %mul3A_1792, %select_n3A_1751 : vector<16xf32>
          %select_n3A_1819 = arith.select %gt3A_1806, %select_n3A_1749, %max3A_1818 : vector<16xi1>, vector<16xf32>
          %max3A_1820 = arith.maximumf %mul3A_1792, %select_n3A_1753 : vector<16xf32>
          %select_n3A_1821 = arith.select %gt3A_1807, %select_n3A_1751, %max3A_1820 : vector<16xi1>, vector<16xf32>
          %max3A_1822 = arith.maximumf %mul3A_1792, %select_n3A_1755 : vector<16xf32>
          %select_n3A_1823 = arith.select %gt3A_1808, %select_n3A_1753, %max3A_1822 : vector<16xi1>, vector<16xf32>
          %broadcast_in_dim3A_1824 = vector.broadcast %scan3A_1783 : i32 to vector<16xi32>
          %select_n3A_1825 = arith.select %gt3A_1802, %broadcast_in_dim3A_1824, %select_n3A_1757 : vector<16xi1>, vector<16xi32>
          %gt3A_1826 = arith.cmpf ogt, %mul3A_1801, %max3A_1765 : vector<16xf32>
          %gt3A_1827 = arith.cmpf ogt, %mul3A_1801, %select_n3A_1767 : vector<16xf32>
          %gt3A_1828 = arith.cmpf ogt, %mul3A_1801, %select_n3A_1769 : vector<16xf32>
          %gt3A_1829 = arith.cmpf ogt, %mul3A_1801, %select_n3A_1771 : vector<16xf32>
          %gt3A_1830 = arith.cmpf ogt, %mul3A_1801, %select_n3A_1773 : vector<16xf32>
          %gt3A_1831 = arith.cmpf ogt, %mul3A_1801, %select_n3A_1775 : vector<16xf32>
          %gt3A_1832 = arith.cmpf ogt, %mul3A_1801, %select_n3A_1777 : vector<16xf32>
          %max3A_1833 = arith.maximumf %max3A_1765, %mul3A_1801 : vector<16xf32>
          %max3A_1834 = arith.maximumf %mul3A_1801, %select_n3A_1767 : vector<16xf32>
          %select_n3A_1835 = arith.select %gt3A_1826, %max3A_1765, %max3A_1834 : vector<16xi1>, vector<16xf32>
          %max3A_1836 = arith.maximumf %mul3A_1801, %select_n3A_1769 : vector<16xf32>
          %select_n3A_1837 = arith.select %gt3A_1827, %select_n3A_1767, %max3A_1836 : vector<16xi1>, vector<16xf32>
          %max3A_1838 = arith.maximumf %mul3A_1801, %select_n3A_1771 : vector<16xf32>
          %select_n3A_1839 = arith.select %gt3A_1828, %select_n3A_1769, %max3A_1838 : vector<16xi1>, vector<16xf32>
          %max3A_1840 = arith.maximumf %mul3A_1801, %select_n3A_1773 : vector<16xf32>
          %select_n3A_1841 = arith.select %gt3A_1829, %select_n3A_1771, %max3A_1840 : vector<16xi1>, vector<16xf32>
          %max3A_1842 = arith.maximumf %mul3A_1801, %select_n3A_1775 : vector<16xf32>
          %select_n3A_1843 = arith.select %gt3A_1830, %select_n3A_1773, %max3A_1842 : vector<16xi1>, vector<16xf32>
          %max3A_1844 = arith.maximumf %mul3A_1801, %select_n3A_1777 : vector<16xf32>
          %select_n3A_1845 = arith.select %gt3A_1831, %select_n3A_1775, %max3A_1844 : vector<16xi1>, vector<16xf32>
          %max3A_1846 = arith.maximumf %mul3A_1801, %select_n3A_1779 : vector<16xf32>
          %select_n3A_1847 = arith.select %gt3A_1832, %select_n3A_1777, %max3A_1846 : vector<16xi1>, vector<16xf32>
          %broadcast_in_dim3A_1848 = vector.broadcast %scan3A_1783 : i32 to vector<16xi32>
          %select_n3A_1849 = arith.select %gt3A_1826, %broadcast_in_dim3A_1848, %select_n3A_1781 : vector<16xi1>, vector<16xi32>
          %scan3A_1850 = arith.constant 23 : i32
          %scan3A_1851 = arith.addi %scan3A_271, %scan3A_1850 : i32
          %get3A_1852 = arith.constant 0 : i32
          %get3A_1853 = arith.constant 0 : i32
          %get3A_1854 = tpu.memref_slice %arg6[%rem3A_101, %get3A_1852, %get3A_1853] : memref<2x128x256xf32, #tpu.memory_space<vmem>> -> memref<1x128x256xf32, #tpu.memory_space<vmem>>
          %get3A_1855 = tpu.memref_squeeze %get3A_1854 : memref<1x128x256xf32, #tpu.memory_space<vmem>> -> memref<128x256xf32, #tpu.memory_space<vmem>>
          %get3A_1856 = arith.index_cast %scan3A_1851 : i32 to index
          %get3A_1857 = arith.index_cast %add3A_136 : i32 to index
          %get3A_1858 = tpu.vector_load %get3A_1855[%get3A_1856, %get3A_1857] {strides = array<i32>} : memref<128x256xf32, #tpu.memory_space<vmem>>, vector<1x16xf32>,
          %get3A_1859 = vector.shape_cast %get3A_1858 : vector<1x16xf32> to vector<16xf32>
          %mul3A_1860 = arith.mulf %get3A_1859, %get3A_154 : vector<16xf32>
          %get3A_1861 = arith.constant 0 : i32
          %get3A_1862 = arith.constant 0 : i32
          %get3A_1863 = tpu.memref_slice %arg6[%rem3A_101, %get3A_1861, %get3A_1862] : memref<2x128x256xf32, #tpu.memory_space<vmem>> -> memref<1x128x256xf32, #tpu.memory_space<vmem>>
          %get3A_1864 = tpu.memref_squeeze %get3A_1863 : memref<1x128x256xf32, #tpu.memory_space<vmem>> -> memref<128x256xf32, #tpu.memory_space<vmem>>
          %get3A_1865 = arith.index_cast %scan3A_1851 : i32 to index
          %get3A_1866 = arith.index_cast %add3A_140 : i32 to index
          %get3A_1867 = tpu.vector_load %get3A_1864[%get3A_1865, %get3A_1866] {strides = array<i32>} : memref<128x256xf32, #tpu.memory_space<vmem>>, vector<1x16xf32>,
          %get3A_1868 = vector.shape_cast %get3A_1867 : vector<1x16xf32> to vector<16xf32>
          %mul3A_1869 = arith.mulf %get3A_1868, %get3A_157 : vector<16xf32>
          %gt3A_1870 = arith.cmpf ogt, %mul3A_1860, %max3A_1809 : vector<16xf32>
          %gt3A_1871 = arith.cmpf ogt, %mul3A_1860, %select_n3A_1811 : vector<16xf32>
          %gt3A_1872 = arith.cmpf ogt, %mul3A_1860, %select_n3A_1813 : vector<16xf32>
          %gt3A_1873 = arith.cmpf ogt, %mul3A_1860, %select_n3A_1815 : vector<16xf32>
          %gt3A_1874 = arith.cmpf ogt, %mul3A_1860, %select_n3A_1817 : vector<16xf32>
          %gt3A_1875 = arith.cmpf ogt, %mul3A_1860, %select_n3A_1819 : vector<16xf32>
          %gt3A_1876 = arith.cmpf ogt, %mul3A_1860, %select_n3A_1821 : vector<16xf32>
          %max3A_1877 = arith.maximumf %max3A_1809, %mul3A_1860 : vector<16xf32>
          %max3A_1878 = arith.maximumf %mul3A_1860, %select_n3A_1811 : vector<16xf32>
          %select_n3A_1879 = arith.select %gt3A_1870, %max3A_1809, %max3A_1878 : vector<16xi1>, vector<16xf32>
          %max3A_1880 = arith.maximumf %mul3A_1860, %select_n3A_1813 : vector<16xf32>
          %select_n3A_1881 = arith.select %gt3A_1871, %select_n3A_1811, %max3A_1880 : vector<16xi1>, vector<16xf32>
          %max3A_1882 = arith.maximumf %mul3A_1860, %select_n3A_1815 : vector<16xf32>
          %select_n3A_1883 = arith.select %gt3A_1872, %select_n3A_1813, %max3A_1882 : vector<16xi1>, vector<16xf32>
          %max3A_1884 = arith.maximumf %mul3A_1860, %select_n3A_1817 : vector<16xf32>
          %select_n3A_1885 = arith.select %gt3A_1873, %select_n3A_1815, %max3A_1884 : vector<16xi1>, vector<16xf32>
          %max3A_1886 = arith.maximumf %mul3A_1860, %select_n3A_1819 : vector<16xf32>
          %select_n3A_1887 = arith.select %gt3A_1874, %select_n3A_1817, %max3A_1886 : vector<16xi1>, vector<16xf32>
          %max3A_1888 = arith.maximumf %mul3A_1860, %select_n3A_1821 : vector<16xf32>
          %select_n3A_1889 = arith.select %gt3A_1875, %select_n3A_1819, %max3A_1888 : vector<16xi1>, vector<16xf32>
          %max3A_1890 = arith.maximumf %mul3A_1860, %select_n3A_1823 : vector<16xf32>
          %select_n3A_1891 = arith.select %gt3A_1876, %select_n3A_1821, %max3A_1890 : vector<16xi1>, vector<16xf32>
          %broadcast_in_dim3A_1892 = vector.broadcast %scan3A_1851 : i32 to vector<16xi32>
          %select_n3A_1893 = arith.select %gt3A_1870, %broadcast_in_dim3A_1892, %select_n3A_1825 : vector<16xi1>, vector<16xi32>
          %gt3A_1894 = arith.cmpf ogt, %mul3A_1869, %max3A_1833 : vector<16xf32>
          %gt3A_1895 = arith.cmpf ogt, %mul3A_1869, %select_n3A_1835 : vector<16xf32>
          %gt3A_1896 = arith.cmpf ogt, %mul3A_1869, %select_n3A_1837 : vector<16xf32>
          %gt3A_1897 = arith.cmpf ogt, %mul3A_1869, %select_n3A_1839 : vector<16xf32>
          %gt3A_1898 = arith.cmpf ogt, %mul3A_1869, %select_n3A_1841 : vector<16xf32>
          %gt3A_1899 = arith.cmpf ogt, %mul3A_1869, %select_n3A_1843 : vector<16xf32>
          %gt3A_1900 = arith.cmpf ogt, %mul3A_1869, %select_n3A_1845 : vector<16xf32>
          %max3A_1901 = arith.maximumf %max3A_1833, %mul3A_1869 : vector<16xf32>
          %max3A_1902 = arith.maximumf %mul3A_1869, %select_n3A_1835 : vector<16xf32>
          %select_n3A_1903 = arith.select %gt3A_1894, %max3A_1833, %max3A_1902 : vector<16xi1>, vector<16xf32>
          %max3A_1904 = arith.maximumf %mul3A_1869, %select_n3A_1837 : vector<16xf32>
          %select_n3A_1905 = arith.select %gt3A_1895, %select_n3A_1835, %max3A_1904 : vector<16xi1>, vector<16xf32>
          %max3A_1906 = arith.maximumf %mul3A_1869, %select_n3A_1839 : vector<16xf32>
          %select_n3A_1907 = arith.select %gt3A_1896, %select_n3A_1837, %max3A_1906 : vector<16xi1>, vector<16xf32>
          %max3A_1908 = arith.maximumf %mul3A_1869, %select_n3A_1841 : vector<16xf32>
          %select_n3A_1909 = arith.select %gt3A_1897, %select_n3A_1839, %max3A_1908 : vector<16xi1>, vector<16xf32>
          %max3A_1910 = arith.maximumf %mul3A_1869, %select_n3A_1843 : vector<16xf32>
          %select_n3A_1911 = arith.select %gt3A_1898, %select_n3A_1841, %max3A_1910 : vector<16xi1>, vector<16xf32>
          %max3A_1912 = arith.maximumf %mul3A_1869, %select_n3A_1845 : vector<16xf32>
          %select_n3A_1913 = arith.select %gt3A_1899, %select_n3A_1843, %max3A_1912 : vector<16xi1>, vector<16xf32>
          %max3A_1914 = arith.maximumf %mul3A_1869, %select_n3A_1847 : vector<16xf32>
          %select_n3A_1915 = arith.select %gt3A_1900, %select_n3A_1845, %max3A_1914 : vector<16xi1>, vector<16xf32>
          %broadcast_in_dim3A_1916 = vector.broadcast %scan3A_1851 : i32 to vector<16xi32>
          %select_n3A_1917 = arith.select %gt3A_1894, %broadcast_in_dim3A_1916, %select_n3A_1849 : vector<16xi1>, vector<16xi32>
          %scan3A_1918 = arith.constant 24 : i32
          %scan3A_1919 = arith.addi %scan3A_271, %scan3A_1918 : i32
          %get3A_1920 = arith.constant 0 : i32
          %get3A_1921 = arith.constant 0 : i32
          %get3A_1922 = tpu.memref_slice %arg6[%rem3A_101, %get3A_1920, %get3A_1921] : memref<2x128x256xf32, #tpu.memory_space<vmem>> -> memref<1x128x256xf32, #tpu.memory_space<vmem>>
          %get3A_1923 = tpu.memref_squeeze %get3A_1922 : memref<1x128x256xf32, #tpu.memory_space<vmem>> -> memref<128x256xf32, #tpu.memory_space<vmem>>
          %get3A_1924 = arith.index_cast %scan3A_1919 : i32 to index
          %get3A_1925 = arith.index_cast %add3A_136 : i32 to index
          %get3A_1926 = tpu.vector_load %get3A_1923[%get3A_1924, %get3A_1925] {strides = array<i32>} : memref<128x256xf32, #tpu.memory_space<vmem>>, vector<1x16xf32>,
          %get3A_1927 = vector.shape_cast %get3A_1926 : vector<1x16xf32> to vector<16xf32>
          %mul3A_1928 = arith.mulf %get3A_1927, %get3A_154 : vector<16xf32>
          %get3A_1929 = arith.constant 0 : i32
          %get3A_1930 = arith.constant 0 : i32
          %get3A_1931 = tpu.memref_slice %arg6[%rem3A_101, %get3A_1929, %get3A_1930] : memref<2x128x256xf32, #tpu.memory_space<vmem>> -> memref<1x128x256xf32, #tpu.memory_space<vmem>>
          %get3A_1932 = tpu.memref_squeeze %get3A_1931 : memref<1x128x256xf32, #tpu.memory_space<vmem>> -> memref<128x256xf32, #tpu.memory_space<vmem>>
          %get3A_1933 = arith.index_cast %scan3A_1919 : i32 to index
          %get3A_1934 = arith.index_cast %add3A_140 : i32 to index
          %get3A_1935 = tpu.vector_load %get3A_1932[%get3A_1933, %get3A_1934] {strides = array<i32>} : memref<128x256xf32, #tpu.memory_space<vmem>>, vector<1x16xf32>,
          %get3A_1936 = vector.shape_cast %get3A_1935 : vector<1x16xf32> to vector<16xf32>
          %mul3A_1937 = arith.mulf %get3A_1936, %get3A_157 : vector<16xf32>
          %gt3A_1938 = arith.cmpf ogt, %mul3A_1928, %max3A_1877 : vector<16xf32>
          %gt3A_1939 = arith.cmpf ogt, %mul3A_1928, %select_n3A_1879 : vector<16xf32>
          %gt3A_1940 = arith.cmpf ogt, %mul3A_1928, %select_n3A_1881 : vector<16xf32>
          %gt3A_1941 = arith.cmpf ogt, %mul3A_1928, %select_n3A_1883 : vector<16xf32>
          %gt3A_1942 = arith.cmpf ogt, %mul3A_1928, %select_n3A_1885 : vector<16xf32>
          %gt3A_1943 = arith.cmpf ogt, %mul3A_1928, %select_n3A_1887 : vector<16xf32>
          %gt3A_1944 = arith.cmpf ogt, %mul3A_1928, %select_n3A_1889 : vector<16xf32>
          %max3A_1945 = arith.maximumf %max3A_1877, %mul3A_1928 : vector<16xf32>
          %max3A_1946 = arith.maximumf %mul3A_1928, %select_n3A_1879 : vector<16xf32>
          %select_n3A_1947 = arith.select %gt3A_1938, %max3A_1877, %max3A_1946 : vector<16xi1>, vector<16xf32>
          %max3A_1948 = arith.maximumf %mul3A_1928, %select_n3A_1881 : vector<16xf32>
          %select_n3A_1949 = arith.select %gt3A_1939, %select_n3A_1879, %max3A_1948 : vector<16xi1>, vector<16xf32>
          %max3A_1950 = arith.maximumf %mul3A_1928, %select_n3A_1883 : vector<16xf32>
          %select_n3A_1951 = arith.select %gt3A_1940, %select_n3A_1881, %max3A_1950 : vector<16xi1>, vector<16xf32>
          %max3A_1952 = arith.maximumf %mul3A_1928, %select_n3A_1885 : vector<16xf32>
          %select_n3A_1953 = arith.select %gt3A_1941, %select_n3A_1883, %max3A_1952 : vector<16xi1>, vector<16xf32>
          %max3A_1954 = arith.maximumf %mul3A_1928, %select_n3A_1887 : vector<16xf32>
          %select_n3A_1955 = arith.select %gt3A_1942, %select_n3A_1885, %max3A_1954 : vector<16xi1>, vector<16xf32>
          %max3A_1956 = arith.maximumf %mul3A_1928, %select_n3A_1889 : vector<16xf32>
          %select_n3A_1957 = arith.select %gt3A_1943, %select_n3A_1887, %max3A_1956 : vector<16xi1>, vector<16xf32>
          %max3A_1958 = arith.maximumf %mul3A_1928, %select_n3A_1891 : vector<16xf32>
          %select_n3A_1959 = arith.select %gt3A_1944, %select_n3A_1889, %max3A_1958 : vector<16xi1>, vector<16xf32>
          %broadcast_in_dim3A_1960 = vector.broadcast %scan3A_1919 : i32 to vector<16xi32>
          %select_n3A_1961 = arith.select %gt3A_1938, %broadcast_in_dim3A_1960, %select_n3A_1893 : vector<16xi1>, vector<16xi32>
          %gt3A_1962 = arith.cmpf ogt, %mul3A_1937, %max3A_1901 : vector<16xf32>
          %gt3A_1963 = arith.cmpf ogt, %mul3A_1937, %select_n3A_1903 : vector<16xf32>
          %gt3A_1964 = arith.cmpf ogt, %mul3A_1937, %select_n3A_1905 : vector<16xf32>
          %gt3A_1965 = arith.cmpf ogt, %mul3A_1937, %select_n3A_1907 : vector<16xf32>
          %gt3A_1966 = arith.cmpf ogt, %mul3A_1937, %select_n3A_1909 : vector<16xf32>
          %gt3A_1967 = arith.cmpf ogt, %mul3A_1937, %select_n3A_1911 : vector<16xf32>
          %gt3A_1968 = arith.cmpf ogt, %mul3A_1937, %select_n3A_1913 : vector<16xf32>
          %max3A_1969 = arith.maximumf %max3A_1901, %mul3A_1937 : vector<16xf32>
          %max3A_1970 = arith.maximumf %mul3A_1937, %select_n3A_1903 : vector<16xf32>
          %select_n3A_1971 = arith.select %gt3A_1962, %max3A_1901, %max3A_1970 : vector<16xi1>, vector<16xf32>
          %max3A_1972 = arith.maximumf %mul3A_1937, %select_n3A_1905 : vector<16xf32>
          %select_n3A_1973 = arith.select %gt3A_1963, %select_n3A_1903, %max3A_1972 : vector<16xi1>, vector<16xf32>
          %max3A_1974 = arith.maximumf %mul3A_1937, %select_n3A_1907 : vector<16xf32>
          %select_n3A_1975 = arith.select %gt3A_1964, %select_n3A_1905, %max3A_1974 : vector<16xi1>, vector<16xf32>
          %max3A_1976 = arith.maximumf %mul3A_1937, %select_n3A_1909 : vector<16xf32>
          %select_n3A_1977 = arith.select %gt3A_1965, %select_n3A_1907, %max3A_1976 : vector<16xi1>, vector<16xf32>
          %max3A_1978 = arith.maximumf %mul3A_1937, %select_n3A_1911 : vector<16xf32>
          %select_n3A_1979 = arith.select %gt3A_1966, %select_n3A_1909, %max3A_1978 : vector<16xi1>, vector<16xf32>
          %max3A_1980 = arith.maximumf %mul3A_1937, %select_n3A_1913 : vector<16xf32>
          %select_n3A_1981 = arith.select %gt3A_1967, %select_n3A_1911, %max3A_1980 : vector<16xi1>, vector<16xf32>
          %max3A_1982 = arith.maximumf %mul3A_1937, %select_n3A_1915 : vector<16xf32>
          %select_n3A_1983 = arith.select %gt3A_1968, %select_n3A_1913, %max3A_1982 : vector<16xi1>, vector<16xf32>
          %broadcast_in_dim3A_1984 = vector.broadcast %scan3A_1919 : i32 to vector<16xi32>
          %select_n3A_1985 = arith.select %gt3A_1962, %broadcast_in_dim3A_1984, %select_n3A_1917 : vector<16xi1>, vector<16xi32>
          %scan3A_1986 = arith.constant 25 : i32
          %scan3A_1987 = arith.addi %scan3A_271, %scan3A_1986 : i32
          %get3A_1988 = arith.constant 0 : i32
          %get3A_1989 = arith.constant 0 : i32
          %get3A_1990 = tpu.memref_slice %arg6[%rem3A_101, %get3A_1988, %get3A_1989] : memref<2x128x256xf32, #tpu.memory_space<vmem>> -> memref<1x128x256xf32, #tpu.memory_space<vmem>>
          %get3A_1991 = tpu.memref_squeeze %get3A_1990 : memref<1x128x256xf32, #tpu.memory_space<vmem>> -> memref<128x256xf32, #tpu.memory_space<vmem>>
          %get3A_1992 = arith.index_cast %scan3A_1987 : i32 to index
          %get3A_1993 = arith.index_cast %add3A_136 : i32 to index
          %get3A_1994 = tpu.vector_load %get3A_1991[%get3A_1992, %get3A_1993] {strides = array<i32>} : memref<128x256xf32, #tpu.memory_space<vmem>>, vector<1x16xf32>,
          %get3A_1995 = vector.shape_cast %get3A_1994 : vector<1x16xf32> to vector<16xf32>
          %mul3A_1996 = arith.mulf %get3A_1995, %get3A_154 : vector<16xf32>
          %get3A_1997 = arith.constant 0 : i32
          %get3A_1998 = arith.constant 0 : i32
          %get3A_1999 = tpu.memref_slice %arg6[%rem3A_101, %get3A_1997, %get3A_1998] : memref<2x128x256xf32, #tpu.memory_space<vmem>> -> memref<1x128x256xf32, #tpu.memory_space<vmem>>
          %get3A_2000 = tpu.memref_squeeze %get3A_1999 : memref<1x128x256xf32, #tpu.memory_space<vmem>> -> memref<128x256xf32, #tpu.memory_space<vmem>>
          %get3A_2001 = arith.index_cast %scan3A_1987 : i32 to index
          %get3A_2002 = arith.index_cast %add3A_140 : i32 to index
          %get3A_2003 = tpu.vector_load %get3A_2000[%get3A_2001, %get3A_2002] {strides = array<i32>} : memref<128x256xf32, #tpu.memory_space<vmem>>, vector<1x16xf32>,
          %get3A_2004 = vector.shape_cast %get3A_2003 : vector<1x16xf32> to vector<16xf32>
          %mul3A_2005 = arith.mulf %get3A_2004, %get3A_157 : vector<16xf32>
          %gt3A_2006 = arith.cmpf ogt, %mul3A_1996, %max3A_1945 : vector<16xf32>
          %gt3A_2007 = arith.cmpf ogt, %mul3A_1996, %select_n3A_1947 : vector<16xf32>
          %gt3A_2008 = arith.cmpf ogt, %mul3A_1996, %select_n3A_1949 : vector<16xf32>
          %gt3A_2009 = arith.cmpf ogt, %mul3A_1996, %select_n3A_1951 : vector<16xf32>
          %gt3A_2010 = arith.cmpf ogt, %mul3A_1996, %select_n3A_1953 : vector<16xf32>
          %gt3A_2011 = arith.cmpf ogt, %mul3A_1996, %select_n3A_1955 : vector<16xf32>
          %gt3A_2012 = arith.cmpf ogt, %mul3A_1996, %select_n3A_1957 : vector<16xf32>
          %max3A_2013 = arith.maximumf %max3A_1945, %mul3A_1996 : vector<16xf32>
          %max3A_2014 = arith.maximumf %mul3A_1996, %select_n3A_1947 : vector<16xf32>
          %select_n3A_2015 = arith.select %gt3A_2006, %max3A_1945, %max3A_2014 : vector<16xi1>, vector<16xf32>
          %max3A_2016 = arith.maximumf %mul3A_1996, %select_n3A_1949 : vector<16xf32>
          %select_n3A_2017 = arith.select %gt3A_2007, %select_n3A_1947, %max3A_2016 : vector<16xi1>, vector<16xf32>
          %max3A_2018 = arith.maximumf %mul3A_1996, %select_n3A_1951 : vector<16xf32>
          %select_n3A_2019 = arith.select %gt3A_2008, %select_n3A_1949, %max3A_2018 : vector<16xi1>, vector<16xf32>
          %max3A_2020 = arith.maximumf %mul3A_1996, %select_n3A_1953 : vector<16xf32>
          %select_n3A_2021 = arith.select %gt3A_2009, %select_n3A_1951, %max3A_2020 : vector<16xi1>, vector<16xf32>
          %max3A_2022 = arith.maximumf %mul3A_1996, %select_n3A_1955 : vector<16xf32>
          %select_n3A_2023 = arith.select %gt3A_2010, %select_n3A_1953, %max3A_2022 : vector<16xi1>, vector<16xf32>
          %max3A_2024 = arith.maximumf %mul3A_1996, %select_n3A_1957 : vector<16xf32>
          %select_n3A_2025 = arith.select %gt3A_2011, %select_n3A_1955, %max3A_2024 : vector<16xi1>, vector<16xf32>
          %max3A_2026 = arith.maximumf %mul3A_1996, %select_n3A_1959 : vector<16xf32>
          %select_n3A_2027 = arith.select %gt3A_2012, %select_n3A_1957, %max3A_2026 : vector<16xi1>, vector<16xf32>
          %broadcast_in_dim3A_2028 = vector.broadcast %scan3A_1987 : i32 to vector<16xi32>
          %select_n3A_2029 = arith.select %gt3A_2006, %broadcast_in_dim3A_2028, %select_n3A_1961 : vector<16xi1>, vector<16xi32>
          %gt3A_2030 = arith.cmpf ogt, %mul3A_2005, %max3A_1969 : vector<16xf32>
          %gt3A_2031 = arith.cmpf ogt, %mul3A_2005, %select_n3A_1971 : vector<16xf32>
          %gt3A_2032 = arith.cmpf ogt, %mul3A_2005, %select_n3A_1973 : vector<16xf32>
          %gt3A_2033 = arith.cmpf ogt, %mul3A_2005, %select_n3A_1975 : vector<16xf32>
          %gt3A_2034 = arith.cmpf ogt, %mul3A_2005, %select_n3A_1977 : vector<16xf32>
          %gt3A_2035 = arith.cmpf ogt, %mul3A_2005, %select_n3A_1979 : vector<16xf32>
          %gt3A_2036 = arith.cmpf ogt, %mul3A_2005, %select_n3A_1981 : vector<16xf32>
          %max3A_2037 = arith.maximumf %max3A_1969, %mul3A_2005 : vector<16xf32>
          %max3A_2038 = arith.maximumf %mul3A_2005, %select_n3A_1971 : vector<16xf32>
          %select_n3A_2039 = arith.select %gt3A_2030, %max3A_1969, %max3A_2038 : vector<16xi1>, vector<16xf32>
          %max3A_2040 = arith.maximumf %mul3A_2005, %select_n3A_1973 : vector<16xf32>
          %select_n3A_2041 = arith.select %gt3A_2031, %select_n3A_1971, %max3A_2040 : vector<16xi1>, vector<16xf32>
          %max3A_2042 = arith.maximumf %mul3A_2005, %select_n3A_1975 : vector<16xf32>
          %select_n3A_2043 = arith.select %gt3A_2032, %select_n3A_1973, %max3A_2042 : vector<16xi1>, vector<16xf32>
          %max3A_2044 = arith.maximumf %mul3A_2005, %select_n3A_1977 : vector<16xf32>
          %select_n3A_2045 = arith.select %gt3A_2033, %select_n3A_1975, %max3A_2044 : vector<16xi1>, vector<16xf32>
          %max3A_2046 = arith.maximumf %mul3A_2005, %select_n3A_1979 : vector<16xf32>
          %select_n3A_2047 = arith.select %gt3A_2034, %select_n3A_1977, %max3A_2046 : vector<16xi1>, vector<16xf32>
          %max3A_2048 = arith.maximumf %mul3A_2005, %select_n3A_1981 : vector<16xf32>
          %select_n3A_2049 = arith.select %gt3A_2035, %select_n3A_1979, %max3A_2048 : vector<16xi1>, vector<16xf32>
          %max3A_2050 = arith.maximumf %mul3A_2005, %select_n3A_1983 : vector<16xf32>
          %select_n3A_2051 = arith.select %gt3A_2036, %select_n3A_1981, %max3A_2050 : vector<16xi1>, vector<16xf32>
          %broadcast_in_dim3A_2052 = vector.broadcast %scan3A_1987 : i32 to vector<16xi32>
          %select_n3A_2053 = arith.select %gt3A_2030, %broadcast_in_dim3A_2052, %select_n3A_1985 : vector<16xi1>, vector<16xi32>
          %scan3A_2054 = arith.constant 26 : i32
          %scan3A_2055 = arith.addi %scan3A_271, %scan3A_2054 : i32
          %get3A_2056 = arith.constant 0 : i32
          %get3A_2057 = arith.constant 0 : i32
          %get3A_2058 = tpu.memref_slice %arg6[%rem3A_101, %get3A_2056, %get3A_2057] : memref<2x128x256xf32, #tpu.memory_space<vmem>> -> memref<1x128x256xf32, #tpu.memory_space<vmem>>
          %get3A_2059 = tpu.memref_squeeze %get3A_2058 : memref<1x128x256xf32, #tpu.memory_space<vmem>> -> memref<128x256xf32, #tpu.memory_space<vmem>>
          %get3A_2060 = arith.index_cast %scan3A_2055 : i32 to index
          %get3A_2061 = arith.index_cast %add3A_136 : i32 to index
          %get3A_2062 = tpu.vector_load %get3A_2059[%get3A_2060, %get3A_2061] {strides = array<i32>} : memref<128x256xf32, #tpu.memory_space<vmem>>, vector<1x16xf32>,
          %get3A_2063 = vector.shape_cast %get3A_2062 : vector<1x16xf32> to vector<16xf32>
          %mul3A_2064 = arith.mulf %get3A_2063, %get3A_154 : vector<16xf32>
          %get3A_2065 = arith.constant 0 : i32
          %get3A_2066 = arith.constant 0 : i32
          %get3A_2067 = tpu.memref_slice %arg6[%rem3A_101, %get3A_2065, %get3A_2066] : memref<2x128x256xf32, #tpu.memory_space<vmem>> -> memref<1x128x256xf32, #tpu.memory_space<vmem>>
          %get3A_2068 = tpu.memref_squeeze %get3A_2067 : memref<1x128x256xf32, #tpu.memory_space<vmem>> -> memref<128x256xf32, #tpu.memory_space<vmem>>
          %get3A_2069 = arith.index_cast %scan3A_2055 : i32 to index
          %get3A_2070 = arith.index_cast %add3A_140 : i32 to index
          %get3A_2071 = tpu.vector_load %get3A_2068[%get3A_2069, %get3A_2070] {strides = array<i32>} : memref<128x256xf32, #tpu.memory_space<vmem>>, vector<1x16xf32>,
          %get3A_2072 = vector.shape_cast %get3A_2071 : vector<1x16xf32> to vector<16xf32>
          %mul3A_2073 = arith.mulf %get3A_2072, %get3A_157 : vector<16xf32>
          %gt3A_2074 = arith.cmpf ogt, %mul3A_2064, %max3A_2013 : vector<16xf32>
          %gt3A_2075 = arith.cmpf ogt, %mul3A_2064, %select_n3A_2015 : vector<16xf32>
          %gt3A_2076 = arith.cmpf ogt, %mul3A_2064, %select_n3A_2017 : vector<16xf32>
          %gt3A_2077 = arith.cmpf ogt, %mul3A_2064, %select_n3A_2019 : vector<16xf32>
          %gt3A_2078 = arith.cmpf ogt, %mul3A_2064, %select_n3A_2021 : vector<16xf32>
          %gt3A_2079 = arith.cmpf ogt, %mul3A_2064, %select_n3A_2023 : vector<16xf32>
          %gt3A_2080 = arith.cmpf ogt, %mul3A_2064, %select_n3A_2025 : vector<16xf32>
          %max3A_2081 = arith.maximumf %max3A_2013, %mul3A_2064 : vector<16xf32>
          %max3A_2082 = arith.maximumf %mul3A_2064, %select_n3A_2015 : vector<16xf32>
          %select_n3A_2083 = arith.select %gt3A_2074, %max3A_2013, %max3A_2082 : vector<16xi1>, vector<16xf32>
          %max3A_2084 = arith.maximumf %mul3A_2064, %select_n3A_2017 : vector<16xf32>
          %select_n3A_2085 = arith.select %gt3A_2075, %select_n3A_2015, %max3A_2084 : vector<16xi1>, vector<16xf32>
          %max3A_2086 = arith.maximumf %mul3A_2064, %select_n3A_2019 : vector<16xf32>
          %select_n3A_2087 = arith.select %gt3A_2076, %select_n3A_2017, %max3A_2086 : vector<16xi1>, vector<16xf32>
          %max3A_2088 = arith.maximumf %mul3A_2064, %select_n3A_2021 : vector<16xf32>
          %select_n3A_2089 = arith.select %gt3A_2077, %select_n3A_2019, %max3A_2088 : vector<16xi1>, vector<16xf32>
          %max3A_2090 = arith.maximumf %mul3A_2064, %select_n3A_2023 : vector<16xf32>
          %select_n3A_2091 = arith.select %gt3A_2078, %select_n3A_2021, %max3A_2090 : vector<16xi1>, vector<16xf32>
          %max3A_2092 = arith.maximumf %mul3A_2064, %select_n3A_2025 : vector<16xf32>
          %select_n3A_2093 = arith.select %gt3A_2079, %select_n3A_2023, %max3A_2092 : vector<16xi1>, vector<16xf32>
          %max3A_2094 = arith.maximumf %mul3A_2064, %select_n3A_2027 : vector<16xf32>
          %select_n3A_2095 = arith.select %gt3A_2080, %select_n3A_2025, %max3A_2094 : vector<16xi1>, vector<16xf32>
          %broadcast_in_dim3A_2096 = vector.broadcast %scan3A_2055 : i32 to vector<16xi32>
          %select_n3A_2097 = arith.select %gt3A_2074, %broadcast_in_dim3A_2096, %select_n3A_2029 : vector<16xi1>, vector<16xi32>
          %gt3A_2098 = arith.cmpf ogt, %mul3A_2073, %max3A_2037 : vector<16xf32>
          %gt3A_2099 = arith.cmpf ogt, %mul3A_2073, %select_n3A_2039 : vector<16xf32>
          %gt3A_2100 = arith.cmpf ogt, %mul3A_2073, %select_n3A_2041 : vector<16xf32>
          %gt3A_2101 = arith.cmpf ogt, %mul3A_2073, %select_n3A_2043 : vector<16xf32>
          %gt3A_2102 = arith.cmpf ogt, %mul3A_2073, %select_n3A_2045 : vector<16xf32>
          %gt3A_2103 = arith.cmpf ogt, %mul3A_2073, %select_n3A_2047 : vector<16xf32>
          %gt3A_2104 = arith.cmpf ogt, %mul3A_2073, %select_n3A_2049 : vector<16xf32>
          %max3A_2105 = arith.maximumf %max3A_2037, %mul3A_2073 : vector<16xf32>
          %max3A_2106 = arith.maximumf %mul3A_2073, %select_n3A_2039 : vector<16xf32>
          %select_n3A_2107 = arith.select %gt3A_2098, %max3A_2037, %max3A_2106 : vector<16xi1>, vector<16xf32>
          %max3A_2108 = arith.maximumf %mul3A_2073, %select_n3A_2041 : vector<16xf32>
          %select_n3A_2109 = arith.select %gt3A_2099, %select_n3A_2039, %max3A_2108 : vector<16xi1>, vector<16xf32>
          %max3A_2110 = arith.maximumf %mul3A_2073, %select_n3A_2043 : vector<16xf32>
          %select_n3A_2111 = arith.select %gt3A_2100, %select_n3A_2041, %max3A_2110 : vector<16xi1>, vector<16xf32>
          %max3A_2112 = arith.maximumf %mul3A_2073, %select_n3A_2045 : vector<16xf32>
          %select_n3A_2113 = arith.select %gt3A_2101, %select_n3A_2043, %max3A_2112 : vector<16xi1>, vector<16xf32>
          %max3A_2114 = arith.maximumf %mul3A_2073, %select_n3A_2047 : vector<16xf32>
          %select_n3A_2115 = arith.select %gt3A_2102, %select_n3A_2045, %max3A_2114 : vector<16xi1>, vector<16xf32>
          %max3A_2116 = arith.maximumf %mul3A_2073, %select_n3A_2049 : vector<16xf32>
          %select_n3A_2117 = arith.select %gt3A_2103, %select_n3A_2047, %max3A_2116 : vector<16xi1>, vector<16xf32>
          %max3A_2118 = arith.maximumf %mul3A_2073, %select_n3A_2051 : vector<16xf32>
          %select_n3A_2119 = arith.select %gt3A_2104, %select_n3A_2049, %max3A_2118 : vector<16xi1>, vector<16xf32>
          %broadcast_in_dim3A_2120 = vector.broadcast %scan3A_2055 : i32 to vector<16xi32>
          %select_n3A_2121 = arith.select %gt3A_2098, %broadcast_in_dim3A_2120, %select_n3A_2053 : vector<16xi1>, vector<16xi32>
          %scan3A_2122 = arith.constant 27 : i32
          %scan3A_2123 = arith.addi %scan3A_271, %scan3A_2122 : i32
          %get3A_2124 = arith.constant 0 : i32
          %get3A_2125 = arith.constant 0 : i32
          %get3A_2126 = tpu.memref_slice %arg6[%rem3A_101, %get3A_2124, %get3A_2125] : memref<2x128x256xf32, #tpu.memory_space<vmem>> -> memref<1x128x256xf32, #tpu.memory_space<vmem>>
          %get3A_2127 = tpu.memref_squeeze %get3A_2126 : memref<1x128x256xf32, #tpu.memory_space<vmem>> -> memref<128x256xf32, #tpu.memory_space<vmem>>
          %get3A_2128 = arith.index_cast %scan3A_2123 : i32 to index
          %get3A_2129 = arith.index_cast %add3A_136 : i32 to index
          %get3A_2130 = tpu.vector_load %get3A_2127[%get3A_2128, %get3A_2129] {strides = array<i32>} : memref<128x256xf32, #tpu.memory_space<vmem>>, vector<1x16xf32>,
          %get3A_2131 = vector.shape_cast %get3A_2130 : vector<1x16xf32> to vector<16xf32>
          %mul3A_2132 = arith.mulf %get3A_2131, %get3A_154 : vector<16xf32>
          %get3A_2133 = arith.constant 0 : i32
          %get3A_2134 = arith.constant 0 : i32
          %get3A_2135 = tpu.memref_slice %arg6[%rem3A_101, %get3A_2133, %get3A_2134] : memref<2x128x256xf32, #tpu.memory_space<vmem>> -> memref<1x128x256xf32, #tpu.memory_space<vmem>>
          %get3A_2136 = tpu.memref_squeeze %get3A_2135 : memref<1x128x256xf32, #tpu.memory_space<vmem>> -> memref<128x256xf32, #tpu.memory_space<vmem>>
          %get3A_2137 = arith.index_cast %scan3A_2123 : i32 to index
          %get3A_2138 = arith.index_cast %add3A_140 : i32 to index
          %get3A_2139 = tpu.vector_load %get3A_2136[%get3A_2137, %get3A_2138] {strides = array<i32>} : memref<128x256xf32, #tpu.memory_space<vmem>>, vector<1x16xf32>,
          %get3A_2140 = vector.shape_cast %get3A_2139 : vector<1x16xf32> to vector<16xf32>
          %mul3A_2141 = arith.mulf %get3A_2140, %get3A_157 : vector<16xf32>
          %gt3A_2142 = arith.cmpf ogt, %mul3A_2132, %max3A_2081 : vector<16xf32>
          %gt3A_2143 = arith.cmpf ogt, %mul3A_2132, %select_n3A_2083 : vector<16xf32>
          %gt3A_2144 = arith.cmpf ogt, %mul3A_2132, %select_n3A_2085 : vector<16xf32>
          %gt3A_2145 = arith.cmpf ogt, %mul3A_2132, %select_n3A_2087 : vector<16xf32>
          %gt3A_2146 = arith.cmpf ogt, %mul3A_2132, %select_n3A_2089 : vector<16xf32>
          %gt3A_2147 = arith.cmpf ogt, %mul3A_2132, %select_n3A_2091 : vector<16xf32>
          %gt3A_2148 = arith.cmpf ogt, %mul3A_2132, %select_n3A_2093 : vector<16xf32>
          %max3A_2149 = arith.maximumf %max3A_2081, %mul3A_2132 : vector<16xf32>
          %max3A_2150 = arith.maximumf %mul3A_2132, %select_n3A_2083 : vector<16xf32>
          %select_n3A_2151 = arith.select %gt3A_2142, %max3A_2081, %max3A_2150 : vector<16xi1>, vector<16xf32>
          %max3A_2152 = arith.maximumf %mul3A_2132, %select_n3A_2085 : vector<16xf32>
          %select_n3A_2153 = arith.select %gt3A_2143, %select_n3A_2083, %max3A_2152 : vector<16xi1>, vector<16xf32>
          %max3A_2154 = arith.maximumf %mul3A_2132, %select_n3A_2087 : vector<16xf32>
          %select_n3A_2155 = arith.select %gt3A_2144, %select_n3A_2085, %max3A_2154 : vector<16xi1>, vector<16xf32>
          %max3A_2156 = arith.maximumf %mul3A_2132, %select_n3A_2089 : vector<16xf32>
          %select_n3A_2157 = arith.select %gt3A_2145, %select_n3A_2087, %max3A_2156 : vector<16xi1>, vector<16xf32>
          %max3A_2158 = arith.maximumf %mul3A_2132, %select_n3A_2091 : vector<16xf32>
          %select_n3A_2159 = arith.select %gt3A_2146, %select_n3A_2089, %max3A_2158 : vector<16xi1>, vector<16xf32>
          %max3A_2160 = arith.maximumf %mul3A_2132, %select_n3A_2093 : vector<16xf32>
          %select_n3A_2161 = arith.select %gt3A_2147, %select_n3A_2091, %max3A_2160 : vector<16xi1>, vector<16xf32>
          %max3A_2162 = arith.maximumf %mul3A_2132, %select_n3A_2095 : vector<16xf32>
          %select_n3A_2163 = arith.select %gt3A_2148, %select_n3A_2093, %max3A_2162 : vector<16xi1>, vector<16xf32>
          %broadcast_in_dim3A_2164 = vector.broadcast %scan3A_2123 : i32 to vector<16xi32>
          %select_n3A_2165 = arith.select %gt3A_2142, %broadcast_in_dim3A_2164, %select_n3A_2097 : vector<16xi1>, vector<16xi32>
          %gt3A_2166 = arith.cmpf ogt, %mul3A_2141, %max3A_2105 : vector<16xf32>
          %gt3A_2167 = arith.cmpf ogt, %mul3A_2141, %select_n3A_2107 : vector<16xf32>
          %gt3A_2168 = arith.cmpf ogt, %mul3A_2141, %select_n3A_2109 : vector<16xf32>
          %gt3A_2169 = arith.cmpf ogt, %mul3A_2141, %select_n3A_2111 : vector<16xf32>
          %gt3A_2170 = arith.cmpf ogt, %mul3A_2141, %select_n3A_2113 : vector<16xf32>
          %gt3A_2171 = arith.cmpf ogt, %mul3A_2141, %select_n3A_2115 : vector<16xf32>
          %gt3A_2172 = arith.cmpf ogt, %mul3A_2141, %select_n3A_2117 : vector<16xf32>
          %max3A_2173 = arith.maximumf %max3A_2105, %mul3A_2141 : vector<16xf32>
          %max3A_2174 = arith.maximumf %mul3A_2141, %select_n3A_2107 : vector<16xf32>
          %select_n3A_2175 = arith.select %gt3A_2166, %max3A_2105, %max3A_2174 : vector<16xi1>, vector<16xf32>
          %max3A_2176 = arith.maximumf %mul3A_2141, %select_n3A_2109 : vector<16xf32>
          %select_n3A_2177 = arith.select %gt3A_2167, %select_n3A_2107, %max3A_2176 : vector<16xi1>, vector<16xf32>
          %max3A_2178 = arith.maximumf %mul3A_2141, %select_n3A_2111 : vector<16xf32>
          %select_n3A_2179 = arith.select %gt3A_2168, %select_n3A_2109, %max3A_2178 : vector<16xi1>, vector<16xf32>
          %max3A_2180 = arith.maximumf %mul3A_2141, %select_n3A_2113 : vector<16xf32>
          %select_n3A_2181 = arith.select %gt3A_2169, %select_n3A_2111, %max3A_2180 : vector<16xi1>, vector<16xf32>
          %max3A_2182 = arith.maximumf %mul3A_2141, %select_n3A_2115 : vector<16xf32>
          %select_n3A_2183 = arith.select %gt3A_2170, %select_n3A_2113, %max3A_2182 : vector<16xi1>, vector<16xf32>
          %max3A_2184 = arith.maximumf %mul3A_2141, %select_n3A_2117 : vector<16xf32>
          %select_n3A_2185 = arith.select %gt3A_2171, %select_n3A_2115, %max3A_2184 : vector<16xi1>, vector<16xf32>
          %max3A_2186 = arith.maximumf %mul3A_2141, %select_n3A_2119 : vector<16xf32>
          %select_n3A_2187 = arith.select %gt3A_2172, %select_n3A_2117, %max3A_2186 : vector<16xi1>, vector<16xf32>
          %broadcast_in_dim3A_2188 = vector.broadcast %scan3A_2123 : i32 to vector<16xi32>
          %select_n3A_2189 = arith.select %gt3A_2166, %broadcast_in_dim3A_2188, %select_n3A_2121 : vector<16xi1>, vector<16xi32>
          %scan3A_2190 = arith.constant 28 : i32
          %scan3A_2191 = arith.addi %scan3A_271, %scan3A_2190 : i32
          %get3A_2192 = arith.constant 0 : i32
          %get3A_2193 = arith.constant 0 : i32
          %get3A_2194 = tpu.memref_slice %arg6[%rem3A_101, %get3A_2192, %get3A_2193] : memref<2x128x256xf32, #tpu.memory_space<vmem>> -> memref<1x128x256xf32, #tpu.memory_space<vmem>>
          %get3A_2195 = tpu.memref_squeeze %get3A_2194 : memref<1x128x256xf32, #tpu.memory_space<vmem>> -> memref<128x256xf32, #tpu.memory_space<vmem>>
          %get3A_2196 = arith.index_cast %scan3A_2191 : i32 to index
          %get3A_2197 = arith.index_cast %add3A_136 : i32 to index
          %get3A_2198 = tpu.vector_load %get3A_2195[%get3A_2196, %get3A_2197] {strides = array<i32>} : memref<128x256xf32, #tpu.memory_space<vmem>>, vector<1x16xf32>,
          %get3A_2199 = vector.shape_cast %get3A_2198 : vector<1x16xf32> to vector<16xf32>
          %mul3A_2200 = arith.mulf %get3A_2199, %get3A_154 : vector<16xf32>
          %get3A_2201 = arith.constant 0 : i32
          %get3A_2202 = arith.constant 0 : i32
          %get3A_2203 = tpu.memref_slice %arg6[%rem3A_101, %get3A_2201, %get3A_2202] : memref<2x128x256xf32, #tpu.memory_space<vmem>> -> memref<1x128x256xf32, #tpu.memory_space<vmem>>
          %get3A_2204 = tpu.memref_squeeze %get3A_2203 : memref<1x128x256xf32, #tpu.memory_space<vmem>> -> memref<128x256xf32, #tpu.memory_space<vmem>>
          %get3A_2205 = arith.index_cast %scan3A_2191 : i32 to index
          %get3A_2206 = arith.index_cast %add3A_140 : i32 to index
          %get3A_2207 = tpu.vector_load %get3A_2204[%get3A_2205, %get3A_2206] {strides = array<i32>} : memref<128x256xf32, #tpu.memory_space<vmem>>, vector<1x16xf32>,
          %get3A_2208 = vector.shape_cast %get3A_2207 : vector<1x16xf32> to vector<16xf32>
          %mul3A_2209 = arith.mulf %get3A_2208, %get3A_157 : vector<16xf32>
          %gt3A_2210 = arith.cmpf ogt, %mul3A_2200, %max3A_2149 : vector<16xf32>
          %gt3A_2211 = arith.cmpf ogt, %mul3A_2200, %select_n3A_2151 : vector<16xf32>
          %gt3A_2212 = arith.cmpf ogt, %mul3A_2200, %select_n3A_2153 : vector<16xf32>
          %gt3A_2213 = arith.cmpf ogt, %mul3A_2200, %select_n3A_2155 : vector<16xf32>
          %gt3A_2214 = arith.cmpf ogt, %mul3A_2200, %select_n3A_2157 : vector<16xf32>
          %gt3A_2215 = arith.cmpf ogt, %mul3A_2200, %select_n3A_2159 : vector<16xf32>
          %gt3A_2216 = arith.cmpf ogt, %mul3A_2200, %select_n3A_2161 : vector<16xf32>
          %max3A_2217 = arith.maximumf %max3A_2149, %mul3A_2200 : vector<16xf32>
          %max3A_2218 = arith.maximumf %mul3A_2200, %select_n3A_2151 : vector<16xf32>
          %select_n3A_2219 = arith.select %gt3A_2210, %max3A_2149, %max3A_2218 : vector<16xi1>, vector<16xf32>
          %max3A_2220 = arith.maximumf %mul3A_2200, %select_n3A_2153 : vector<16xf32>
          %select_n3A_2221 = arith.select %gt3A_2211, %select_n3A_2151, %max3A_2220 : vector<16xi1>, vector<16xf32>
          %max3A_2222 = arith.maximumf %mul3A_2200, %select_n3A_2155 : vector<16xf32>
          %select_n3A_2223 = arith.select %gt3A_2212, %select_n3A_2153, %max3A_2222 : vector<16xi1>, vector<16xf32>
          %max3A_2224 = arith.maximumf %mul3A_2200, %select_n3A_2157 : vector<16xf32>
          %select_n3A_2225 = arith.select %gt3A_2213, %select_n3A_2155, %max3A_2224 : vector<16xi1>, vector<16xf32>
          %max3A_2226 = arith.maximumf %mul3A_2200, %select_n3A_2159 : vector<16xf32>
          %select_n3A_2227 = arith.select %gt3A_2214, %select_n3A_2157, %max3A_2226 : vector<16xi1>, vector<16xf32>
          %max3A_2228 = arith.maximumf %mul3A_2200, %select_n3A_2161 : vector<16xf32>
          %select_n3A_2229 = arith.select %gt3A_2215, %select_n3A_2159, %max3A_2228 : vector<16xi1>, vector<16xf32>
          %max3A_2230 = arith.maximumf %mul3A_2200, %select_n3A_2163 : vector<16xf32>
          %select_n3A_2231 = arith.select %gt3A_2216, %select_n3A_2161, %max3A_2230 : vector<16xi1>, vector<16xf32>
          %broadcast_in_dim3A_2232 = vector.broadcast %scan3A_2191 : i32 to vector<16xi32>
          %select_n3A_2233 = arith.select %gt3A_2210, %broadcast_in_dim3A_2232, %select_n3A_2165 : vector<16xi1>, vector<16xi32>
          %gt3A_2234 = arith.cmpf ogt, %mul3A_2209, %max3A_2173 : vector<16xf32>
          %gt3A_2235 = arith.cmpf ogt, %mul3A_2209, %select_n3A_2175 : vector<16xf32>
          %gt3A_2236 = arith.cmpf ogt, %mul3A_2209, %select_n3A_2177 : vector<16xf32>
          %gt3A_2237 = arith.cmpf ogt, %mul3A_2209, %select_n3A_2179 : vector<16xf32>
          %gt3A_2238 = arith.cmpf ogt, %mul3A_2209, %select_n3A_2181 : vector<16xf32>
          %gt3A_2239 = arith.cmpf ogt, %mul3A_2209, %select_n3A_2183 : vector<16xf32>
          %gt3A_2240 = arith.cmpf ogt, %mul3A_2209, %select_n3A_2185 : vector<16xf32>
          %max3A_2241 = arith.maximumf %max3A_2173, %mul3A_2209 : vector<16xf32>
          %max3A_2242 = arith.maximumf %mul3A_2209, %select_n3A_2175 : vector<16xf32>
          %select_n3A_2243 = arith.select %gt3A_2234, %max3A_2173, %max3A_2242 : vector<16xi1>, vector<16xf32>
          %max3A_2244 = arith.maximumf %mul3A_2209, %select_n3A_2177 : vector<16xf32>
          %select_n3A_2245 = arith.select %gt3A_2235, %select_n3A_2175, %max3A_2244 : vector<16xi1>, vector<16xf32>
          %max3A_2246 = arith.maximumf %mul3A_2209, %select_n3A_2179 : vector<16xf32>
          %select_n3A_2247 = arith.select %gt3A_2236, %select_n3A_2177, %max3A_2246 : vector<16xi1>, vector<16xf32>
          %max3A_2248 = arith.maximumf %mul3A_2209, %select_n3A_2181 : vector<16xf32>
          %select_n3A_2249 = arith.select %gt3A_2237, %select_n3A_2179, %max3A_2248 : vector<16xi1>, vector<16xf32>
          %max3A_2250 = arith.maximumf %mul3A_2209, %select_n3A_2183 : vector<16xf32>
          %select_n3A_2251 = arith.select %gt3A_2238, %select_n3A_2181, %max3A_2250 : vector<16xi1>, vector<16xf32>
          %max3A_2252 = arith.maximumf %mul3A_2209, %select_n3A_2185 : vector<16xf32>
          %select_n3A_2253 = arith.select %gt3A_2239, %select_n3A_2183, %max3A_2252 : vector<16xi1>, vector<16xf32>
          %max3A_2254 = arith.maximumf %mul3A_2209, %select_n3A_2187 : vector<16xf32>
          %select_n3A_2255 = arith.select %gt3A_2240, %select_n3A_2185, %max3A_2254 : vector<16xi1>, vector<16xf32>
          %broadcast_in_dim3A_2256 = vector.broadcast %scan3A_2191 : i32 to vector<16xi32>
          %select_n3A_2257 = arith.select %gt3A_2234, %broadcast_in_dim3A_2256, %select_n3A_2189 : vector<16xi1>, vector<16xi32>
          %scan3A_2258 = arith.constant 29 : i32
          %scan3A_2259 = arith.addi %scan3A_271, %scan3A_2258 : i32
          %get3A_2260 = arith.constant 0 : i32
          %get3A_2261 = arith.constant 0 : i32
          %get3A_2262 = tpu.memref_slice %arg6[%rem3A_101, %get3A_2260, %get3A_2261] : memref<2x128x256xf32, #tpu.memory_space<vmem>> -> memref<1x128x256xf32, #tpu.memory_space<vmem>>
          %get3A_2263 = tpu.memref_squeeze %get3A_2262 : memref<1x128x256xf32, #tpu.memory_space<vmem>> -> memref<128x256xf32, #tpu.memory_space<vmem>>
          %get3A_2264 = arith.index_cast %scan3A_2259 : i32 to index
          %get3A_2265 = arith.index_cast %add3A_136 : i32 to index
          %get3A_2266 = tpu.vector_load %get3A_2263[%get3A_2264, %get3A_2265] {strides = array<i32>} : memref<128x256xf32, #tpu.memory_space<vmem>>, vector<1x16xf32>,
          %get3A_2267 = vector.shape_cast %get3A_2266 : vector<1x16xf32> to vector<16xf32>
          %mul3A_2268 = arith.mulf %get3A_2267, %get3A_154 : vector<16xf32>
          %get3A_2269 = arith.constant 0 : i32
          %get3A_2270 = arith.constant 0 : i32
          %get3A_2271 = tpu.memref_slice %arg6[%rem3A_101, %get3A_2269, %get3A_2270] : memref<2x128x256xf32, #tpu.memory_space<vmem>> -> memref<1x128x256xf32, #tpu.memory_space<vmem>>
          %get3A_2272 = tpu.memref_squeeze %get3A_2271 : memref<1x128x256xf32, #tpu.memory_space<vmem>> -> memref<128x256xf32, #tpu.memory_space<vmem>>
          %get3A_2273 = arith.index_cast %scan3A_2259 : i32 to index
          %get3A_2274 = arith.index_cast %add3A_140 : i32 to index
          %get3A_2275 = tpu.vector_load %get3A_2272[%get3A_2273, %get3A_2274] {strides = array<i32>} : memref<128x256xf32, #tpu.memory_space<vmem>>, vector<1x16xf32>,
          %get3A_2276 = vector.shape_cast %get3A_2275 : vector<1x16xf32> to vector<16xf32>
          %mul3A_2277 = arith.mulf %get3A_2276, %get3A_157 : vector<16xf32>
          %gt3A_2278 = arith.cmpf ogt, %mul3A_2268, %max3A_2217 : vector<16xf32>
          %gt3A_2279 = arith.cmpf ogt, %mul3A_2268, %select_n3A_2219 : vector<16xf32>
          %gt3A_2280 = arith.cmpf ogt, %mul3A_2268, %select_n3A_2221 : vector<16xf32>
          %gt3A_2281 = arith.cmpf ogt, %mul3A_2268, %select_n3A_2223 : vector<16xf32>
          %gt3A_2282 = arith.cmpf ogt, %mul3A_2268, %select_n3A_2225 : vector<16xf32>
          %gt3A_2283 = arith.cmpf ogt, %mul3A_2268, %select_n3A_2227 : vector<16xf32>
          %gt3A_2284 = arith.cmpf ogt, %mul3A_2268, %select_n3A_2229 : vector<16xf32>
          %max3A_2285 = arith.maximumf %max3A_2217, %mul3A_2268 : vector<16xf32>
          %max3A_2286 = arith.maximumf %mul3A_2268, %select_n3A_2219 : vector<16xf32>
          %select_n3A_2287 = arith.select %gt3A_2278, %max3A_2217, %max3A_2286 : vector<16xi1>, vector<16xf32>
          %max3A_2288 = arith.maximumf %mul3A_2268, %select_n3A_2221 : vector<16xf32>
          %select_n3A_2289 = arith.select %gt3A_2279, %select_n3A_2219, %max3A_2288 : vector<16xi1>, vector<16xf32>
          %max3A_2290 = arith.maximumf %mul3A_2268, %select_n3A_2223 : vector<16xf32>
          %select_n3A_2291 = arith.select %gt3A_2280, %select_n3A_2221, %max3A_2290 : vector<16xi1>, vector<16xf32>
          %max3A_2292 = arith.maximumf %mul3A_2268, %select_n3A_2225 : vector<16xf32>
          %select_n3A_2293 = arith.select %gt3A_2281, %select_n3A_2223, %max3A_2292 : vector<16xi1>, vector<16xf32>
          %max3A_2294 = arith.maximumf %mul3A_2268, %select_n3A_2227 : vector<16xf32>
          %select_n3A_2295 = arith.select %gt3A_2282, %select_n3A_2225, %max3A_2294 : vector<16xi1>, vector<16xf32>
          %max3A_2296 = arith.maximumf %mul3A_2268, %select_n3A_2229 : vector<16xf32>
          %select_n3A_2297 = arith.select %gt3A_2283, %select_n3A_2227, %max3A_2296 : vector<16xi1>, vector<16xf32>
          %max3A_2298 = arith.maximumf %mul3A_2268, %select_n3A_2231 : vector<16xf32>
          %select_n3A_2299 = arith.select %gt3A_2284, %select_n3A_2229, %max3A_2298 : vector<16xi1>, vector<16xf32>
          %broadcast_in_dim3A_2300 = vector.broadcast %scan3A_2259 : i32 to vector<16xi32>
          %select_n3A_2301 = arith.select %gt3A_2278, %broadcast_in_dim3A_2300, %select_n3A_2233 : vector<16xi1>, vector<16xi32>
          %gt3A_2302 = arith.cmpf ogt, %mul3A_2277, %max3A_2241 : vector<16xf32>
          %gt3A_2303 = arith.cmpf ogt, %mul3A_2277, %select_n3A_2243 : vector<16xf32>
          %gt3A_2304 = arith.cmpf ogt, %mul3A_2277, %select_n3A_2245 : vector<16xf32>
          %gt3A_2305 = arith.cmpf ogt, %mul3A_2277, %select_n3A_2247 : vector<16xf32>
          %gt3A_2306 = arith.cmpf ogt, %mul3A_2277, %select_n3A_2249 : vector<16xf32>
          %gt3A_2307 = arith.cmpf ogt, %mul3A_2277, %select_n3A_2251 : vector<16xf32>
          %gt3A_2308 = arith.cmpf ogt, %mul3A_2277, %select_n3A_2253 : vector<16xf32>
          %max3A_2309 = arith.maximumf %max3A_2241, %mul3A_2277 : vector<16xf32>
          %max3A_2310 = arith.maximumf %mul3A_2277, %select_n3A_2243 : vector<16xf32>
          %select_n3A_2311 = arith.select %gt3A_2302, %max3A_2241, %max3A_2310 : vector<16xi1>, vector<16xf32>
          %max3A_2312 = arith.maximumf %mul3A_2277, %select_n3A_2245 : vector<16xf32>
          %select_n3A_2313 = arith.select %gt3A_2303, %select_n3A_2243, %max3A_2312 : vector<16xi1>, vector<16xf32>
          %max3A_2314 = arith.maximumf %mul3A_2277, %select_n3A_2247 : vector<16xf32>
          %select_n3A_2315 = arith.select %gt3A_2304, %select_n3A_2245, %max3A_2314 : vector<16xi1>, vector<16xf32>
          %max3A_2316 = arith.maximumf %mul3A_2277, %select_n3A_2249 : vector<16xf32>
          %select_n3A_2317 = arith.select %gt3A_2305, %select_n3A_2247, %max3A_2316 : vector<16xi1>, vector<16xf32>
          %max3A_2318 = arith.maximumf %mul3A_2277, %select_n3A_2251 : vector<16xf32>
          %select_n3A_2319 = arith.select %gt3A_2306, %select_n3A_2249, %max3A_2318 : vector<16xi1>, vector<16xf32>
          %max3A_2320 = arith.maximumf %mul3A_2277, %select_n3A_2253 : vector<16xf32>
          %select_n3A_2321 = arith.select %gt3A_2307, %select_n3A_2251, %max3A_2320 : vector<16xi1>, vector<16xf32>
          %max3A_2322 = arith.maximumf %mul3A_2277, %select_n3A_2255 : vector<16xf32>
          %select_n3A_2323 = arith.select %gt3A_2308, %select_n3A_2253, %max3A_2322 : vector<16xi1>, vector<16xf32>
          %broadcast_in_dim3A_2324 = vector.broadcast %scan3A_2259 : i32 to vector<16xi32>
          %select_n3A_2325 = arith.select %gt3A_2302, %broadcast_in_dim3A_2324, %select_n3A_2257 : vector<16xi1>, vector<16xi32>
          %scan3A_2326 = arith.constant 30 : i32
          %scan3A_2327 = arith.addi %scan3A_271, %scan3A_2326 : i32
          %get3A_2328 = arith.constant 0 : i32
          %get3A_2329 = arith.constant 0 : i32
          %get3A_2330 = tpu.memref_slice %arg6[%rem3A_101, %get3A_2328, %get3A_2329] : memref<2x128x256xf32, #tpu.memory_space<vmem>> -> memref<1x128x256xf32, #tpu.memory_space<vmem>>
          %get3A_2331 = tpu.memref_squeeze %get3A_2330 : memref<1x128x256xf32, #tpu.memory_space<vmem>> -> memref<128x256xf32, #tpu.memory_space<vmem>>
          %get3A_2332 = arith.index_cast %scan3A_2327 : i32 to index
          %get3A_2333 = arith.index_cast %add3A_136 : i32 to index
          %get3A_2334 = tpu.vector_load %get3A_2331[%get3A_2332, %get3A_2333] {strides = array<i32>} : memref<128x256xf32, #tpu.memory_space<vmem>>, vector<1x16xf32>,
          %get3A_2335 = vector.shape_cast %get3A_2334 : vector<1x16xf32> to vector<16xf32>
          %mul3A_2336 = arith.mulf %get3A_2335, %get3A_154 : vector<16xf32>
          %get3A_2337 = arith.constant 0 : i32
          %get3A_2338 = arith.constant 0 : i32
          %get3A_2339 = tpu.memref_slice %arg6[%rem3A_101, %get3A_2337, %get3A_2338] : memref<2x128x256xf32, #tpu.memory_space<vmem>> -> memref<1x128x256xf32, #tpu.memory_space<vmem>>
          %get3A_2340 = tpu.memref_squeeze %get3A_2339 : memref<1x128x256xf32, #tpu.memory_space<vmem>> -> memref<128x256xf32, #tpu.memory_space<vmem>>
          %get3A_2341 = arith.index_cast %scan3A_2327 : i32 to index
          %get3A_2342 = arith.index_cast %add3A_140 : i32 to index
          %get3A_2343 = tpu.vector_load %get3A_2340[%get3A_2341, %get3A_2342] {strides = array<i32>} : memref<128x256xf32, #tpu.memory_space<vmem>>, vector<1x16xf32>,
          %get3A_2344 = vector.shape_cast %get3A_2343 : vector<1x16xf32> to vector<16xf32>
          %mul3A_2345 = arith.mulf %get3A_2344, %get3A_157 : vector<16xf32>
          %gt3A_2346 = arith.cmpf ogt, %mul3A_2336, %max3A_2285 : vector<16xf32>
          %gt3A_2347 = arith.cmpf ogt, %mul3A_2336, %select_n3A_2287 : vector<16xf32>
          %gt3A_2348 = arith.cmpf ogt, %mul3A_2336, %select_n3A_2289 : vector<16xf32>
          %gt3A_2349 = arith.cmpf ogt, %mul3A_2336, %select_n3A_2291 : vector<16xf32>
          %gt3A_2350 = arith.cmpf ogt, %mul3A_2336, %select_n3A_2293 : vector<16xf32>
          %gt3A_2351 = arith.cmpf ogt, %mul3A_2336, %select_n3A_2295 : vector<16xf32>
          %gt3A_2352 = arith.cmpf ogt, %mul3A_2336, %select_n3A_2297 : vector<16xf32>
          %max3A_2353 = arith.maximumf %max3A_2285, %mul3A_2336 : vector<16xf32>
          %max3A_2354 = arith.maximumf %mul3A_2336, %select_n3A_2287 : vector<16xf32>
          %select_n3A_2355 = arith.select %gt3A_2346, %max3A_2285, %max3A_2354 : vector<16xi1>, vector<16xf32>
          %max3A_2356 = arith.maximumf %mul3A_2336, %select_n3A_2289 : vector<16xf32>
          %select_n3A_2357 = arith.select %gt3A_2347, %select_n3A_2287, %max3A_2356 : vector<16xi1>, vector<16xf32>
          %max3A_2358 = arith.maximumf %mul3A_2336, %select_n3A_2291 : vector<16xf32>
          %select_n3A_2359 = arith.select %gt3A_2348, %select_n3A_2289, %max3A_2358 : vector<16xi1>, vector<16xf32>
          %max3A_2360 = arith.maximumf %mul3A_2336, %select_n3A_2293 : vector<16xf32>
          %select_n3A_2361 = arith.select %gt3A_2349, %select_n3A_2291, %max3A_2360 : vector<16xi1>, vector<16xf32>
          %max3A_2362 = arith.maximumf %mul3A_2336, %select_n3A_2295 : vector<16xf32>
          %select_n3A_2363 = arith.select %gt3A_2350, %select_n3A_2293, %max3A_2362 : vector<16xi1>, vector<16xf32>
          %max3A_2364 = arith.maximumf %mul3A_2336, %select_n3A_2297 : vector<16xf32>
          %select_n3A_2365 = arith.select %gt3A_2351, %select_n3A_2295, %max3A_2364 : vector<16xi1>, vector<16xf32>
          %max3A_2366 = arith.maximumf %mul3A_2336, %select_n3A_2299 : vector<16xf32>
          %select_n3A_2367 = arith.select %gt3A_2352, %select_n3A_2297, %max3A_2366 : vector<16xi1>, vector<16xf32>
          %broadcast_in_dim3A_2368 = vector.broadcast %scan3A_2327 : i32 to vector<16xi32>
          %select_n3A_2369 = arith.select %gt3A_2346, %broadcast_in_dim3A_2368, %select_n3A_2301 : vector<16xi1>, vector<16xi32>
          %gt3A_2370 = arith.cmpf ogt, %mul3A_2345, %max3A_2309 : vector<16xf32>
          %gt3A_2371 = arith.cmpf ogt, %mul3A_2345, %select_n3A_2311 : vector<16xf32>
          %gt3A_2372 = arith.cmpf ogt, %mul3A_2345, %select_n3A_2313 : vector<16xf32>
          %gt3A_2373 = arith.cmpf ogt, %mul3A_2345, %select_n3A_2315 : vector<16xf32>
          %gt3A_2374 = arith.cmpf ogt, %mul3A_2345, %select_n3A_2317 : vector<16xf32>
          %gt3A_2375 = arith.cmpf ogt, %mul3A_2345, %select_n3A_2319 : vector<16xf32>
          %gt3A_2376 = arith.cmpf ogt, %mul3A_2345, %select_n3A_2321 : vector<16xf32>
          %max3A_2377 = arith.maximumf %max3A_2309, %mul3A_2345 : vector<16xf32>
          %max3A_2378 = arith.maximumf %mul3A_2345, %select_n3A_2311 : vector<16xf32>
          %select_n3A_2379 = arith.select %gt3A_2370, %max3A_2309, %max3A_2378 : vector<16xi1>, vector<16xf32>
          %max3A_2380 = arith.maximumf %mul3A_2345, %select_n3A_2313 : vector<16xf32>
          %select_n3A_2381 = arith.select %gt3A_2371, %select_n3A_2311, %max3A_2380 : vector<16xi1>, vector<16xf32>
          %max3A_2382 = arith.maximumf %mul3A_2345, %select_n3A_2315 : vector<16xf32>
          %select_n3A_2383 = arith.select %gt3A_2372, %select_n3A_2313, %max3A_2382 : vector<16xi1>, vector<16xf32>
          %max3A_2384 = arith.maximumf %mul3A_2345, %select_n3A_2317 : vector<16xf32>
          %select_n3A_2385 = arith.select %gt3A_2373, %select_n3A_2315, %max3A_2384 : vector<16xi1>, vector<16xf32>
          %max3A_2386 = arith.maximumf %mul3A_2345, %select_n3A_2319 : vector<16xf32>
          %select_n3A_2387 = arith.select %gt3A_2374, %select_n3A_2317, %max3A_2386 : vector<16xi1>, vector<16xf32>
          %max3A_2388 = arith.maximumf %mul3A_2345, %select_n3A_2321 : vector<16xf32>
          %select_n3A_2389 = arith.select %gt3A_2375, %select_n3A_2319, %max3A_2388 : vector<16xi1>, vector<16xf32>
          %max3A_2390 = arith.maximumf %mul3A_2345, %select_n3A_2323 : vector<16xf32>
          %select_n3A_2391 = arith.select %gt3A_2376, %select_n3A_2321, %max3A_2390 : vector<16xi1>, vector<16xf32>
          %broadcast_in_dim3A_2392 = vector.broadcast %scan3A_2327 : i32 to vector<16xi32>
          %select_n3A_2393 = arith.select %gt3A_2370, %broadcast_in_dim3A_2392, %select_n3A_2325 : vector<16xi1>, vector<16xi32>
          %scan3A_2394 = arith.constant 31 : i32
          %scan3A_2395 = arith.addi %scan3A_271, %scan3A_2394 : i32
          %get3A_2396 = arith.constant 0 : i32
          %get3A_2397 = arith.constant 0 : i32
          %get3A_2398 = tpu.memref_slice %arg6[%rem3A_101, %get3A_2396, %get3A_2397] : memref<2x128x256xf32, #tpu.memory_space<vmem>> -> memref<1x128x256xf32, #tpu.memory_space<vmem>>
          %get3A_2399 = tpu.memref_squeeze %get3A_2398 : memref<1x128x256xf32, #tpu.memory_space<vmem>> -> memref<128x256xf32, #tpu.memory_space<vmem>>
          %get3A_2400 = arith.index_cast %scan3A_2395 : i32 to index
          %get3A_2401 = arith.index_cast %add3A_136 : i32 to index
          %get3A_2402 = tpu.vector_load %get3A_2399[%get3A_2400, %get3A_2401] {strides = array<i32>} : memref<128x256xf32, #tpu.memory_space<vmem>>, vector<1x16xf32>,
          %get3A_2403 = vector.shape_cast %get3A_2402 : vector<1x16xf32> to vector<16xf32>
          %mul3A_2404 = arith.mulf %get3A_2403, %get3A_154 : vector<16xf32>
          %get3A_2405 = arith.constant 0 : i32
          %get3A_2406 = arith.constant 0 : i32
          %get3A_2407 = tpu.memref_slice %arg6[%rem3A_101, %get3A_2405, %get3A_2406] : memref<2x128x256xf32, #tpu.memory_space<vmem>> -> memref<1x128x256xf32, #tpu.memory_space<vmem>>
          %get3A_2408 = tpu.memref_squeeze %get3A_2407 : memref<1x128x256xf32, #tpu.memory_space<vmem>> -> memref<128x256xf32, #tpu.memory_space<vmem>>
          %get3A_2409 = arith.index_cast %scan3A_2395 : i32 to index
          %get3A_2410 = arith.index_cast %add3A_140 : i32 to index
          %get3A_2411 = tpu.vector_load %get3A_2408[%get3A_2409, %get3A_2410] {strides = array<i32>} : memref<128x256xf32, #tpu.memory_space<vmem>>, vector<1x16xf32>,
          %get3A_2412 = vector.shape_cast %get3A_2411 : vector<1x16xf32> to vector<16xf32>
          %mul3A_2413 = arith.mulf %get3A_2412, %get3A_157 : vector<16xf32>
          %gt3A_2414 = arith.cmpf ogt, %mul3A_2404, %max3A_2353 : vector<16xf32>
          %gt3A_2415 = arith.cmpf ogt, %mul3A_2404, %select_n3A_2355 : vector<16xf32>
          %gt3A_2416 = arith.cmpf ogt, %mul3A_2404, %select_n3A_2357 : vector<16xf32>
          %gt3A_2417 = arith.cmpf ogt, %mul3A_2404, %select_n3A_2359 : vector<16xf32>
          %gt3A_2418 = arith.cmpf ogt, %mul3A_2404, %select_n3A_2361 : vector<16xf32>
          %gt3A_2419 = arith.cmpf ogt, %mul3A_2404, %select_n3A_2363 : vector<16xf32>
          %gt3A_2420 = arith.cmpf ogt, %mul3A_2404, %select_n3A_2365 : vector<16xf32>
          %max3A_2421 = arith.maximumf %max3A_2353, %mul3A_2404 : vector<16xf32>
          %max3A_2422 = arith.maximumf %mul3A_2404, %select_n3A_2355 : vector<16xf32>
          %select_n3A_2423 = arith.select %gt3A_2414, %max3A_2353, %max3A_2422 : vector<16xi1>, vector<16xf32>
          %max3A_2424 = arith.maximumf %mul3A_2404, %select_n3A_2357 : vector<16xf32>
          %select_n3A_2425 = arith.select %gt3A_2415, %select_n3A_2355, %max3A_2424 : vector<16xi1>, vector<16xf32>
          %max3A_2426 = arith.maximumf %mul3A_2404, %select_n3A_2359 : vector<16xf32>
          %select_n3A_2427 = arith.select %gt3A_2416, %select_n3A_2357, %max3A_2426 : vector<16xi1>, vector<16xf32>
          %max3A_2428 = arith.maximumf %mul3A_2404, %select_n3A_2361 : vector<16xf32>
          %select_n3A_2429 = arith.select %gt3A_2417, %select_n3A_2359, %max3A_2428 : vector<16xi1>, vector<16xf32>
          %max3A_2430 = arith.maximumf %mul3A_2404, %select_n3A_2363 : vector<16xf32>
          %select_n3A_2431 = arith.select %gt3A_2418, %select_n3A_2361, %max3A_2430 : vector<16xi1>, vector<16xf32>
          %max3A_2432 = arith.maximumf %mul3A_2404, %select_n3A_2365 : vector<16xf32>
          %select_n3A_2433 = arith.select %gt3A_2419, %select_n3A_2363, %max3A_2432 : vector<16xi1>, vector<16xf32>
          %max3A_2434 = arith.maximumf %mul3A_2404, %select_n3A_2367 : vector<16xf32>
          %select_n3A_2435 = arith.select %gt3A_2420, %select_n3A_2365, %max3A_2434 : vector<16xi1>, vector<16xf32>
          %broadcast_in_dim3A_2436 = vector.broadcast %scan3A_2395 : i32 to vector<16xi32>
          %select_n3A_2437 = arith.select %gt3A_2414, %broadcast_in_dim3A_2436, %select_n3A_2369 : vector<16xi1>, vector<16xi32>
          %gt3A_2438 = arith.cmpf ogt, %mul3A_2413, %max3A_2377 : vector<16xf32>
          %gt3A_2439 = arith.cmpf ogt, %mul3A_2413, %select_n3A_2379 : vector<16xf32>
          %gt3A_2440 = arith.cmpf ogt, %mul3A_2413, %select_n3A_2381 : vector<16xf32>
          %gt3A_2441 = arith.cmpf ogt, %mul3A_2413, %select_n3A_2383 : vector<16xf32>
          %gt3A_2442 = arith.cmpf ogt, %mul3A_2413, %select_n3A_2385 : vector<16xf32>
          %gt3A_2443 = arith.cmpf ogt, %mul3A_2413, %select_n3A_2387 : vector<16xf32>
          %gt3A_2444 = arith.cmpf ogt, %mul3A_2413, %select_n3A_2389 : vector<16xf32>
          %max3A_2445 = arith.maximumf %max3A_2377, %mul3A_2413 : vector<16xf32>
          %max3A_2446 = arith.maximumf %mul3A_2413, %select_n3A_2379 : vector<16xf32>
          %select_n3A_2447 = arith.select %gt3A_2438, %max3A_2377, %max3A_2446 : vector<16xi1>, vector<16xf32>
          %max3A_2448 = arith.maximumf %mul3A_2413, %select_n3A_2381 : vector<16xf32>
          %select_n3A_2449 = arith.select %gt3A_2439, %select_n3A_2379, %max3A_2448 : vector<16xi1>, vector<16xf32>
          %max3A_2450 = arith.maximumf %mul3A_2413, %select_n3A_2383 : vector<16xf32>
          %select_n3A_2451 = arith.select %gt3A_2440, %select_n3A_2381, %max3A_2450 : vector<16xi1>, vector<16xf32>
          %max3A_2452 = arith.maximumf %mul3A_2413, %select_n3A_2385 : vector<16xf32>
          %select_n3A_2453 = arith.select %gt3A_2441, %select_n3A_2383, %max3A_2452 : vector<16xi1>, vector<16xf32>
          %max3A_2454 = arith.maximumf %mul3A_2413, %select_n3A_2387 : vector<16xf32>
          %select_n3A_2455 = arith.select %gt3A_2442, %select_n3A_2385, %max3A_2454 : vector<16xi1>, vector<16xf32>
          %max3A_2456 = arith.maximumf %mul3A_2413, %select_n3A_2389 : vector<16xf32>
          %select_n3A_2457 = arith.select %gt3A_2443, %select_n3A_2387, %max3A_2456 : vector<16xi1>, vector<16xf32>
          %max3A_2458 = arith.maximumf %mul3A_2413, %select_n3A_2391 : vector<16xf32>
          %select_n3A_2459 = arith.select %gt3A_2444, %select_n3A_2389, %max3A_2458 : vector<16xi1>, vector<16xf32>
          %broadcast_in_dim3A_2460 = vector.broadcast %scan3A_2395 : i32 to vector<16xi32>
          %select_n3A_2461 = arith.select %gt3A_2438, %broadcast_in_dim3A_2460, %select_n3A_2393 : vector<16xi1>, vector<16xi32>
          scf.yield %max3A_2421, %select_n3A_2423, %select_n3A_2425, %select_n3A_2427, %select_n3A_2429, %select_n3A_2431, %select_n3A_2433, %select_n3A_2435, %select_n3A_2437, %max3A_2445, %select_n3A_2447, %select_n3A_2449, %select_n3A_2451, %select_n3A_2453, %select_n3A_2455, %select_n3A_2457, %select_n3A_2459, %select_n3A_2461 : vector<16xf32>, vector<16xf32>, vector<16xf32>, vector<16xf32>, vector<16xf32>, vector<16xf32>, vector<16xf32>, vector<16xf32>, vector<16xi32>, vector<16xf32>, vector<16xf32>, vector<16xf32>, vector<16xf32>, vector<16xf32>, vector<16xf32>, vector<16xf32>, vector<16xf32>, vector<16xi32>
        }
        %scan3A_166 = arith.constant 128 : i32
        %swap3A = arith.constant 0 : i32
        %swap3A_167 = arith.index_cast %swap3A : i32 to index
        %swap3A_168 = arith.index_cast %add3A_136 : i32 to index
        %swap3A_169 = tpu.vector_load %arg8[%swap3A_167, %swap3A_168] {strides = array<i32>} : memref<8x256xf32, #tpu.memory_space<vmem>>, vector<1x16xf32>,
        %swap3A_170 = vector.shape_cast %swap3A_169 : vector<1x16xf32> to vector<16xf32>
        %swap3A_171 = vector.shape_cast %scan3A_165#0 : vector<16xf32> to vector<1x16xf32>
        tpu.vector_store %arg8[%swap3A_167, %swap3A_168], %swap3A_171 {strides = array<i32>} : memref<8x256xf32, #tpu.memory_space<vmem>>, vector<1x16xf32>,
        %swap3A_172 = arith.constant 1 : i32
        %swap3A_173 = arith.index_cast %swap3A_172 : i32 to index
        %swap3A_174 = arith.index_cast %add3A_136 : i32 to index
        %swap3A_175 = tpu.vector_load %arg8[%swap3A_173, %swap3A_174] {strides = array<i32>} : memref<8x256xf32, #tpu.memory_space<vmem>>, vector<1x16xf32>,
        %swap3A_176 = vector.shape_cast %swap3A_175 : vector<1x16xf32> to vector<16xf32>
        %swap3A_177 = vector.shape_cast %scan3A_165#1 : vector<16xf32> to vector<1x16xf32>
        tpu.vector_store %arg8[%swap3A_173, %swap3A_174], %swap3A_177 {strides = array<i32>} : memref<8x256xf32, #tpu.memory_space<vmem>>, vector<1x16xf32>,
        %swap3A_178 = arith.constant 2 : i32
        %swap3A_179 = arith.index_cast %swap3A_178 : i32 to index
        %swap3A_180 = arith.index_cast %add3A_136 : i32 to index
        %swap3A_181 = tpu.vector_load %arg8[%swap3A_179, %swap3A_180] {strides = array<i32>} : memref<8x256xf32, #tpu.memory_space<vmem>>, vector<1x16xf32>,
        %swap3A_182 = vector.shape_cast %swap3A_181 : vector<1x16xf32> to vector<16xf32>
        %swap3A_183 = vector.shape_cast %scan3A_165#2 : vector<16xf32> to vector<1x16xf32>
        tpu.vector_store %arg8[%swap3A_179, %swap3A_180], %swap3A_183 {strides = array<i32>} : memref<8x256xf32, #tpu.memory_space<vmem>>, vector<1x16xf32>,
        %swap3A_184 = arith.constant 3 : i32
        %swap3A_185 = arith.index_cast %swap3A_184 : i32 to index
        %swap3A_186 = arith.index_cast %add3A_136 : i32 to index
        %swap3A_187 = tpu.vector_load %arg8[%swap3A_185, %swap3A_186] {strides = array<i32>} : memref<8x256xf32, #tpu.memory_space<vmem>>, vector<1x16xf32>,
        %swap3A_188 = vector.shape_cast %swap3A_187 : vector<1x16xf32> to vector<16xf32>
        %swap3A_189 = vector.shape_cast %scan3A_165#3 : vector<16xf32> to vector<1x16xf32>
        tpu.vector_store %arg8[%swap3A_185, %swap3A_186], %swap3A_189 {strides = array<i32>} : memref<8x256xf32, #tpu.memory_space<vmem>>, vector<1x16xf32>,
        %swap3A_190 = arith.constant 4 : i32
        %swap3A_191 = arith.index_cast %swap3A_190 : i32 to index
        %swap3A_192 = arith.index_cast %add3A_136 : i32 to index
        %swap3A_193 = tpu.vector_load %arg8[%swap3A_191, %swap3A_192] {strides = array<i32>} : memref<8x256xf32, #tpu.memory_space<vmem>>, vector<1x16xf32>,
        %swap3A_194 = vector.shape_cast %swap3A_193 : vector<1x16xf32> to vector<16xf32>
        %swap3A_195 = vector.shape_cast %scan3A_165#4 : vector<16xf32> to vector<1x16xf32>
        tpu.vector_store %arg8[%swap3A_191, %swap3A_192], %swap3A_195 {strides = array<i32>} : memref<8x256xf32, #tpu.memory_space<vmem>>, vector<1x16xf32>,
        %swap3A_196 = arith.constant 5 : i32
        %swap3A_197 = arith.index_cast %swap3A_196 : i32 to index
        %swap3A_198 = arith.index_cast %add3A_136 : i32 to index
        %swap3A_199 = tpu.vector_load %arg8[%swap3A_197, %swap3A_198] {strides = array<i32>} : memref<8x256xf32, #tpu.memory_space<vmem>>, vector<1x16xf32>,
        %swap3A_200 = vector.shape_cast %swap3A_199 : vector<1x16xf32> to vector<16xf32>
        %swap3A_201 = vector.shape_cast %scan3A_165#5 : vector<16xf32> to vector<1x16xf32>
        tpu.vector_store %arg8[%swap3A_197, %swap3A_198], %swap3A_201 {strides = array<i32>} : memref<8x256xf32, #tpu.memory_space<vmem>>, vector<1x16xf32>,
        %swap3A_202 = arith.constant 6 : i32
        %swap3A_203 = arith.index_cast %swap3A_202 : i32 to index
        %swap3A_204 = arith.index_cast %add3A_136 : i32 to index
        %swap3A_205 = tpu.vector_load %arg8[%swap3A_203, %swap3A_204] {strides = array<i32>} : memref<8x256xf32, #tpu.memory_space<vmem>>, vector<1x16xf32>,
        %swap3A_206 = vector.shape_cast %swap3A_205 : vector<1x16xf32> to vector<16xf32>
        %swap3A_207 = vector.shape_cast %scan3A_165#6 : vector<16xf32> to vector<1x16xf32>
        tpu.vector_store %arg8[%swap3A_203, %swap3A_204], %swap3A_207 {strides = array<i32>} : memref<8x256xf32, #tpu.memory_space<vmem>>, vector<1x16xf32>,
        %swap3A_208 = arith.constant 7 : i32
        %swap3A_209 = arith.index_cast %swap3A_208 : i32 to index
        %swap3A_210 = arith.index_cast %add3A_136 : i32 to index
        %swap3A_211 = tpu.vector_load %arg8[%swap3A_209, %swap3A_210] {strides = array<i32>} : memref<8x256xf32, #tpu.memory_space<vmem>>, vector<1x16xf32>,
        %swap3A_212 = vector.shape_cast %swap3A_211 : vector<1x16xf32> to vector<16xf32>
        %swap3A_213 = vector.shape_cast %scan3A_165#7 : vector<16xf32> to vector<1x16xf32>
        tpu.vector_store %arg8[%swap3A_209, %swap3A_210], %swap3A_213 {strides = array<i32>} : memref<8x256xf32, #tpu.memory_space<vmem>>, vector<1x16xf32>,
        %swap3A_214 = arith.index_cast %add3A_136 : i32 to index
        %swap3A_215 = tpu.vector_load %arg9[%swap3A_214] {strides = array<i32>} : memref<256xi32, #tpu.memory_space<vmem>>, vector<16xi32>,
        %swap3A_216 = vector.shape_cast %swap3A_215 : vector<16xi32> to vector<16xi32>
        %swap3A_217 = vector.shape_cast %scan3A_165#8 : vector<16xi32> to vector<16xi32>
        tpu.vector_store %arg9[%swap3A_214], %swap3A_217 {strides = array<i32>} : memref<256xi32, #tpu.memory_space<vmem>>, vector<16xi32>,
        %swap3A_218 = arith.constant 0 : i32
        %swap3A_219 = arith.index_cast %swap3A_218 : i32 to index
        %swap3A_220 = arith.index_cast %add3A_140 : i32 to index
        %swap3A_221 = tpu.vector_load %arg8[%swap3A_219, %swap3A_220] {strides = array<i32>} : memref<8x256xf32, #tpu.memory_space<vmem>>, vector<1x16xf32>,
        %swap3A_222 = vector.shape_cast %swap3A_221 : vector<1x16xf32> to vector<16xf32>
        %swap3A_223 = vector.shape_cast %scan3A_165#9 : vector<16xf32> to vector<1x16xf32>
        tpu.vector_store %arg8[%swap3A_219, %swap3A_220], %swap3A_223 {strides = array<i32>} : memref<8x256xf32, #tpu.memory_space<vmem>>, vector<1x16xf32>,
        %swap3A_224 = arith.constant 1 : i32
        %swap3A_225 = arith.index_cast %swap3A_224 : i32 to index
        %swap3A_226 = arith.index_cast %add3A_140 : i32 to index
        %swap3A_227 = tpu.vector_load %arg8[%swap3A_225, %swap3A_226] {strides = array<i32>} : memref<8x256xf32, #tpu.memory_space<vmem>>, vector<1x16xf32>,
        %swap3A_228 = vector.shape_cast %swap3A_227 : vector<1x16xf32> to vector<16xf32>
        %swap3A_229 = vector.shape_cast %scan3A_165#10 : vector<16xf32> to vector<1x16xf32>
        tpu.vector_store %arg8[%swap3A_225, %swap3A_226], %swap3A_229 {strides = array<i32>} : memref<8x256xf32, #tpu.memory_space<vmem>>, vector<1x16xf32>,
        %swap3A_230 = arith.constant 2 : i32
        %swap3A_231 = arith.index_cast %swap3A_230 : i32 to index
        %swap3A_232 = arith.index_cast %add3A_140 : i32 to index
        %swap3A_233 = tpu.vector_load %arg8[%swap3A_231, %swap3A_232] {strides = array<i32>} : memref<8x256xf32, #tpu.memory_space<vmem>>, vector<1x16xf32>,
        %swap3A_234 = vector.shape_cast %swap3A_233 : vector<1x16xf32> to vector<16xf32>
        %swap3A_235 = vector.shape_cast %scan3A_165#11 : vector<16xf32> to vector<1x16xf32>
        tpu.vector_store %arg8[%swap3A_231, %swap3A_232], %swap3A_235 {strides = array<i32>} : memref<8x256xf32, #tpu.memory_space<vmem>>, vector<1x16xf32>,
        %swap3A_236 = arith.constant 3 : i32
        %swap3A_237 = arith.index_cast %swap3A_236 : i32 to index
        %swap3A_238 = arith.index_cast %add3A_140 : i32 to index
        %swap3A_239 = tpu.vector_load %arg8[%swap3A_237, %swap3A_238] {strides = array<i32>} : memref<8x256xf32, #tpu.memory_space<vmem>>, vector<1x16xf32>,
        %swap3A_240 = vector.shape_cast %swap3A_239 : vector<1x16xf32> to vector<16xf32>
        %swap3A_241 = vector.shape_cast %scan3A_165#12 : vector<16xf32> to vector<1x16xf32>
        tpu.vector_store %arg8[%swap3A_237, %swap3A_238], %swap3A_241 {strides = array<i32>} : memref<8x256xf32, #tpu.memory_space<vmem>>, vector<1x16xf32>,
        %swap3A_242 = arith.constant 4 : i32
        %swap3A_243 = arith.index_cast %swap3A_242 : i32 to index
        %swap3A_244 = arith.index_cast %add3A_140 : i32 to index
        %swap3A_245 = tpu.vector_load %arg8[%swap3A_243, %swap3A_244] {strides = array<i32>} : memref<8x256xf32, #tpu.memory_space<vmem>>, vector<1x16xf32>,
        %swap3A_246 = vector.shape_cast %swap3A_245 : vector<1x16xf32> to vector<16xf32>
        %swap3A_247 = vector.shape_cast %scan3A_165#13 : vector<16xf32> to vector<1x16xf32>
        tpu.vector_store %arg8[%swap3A_243, %swap3A_244], %swap3A_247 {strides = array<i32>} : memref<8x256xf32, #tpu.memory_space<vmem>>, vector<1x16xf32>,
        %swap3A_248 = arith.constant 5 : i32
        %swap3A_249 = arith.index_cast %swap3A_248 : i32 to index
        %swap3A_250 = arith.index_cast %add3A_140 : i32 to index
        %swap3A_251 = tpu.vector_load %arg8[%swap3A_249, %swap3A_250] {strides = array<i32>} : memref<8x256xf32, #tpu.memory_space<vmem>>, vector<1x16xf32>,
        %swap3A_252 = vector.shape_cast %swap3A_251 : vector<1x16xf32> to vector<16xf32>
        %swap3A_253 = vector.shape_cast %scan3A_165#14 : vector<16xf32> to vector<1x16xf32>
        tpu.vector_store %arg8[%swap3A_249, %swap3A_250], %swap3A_253 {strides = array<i32>} : memref<8x256xf32, #tpu.memory_space<vmem>>, vector<1x16xf32>,
        %swap3A_254 = arith.constant 6 : i32
        %swap3A_255 = arith.index_cast %swap3A_254 : i32 to index
        %swap3A_256 = arith.index_cast %add3A_140 : i32 to index
        %swap3A_257 = tpu.vector_load %arg8[%swap3A_255, %swap3A_256] {strides = array<i32>} : memref<8x256xf32, #tpu.memory_space<vmem>>, vector<1x16xf32>,
        %swap3A_258 = vector.shape_cast %swap3A_257 : vector<1x16xf32> to vector<16xf32>
        %swap3A_259 = vector.shape_cast %scan3A_165#15 : vector<16xf32> to vector<1x16xf32>
        tpu.vector_store %arg8[%swap3A_255, %swap3A_256], %swap3A_259 {strides = array<i32>} : memref<8x256xf32, #tpu.memory_space<vmem>>, vector<1x16xf32>,
        %swap3A_260 = arith.constant 7 : i32
        %swap3A_261 = arith.index_cast %swap3A_260 : i32 to index
        %swap3A_262 = arith.index_cast %add3A_140 : i32 to index
        %swap3A_263 = tpu.vector_load %arg8[%swap3A_261, %swap3A_262] {strides = array<i32>} : memref<8x256xf32, #tpu.memory_space<vmem>>, vector<1x16xf32>,
        %swap3A_264 = vector.shape_cast %swap3A_263 : vector<1x16xf32> to vector<16xf32>
        %swap3A_265 = vector.shape_cast %scan3A_165#16 : vector<16xf32> to vector<1x16xf32>
        tpu.vector_store %arg8[%swap3A_261, %swap3A_262], %swap3A_265 {strides = array<i32>} : memref<8x256xf32, #tpu.memory_space<vmem>>, vector<1x16xf32>,
        %swap3A_266 = arith.index_cast %add3A_140 : i32 to index
        %swap3A_267 = tpu.vector_load %arg9[%swap3A_266] {strides = array<i32>} : memref<256xi32, #tpu.memory_space<vmem>>, vector<16xi32>,
        %swap3A_268 = vector.shape_cast %swap3A_267 : vector<16xi32> to vector<16xi32>
        %swap3A_269 = vector.shape_cast %scan3A_165#17 : vector<16xi32> to vector<16xi32>
        tpu.vector_store %arg9[%swap3A_266], %swap3A_269 {strides = array<i32>} : memref<256xi32, #tpu.memory_space<vmem>>, vector<16xi32>,
        %scan3A_270 = arith.constant 0 : i32
        scf.yield %scan3A_270 : i32
      }
      %scan3A_129 = arith.constant 8 : i32
      "tpu.region"() ({
        %run_scoped3A = tpu.sem_alloc : memref<!tpu.dma_semaphore, #tpu.memory_space<semaphore_mem>>
        %dma_start3A_131 = arith.constant 0 : i32
        %dma_start3A_132 = tpu.memref_slice %arg4[%select_n3A, %dma_start3A_131, %add3A_99] : memref<16x8x7168xf32, #tpu.memory_space<hbm>> -> memref<1x8x256xf32, #tpu.memory_space<hbm>>
        %dma_start3A_133 = tpu.memref_squeeze %dma_start3A_132 : memref<1x8x256xf32, #tpu.memory_space<hbm>> -> memref<8x256xf32, #tpu.memory_space<hbm>>
        %dma_start3A_134 = arith.constant 0 : i32
        %dma_start3A_135 = tpu.memref_slice %arg4[%select_n3A, %dma_start3A_134, %add3A_99] : memref<16x8x7168xf32, #tpu.memory_space<hbm>> -> memref<1x8x256xf32, #tpu.memory_space<hbm>>
        %dma_start3A_136 = tpu.memref_squeeze %dma_start3A_135 : memref<1x8x256xf32, #tpu.memory_space<hbm>> -> memref<8x256xf32, #tpu.memory_space<hbm>>
        tpu.enqueue_dma source(%arg8 : memref<8x256xf32, #tpu.memory_space<vmem>>) target(%dma_start3A_136 : memref<8x256xf32, #tpu.memory_space<hbm>>) target_semaphore(%run_scoped3A : memref<!tpu.dma_semaphore, #tpu.memory_space<semaphore_mem>>)
        %dma_wait3A_137 = arith.constant 0 : i32
        %dma_wait3A_138 = tpu.memref_slice %arg4[%select_n3A, %dma_wait3A_137, %add3A_99] : memref<16x8x7168xf32, #tpu.memory_space<hbm>> -> memref<1x8x256xf32, #tpu.memory_space<hbm>>
        %dma_wait3A_139 = tpu.memref_squeeze %dma_wait3A_138 : memref<1x8x256xf32, #tpu.memory_space<hbm>> -> memref<8x256xf32, #tpu.memory_space<hbm>>
        %dma_wait3A_140 = arith.constant 0 : i32
        %dma_wait3A_141 = tpu.memref_slice %arg4[%select_n3A, %dma_wait3A_140, %add3A_99] : memref<16x8x7168xf32, #tpu.memory_space<hbm>> -> memref<1x8x256xf32, #tpu.memory_space<hbm>>
        %dma_wait3A_142 = tpu.memref_squeeze %dma_wait3A_141 : memref<1x8x256xf32, #tpu.memory_space<hbm>> -> memref<8x256xf32, #tpu.memory_space<hbm>>
        tpu.wait_dma2 semaphore(%run_scoped3A : memref<!tpu.dma_semaphore, #tpu.memory_space<semaphore_mem>>) src(%arg8 : memref<8x256xf32, #tpu.memory_space<vmem>>) dst(%dma_wait3A_142 : memref<8x256xf32, #tpu.memory_space<hbm>>)
        tpu.yield
      }) : () -> ()
      "tpu.region"() ({
        %run_scoped3A = tpu.sem_alloc : memref<!tpu.dma_semaphore, #tpu.memory_space<semaphore_mem>>
        %dma_start3A_131 = tpu.memref_slice %arg5[%select_n3A, %add3A_99] : memref<16x7168xi32, #tpu.memory_space<hbm>> -> memref<1x256xi32, #tpu.memory_space<hbm>>
        %dma_start3A_132 = tpu.memref_squeeze %dma_start3A_131 : memref<1x256xi32, #tpu.memory_space<hbm>> -> memref<256xi32, #tpu.memory_space<hbm>>
        %dma_start3A_133 = tpu.memref_slice %arg5[%select_n3A, %add3A_99] : memref<16x7168xi32, #tpu.memory_space<hbm>> -> memref<1x256xi32, #tpu.memory_space<hbm>>
        %dma_start3A_134 = tpu.memref_squeeze %dma_start3A_133 : memref<1x256xi32, #tpu.memory_space<hbm>> -> memref<256xi32, #tpu.memory_space<hbm>>
        tpu.enqueue_dma source(%arg9 : memref<256xi32, #tpu.memory_space<vmem>>) target(%dma_start3A_134 : memref<256xi32, #tpu.memory_space<hbm>>) target_semaphore(%run_scoped3A : memref<!tpu.dma_semaphore, #tpu.memory_space<semaphore_mem>>)
        %dma_wait3A_135 = tpu.memref_slice %arg5[%select_n3A, %add3A_99] : memref<16x7168xi32, #tpu.memory_space<hbm>> -> memref<1x256xi32, #tpu.memory_space<hbm>>
        %dma_wait3A_136 = tpu.memref_squeeze %dma_wait3A_135 : memref<1x256xi32, #tpu.memory_space<hbm>> -> memref<256xi32, #tpu.memory_space<hbm>>
        %dma_wait3A_137 = tpu.memref_slice %arg5[%select_n3A, %add3A_99] : memref<16x7168xi32, #tpu.memory_space<hbm>> -> memref<1x256xi32, #tpu.memory_space<hbm>>
        %dma_wait3A_138 = tpu.memref_squeeze %dma_wait3A_137 : memref<1x256xi32, #tpu.memory_space<hbm>> -> memref<256xi32, #tpu.memory_space<hbm>>
        tpu.wait_dma2 semaphore(%run_scoped3A : memref<!tpu.dma_semaphore, #tpu.memory_space<semaphore_mem>>) src(%arg9 : memref<256xi32, #tpu.memory_space<vmem>>) dst(%dma_wait3A_138 : memref<256xi32, #tpu.memory_space<hbm>>)
        tpu.yield
      }) : () -> ()
      %scan3A_130 = arith.constant 0 : i32
      scf.yield %scan3A_130 : i32
    }
    %scan3A_78 = arith.constant 14 : i32
    %add3A_79 = arith.constant 3328 : i32
    %add3A_80 = arith.addi %mul3A_56, %add3A_79 : i32
    %dma_wait3A = arith.constant 0 : i32
    %dma_wait3A_81 = arith.constant 0 : i32
    %dma_wait3A_82 = arith.constant 0 : i32
    %dma_wait3A_83 = tpu.memref_slice %arg6[%dma_wait3A, %dma_wait3A_81, %dma_wait3A_82] : memref<2x128x256xf32, #tpu.memory_space<vmem>> -> memref<1x128x256xf32, #tpu.memory_space<vmem>>
    %dma_wait3A_84 = tpu.memref_squeeze %dma_wait3A_83 : memref<1x128x256xf32, #tpu.memory_space<vmem>> -> memref<128x256xf32, #tpu.memory_space<vmem>>
    %dma_wait3A_85 = arith.constant 0 : i32
    %dma_wait3A_86 = tpu.memref_slice %arg3[%select_n3A, %dma_wait3A_85, %add3A_80] : memref<16x128x16384xf32, #tpu.memory_space<hbm>> -> memref<1x128x256xf32, #tpu.memory_space<hbm>>
    %dma_wait3A_87 = tpu.memref_squeeze %dma_wait3A_86 : memref<1x128x256xf32, #tpu.memory_space<hbm>> -> memref<128x256xf32, #tpu.memory_space<hbm>>
    %dma_wait3A_88 = arith.constant 0 : i32
    %dma_wait3A_89 = arith.constant 0 : i32
    %dma_wait3A_90 = tpu.memref_slice %arg6[%dma_wait3A, %dma_wait3A_88, %dma_wait3A_89] : memref<2x128x256xf32, #tpu.memory_space<vmem>> -> memref<1x128x256xf32, #tpu.memory_space<vmem>>
    %dma_wait3A_91 = tpu.memref_squeeze %dma_wait3A_90 : memref<1x128x256xf32, #tpu.memory_space<vmem>> -> memref<128x256xf32, #tpu.memory_space<vmem>>
    %dma_wait3A_92 = arith.constant 0 : i32
    %dma_wait3A_93 = tpu.memref_slice %arg3[%select_n3A, %dma_wait3A_92, %add3A_80] : memref<16x128x16384xf32, #tpu.memory_space<hbm>> -> memref<1x128x256xf32, #tpu.memory_space<hbm>>
    %dma_wait3A_94 = tpu.memref_squeeze %dma_wait3A_93 : memref<1x128x256xf32, #tpu.memory_space<hbm>> -> memref<128x256xf32, #tpu.memory_space<hbm>>
    tpu.wait_dma2 semaphore(%arg10 : memref<!tpu.dma_semaphore, #tpu.memory_space<semaphore_mem>>) src(%dma_wait3A_94 : memref<128x256xf32, #tpu.memory_space<hbm>>) dst(%dma_wait3A_91 : memref<128x256xf32, #tpu.memory_space<vmem>>)
    return
  }
}

module attributes {stable_mosaic.version = 14 : i64} {
  func.func @_tc_body(%arg0: i32, %arg1: i32, %arg2: memref<1x1x1024xf32, #tpu.memory_space<vmem>>, %arg3: memref<1x128x1024xf32, #tpu.memory_space<vmem>>, %arg4: memref<1x8x1024xf32, #tpu.memory_space<vmem>>, %arg5: memref<1x1x1024xi32, #tpu.memory_space<vmem>>) attributes {dimension_semantics = [#tpu.dimension_semantics<arbitrary>, #tpu.dimension_semantics<arbitrary>], iteration_bounds = array<i64: 16, 9>, scalar_prefetch = 0 : i64, scratch_operands = 0 : i64, tpu.core_type = #tpu.core_type<tc>, window_params = [{transform_indices = @transform_0, window_bounds = array<i64: 1, 1, 1024>}, {transform_indices = @transform_1, window_bounds = array<i64: 1, 128, 1024>}, {transform_indices = @transform_2, window_bounds = array<i64: 1, 8, 1024>}, {transform_indices = @transform_3, window_bounds = array<i64: 1, 1, 1024>}]} {
    %get3A = arith.constant 0 : index
    %get3A_0 = arith.constant 0 : index
    %get3A_1 = arith.constant 0 : index
    %get3A_2 = vector.load %arg3[%get3A, %get3A_0, %get3A_1] : memref<1x128x1024xf32, #tpu.memory_space<vmem>>, vector<1x128x1024xf32>
    %get3A_3 = vector.shape_cast %get3A_2 : vector<1x128x1024xf32> to vector<128x1024xf32>
    %get3A_4 = arith.constant 0 : index
    %get3A_5 = arith.constant 0 : index
    %get3A_6 = arith.constant 0 : index
    %get3A_7 = vector.load %arg2[%get3A_4, %get3A_5, %get3A_6] : memref<1x1x1024xf32, #tpu.memory_space<vmem>>, vector<1x1x1024xf32>
    %get3A_8 = vector.shape_cast %get3A_7 : vector<1x1x1024xf32> to vector<1x1024xf32>
    %mul3A = vector.broadcast %get3A_8 : vector<1x1024xf32> to vector<128x1024xf32>
    %mul3A_9 = arith.mulf %get3A_3, %mul3A : vector<128x1024xf32>
    %iota3A = tpu.iota {dimensions = array<i32: 0>} : vector<128x1024xi32>
    %reduce_max3A = arith.constant dense<0xFF800000> : vector<1024xf32>
    %reduce_max3A_10 = vector.multi_reduction <maximumf>, %mul3A_9, %reduce_max3A [0] : vector<128x1024xf32> to vector<1024xf32>
    %broadcast_in_dim3A = vector.shape_cast %reduce_max3A_10 : vector<1024xf32> to vector<1x1024xf32>
    %argmax3A = tpu.reduce_index %mul3A_9 {axis = 0 : i32, kind = #tpu.reduction_kind<arg_max>} : vector<128x1024xf32> -> vector<1024xi32>
    %squeeze3A = vector.shape_cast %broadcast_in_dim3A : vector<1x1024xf32> to vector<1024xf32>
    %swap3A = arith.constant 0 : index
    %swap3A_11 = arith.constant 0 : index
    %swap3A_12 = arith.constant 0 : index
    %swap3A_13 = vector.load %arg4[%swap3A, %swap3A_11, %swap3A_12] : memref<1x8x1024xf32, #tpu.memory_space<vmem>>, vector<1x1x1024xf32>
    %swap3A_14 = vector.shape_cast %swap3A_13 : vector<1x1x1024xf32> to vector<1024xf32>
    %swap3A_15 = vector.shape_cast %squeeze3A : vector<1024xf32> to vector<1x1x1024xf32>
    tpu.vector_store %arg4[%swap3A, %swap3A_11, %swap3A_12], %swap3A_15 {strides = array<i32>} : memref<1x8x1024xf32, #tpu.memory_space<vmem>>, vector<1x1x1024xf32>,
    %eq3A = vector.broadcast %broadcast_in_dim3A : vector<1x1024xf32> to vector<128x1024xf32>
    %eq3A_16 = arith.cmpf oeq, %mul3A_9, %eq3A : vector<128x1024xf32>
    %jit3A = arith.constant 128 : i32
    %broadcast_in_dim3A_17 = vector.broadcast %jit3A : i32 to vector<128x1024xi32>
    %select_n3A = arith.select %eq3A_16, %iota3A, %broadcast_in_dim3A_17 : vector<128x1024xi1>, vector<128x1024xi32>
    %reduce_min3A = arith.constant dense<2147483647> : vector<1024xi32>
    %reduce_min3A_18 = vector.multi_reduction <minsi>, %select_n3A, %reduce_min3A [0] : vector<128x1024xi32> to vector<1024xi32>
    %swap3A_19 = arith.constant 0 : index
    %swap3A_20 = arith.constant 0 : index
    %swap3A_21 = arith.constant 0 : index
    %swap3A_22 = vector.load %arg5[%swap3A_19, %swap3A_20, %swap3A_21] : memref<1x1x1024xi32, #tpu.memory_space<vmem>>, vector<1x1x1024xi32>
    %swap3A_23 = vector.shape_cast %swap3A_22 : vector<1x1x1024xi32> to vector<1024xi32>
    %swap3A_24 = vector.shape_cast %reduce_min3A_18 : vector<1024xi32> to vector<1x1x1024xi32>
    tpu.vector_store %arg5[%swap3A_19, %swap3A_20, %swap3A_21], %swap3A_24 {strides = array<i32>} : memref<1x1x1024xi32, #tpu.memory_space<vmem>>, vector<1x1x1024xi32>,
    %broadcast_in_dim3A_25 = vector.shape_cast %argmax3A : vector<1024xi32> to vector<1x1024xi32>
    %eq3A_26 = vector.broadcast %broadcast_in_dim3A_25 : vector<1x1024xi32> to vector<128x1024xi32>
    %eq3A_27 = arith.cmpi eq, %iota3A, %eq3A_26 : vector<128x1024xi32>
    %jit3A_28 = arith.constant 0xFF800000 : f32
    %broadcast_in_dim3A_29 = vector.broadcast %jit3A_28 : f32 to vector<128x1024xf32>
    %select_n3A_30 = arith.select %eq3A_27, %broadcast_in_dim3A_29, %mul3A_9 : vector<128x1024xi1>, vector<128x1024xf32>
    %reduce_max3A_31 = arith.constant dense<0xFF800000> : vector<1024xf32>
    %reduce_max3A_32 = vector.multi_reduction <maximumf>, %select_n3A_30, %reduce_max3A_31 [0] : vector<128x1024xf32> to vector<1024xf32>
    %broadcast_in_dim3A_33 = vector.shape_cast %reduce_max3A_32 : vector<1024xf32> to vector<1x1024xf32>
    %argmax3A_34 = tpu.reduce_index %select_n3A_30 {axis = 0 : i32, kind = #tpu.reduction_kind<arg_max>} : vector<128x1024xf32> -> vector<1024xi32>
    %squeeze3A_35 = vector.shape_cast %broadcast_in_dim3A_33 : vector<1x1024xf32> to vector<1024xf32>
    %swap3A_36 = arith.constant 0 : index
    %swap3A_37 = arith.constant 1 : index
    %swap3A_38 = arith.constant 0 : index
    %swap3A_39 = vector.load %arg4[%swap3A_36, %swap3A_37, %swap3A_38] : memref<1x8x1024xf32, #tpu.memory_space<vmem>>, vector<1x1x1024xf32>
    %swap3A_40 = vector.shape_cast %swap3A_39 : vector<1x1x1024xf32> to vector<1024xf32>
    %swap3A_41 = vector.shape_cast %squeeze3A_35 : vector<1024xf32> to vector<1x1x1024xf32>
    tpu.vector_store %arg4[%swap3A_36, %swap3A_37, %swap3A_38], %swap3A_41 {strides = array<i32>} : memref<1x8x1024xf32, #tpu.memory_space<vmem>>, vector<1x1x1024xf32>,
    %broadcast_in_dim3A_42 = vector.shape_cast %argmax3A_34 : vector<1024xi32> to vector<1x1024xi32>
    %eq3A_43 = vector.broadcast %broadcast_in_dim3A_42 : vector<1x1024xi32> to vector<128x1024xi32>
    %eq3A_44 = arith.cmpi eq, %iota3A, %eq3A_43 : vector<128x1024xi32>
    %jit3A_45 = arith.constant 0xFF800000 : f32
    %broadcast_in_dim3A_46 = vector.broadcast %jit3A_45 : f32 to vector<128x1024xf32>
    %select_n3A_47 = arith.select %eq3A_44, %broadcast_in_dim3A_46, %select_n3A_30 : vector<128x1024xi1>, vector<128x1024xf32>
    %reduce_max3A_48 = arith.constant dense<0xFF800000> : vector<1024xf32>
    %reduce_max3A_49 = vector.multi_reduction <maximumf>, %select_n3A_47, %reduce_max3A_48 [0] : vector<128x1024xf32> to vector<1024xf32>
    %broadcast_in_dim3A_50 = vector.shape_cast %reduce_max3A_49 : vector<1024xf32> to vector<1x1024xf32>
    %argmax3A_51 = tpu.reduce_index %select_n3A_47 {axis = 0 : i32, kind = #tpu.reduction_kind<arg_max>} : vector<128x1024xf32> -> vector<1024xi32>
    %squeeze3A_52 = vector.shape_cast %broadcast_in_dim3A_50 : vector<1x1024xf32> to vector<1024xf32>
    %swap3A_53 = arith.constant 0 : index
    %swap3A_54 = arith.constant 2 : index
    %swap3A_55 = arith.constant 0 : index
    %swap3A_56 = vector.load %arg4[%swap3A_53, %swap3A_54, %swap3A_55] : memref<1x8x1024xf32, #tpu.memory_space<vmem>>, vector<1x1x1024xf32>
    %swap3A_57 = vector.shape_cast %swap3A_56 : vector<1x1x1024xf32> to vector<1024xf32>
    %swap3A_58 = vector.shape_cast %squeeze3A_52 : vector<1024xf32> to vector<1x1x1024xf32>
    tpu.vector_store %arg4[%swap3A_53, %swap3A_54, %swap3A_55], %swap3A_58 {strides = array<i32>} : memref<1x8x1024xf32, #tpu.memory_space<vmem>>, vector<1x1x1024xf32>,
    %broadcast_in_dim3A_59 = vector.shape_cast %argmax3A_51 : vector<1024xi32> to vector<1x1024xi32>
    %eq3A_60 = vector.broadcast %broadcast_in_dim3A_59 : vector<1x1024xi32> to vector<128x1024xi32>
    %eq3A_61 = arith.cmpi eq, %iota3A, %eq3A_60 : vector<128x1024xi32>
    %jit3A_62 = arith.constant 0xFF800000 : f32
    %broadcast_in_dim3A_63 = vector.broadcast %jit3A_62 : f32 to vector<128x1024xf32>
    %select_n3A_64 = arith.select %eq3A_61, %broadcast_in_dim3A_63, %select_n3A_47 : vector<128x1024xi1>, vector<128x1024xf32>
    %reduce_max3A_65 = arith.constant dense<0xFF800000> : vector<1024xf32>
    %reduce_max3A_66 = vector.multi_reduction <maximumf>, %select_n3A_64, %reduce_max3A_65 [0] : vector<128x1024xf32> to vector<1024xf32>
    %broadcast_in_dim3A_67 = vector.shape_cast %reduce_max3A_66 : vector<1024xf32> to vector<1x1024xf32>
    %argmax3A_68 = tpu.reduce_index %select_n3A_64 {axis = 0 : i32, kind = #tpu.reduction_kind<arg_max>} : vector<128x1024xf32> -> vector<1024xi32>
    %squeeze3A_69 = vector.shape_cast %broadcast_in_dim3A_67 : vector<1x1024xf32> to vector<1024xf32>
    %swap3A_70 = arith.constant 0 : index
    %swap3A_71 = arith.constant 3 : index
    %swap3A_72 = arith.constant 0 : index
    %swap3A_73 = vector.load %arg4[%swap3A_70, %swap3A_71, %swap3A_72] : memref<1x8x1024xf32, #tpu.memory_space<vmem>>, vector<1x1x1024xf32>
    %swap3A_74 = vector.shape_cast %swap3A_73 : vector<1x1x1024xf32> to vector<1024xf32>
    %swap3A_75 = vector.shape_cast %squeeze3A_69 : vector<1024xf32> to vector<1x1x1024xf32>
    tpu.vector_store %arg4[%swap3A_70, %swap3A_71, %swap3A_72], %swap3A_75 {strides = array<i32>} : memref<1x8x1024xf32, #tpu.memory_space<vmem>>, vector<1x1x1024xf32>,
    %broadcast_in_dim3A_76 = vector.shape_cast %argmax3A_68 : vector<1024xi32> to vector<1x1024xi32>
    %eq3A_77 = vector.broadcast %broadcast_in_dim3A_76 : vector<1x1024xi32> to vector<128x1024xi32>
    %eq3A_78 = arith.cmpi eq, %iota3A, %eq3A_77 : vector<128x1024xi32>
    %jit3A_79 = arith.constant 0xFF800000 : f32
    %broadcast_in_dim3A_80 = vector.broadcast %jit3A_79 : f32 to vector<128x1024xf32>
    %select_n3A_81 = arith.select %eq3A_78, %broadcast_in_dim3A_80, %select_n3A_64 : vector<128x1024xi1>, vector<128x1024xf32>
    %reduce_max3A_82 = arith.constant dense<0xFF800000> : vector<1024xf32>
    %reduce_max3A_83 = vector.multi_reduction <maximumf>, %select_n3A_81, %reduce_max3A_82 [0] : vector<128x1024xf32> to vector<1024xf32>
    %broadcast_in_dim3A_84 = vector.shape_cast %reduce_max3A_83 : vector<1024xf32> to vector<1x1024xf32>
    %argmax3A_85 = tpu.reduce_index %select_n3A_81 {axis = 0 : i32, kind = #tpu.reduction_kind<arg_max>} : vector<128x1024xf32> -> vector<1024xi32>
    %squeeze3A_86 = vector.shape_cast %broadcast_in_dim3A_84 : vector<1x1024xf32> to vector<1024xf32>
    %swap3A_87 = arith.constant 0 : index
    %swap3A_88 = arith.constant 4 : index
    %swap3A_89 = arith.constant 0 : index
    %swap3A_90 = vector.load %arg4[%swap3A_87, %swap3A_88, %swap3A_89] : memref<1x8x1024xf32, #tpu.memory_space<vmem>>, vector<1x1x1024xf32>
    %swap3A_91 = vector.shape_cast %swap3A_90 : vector<1x1x1024xf32> to vector<1024xf32>
    %swap3A_92 = vector.shape_cast %squeeze3A_86 : vector<1024xf32> to vector<1x1x1024xf32>
    tpu.vector_store %arg4[%swap3A_87, %swap3A_88, %swap3A_89], %swap3A_92 {strides = array<i32>} : memref<1x8x1024xf32, #tpu.memory_space<vmem>>, vector<1x1x1024xf32>,
    %broadcast_in_dim3A_93 = vector.shape_cast %argmax3A_85 : vector<1024xi32> to vector<1x1024xi32>
    %eq3A_94 = vector.broadcast %broadcast_in_dim3A_93 : vector<1x1024xi32> to vector<128x1024xi32>
    %eq3A_95 = arith.cmpi eq, %iota3A, %eq3A_94 : vector<128x1024xi32>
    %jit3A_96 = arith.constant 0xFF800000 : f32
    %broadcast_in_dim3A_97 = vector.broadcast %jit3A_96 : f32 to vector<128x1024xf32>
    %select_n3A_98 = arith.select %eq3A_95, %broadcast_in_dim3A_97, %select_n3A_81 : vector<128x1024xi1>, vector<128x1024xf32>
    %reduce_max3A_99 = arith.constant dense<0xFF800000> : vector<1024xf32>
    %reduce_max3A_100 = vector.multi_reduction <maximumf>, %select_n3A_98, %reduce_max3A_99 [0] : vector<128x1024xf32> to vector<1024xf32>
    %broadcast_in_dim3A_101 = vector.shape_cast %reduce_max3A_100 : vector<1024xf32> to vector<1x1024xf32>
    %argmax3A_102 = tpu.reduce_index %select_n3A_98 {axis = 0 : i32, kind = #tpu.reduction_kind<arg_max>} : vector<128x1024xf32> -> vector<1024xi32>
    %squeeze3A_103 = vector.shape_cast %broadcast_in_dim3A_101 : vector<1x1024xf32> to vector<1024xf32>
    %swap3A_104 = arith.constant 0 : index
    %swap3A_105 = arith.constant 5 : index
    %swap3A_106 = arith.constant 0 : index
    %swap3A_107 = vector.load %arg4[%swap3A_104, %swap3A_105, %swap3A_106] : memref<1x8x1024xf32, #tpu.memory_space<vmem>>, vector<1x1x1024xf32>
    %swap3A_108 = vector.shape_cast %swap3A_107 : vector<1x1x1024xf32> to vector<1024xf32>
    %swap3A_109 = vector.shape_cast %squeeze3A_103 : vector<1024xf32> to vector<1x1x1024xf32>
    tpu.vector_store %arg4[%swap3A_104, %swap3A_105, %swap3A_106], %swap3A_109 {strides = array<i32>} : memref<1x8x1024xf32, #tpu.memory_space<vmem>>, vector<1x1x1024xf32>,
    %broadcast_in_dim3A_110 = vector.shape_cast %argmax3A_102 : vector<1024xi32> to vector<1x1024xi32>
    %eq3A_111 = vector.broadcast %broadcast_in_dim3A_110 : vector<1x1024xi32> to vector<128x1024xi32>
    %eq3A_112 = arith.cmpi eq, %iota3A, %eq3A_111 : vector<128x1024xi32>
    %jit3A_113 = arith.constant 0xFF800000 : f32
    %broadcast_in_dim3A_114 = vector.broadcast %jit3A_113 : f32 to vector<128x1024xf32>
    %select_n3A_115 = arith.select %eq3A_112, %broadcast_in_dim3A_114, %select_n3A_98 : vector<128x1024xi1>, vector<128x1024xf32>
    %reduce_max3A_116 = arith.constant dense<0xFF800000> : vector<1024xf32>
    %reduce_max3A_117 = vector.multi_reduction <maximumf>, %select_n3A_115, %reduce_max3A_116 [0] : vector<128x1024xf32> to vector<1024xf32>
    %broadcast_in_dim3A_118 = vector.shape_cast %reduce_max3A_117 : vector<1024xf32> to vector<1x1024xf32>
    %argmax3A_119 = tpu.reduce_index %select_n3A_115 {axis = 0 : i32, kind = #tpu.reduction_kind<arg_max>} : vector<128x1024xf32> -> vector<1024xi32>
    %squeeze3A_120 = vector.shape_cast %broadcast_in_dim3A_118 : vector<1x1024xf32> to vector<1024xf32>
    %swap3A_121 = arith.constant 0 : index
    %swap3A_122 = arith.constant 6 : index
    %swap3A_123 = arith.constant 0 : index
    %swap3A_124 = vector.load %arg4[%swap3A_121, %swap3A_122, %swap3A_123] : memref<1x8x1024xf32, #tpu.memory_space<vmem>>, vector<1x1x1024xf32>
    %swap3A_125 = vector.shape_cast %swap3A_124 : vector<1x1x1024xf32> to vector<1024xf32>
    %swap3A_126 = vector.shape_cast %squeeze3A_120 : vector<1024xf32> to vector<1x1x1024xf32>
    tpu.vector_store %arg4[%swap3A_121, %swap3A_122, %swap3A_123], %swap3A_126 {strides = array<i32>} : memref<1x8x1024xf32, #tpu.memory_space<vmem>>, vector<1x1x1024xf32>,
    %broadcast_in_dim3A_127 = vector.shape_cast %argmax3A_119 : vector<1024xi32> to vector<1x1024xi32>
    %eq3A_128 = vector.broadcast %broadcast_in_dim3A_127 : vector<1x1024xi32> to vector<128x1024xi32>
    %eq3A_129 = arith.cmpi eq, %iota3A, %eq3A_128 : vector<128x1024xi32>
    %jit3A_130 = arith.constant 0xFF800000 : f32
    %broadcast_in_dim3A_131 = vector.broadcast %jit3A_130 : f32 to vector<128x1024xf32>
    %select_n3A_132 = arith.select %eq3A_129, %broadcast_in_dim3A_131, %select_n3A_115 : vector<128x1024xi1>, vector<128x1024xf32>
    %reduce_max3A_133 = arith.constant dense<0xFF800000> : vector<1024xf32>
    %reduce_max3A_134 = vector.multi_reduction <maximumf>, %select_n3A_132, %reduce_max3A_133 [0] : vector<128x1024xf32> to vector<1024xf32>
    %broadcast_in_dim3A_135 = vector.shape_cast %reduce_max3A_134 : vector<1024xf32> to vector<1x1024xf32>
    %squeeze3A_136 = vector.shape_cast %broadcast_in_dim3A_135 : vector<1x1024xf32> to vector<1024xf32>
    %swap3A_137 = arith.constant 0 : index
    %swap3A_138 = arith.constant 7 : index
    %swap3A_139 = arith.constant 0 : index
    %swap3A_140 = vector.load %arg4[%swap3A_137, %swap3A_138, %swap3A_139] : memref<1x8x1024xf32, #tpu.memory_space<vmem>>, vector<1x1x1024xf32>
    %swap3A_141 = vector.shape_cast %swap3A_140 : vector<1x1x1024xf32> to vector<1024xf32>
    %swap3A_142 = vector.shape_cast %squeeze3A_136 : vector<1024xf32> to vector<1x1x1024xf32>
    tpu.vector_store %arg4[%swap3A_137, %swap3A_138, %swap3A_139], %swap3A_142 {strides = array<i32>} : memref<1x8x1024xf32, #tpu.memory_space<vmem>>, vector<1x1x1024xf32>,
    return
  }
  func.func @transform_0(%arg0: i32, %arg1: i32) -> (i32, i32, i32) {
    %jit3A = arith.constant 4 : i32
    %div3A = arith.divsi %arg0, %jit3A : i32
    %sign3A = arith.constant 0 : i32
    %sign3A_0 = arith.cmpi sgt, %arg0, %sign3A : i32
    %sign3A_1 = arith.extui %sign3A_0 : i1 to i32
    %sign3A_2 = arith.constant 0 : i32
    %sign3A_3 = arith.cmpi slt, %arg0, %sign3A_2 : i32
    %sign3A_4 = arith.extui %sign3A_3 : i1 to i32
    %sign3A_5 = arith.subi %sign3A_1, %sign3A_4 : i32
    %sign3A_6 = arith.constant 0 : i32
    %sign3A_7 = arith.cmpi sgt, %jit3A, %sign3A_6 : i32
    %sign3A_8 = arith.extui %sign3A_7 : i1 to i32
    %sign3A_9 = arith.constant 0 : i32
    %sign3A_10 = arith.cmpi slt, %jit3A, %sign3A_9 : i32
    %sign3A_11 = arith.extui %sign3A_10 : i1 to i32
    %sign3A_12 = arith.subi %sign3A_8, %sign3A_11 : i32
    %ne3A = arith.cmpi ne, %sign3A_5, %sign3A_12 : i32
    %rem3A = arith.remsi %arg0, %jit3A : i32
    %ne3A_13 = arith.constant 0 : i32
    %ne3A_14 = arith.cmpi ne, %rem3A, %ne3A_13 : i32
    %and3A = arith.andi %ne3A, %ne3A_14 : i1
    %sub3A = arith.constant 1 : i32
    %sub3A_15 = arith.subi %div3A, %sub3A : i32
    %select_n3A = arith.select %and3A, %sub3A_15, %div3A : i32
    %add3A = arith.constant 7 : i32
    %add3A_16 = arith.addi %arg1, %add3A : i32
    %c0_i32 = arith.constant 0 : i32
    %c0_i32_17 = arith.constant 0 : i32
    return %select_n3A, %c0_i32, %add3A_16 : i32, i32, i32
  }
  func.func @transform_1(%arg0: i32, %arg1: i32) -> (i32, i32, i32) {
    %add3A = arith.constant 7 : i32
    %add3A_0 = arith.addi %arg1, %add3A : i32
    %c0_i32 = arith.constant 0 : i32
    %c0_i32_1 = arith.constant 0 : i32
    return %arg0, %c0_i32, %add3A_0 : i32, i32, i32
  }
  func.func @transform_2(%arg0: i32, %arg1: i32) -> (i32, i32, i32) {
    %c0_i32 = arith.constant 0 : i32
    %c0_i32_0 = arith.constant 0 : i32
    return %arg0, %c0_i32, %arg1 : i32, i32, i32
  }
  func.func @transform_3(%arg0: i32, %arg1: i32) -> (i32, i32, i32) {
    %c0_i32 = arith.constant 0 : i32
    %c0_i32_0 = arith.constant 0 : i32
    return %arg0, %c0_i32, %arg1 : i32, i32, i32
  }
}

</mosaic_0001>

<sc_bundles>
// kernel: _run.4.cloned.1.call-start
scs
__scs_entry_jumppad:
0x0: {  	(pc) =	sbr.rel $0x88, $3  }
0x1: {  	(tag) =	ssettag $0x0;
	lr =	simm.s32 $0x1  }
0x2: {  	[smem:$0x3F9F] =	sst lr;
	_ =	strace $0xD0000000  }
0x3: {  	_ = 	snop  }
0x4: {  	_ = 	snop  }
0x5: {  	_ = 	snop  }
0x6: {  	_ = 	snop  }
0x7: {  	_ = 	snop  }
__scs_overlays_trampoline_lowered:
0x8: {  	[smem:$0x3FAE] =	sst s0  }
0x9: {  	[smem:$0x3FAF] =	sst s1  }
0xa: {  	[smem:$0x3FB0] =	sst s2  }
0xb: {  	[smem:$0x3FB1] =	sst s3  }
0xc: {  	[smem:$0x3FB2] =	sst s4  }
0xd: {  	[smem:$0x3FB3] =	sst s5  }
0xe: {  	[smem:$0x3FB4] =	sst s6  }
0xf: {  	[smem:$0x3FB5] =	sst s7  }
0x10: {  	[smem:$0x3FB6] =	sst s8  }
0x11: {  	[smem:$0x3FB7] =	sst s9;
	s0 =	simm.s32 @!p0 $0x0  }
0x12: {  	s1 =	sld [smem:$0x3F9D];
	s0 =	simm.s32 @p0 $0x1  }
0x13: {  	[smem:$0x3FB8] =	sst s0;
	s0 =	simm.s32 @!p1 $0x0  }
0x14: {  	s2 =	sld [smem:$0x3F9C];
	s0 =	simm.s32 @p1 $0x1  }
0x15: {  	[smem:$0x3FB9] =	sst s0;
	s0 =	simm.s32 @!p2 $0x0  }
0x16: {  	s3 =	sld [smem:$0x3FDB];
	s0 =	simm.s32 @p2 $0x1  }
0x17: {  	s4 =	simm.s32 $0x1BF5;
	[smem:$0x3FBB] =	sst s0  }
0x18: {  	s0 =	sld [smem:$0x3F9E];
	_ =	swait.ge [sflag:s4], $0x0  }
0x19: {  	s7 =	sld [smem:$0x3F9F]  }
0x1a: {  	s8 =	sadd.s32 $0xFFFFE003, lr  }
0x1b: {  	s9 =	sadd.s32 $0xFFFFFEF7, lr;
	s5 =	simm.s32 $0xFFFFFFFF;
	p2 =	slt.u32 s8, $0xFFFFF086  }
0x1c: {  	p1 =	slt.u32 s9, $0xF7A;
	s5 =	simm.s32 @!p2 $0x0  }
0x1d: {  	s5 =	simm.s32 @p1 $0x1;
	p0 =	seq.s32 s7, s2  }
0x1e: {  	s7 =	smul.u32 @!p0 $0xF7A, s2;
	p2 =	seq.s32 @!p0 s5, $0x0  }
0x1f: {  	s9 =	smul.u32 $0xF7A, s1;
	s8 =	simm.s32 @!p0 $0x1BF5;
	p2 =	por !p2, p0  }
0x20: {  	[sflag:s8] =	ssyncset.s32 @!p0 $0xFFFFF086;
	s6 =	sadd.s32 @!p0 s3, s7;
	s7 =	simm.s32 @!p0 $0x108  }
0x21: {  	s3 =	sadd.s32 s3, s9;
	s6 =	sadd.s32 @!p0 $0x88, s6;
	s7 =	simm.s32 @p2 $0x1082  }
0x22: {  	[simem:s7], [sflag:s8] =	dma.local @!p0 [hbm:s6], $0xF7A  }
0x23: {  	s9 =	sor.u32 $0xD0000000, s2;
	s6 =	simm.s32 $0x108;
	_ =	swait.ge @!p0 [sflag:s8], $0x0  }
0x24: {  	s3 =	sadd.s32 $0x88, s3;
	s6 =	simm.s32 @!p1 $0x1082;
	[sflag:s4] =	ssyncset.s32 $0xFFFFF086  }
0x25: {  	[simem:s6], [sflag:s4] =	dma.local [hbm:s3], $0xF7A  }
0x26: {  	[smem:$0x3F9F] =	sst s1;
	(tag) =	ssettag s2;
	_ =	strace s9  }
0x27: {  	s1 =	sld [smem:$0x3FAF]  }
0x28: {  	s2 =	sld [smem:$0x3FB0]  }
0x29: {  	s4 =	sld [smem:$0x3FB2]  }
0x2a: {  	p0 =	seq.s32 s5, $0x0;
	s5 =	sld [smem:$0x3FB3]  }
0x2b: {  	s6 =	sld [smem:$0x3FB4]  }
0x2c: {  	s7 =	sld [smem:$0x3FB5]  }
0x2d: {  	s3 =	simm.s32 $0x108;
	s8 =	sld [smem:$0x3FB6]  }
0x2e: {  	s3 =	simm.s32 @!p0 $0x1082;
	s9 =	sld [smem:$0x3FB7]  }
0x2f: {  	lr =	sadd.s32 s0, s3;
	s0 =	sld [smem:$0x3FAE]  }
0x30: {  	s3 =	sld [smem:$0x3FB1]  }
0x31: {  	[smem:$0x3FBA] =	sst s10  }
0x32: {  	s10 =	sld [smem:$0x3FB8];
	_ =	sdelay $0x3  }
0x33: {  	p0 =	seq.s32 s10, $0x1;
	s10 =	sld [smem:$0x3FBA];
	_ =	sdelay $0x3  }
0x34: {  	[smem:$0x3FBA] =	sst s10  }
0x35: {  	s10 =	sld [smem:$0x3FB9];
	_ =	sdelay $0x3  }
0x36: {  	p1 =	seq.s32 s10, $0x1;
	s10 =	sld [smem:$0x3FBA];
	_ =	sdelay $0x3  }
0x37: {  	[smem:$0x3FBA] =	sst s10  }
0x38: {  	s10 =	sld [smem:$0x3FBB]  }
0x39: {  	_ = 	snop;
	(pc) =	sbr.ind lr, $3  }
0x3a: {  	_ = 	snop  }
0x3b: {  	_ = 	snop  }
0x3c: {  	p2 =	seq.s32 s10, $0x1;
	s10 =	sld [smem:$0x3FBA]  }
0x3d: {  	_ =	shalt  }
0x3e: {  	_ =	shalt  }
0x3f: {  	_ =	shalt  }
0x40: {  	_ =	shalt  }
0x41: {  	_ =	shalt  }
0x42: {  	_ =	shalt  }
0x43: {  	_ =	shalt  }
0x44: {  	_ =	shalt  }
0x45: {  	_ =	shalt  }
0x46: {  	_ =	shalt  }
0x47: {  	_ =	shalt  }
0x48: {  	_ =	shalt  }
0x49: {  	_ =	shalt  }
0x4a: {  	_ =	shalt  }
0x4b: {  	_ =	shalt  }
0x4c: {  	_ =	shalt  }
0x4d: {  	_ =	shalt  }
0x4e: {  	_ =	shalt  }
0x4f: {  	_ =	shalt  }
0x50: {  	_ =	shalt  }
0x51: {  	_ =	shalt  }
0x52: {  	_ =	shalt  }
0x53: {  	_ =	shalt  }
0x54: {  	_ =	shalt  }
0x55: {  	_ =	shalt  }
0x56: {  	_ =	shalt  }
0x57: {  	_ =	shalt  }
0x58: {  	_ =	shalt  }
0x59: {  	_ =	shalt  }
0x5a: {  	_ =	shalt  }
0x5b: {  	_ =	shalt  }
0x5c: {  	_ =	shalt  }
0x5d: {  	_ =	shalt  }
0x5e: {  	_ =	shalt  }
0x5f: {  	_ =	shalt  }
0x60: {  	_ =	shalt  }
0x61: {  	_ =	shalt  }
0x62: {  	_ =	shalt  }
0x63: {  	_ =	shalt  }
0x64: {  	_ =	shalt  }
0x65: {  	_ =	shalt  }
0x66: {  	_ =	shalt  }
0x67: {  	_ =	shalt  }
0x68: {  	_ =	shalt  }
0x69: {  	_ =	shalt  }
0x6a: {  	_ =	shalt  }
0x6b: {  	_ =	shalt  }
0x6c: {  	_ =	shalt  }
0x6d: {  	_ =	shalt  }
0x6e: {  	_ =	shalt  }
0x6f: {  	_ =	shalt  }
0x70: {  	_ =	shalt  }
0x71: {  	_ =	shalt  }
0x72: {  	_ =	shalt  }
0x73: {  	_ =	shalt  }
0x74: {  	_ =	shalt  }
0x75: {  	_ =	shalt  }
0x76: {  	_ =	shalt  }
0x77: {  	_ =	shalt  }
0x78: {  	_ =	shalt  }
0x79: {  	_ =	shalt  }
0x7a: {  	_ =	shalt  }
0x7b: {  	_ =	shalt  }
0x7c: {  	_ =	shalt  }
0x7d: {  	_ =	shalt  }
0x7e: {  	_ =	shalt  }
0x7f: {  	_ =	shalt  }
0x80: {  	_ =	shalt  }
0x81: {  	_ =	shalt  }
0x82: {  	_ =	shalt  }
0x83: {  	_ =	shalt  }
0x84: {  	_ =	shalt  }
0x85: {  	_ =	shalt  }
0x86: {  	_ =	shalt  }
0x87: {  	_ =	shalt  }
.Lfunc_end0:
.L_simem_size_0:
called_computation_lowered:
.L_overlay_start_0:
0x88: {  	s2 =	sld [smem:$0x3FD9]  }
0x89: {  	s3 =	sld [smem:$0x3FFE];
	_ =	sdelay $0x1  }
0x8a: {  	s1 =	srdreg.scid  }
0x8b: {  	s0 =	sand.u32 $0x1, s1  }
0x8c: {  	s14 =	sshll.u32 s0, $0xA;
	s2 =	sadd.s32 s3, s2  }
0x8d: {  	s2 =	sadd.s32 s2, s14  }
0x8e: {  	[smem:$0x3FC6] =	sst s2  }
0x8f: {  	_ = 	snop  }
0x90: {  	s2 =	sld [smem:$0x3FD0];
	_ =	sdelay $0x1  }
0x91: {  	s15 =	sld [smem:$0x3FC9]  }
0x92: {  	s5 =	simm.s32 $0xA;
	s6 =	simm.s32 $0x10;
	s4 =	sld [smem:$0x3FC8]  }
0x93: {  	[smem:s6], [sflag:s5] =	dma.local [hbm:s2], $0x1  }
0x94: {  	_ =	swait.eq [sflag:s5], $0x1  }
0x95: {  	[sflag:s5] =	ssyncset.done $0x0  }
0x96: {  	[sflag:s5] =	ssyncadd.s32 $0xFFFFFFFF  }
0x97: {  	s16 =	sld [smem:$0x11];
	(tm) =	ssettm $0x1  }
0x98: {  	s17 =	sld [smem:$0x3FFB];
	_ =	sdelay $0x3  }
0x99: {  	_ =	strace s17  }
0x9a: {  	s5 =	sld [smem:$0x3FFC];
	_ =	sdelay $0x3  }
0x9b: {  	_ =	strace s5  }
0x9c: {  	s5 =	sld [smem:$0x3FFD];
	_ =	sdelay $0x3  }
0x9d: {  	_ =	strace s5  }
0x9e: {  	_ =	strace $0x8FFFFFFF  }
0x9f: {  	s18 =	sld [smem:$0x3FDB];
	_ =	sdelay $0x1  }
0xa0: {  	s19 =	simm.s32 $_scs_section_size  }
0xa1: {  	s7 =	simm.s32 $_size__tile_overlayer_lowered;
	s8 =	simm.s32 $_tile_overlayer_lowered  }
0xa2: {  	s22 =	simm.s32 $0x1BFF;
	s21 =	sshll.u32 s8, $0x1;
	s5 =	sadd.s32 s19, s18  }
0xa3: {  	s9 =	simm.s32 $0x0;
	s20 =	sshll.u32 s7, $0x1;
	s7 =	sadd.s32 s21, s5  }
0xa4: {  	[timem:s9], [sflag:s22] =	dma.local [hbm:s7], s20  }
0xa5: {  	_ =	swait.ge [sflag:s22], s20  }
0xa6: {  	s6 =	ssub.s32 $0x0, s20;
	[sflag:s22] =	ssyncset.done $0x0  }
0xa7: {  	[sflag:s22] =	ssyncadd.s32 s6;
	_ =	sdelay $0x1  }
0xa8: {  	s23 =	simm.s32 $0x1B8B  }
0xa9: {  	_ =	swait.ge [sflag:s23], $0x1  }
0xaa: {  	[sflag:s23] =	ssyncset.done $0x0  }
0xab: {  	s25 =	simm.s32 $0x1B8E;
	s24 =	sld [smem:$0x3FFE];
	[sflag:s23] =	ssyncadd.s32 $0xFFFFFFFF  }
0xac: {  	s26 =	simm.s32 $execute0_lowered;
	[smem:$0x3FD2] =	sst s25  }
0xad: {  	s7 =	sshll.u32 s26, $0x1;
	_ =	strace $0x80000046;
	[dreg:$0x1] =	wrdreg $0xFFFFFFFF  }
0xae: {  	s28 =	simm.s32 $_size_execute0_lowered;
	s5 =	sadd.s32 s5, s7;
	[dreg:$0x0] =	wrdreg $0x0  }
0xaf: {  	s7 =	sshll.u32 s28, $0x1;
	[dreg:$0x2] =	wrdreg s5  }
0xb0: {  	[dreg:$0x3] =	wrdreg s7  }
0xb1: {  	[dreg:$0x4] =	wrdreg $0xC0  }
0xb2: {  	_ =	task [dreg:s9], $0x5FFFF  }
0xb3: {  	[dreg:$0x1] =	wrdreg $0xFFFFFFFF  }
0xb4: {  	[dreg:$0x0] =	wrdreg $0x60  }
0xb5: {  	[dreg:$0x2] =	wrdreg s15  }
0xb6: {  	[dreg:$0x3] =	wrdreg s4  }
0xb7: {  	[dreg:$0x4] =	wrdreg s24  }
0xb8: {  	[dreg:$0x5] =	wrdreg s16  }
0xb9: {  	[dreg:$0x6] =	wrdreg $0x9  }
0xba: {  	_ =	task.clear_ibuf [dreg:s9], $0x7FFFF;
	_ =	strace $0x90000046  }
0xbb: {  	s29 =	simm.s32 $0x9;
	_ =	strace $0x80000048  }
0xbc: {  	_ =	swait.ge [sflag:s29], $0x1  }
0xbd: {  	[sflag:s29] =	ssyncadd.s32 $0xFFFFFFFF  }
0xbe: {  	_ =	strace $0x90000048  }
0xbf: {  	_ =	sfence  }
0xc0: {  	s30 =	sld [smem:$0x0];
	_ =	sdelay $0x2  }
0xc1: {  	s31 =	sshll.u32 s1, $0xD;
	s1 =	sshrl.u32 s1, $0x2  }
0xc2: {  	s3 =	sand.u32 $0x4000, s31;
	s1 =	sadd.s32 s1, s30  }
0xc3: {  	s0 =	sor.u32 s3, s0;
	s1 =	sshll.u32 s1, $0x11  }
0xc4: {  	s0 =	sor.u32 s1, s0  }
0xc5: {  	s0 =	sadd.s32 $0x8F2B, s0  }
0xc6: {  	[sflag:s0] =	ssyncadd.remote.s32 $0x1  }
0xc7: {  	_ =	sfence.sel $0xFFFF  }
0xc8: {  	[dreg:$0x0] =	wrdreg $0xFFFFFFFF;
	(pc) =	sbr.abs _section_cstart, $3  }
0xc9: {  	[dreg:$0x1] =	wrdreg $0xFFFFFFFF  }
0xca: {  	_ =	task.clear_ibuf [dreg:s9], $0x2FFFF;
	_ =	strace $0x9FFFFFFF  }
0xcb: {  	(tm) =	ssettm $0x7FFFFFFF  }
tec
execute0_lowered:
.L_overlay_start_1:
0x0: {  	(tag) =	ssettag $0x1  }
0x1: {  	s0 =	srdreg.scid  }
0x2: {  	s7 =	stileid.u32;
	s2 =	rddreg [dreg:$0x0];
	s0 =	sand.u32 $0x1, s0  }
0x3: {  	s5 =	rddreg [dreg:$0x2];
	s6 =	simm.s32 $0x1;
	s1 =	sor.u32 s0, s7  }
0x4: {  	s3 =	rddreg [dreg:$0x3];
	p0 =	seq.s32 s0, $0x1;
	p1 =	seq.s32 s1, $0x0  }
0x5: {  	s4 =	simm.s32 $0x0;
	s14 =	simm.s32 $0x80;
	p1 =	por !p1, !p0  }
0x6: {  	s17 =	simm.s32 $0x3;
	s20 =	simm.s32 $0x10E00;
	p1 =	por !p1, !p1  }
0x7: {  	[smem:$0x7FF] =	sst s4;
	s5 =	sadd.s32 $0x800, s5;
	s6 =	simm.s32 @!p1 $0x0  }
0x8: {  	s0 =	ssub.s32 $0x2, s0;
	s1 =	rddreg [dreg:$0x1];
	s7 =	ssub.s32 s7, s6  }
0x9: {  	_ =	strace $0x80000047;
	s22 =	sshrl.u32 s0, $0x1;
	s6 =	sand.u32 $0x3, s7  }
0xa: {  	s8 =	sand.u32 $0xC0, s7;
	p6 =	slt.s32 s7, $0x1;
	p2 =	sne.s32 s6, $0x0  }
0xb: {  	s0 =	ssub.s32 s0, s22;
	s21 =	sshrl.u32 s8, $0x6;
	p1 =	por !p6, !p2  }
0xc: {  	s8 =	simm.s32 $0x1;
	s6 =	sadd.s32 s21, s7;
	p1 =	por !p1, !p1  }
0xd: {  	s22 =	simm.s32 $0x11600;
	s9 =	sshra.s32 s6, $0x2;
	s8 =	simm.s32 @!p1 $0x0  }
0xe: {  	s0 =	smax.u32 s0, $0x1;
	s6 =	simm.s32 $0xE00;
	s8 =	ssub.s32 s9, s8  }
0xf: {  	[dreg:$0x7] =	wrdreg s0;
	s6 =	simm.s32 @!p0 $0x0;
	s10 =	sshll.u32 s8, $0xE  }
0x10: {  	s11 =	sshll.u32 s6, $0x2;
	s8 =	sshll.u32 s8, $0x7;
	s10 =	sand.u32 $0xFFFF0000, s10  }
0x11: {  	s24 =	sshll.u32 s7, $0x15;
	s8 =	sand.u32 $0x180, s8;
	s23 =	sor.u32 s11, s10  }
0x12: {  	s29 =	sshrl.u32 s7, $0x3;
	s12 =	sshll.u32 s7, $0x7;
	s8 =	sor.u32 s8, s23  }
0x13: {  	s25 =	sshrl.u32 s24, $0x3;
	s31 =	sand.u32 $0x380, s12;
	s8 =	sshrl.u32 s8, $0x3  }
0x14: {  	s26 =	sadd.s32 s1, s6;
	s30 =	sshll.u32 s6, $0x3;
	s2 =	sadd.s32 s2, s8  }
0x15: {  	s28 =	sadd.s32 s25, s26;
	[dreg:$0x5] =	wrdreg s2;
	s2 =	smul.u32 $0xE000, s29  }
0x16: {  	s21 =	simm.s32 $0x400;
	[dreg:$0x6] =	wrdreg s28;
	s10 =	sor.u32 s24, s30  }
0x17: {  	s11 =	smul.u32 $0xE000, s7;
	s7 =	simm.s32 $0x0;
	s12 =	sor.u32 s31, s2  }
.LBB2_1:
0x18: {  	[dreg:$0x8] =	wrdreg s7  }
0x19: {  	s0 =	rddreg [dreg:$0x5];
	s2 =	simm.s32 $0x200;
	s28 =	simm.s32 $0x10000  }
0x1a: {  	[tilespmem:s28], [sflag:$0x3] =	stream.strided.gather [hbm4b:s0+s14], $0xE00, s2, s14, $0x38;
	[tilespmem:$0x11700] =	vst v63  }
0x1b: {  	s30 =	simm.s32 $0x800;
	_ =	swait.ge [sflag:s17], $0xE00  }
0x1c: {  	s31 =	simm.s32 $0x20000;
	p0 =	por $0x0, $0x0;
	[sflag:s17] =	ssyncset.done $0x0  }
0x1d: {  	s24 =	simm.s32 $0x0;
	s29 =	rddreg [dreg:$0x6];
	[sflag:s17] =	ssyncadd.s32 $0xFFFFF200  }
0x1e: {  	[tilespmem:s4], [sflag:$0x1] =	stream.strided.gather [hbm4b:s29+s30], $0x8000, s31, s30, $0x38;
	[tilespmem:$0x11700] =	vst v63  }
.LBB2_2:
0x1f: {  	s0 =	smov.u32 s24;
	s24 =	sadd.s32 $0x1, s24  }
0x20: {  	s2 =	smin.u32 s24, $0xD  }
0x21: {  	s7 =	sand.u32 $0x1, s0;
	s2 =	sshll.u32 s2, $0xB  }
0x22: {  	p1 =	seq.s32 s7, $0x1;
	s2 =	sadd.s32 s10, s2  }
0x23: {  	s7 =	simm.s32 @p1 $0x800;
	s2 =	sshrl.u32 s2, $0x3  }
0x24: {  	s8 =	simm.s32 @p1 $0x20000;
	s9 =	simm.s32 @p1 $0x0;
	s2 =	sadd.s32 s1, s2  }
0x25: {  	[tilespmem:s9], [sflag:$0x1] =	stream.strided.gather @p1 [hbm4b:s2+s7], $0x8000, s8, s7, $0x38;
	[tilespmem:$0x11700] =	vst v63  }
0x26: {  	s7 =	simm.s32 @!p1 $0x800;
	s8 =	simm.s32 @!p1 $0x20000;
	s9 =	simm.s32 @!p1 $0x8000  }
0x27: {  	[tilespmem:s9], [sflag:$0x2] =	stream.strided.gather @!p1 [hbm4b:s2+s7], $0x8000, s8, s7, $0x38;
	[tilespmem:$0x11700] =	vst v63  }
0x28: {  	s30 =	simm.s32 $0x0;
	s31 =	simm.s32 $0x0;
	s2 =	simm.s32 @!p1 $0x1  }
0x29: {  	s0 =	sshll.u32 s0, $0x8;
	s7 =	simm.s32 $0x1;
	s2 =	simm.s32 @p1 $0x2  }
0x2a: {  	s25 =	sadd.s32 s6, s0;
	s7 =	simm.s32 @!p0 $0x0;
	_ =	swait.ge [sflag:s2], $0x8000  }
0x2b: {  	s26 =	sadd.s32 $0x10000, s0;
	s7 =	sshll.u32 s7, $0x11;
	[sflag:s2] =	ssyncset.done $0x0  }
0x2c: {  	s0 =	simm.s32 $0x0;
	s23 =	sshrl.u32 s7, $0x2;
	[sflag:s2] =	ssyncadd.s32 $0xFFFF8000  }
0x2d: {  	s28 =	sadd.s32 $0x1010, s23;
	s29 =	sadd.s32 $0x1000, s23;
	s2 =	simm.s32 $0x0  }
.LBB2_3:
0x2e: {  	s7 =	sshll.u32 s2, $0x2  }
0x2f: {  	s8 =	sand.u32 $0x7, s31;
	s9 =	sand.u32 $0x3, s30;
	s15 =	sshll.u32 s0, $0x5  }
0x30: {  	v4 =	vimm.f32 $-Inf;
	v2 =	vimm.s32 $0x0;
	v3 =	vimm.f32 $-Inf;
	s7 =	sand.u32 $0xFFFFF000, s7;
	s8 =	sshll.u32 s8, $0x6;
	s9 =	sshll.u32 s9, $0x7  }
0x31: {  	v5 =	vimm.f32 $-Inf;
	v9 =	vimm.f32 $-Inf;
	v11 =	vimm.f32 $-Inf;
	s13 =	sand.u32 $0x80, s15;
	s18 =	sand.u32 $0x60, s15;
	s16 =	sor.u32 $0x10, s15  }
0x32: {  	v10 =	vimm.f32 $-Inf;
	v8 =	vimm.f32 $-Inf;
	v7 =	vimm.f32 $-Inf;
	s8 =	sor.u32 s8, s7;
	s7 =	sor.u32 s9, s7;
	s23 =	sadd.s32 s13, s26  }
0x33: {  	v6 =	vimm.s32 $0x0;
	v13 =	vimm.f32 $-Inf;
	v12 =	vimm.f32 $-Inf;
	s8 =	sshrl.u32 s8, $0x2;
	s7 =	sshrl.u32 s7, $0x2;
	s13 =	sadd.s32 s18, s23  }
0x34: {  	v15 =	vimm.f32 $-Inf;
	v14 =	vimm.f32 $-Inf;
	v16 =	vimm.f32 $-Inf;
	s23 =	sshll.u32 s0, $0x8;
	s19 =	sadd.s32 s8, s28;
	s9 =	sadd.s32 s7, s29;
	v0 =	vld [tilespmem:s13+$0x0]  }
0x35: {  	v17 =	vimm.f32 $-Inf;
	v19 =	vimm.f32 $-Inf;
	v18 =	vimm.f32 $-Inf;
	v1 =	vld [tilespmem:s13+$0x10];
	s13 =	sand.u32 $0x400, s23;
	s8 =	sand.u32 $0x70, s16;
	s7 =	simm.s32 $0x0  }
.LBB2_4:
0x36: {  	v20 =	vld [tilespmem:s9+$0xFFFFF000];
	_ =	sdelay $0x1  }
0x37: {  	v21 =	vld [tilespmem:s19+$0xFFFFF000];
	_ =	sdelay $0x2  }
0x38: {  	v20 =	vmul.f32 v20, v0;
	_ =	sdelay $0x1  }
0x39: {  	v21 =	vmul.f32 v21, v1;
	vm0 =	vgt.f32 v20, v18  }
0x3a: {  	vm1 =	vgt.f32 v20, v19;
	vm2 =	vgt.f32 v20, v17;
	vm3 =	vgt.f32 v20, v16  }
0x3b: {  	vm4 =	vgt.f32 v20, v14;
	vm5 =	vgt.f32 v20, v15;
	v22 =	vmax.f32 v20, v17  }
0x3c: {  	vm6 =	vgt.f32 v20, v12;
	v23 =	vmax.f32 v20, v16;
	v56 =	vmax.f32 v20, v14  }
0x3d: {  	v57 =	vmax.f32 v20, v15;
	v13 =	vmax.f32 v20, v13;
	vm11 =	vgt.f32 v21, v7  }
0x3e: {  	vm12 =	vgt.f32 v21, v8;
	vm13 =	vgt.f32 v21, v10;
	vm14 =	vgt.f32 v21, v11  }
0x3f: {  	vm15 =	vgt.f32 v21, v9;
	v58 =	vmax.f32 v21, v11;
	vm7 =	vgt.f32 v21, v5  }
0x40: {  	vm8 =	vgt.f32 v21, v3;
	v22 =	vsel vm1, v19, v22;
	v19 =	vmax.f32 v20, v19  }
0x41: {  	v19 =	vsel vm0, v18, v19;
	v18 =	vmax.f32 v18, v20;
	v20 =	vmax.f32 v20, v12  }
0x42: {  	v12 =	vsel vm6, v12, v13;
	v13 =	vmax.f32 v21, v9;
	v15 =	vsel vm5, v15, v20;
	v20 =	vld [tilespmem:s9+$0xFFFFF080]  }
0x43: {  	v4 =	vmax.f32 v21, v4;
	v11 =	vsel vm14, v11, v13;
	v13 =	vmax.f32 v21, v5  }
0x44: {  	v17 =	vsel vm2, v17, v23;
	v16 =	vsel vm3, v16, v56;
	v9 =	vsel vm15, v9, v13;
	v13 =	vld [tilespmem:s19+$0xFFFFF080]  }
0x45: {  	v14 =	vsel vm4, v14, v57;
	v23 =	vsel vm13, v10, v58;
	v10 =	vmax.f32 v21, v10  }
0x46: {  	v6 =	vsel vm0, s7, v6;
	v10 =	vsel vm12, v8, v10;
	v8 =	vmax.f32 v21, v8  }
0x47: {  	v2 =	vsel vm11, s7, v2;
	v8 =	vsel vm11, v7, v8;
	v20 =	vmul.f32 v20, v0  }
0x48: {  	v7 =	vmax.f32 v7, v21;
	v21 =	vmax.f32 v21, v3;
	v3 =	vsel vm8, v3, v4  }
0x49: {  	v5 =	vsel vm7, v5, v21;
	v4 =	vmul.f32 v13, v1;
	vm0 =	vgt.f32 v20, v18  }
0x4a: {  	vm9 =	vgt.f32 v20, v19;
	vm10 =	vgt.f32 v20, v22;
	vm11 =	vgt.f32 v20, v17  }
0x4b: {  	vm12 =	vgt.f32 v20, v16;
	vm13 =	vgt.f32 v20, v14;
	v13 =	vmax.f32 v20, v22  }
0x4c: {  	vm14 =	vgt.f32 v20, v15;
	v59 =	vmax.f32 v20, v17;
	v60 =	vmax.f32 v20, v16  }
0x4d: {  	v61 =	vmax.f32 v20, v14;
	v12 =	vmax.f32 v20, v12;
	v13 =	vsel vm9, v19, v13  }
0x4e: {  	v19 =	vmax.f32 v20, v19;
	v21 =	vsel vm10, v22, v59;
	v17 =	vsel vm11, v17, v60  }
0x4f: {  	v16 =	vsel vm12, v16, v61;
	v12 =	vsel vm14, v15, v12;
	vm15 =	vgt.f32 v4, v7  }
0x50: {  	vm8 =	vgt.f32 v4, v8;
	vm9 =	vgt.f32 v4, v10;
	vm10 =	vgt.f32 v4, v23  }
0x51: {  	s23 =	sadd.s32 $0x1, s7;
	vm11 =	vgt.f32 v4, v11;
	v62 =	vmax.f32 v4, v23;
	v63 =	vmax.f32 v4, v9  }
0x52: {  	v24 =	vld [tilespmem:s19+$0xFFFFF100];
	vm12 =	vgt.f32 v4, v9;
	v3 =	vmax.f32 v4, v3;
	v6 =	vsel vm0, s23, v6  }
0x53: {  	v19 =	vsel vm0, v18, v19;
	v18 =	vmax.f32 v18, v20;
	v20 =	vmax.f32 v20, v15  }
0x54: {  	v22 =	vsel vm9, v10, v62;
	v10 =	vmax.f32 v4, v10;
	v14 =	vsel vm13, v14, v20;
	v20 =	vld [tilespmem:s9+$0xFFFFF100]  }
0x55: {  	v15 =	vmax.f32 v4, v11;
	v10 =	vsel vm8, v8, v10;
	v8 =	vmax.f32 v4, v8  }
0x56: {  	vm13 =	vgt.f32 v4, v5;
	v8 =	vsel vm15, v7, v8;
	v7 =	vmax.f32 v7, v4  }
0x57: {  	v4 =	vmax.f32 v4, v5;
	v3 =	vsel vm13, v5, v3;
	v5 =	vmul.f32 v24, v1  }
0x58: {  	v11 =	vsel vm11, v11, v63;
	v2 =	vsel vm15, s23, v2;
	v15 =	vsel vm10, v23, v15  }
0x59: {  	v4 =	vsel vm12, v9, v4;
	vm13 =	vgt.f32 v5, v7;
	v20 =	vmul.f32 v20, v0  }
0x5a: {  	s23 =	sadd.s32 $0x2, s7;
	vm8 =	vgt.f32 v5, v22;
	v28 =	vmax.f32 v5, v22;
	v29 =	vmax.f32 v5, v11  }
0x5b: {  	v3 =	vmax.f32 v5, v3;
	v2 =	vsel vm13, s23, v2;
	vm0 =	vgt.f32 v20, v18  }
0x5c: {  	vm14 =	vgt.f32 v20, v19;
	vm15 =	vgt.f32 v20, v13;
	vm9 =	vgt.f32 v20, v21  }
0x5d: {  	vm10 =	vgt.f32 v20, v17;
	vm11 =	vgt.f32 v20, v16;
	v9 =	vmax.f32 v20, v13  }
0x5e: {  	vm12 =	vgt.f32 v20, v14;
	v25 =	vmax.f32 v20, v21;
	v26 =	vmax.f32 v20, v17  }
0x5f: {  	v27 =	vmax.f32 v20, v16;
	v12 =	vmax.f32 v20, v12;
	v9 =	vsel vm14, v19, v9  }
0x60: {  	v19 =	vmax.f32 v20, v19;
	v13 =	vsel vm15, v13, v25;
	v21 =	vsel vm9, v21, v26  }
0x61: {  	v17 =	vsel vm10, v17, v27;
	v12 =	vsel vm12, v14, v12;
	vm14 =	vgt.f32 v5, v8  }
0x62: {  	v30 =	vld [tilespmem:s19+$0xFFFFF180];
	vm15 =	vgt.f32 v5, v10;
	vm9 =	vgt.f32 v5, v15;
	vm10 =	vgt.f32 v5, v11  }
0x63: {  	v19 =	vsel vm0, v18, v19;
	v18 =	vmax.f32 v18, v20;
	v20 =	vmax.f32 v20, v14  }
0x64: {  	v14 =	vmax.f32 v5, v15;
	v23 =	vsel vm15, v10, v28;
	v10 =	vmax.f32 v5, v10  }
0x65: {  	v16 =	vsel vm11, v16, v20;
	v20 =	vld [tilespmem:s9+$0xFFFFF180];
	v10 =	vsel vm14, v8, v10;
	v8 =	vmax.f32 v5, v8  }
0x66: {  	vm11 =	vgt.f32 v5, v4;
	v8 =	vsel vm13, v7, v8;
	v7 =	vmax.f32 v7, v5  }
0x67: {  	v5 =	vmax.f32 v5, v4;
	v3 =	vsel vm11, v4, v3;
	v4 =	vmul.f32 v30, v1  }
0x68: {  	v6 =	vsel vm0, s23, v6;
	v15 =	vsel vm9, v15, v29;
	v14 =	vsel vm8, v22, v14  }
0x69: {  	v5 =	vsel vm10, v11, v5;
	vm11 =	vgt.f32 v4, v7;
	v34 =	vmax.f32 v4, v23  }
0x6a: {  	vm8 =	vgt.f32 v4, v5;
	v3 =	vmax.f32 v4, v3;
	v20 =	vmul.f32 v20, v0  }
0x6b: {  	s23 =	sadd.s32 $0x3, s7;
	v35 =	vmax.f32 v4, v15;
	vm7 =	vgt.f32 v4, v15;
	v3 =	vsel vm8, v5, v3  }
0x6c: {  	v2 =	vsel vm11, s23, v2;
	vm0 =	vgt.f32 v20, v18;
	vm12 =	vgt.f32 v20, v19  }
0x6d: {  	vm13 =	vgt.f32 v20, v9;
	vm14 =	vgt.f32 v20, v13;
	vm15 =	vgt.f32 v20, v21  }
0x6e: {  	vm9 =	vgt.f32 v20, v17;
	v11 =	vmax.f32 v20, v9;
	vm10 =	vgt.f32 v20, v16  }
0x6f: {  	v31 =	vmax.f32 v20, v13;
	v32 =	vmax.f32 v20, v21;
	v33 =	vmax.f32 v20, v17  }
0x70: {  	v12 =	vmax.f32 v20, v12;
	v11 =	vsel vm12, v19, v11;
	v19 =	vmax.f32 v20, v19  }
0x71: {  	v9 =	vsel vm13, v9, v31;
	v13 =	vsel vm14, v13, v32;
	v21 =	vsel vm15, v21, v33  }
0x72: {  	v36 =	vld [tilespmem:s19+$0xFFFFF200];
	v12 =	vsel vm10, v16, v12;
	vm12 =	vgt.f32 v4, v8;
	vm13 =	vgt.f32 v4, v10  }
0x73: {  	v19 =	vsel vm0, v18, v19;
	v18 =	vmax.f32 v18, v20;
	v20 =	vmax.f32 v20, v16  }
0x74: {  	v22 =	vsel vm13, v10, v34;
	v10 =	vmax.f32 v4, v10;
	v17 =	vsel vm9, v17, v20;
	v20 =	vld [tilespmem:s9+$0xFFFFF200]  }
0x75: {  	vm14 =	vgt.f32 v4, v23;
	v10 =	vsel vm12, v8, v10;
	v8 =	vmax.f32 v4, v8  }
0x76: {  	vm15 =	vgt.f32 v4, v14;
	v16 =	vmax.f32 v4, v14;
	v8 =	vsel vm11, v7, v8  }
0x77: {  	v7 =	vmax.f32 v7, v4;
	v4 =	vmax.f32 v4, v5;
	v5 =	vmul.f32 v36, v1  }
0x78: {  	v6 =	vsel vm0, s23, v6;
	v14 =	vsel vm15, v14, v35;
	v16 =	vsel vm14, v23, v16  }
0x79: {  	v4 =	vsel vm7, v15, v4;
	vm15 =	vgt.f32 v5, v7;
	v20 =	vmul.f32 v20, v0  }
0x7a: {  	s23 =	sadd.s32 $0x4, s7;
	vm8 =	vgt.f32 v5, v8;
	v41 =	vmax.f32 v5, v22;
	v42 =	vmax.f32 v5, v14  }
0x7b: {  	v3 =	vmax.f32 v5, v3;
	v2 =	vsel vm15, s23, v2;
	vm0 =	vgt.f32 v20, v18  }
0x7c: {  	vm9 =	vgt.f32 v20, v19;
	vm10 =	vgt.f32 v20, v11;
	vm11 =	vgt.f32 v20, v9  }
0x7d: {  	vm12 =	vgt.f32 v20, v13;
	vm13 =	vgt.f32 v20, v21;
	v15 =	vmax.f32 v20, v11  }
0x7e: {  	vm14 =	vgt.f32 v20, v17;
	v37 =	vmax.f32 v20, v9;
	v38 =	vmax.f32 v20, v13  }
0x7f: {  	v39 =	vmax.f32 v20, v21;
	v12 =	vmax.f32 v20, v12;
	v15 =	vsel vm9, v19, v15  }
0x80: {  	v19 =	vmax.f32 v20, v19;
	v11 =	vsel vm10, v11, v37;
	v9 =	vsel vm11, v9, v38  }
0x81: {  	v13 =	vsel vm12, v13, v39;
	v12 =	vsel vm14, v17, v12;
	vm9 =	vgt.f32 v5, v10  }
0x82: {  	v40 =	vld [tilespmem:s9+$0xFFFFF280];
	vm10 =	vgt.f32 v5, v22;
	vm11 =	vgt.f32 v5, v16;
	vm12 =	vgt.f32 v5, v14  }
0x83: {  	v6 =	vsel vm0, s23, v6;
	v19 =	vsel vm0, v18, v19;
	v18 =	vmax.f32 v18, v20  }
0x84: {  	v43 =	vld [tilespmem:s19+$0xFFFFF280];
	v20 =	vmax.f32 v20, v17;
	v17 =	vmax.f32 v5, v16;
	v23 =	vsel vm9, v10, v41  }
0x85: {  	v10 =	vmax.f32 v5, v10;
	v16 =	vsel vm11, v16, v42;
	v20 =	vsel vm13, v21, v20  }
0x86: {  	v17 =	vsel vm10, v22, v17;
	v10 =	vsel vm8, v8, v10;
	v8 =	vmax.f32 v5, v8  }
0x87: {  	vm13 =	vgt.f32 v5, v4;
	v21 =	vmul.f32 v40, v0;
	v8 =	vsel vm15, v7, v8  }
0x88: {  	v7 =	vmax.f32 v7, v5;
	v5 =	vmax.f32 v5, v4;
	v3 =	vsel vm13, v4, v3  }
0x89: {  	v4 =	vmul.f32 v43, v1;
	v5 =	vsel vm12, v14, v5;
	vm0 =	vgt.f32 v21, v18  }
0x8a: {  	vm14 =	vgt.f32 v21, v19;
	vm15 =	vgt.f32 v21, v15;
	vm9 =	vgt.f32 v21, v11  }
0x8b: {  	vm10 =	vgt.f32 v21, v9;
	vm11 =	vgt.f32 v21, v13;
	v14 =	vmax.f32 v21, v15  }
0x8c: {  	vm12 =	vgt.f32 v21, v20;
	v44 =	vmax.f32 v21, v11;
	v45 =	vmax.f32 v21, v9  }
0x8d: {  	v46 =	vmax.f32 v21, v13;
	v12 =	vmax.f32 v21, v12;
	v14 =	vsel vm14, v19, v14  }
0x8e: {  	v19 =	vmax.f32 v21, v19;
	v15 =	vsel vm15, v15, v44;
	v11 =	vsel vm9, v11, v45  }
0x8f: {  	v9 =	vsel vm10, v9, v46;
	v12 =	vsel vm12, v20, v12;
	vm13 =	vgt.f32 v4, v7  }
0x90: {  	vm14 =	vgt.f32 v4, v8;
	vm15 =	vgt.f32 v4, v10;
	vm8 =	vgt.f32 v4, v23  }
0x91: {  	s23 =	sadd.s32 $0x5, s7;
	vm9 =	vgt.f32 v4, v17;
	v48 =	vmax.f32 v4, v23;
	v49 =	vmax.f32 v4, v16  }
0x92: {  	v47 =	vld [tilespmem:s9+$0xFFFFF300];
	vm10 =	vgt.f32 v4, v16;
	v3 =	vmax.f32 v4, v3;
	v6 =	vsel vm0, s23, v6  }
0x93: {  	v19 =	vsel vm0, v18, v19;
	v18 =	vmax.f32 v18, v21;
	v21 =	vmax.f32 v21, v20  }
0x94: {  	v50 =	vld [tilespmem:s19+$0xFFFFF300];
	v20 =	vmax.f32 v4, v17;
	v22 =	vsel vm15, v10, v48;
	v10 =	vmax.f32 v4, v10  }
0x95: {  	v17 =	vsel vm9, v17, v49;
	v2 =	vsel vm13, s23, v2;
	v13 =	vsel vm11, v13, v21  }
0x96: {  	v20 =	vsel vm8, v23, v20;
	v10 =	vsel vm14, v8, v10;
	v8 =	vmax.f32 v4, v8  }
0x97: {  	vm11 =	vgt.f32 v4, v5;
	v21 =	vmul.f32 v47, v0;
	v8 =	vsel vm13, v7, v8  }
0x98: {  	v7 =	vmax.f32 v7, v4;
	v4 =	vmax.f32 v4, v5;
	v3 =	vsel vm11, v5, v3  }
0x99: {  	v5 =	vmul.f32 v50, v1;
	v4 =	vsel vm10, v16, v4;
	vm0 =	vgt.f32 v21, v18  }
0x9a: {  	vm12 =	vgt.f32 v21, v19;
	vm13 =	vgt.f32 v21, v14;
	vm14 =	vgt.f32 v21, v15  }
0x9b: {  	vm15 =	vgt.f32 v21, v11;
	vm9 =	vgt.f32 v21, v9;
	v16 =	vmax.f32 v21, v14  }
0x9c: {  	vm10 =	vgt.f32 v21, v13;
	v51 =	vmax.f32 v21, v15;
	v52 =	vmax.f32 v21, v11  }
0x9d: {  	v53 =	vmax.f32 v21, v9;
	v12 =	vmax.f32 v21, v12;
	v16 =	vsel vm12, v19, v16  }
0x9e: {  	v19 =	vmax.f32 v21, v19;
	v14 =	vsel vm13, v14, v51;
	v15 =	vsel vm14, v15, v52  }
0x9f: {  	v11 =	vsel vm15, v11, v53;
	v12 =	vsel vm10, v13, v12;
	vm11 =	vgt.f32 v5, v7  }
0xa0: {  	vm12 =	vgt.f32 v5, v8;
	vm13 =	vgt.f32 v5, v10;
	vm14 =	vgt.f32 v5, v22  }
0xa1: {  	vm15 =	vgt.f32 v5, v20;
	v55 =	vmax.f32 v5, v22;
	v56 =	vmax.f32 v5, v17  }
0xa2: {  	v54 =	vld [tilespmem:s9+$0xFFFFF380];
	s23 =	sadd.s32 $0x6, s7;
	vm7 =	vgt.f32 v5, v17;
	vm8 =	vgt.f32 v5, v4;
	v3 =	vmax.f32 v5, v3  }
0xa3: {  	v6 =	vsel vm0, s23, v6;
	v19 =	vsel vm0, v18, v19;
	v18 =	vmax.f32 v18, v21  }
0xa4: {  	v57 =	vld [tilespmem:s19+$0xFFFFF380];
	v21 =	vmax.f32 v21, v13;
	v13 =	vmax.f32 v5, v20;
	v23 =	vsel vm13, v10, v55  }
0xa5: {  	v10 =	vmax.f32 v5, v10;
	v20 =	vsel vm15, v20, v56;
	v3 =	vsel vm8, v4, v3  }
0xa6: {  	v2 =	vsel vm11, s23, v2;
	v9 =	vsel vm9, v9, v21;
	v13 =	vsel vm14, v22, v13  }
0xa7: {  	v10 =	vsel vm12, v8, v10;
	v8 =	vmax.f32 v5, v8;
	v21 =	vmul.f32 v54, v0  }
0xa8: {  	v8 =	vsel vm11, v7, v8;
	v7 =	vmax.f32 v7, v5;
	v5 =	vmax.f32 v5, v4  }
0xa9: {  	v4 =	vmul.f32 v57, v1;
	v5 =	vsel vm7, v17, v5;
	vm0 =	vgt.f32 v21, v18  }
0xaa: {  	vm9 =	vgt.f32 v21, v19;
	vm10 =	vgt.f32 v21, v16;
	vm11 =	vgt.f32 v21, v14  }
0xab: {  	vm12 =	vgt.f32 v21, v15;
	vm13 =	vgt.f32 v21, v11;
	v17 =	vmax.f32 v21, v16  }
0xac: {  	vm14 =	vgt.f32 v21, v9;
	v58 =	vmax.f32 v21, v14;
	v59 =	vmax.f32 v21, v15  }
0xad: {  	v60 =	vmax.f32 v21, v11;
	v12 =	vmax.f32 v21, v12;
	v17 =	vsel vm9, v19, v17  }
0xae: {  	v19 =	vmax.f32 v21, v19;
	v16 =	vsel vm10, v16, v58;
	v14 =	vsel vm11, v14, v59  }
0xaf: {  	v15 =	vsel vm12, v15, v60;
	vm15 =	vgt.f32 v4, v7;
	vm8 =	vgt.f32 v4, v8  }
0xb0: {  	vm9 =	vgt.f32 v4, v10;
	vm10 =	vgt.f32 v4, v23;
	vm11 =	vgt.f32 v4, v13  }
0xb1: {  	s23 =	sadd.s32 $0x7, s7;
	v62 =	vmax.f32 v4, v23;
	v63 =	vmax.f32 v4, v20;
	vm12 =	vgt.f32 v4, v20  }
0xb2: {  	v61 =	vld [tilespmem:s9+$0xFFFFF800];
	v3 =	vmax.f32 v4, v3;
	v6 =	vsel vm0, s23, v6;
	v19 =	vsel vm0, v18, v19  }
0xb3: {  	v18 =	vmax.f32 v18, v21;
	v21 =	vmax.f32 v21, v9;
	v9 =	vsel vm14, v9, v12  }
0xb4: {  	v24 =	vld [tilespmem:s19+$0xFFFFF800];
	v12 =	vmax.f32 v4, v13;
	v22 =	vsel vm9, v10, v62;
	v10 =	vmax.f32 v4, v10  }
0xb5: {  	v13 =	vsel vm11, v13, v63;
	v2 =	vsel vm15, s23, v2;
	v11 =	vsel vm13, v11, v21  }
0xb6: {  	v12 =	vsel vm10, v23, v12;
	v10 =	vsel vm8, v8, v10;
	v8 =	vmax.f32 v4, v8  }
0xb7: {  	vm13 =	vgt.f32 v4, v5;
	v21 =	vmul.f32 v61, v0;
	v8 =	vsel vm15, v7, v8  }
0xb8: {  	v7 =	vmax.f32 v7, v4;
	v4 =	vmax.f32 v4, v5;
	v3 =	vsel vm13, v5, v3  }
0xb9: {  	v5 =	vmul.f32 v24, v1;
	v4 =	vsel vm12, v20, v4;
	vm0 =	vgt.f32 v21, v18  }
0xba: {  	vm14 =	vgt.f32 v21, v19;
	vm15 =	vgt.f32 v21, v17;
	vm9 =	vgt.f32 v21, v16  }
0xbb: {  	vm10 =	vgt.f32 v21, v14;
	vm11 =	vgt.f32 v21, v15;
	v20 =	vmax.f32 v21, v17  }
0xbc: {  	vm12 =	vgt.f32 v21, v11;
	v25 =	vmax.f32 v21, v16;
	v26 =	vmax.f32 v21, v14  }
0xbd: {  	v27 =	vmax.f32 v21, v15;
	v9 =	vmax.f32 v21, v9;
	v20 =	vsel vm14, v19, v20  }
0xbe: {  	v19 =	vmax.f32 v21, v19;
	v17 =	vsel vm15, v17, v25;
	v16 =	vsel vm9, v16, v26  }
0xbf: {  	v14 =	vsel vm10, v14, v27;
	v9 =	vsel vm12, v11, v9;
	vm13 =	vgt.f32 v5, v7  }
0xc0: {  	vm14 =	vgt.f32 v5, v8;
	vm15 =	vgt.f32 v5, v10;
	vm8 =	vgt.f32 v5, v22  }
0xc1: {  	s23 =	sadd.s32 $0x8, s7;
	vm9 =	vgt.f32 v5, v12;
	v29 =	vmax.f32 v5, v22;
	v30 =	vmax.f32 v5, v13  }
0xc2: {  	v28 =	vld [tilespmem:s9+$0xFFFFF880];
	vm10 =	vgt.f32 v5, v13;
	v3 =	vmax.f32 v5, v3;
	v6 =	vsel vm0, s23, v6  }
0xc3: {  	v19 =	vsel vm0, v18, v19;
	v18 =	vmax.f32 v18, v21;
	v21 =	vmax.f32 v21, v11  }
0xc4: {  	v31 =	vld [tilespmem:s19+$0xFFFFF880];
	v11 =	vmax.f32 v5, v12;
	v23 =	vsel vm15, v10, v29;
	v10 =	vmax.f32 v5, v10  }
0xc5: {  	v12 =	vsel vm9, v12, v30;
	v2 =	vsel vm13, s23, v2;
	v15 =	vsel vm11, v15, v21  }
0xc6: {  	v11 =	vsel vm8, v22, v11;
	v10 =	vsel vm14, v8, v10;
	v8 =	vmax.f32 v5, v8  }
0xc7: {  	vm11 =	vgt.f32 v5, v4;
	v21 =	vmul.f32 v28, v0;
	v8 =	vsel vm13, v7, v8  }
0xc8: {  	v7 =	vmax.f32 v7, v5;
	v5 =	vmax.f32 v5, v4;
	v3 =	vsel vm11, v4, v3  }
0xc9: {  	v4 =	vmul.f32 v31, v1;
	v5 =	vsel vm10, v13, v5;
	vm0 =	vgt.f32 v21, v18  }
0xca: {  	vm12 =	vgt.f32 v21, v19;
	vm13 =	vgt.f32 v21, v20;
	vm14 =	vgt.f32 v21, v17  }
0xcb: {  	vm15 =	vgt.f32 v21, v16;
	vm9 =	vgt.f32 v21, v14;
	v13 =	vmax.f32 v21, v20  }
0xcc: {  	vm10 =	vgt.f32 v21, v15;
	v32 =	vmax.f32 v21, v17;
	v33 =	vmax.f32 v21, v16  }
0xcd: {  	v34 =	vmax.f32 v21, v14;
	v9 =	vmax.f32 v21, v9;
	v13 =	vsel vm12, v19, v13  }
0xce: {  	v19 =	vmax.f32 v21, v19;
	v20 =	vsel vm13, v20, v32;
	v17 =	vsel vm14, v17, v33  }
0xcf: {  	v16 =	vsel vm15, v16, v34;
	v9 =	vsel vm10, v15, v9;
	vm11 =	vgt.f32 v4, v7  }
0xd0: {  	vm12 =	vgt.f32 v4, v8;
	vm13 =	vgt.f32 v4, v10;
	vm14 =	vgt.f32 v4, v23  }
0xd1: {  	vm15 =	vgt.f32 v4, v11;
	v36 =	vmax.f32 v4, v23;
	v37 =	vmax.f32 v4, v12  }
0xd2: {  	v35 =	vld [tilespmem:s9+$0xFFFFF900];
	s23 =	sadd.s32 $0x9, s7;
	vm7 =	vgt.f32 v4, v12;
	vm8 =	vgt.f32 v4, v5;
	v3 =	vmax.f32 v4, v3  }
0xd3: {  	v6 =	vsel vm0, s23, v6;
	v19 =	vsel vm0, v18, v19;
	v18 =	vmax.f32 v18, v21  }
0xd4: {  	v38 =	vld [tilespmem:s19+$0xFFFFF900];
	v21 =	vmax.f32 v21, v15;
	v15 =	vmax.f32 v4, v11;
	v22 =	vsel vm13, v10, v36  }
0xd5: {  	v10 =	vmax.f32 v4, v10;
	v11 =	vsel vm15, v11, v37;
	v3 =	vsel vm8, v5, v3  }
0xd6: {  	v2 =	vsel vm11, s23, v2;
	v14 =	vsel vm9, v14, v21;
	v15 =	vsel vm14, v23, v15  }
0xd7: {  	v10 =	vsel vm12, v8, v10;
	v8 =	vmax.f32 v4, v8;
	v21 =	vmul.f32 v35, v0  }
0xd8: {  	v8 =	vsel vm11, v7, v8;
	v7 =	vmax.f32 v7, v4;
	v4 =	vmax.f32 v4, v5  }
0xd9: {  	v5 =	vmul.f32 v38, v1;
	v4 =	vsel vm7, v12, v4;
	vm0 =	vgt.f32 v21, v18  }
0xda: {  	vm9 =	vgt.f32 v21, v19;
	vm10 =	vgt.f32 v21, v13;
	vm11 =	vgt.f32 v21, v20  }
0xdb: {  	vm12 =	vgt.f32 v21, v17;
	vm13 =	vgt.f32 v21, v16;
	v12 =	vmax.f32 v21, v13  }
0xdc: {  	vm14 =	vgt.f32 v21, v14;
	v39 =	vmax.f32 v21, v20;
	v40 =	vmax.f32 v21, v17  }
0xdd: {  	v41 =	vmax.f32 v21, v16;
	v9 =	vmax.f32 v21, v9;
	v12 =	vsel vm9, v19, v12  }
0xde: {  	v19 =	vmax.f32 v21, v19;
	v13 =	vsel vm10, v13, v39;
	v20 =	vsel vm11, v20, v40  }
0xdf: {  	v17 =	vsel vm12, v17, v41;
	v9 =	vsel vm14, v14, v9;
	vm15 =	vgt.f32 v5, v7  }
0xe0: {  	vm8 =	vgt.f32 v5, v8;
	vm9 =	vgt.f32 v5, v10;
	vm10 =	vgt.f32 v5, v22  }
0xe1: {  	s23 =	sadd.s32 $0xA, s7;
	vm11 =	vgt.f32 v5, v15;
	v43 =	vmax.f32 v5, v22;
	v44 =	vmax.f32 v5, v11  }
0xe2: {  	v42 =	vld [tilespmem:s9+$0xFFFFF980];
	vm12 =	vgt.f32 v5, v11;
	v3 =	vmax.f32 v5, v3;
	v6 =	vsel vm0, s23, v6  }
0xe3: {  	v19 =	vsel vm0, v18, v19;
	v18 =	vmax.f32 v18, v21;
	v21 =	vmax.f32 v21, v14  }
0xe4: {  	v45 =	vld [tilespmem:s19+$0xFFFFF980];
	v14 =	vmax.f32 v5, v15;
	v23 =	vsel vm9, v10, v43;
	v10 =	vmax.f32 v5, v10  }
0xe5: {  	v15 =	vsel vm11, v15, v44;
	v2 =	vsel vm15, s23, v2;
	v16 =	vsel vm13, v16, v21  }
0xe6: {  	v14 =	vsel vm10, v22, v14;
	v10 =	vsel vm8, v8, v10;
	v8 =	vmax.f32 v5, v8  }
0xe7: {  	vm13 =	vgt.f32 v5, v4;
	v21 =	vmul.f32 v42, v0;
	v8 =	vsel vm15, v7, v8  }
0xe8: {  	v7 =	vmax.f32 v7, v5;
	v5 =	vmax.f32 v5, v4;
	v3 =	vsel vm13, v4, v3  }
0xe9: {  	v4 =	vmul.f32 v45, v1;
	v5 =	vsel vm12, v11, v5;
	vm0 =	vgt.f32 v21, v18  }
0xea: {  	vm14 =	vgt.f32 v21, v19;
	vm15 =	vgt.f32 v21, v12;
	vm9 =	vgt.f32 v21, v13  }
0xeb: {  	vm10 =	vgt.f32 v21, v20;
	vm11 =	vgt.f32 v21, v17;
	v11 =	vmax.f32 v21, v12  }
0xec: {  	vm12 =	vgt.f32 v21, v16;
	v46 =	vmax.f32 v21, v13;
	v47 =	vmax.f32 v21, v20  }
0xed: {  	v48 =	vmax.f32 v21, v17;
	v9 =	vmax.f32 v21, v9;
	v11 =	vsel vm14, v19, v11  }
0xee: {  	v19 =	vmax.f32 v21, v19;
	v12 =	vsel vm15, v12, v46;
	v13 =	vsel vm9, v13, v47  }
0xef: {  	v20 =	vsel vm10, v20, v48;
	v9 =	vsel vm12, v16, v9;
	vm13 =	vgt.f32 v4, v7  }
0xf0: {  	vm14 =	vgt.f32 v4, v8;
	vm15 =	vgt.f32 v4, v10;
	vm8 =	vgt.f32 v4, v23  }
0xf1: {  	s23 =	sadd.s32 $0xB, s7;
	vm9 =	vgt.f32 v4, v14;
	v50 =	vmax.f32 v4, v23;
	v51 =	vmax.f32 v4, v15  }
0xf2: {  	v49 =	vld [tilespmem:s9+$0xFFFFFA00];
	vm10 =	vgt.f32 v4, v15;
	v3 =	vmax.f32 v4, v3;
	v6 =	vsel vm0, s23, v6  }
0xf3: {  	v19 =	vsel vm0, v18, v19;
	v18 =	vmax.f32 v18, v21;
	v21 =	vmax.f32 v21, v16  }
0xf4: {  	v52 =	vld [tilespmem:s19+$0xFFFFFA00];
	v16 =	vmax.f32 v4, v14;
	v22 =	vsel vm15, v10, v50;
	v10 =	vmax.f32 v4, v10  }
0xf5: {  	v14 =	vsel vm9, v14, v51;
	v2 =	vsel vm13, s23, v2;
	v17 =	vsel vm11, v17, v21  }
0xf6: {  	v16 =	vsel vm8, v23, v16;
	v10 =	vsel vm14, v8, v10;
	v8 =	vmax.f32 v4, v8  }
0xf7: {  	vm11 =	vgt.f32 v4, v5;
	v21 =	vmul.f32 v49, v0;
	v8 =	vsel vm13, v7, v8  }
0xf8: {  	v7 =	vmax.f32 v7, v4;
	v4 =	vmax.f32 v4, v5;
	v3 =	vsel vm11, v5, v3  }
0xf9: {  	v5 =	vmul.f32 v52, v1;
	v4 =	vsel vm10, v15, v4;
	vm0 =	vgt.f32 v21, v18  }
0xfa: {  	vm12 =	vgt.f32 v21, v19;
	vm13 =	vgt.f32 v21, v11;
	vm14 =	vgt.f32 v21, v12  }
0xfb: {  	vm15 =	vgt.f32 v21, v13;
	vm9 =	vgt.f32 v21, v20;
	v15 =	vmax.f32 v21, v11  }
0xfc: {  	vm10 =	vgt.f32 v21, v17;
	v53 =	vmax.f32 v21, v12;
	v54 =	vmax.f32 v21, v13  }
0xfd: {  	v55 =	vmax.f32 v21, v20;
	v9 =	vmax.f32 v21, v9;
	v15 =	vsel vm12, v19, v15  }
0xfe: {  	v19 =	vmax.f32 v21, v19;
	v11 =	vsel vm13, v11, v53;
	v12 =	vsel vm14, v12, v54  }
0xff: {  	v13 =	vsel vm15, v13, v55;
	v9 =	vsel vm10, v17, v9;
	vm11 =	vgt.f32 v5, v7  }
0x100: {  	vm12 =	vgt.f32 v5, v8;
	vm13 =	vgt.f32 v5, v10;
	vm14 =	vgt.f32 v5, v22  }
0x101: {  	vm15 =	vgt.f32 v5, v16;
	v57 =	vmax.f32 v5, v22;
	v58 =	vmax.f32 v5, v14  }
0x102: {  	v56 =	vld [tilespmem:s9+$0xFFFFFA80];
	s23 =	sadd.s32 $0xC, s7;
	vm7 =	vgt.f32 v5, v14;
	vm8 =	vgt.f32 v5, v4;
	v3 =	vmax.f32 v5, v3  }
0x103: {  	v6 =	vsel vm0, s23, v6;
	v19 =	vsel vm0, v18, v19;
	v18 =	vmax.f32 v18, v21  }
0x104: {  	v59 =	vld [tilespmem:s19+$0xFFFFFA80];
	v21 =	vmax.f32 v21, v17;
	v17 =	vmax.f32 v5, v16;
	v23 =	vsel vm13, v10, v57  }
0x105: {  	v10 =	vmax.f32 v5, v10;
	v16 =	vsel vm15, v16, v58;
	v3 =	vsel vm8, v4, v3  }
0x106: {  	v2 =	vsel vm11, s23, v2;
	v20 =	vsel vm9, v20, v21;
	v17 =	vsel vm14, v22, v17  }
0x107: {  	v10 =	vsel vm12, v8, v10;
	v8 =	vmax.f32 v5, v8;
	v21 =	vmul.f32 v56, v0  }
0x108: {  	v8 =	vsel vm11, v7, v8;
	v7 =	vmax.f32 v7, v5;
	v5 =	vmax.f32 v5, v4  }
0x109: {  	v4 =	vmul.f32 v59, v1;
	v5 =	vsel vm7, v14, v5;
	vm0 =	vgt.f32 v21, v18  }
0x10a: {  	vm9 =	vgt.f32 v21, v19;
	vm10 =	vgt.f32 v21, v15;
	vm11 =	vgt.f32 v21, v11  }
0x10b: {  	vm12 =	vgt.f32 v21, v12;
	vm13 =	vgt.f32 v21, v13;
	v14 =	vmax.f32 v21, v15  }
0x10c: {  	vm14 =	vgt.f32 v21, v20;
	v60 =	vmax.f32 v21, v11;
	v61 =	vmax.f32 v21, v12  }
0x10d: {  	v62 =	vmax.f32 v21, v13;
	v9 =	vmax.f32 v21, v9;
	v14 =	vsel vm9, v19, v14  }
0x10e: {  	v19 =	vmax.f32 v21, v19;
	v15 =	vsel vm10, v15, v60;
	v11 =	vsel vm11, v11, v61  }
0x10f: {  	v12 =	vsel vm12, v12, v62;
	v9 =	vsel vm14, v20, v9;
	vm15 =	vgt.f32 v4, v7  }
0x110: {  	vm8 =	vgt.f32 v4, v8;
	vm9 =	vgt.f32 v4, v10;
	vm10 =	vgt.f32 v4, v23  }
0x111: {  	s23 =	sadd.s32 $0xD, s7;
	vm11 =	vgt.f32 v4, v17;
	v24 =	vmax.f32 v4, v23;
	v25 =	vmax.f32 v4, v16  }
0x112: {  	v63 =	vld [tilespmem:s9+$0xFFFFFB00];
	vm12 =	vgt.f32 v4, v16;
	v3 =	vmax.f32 v4, v3;
	v6 =	vsel vm0, s23, v6  }
0x113: {  	v19 =	vsel vm0, v18, v19;
	v18 =	vmax.f32 v18, v21;
	v21 =	vmax.f32 v21, v20  }
0x114: {  	v26 =	vld [tilespmem:s19+$0xFFFFFB00];
	v20 =	vmax.f32 v4, v17;
	v22 =	vsel vm9, v10, v24;
	v10 =	vmax.f32 v4, v10  }
0x115: {  	v17 =	vsel vm11, v17, v25;
	v2 =	vsel vm15, s23, v2;
	v13 =	vsel vm13, v13, v21  }
0x116: {  	v20 =	vsel vm10, v23, v20;
	v10 =	vsel vm8, v8, v10;
	v8 =	vmax.f32 v4, v8  }
0x117: {  	vm13 =	vgt.f32 v4, v5;
	v21 =	vmul.f32 v63, v0;
	v8 =	vsel vm15, v7, v8  }
0x118: {  	v7 =	vmax.f32 v7, v4;
	v4 =	vmax.f32 v4, v5;
	v3 =	vsel vm13, v5, v3  }
0x119: {  	v5 =	vmul.f32 v26, v1;
	v4 =	vsel vm12, v16, v4;
	vm0 =	vgt.f32 v21, v18  }
0x11a: {  	vm14 =	vgt.f32 v21, v19;
	vm15 =	vgt.f32 v21, v14;
	vm9 =	vgt.f32 v21, v15  }
0x11b: {  	vm10 =	vgt.f32 v21, v11;
	vm11 =	vgt.f32 v21, v12;
	v16 =	vmax.f32 v21, v14  }
0x11c: {  	vm12 =	vgt.f32 v21, v13;
	v27 =	vmax.f32 v21, v15;
	v28 =	vmax.f32 v21, v11  }
0x11d: {  	v29 =	vmax.f32 v21, v12;
	v9 =	vmax.f32 v21, v9;
	v16 =	vsel vm14, v19, v16  }
0x11e: {  	v19 =	vmax.f32 v21, v19;
	v14 =	vsel vm15, v14, v27;
	v15 =	vsel vm9, v15, v28  }
0x11f: {  	v11 =	vsel vm10, v11, v29;
	v9 =	vsel vm12, v13, v9;
	vm13 =	vgt.f32 v5, v7  }
0x120: {  	vm14 =	vgt.f32 v5, v8;
	vm15 =	vgt.f32 v5, v10;
	vm8 =	vgt.f32 v5, v22  }
0x121: {  	s23 =	sadd.s32 $0xE, s7;
	vm9 =	vgt.f32 v5, v20;
	v31 =	vmax.f32 v5, v22;
	v32 =	vmax.f32 v5, v17  }
0x122: {  	v30 =	vld [tilespmem:s9+$0xFFFFFB80];
	vm10 =	vgt.f32 v5, v17;
	v3 =	vmax.f32 v5, v3;
	v6 =	vsel vm0, s23, v6  }
0x123: {  	v19 =	vsel vm0, v18, v19;
	v18 =	vmax.f32 v18, v21;
	v21 =	vmax.f32 v21, v13  }
0x124: {  	v33 =	vld [tilespmem:s19+$0xFFFFFB80];
	v13 =	vmax.f32 v5, v20;
	v23 =	vsel vm15, v10, v31;
	v10 =	vmax.f32 v5, v10  }
0x125: {  	v20 =	vsel vm9, v20, v32;
	v2 =	vsel vm13, s23, v2;
	v12 =	vsel vm11, v12, v21  }
0x126: {  	v13 =	vsel vm8, v22, v13;
	v10 =	vsel vm14, v8, v10;
	v8 =	vmax.f32 v5, v8  }
0x127: {  	vm11 =	vgt.f32 v5, v4;
	v21 =	vmul.f32 v30, v0;
	v8 =	vsel vm13, v7, v8  }
0x128: {  	v7 =	vmax.f32 v7, v5;
	v5 =	vmax.f32 v5, v4;
	v3 =	vsel vm11, v4, v3  }
0x129: {  	v4 =	vmul.f32 v33, v1;
	v5 =	vsel vm10, v17, v5;
	vm0 =	vgt.f32 v21, v18  }
0x12a: {  	vm12 =	vgt.f32 v21, v19;
	vm13 =	vgt.f32 v21, v16;
	vm14 =	vgt.f32 v21, v14  }
0x12b: {  	vm15 =	vgt.f32 v21, v15;
	vm9 =	vgt.f32 v21, v11;
	v17 =	vmax.f32 v21, v16  }
0x12c: {  	vm10 =	vgt.f32 v21, v12;
	v34 =	vmax.f32 v21, v14;
	v35 =	vmax.f32 v21, v15  }
0x12d: {  	v36 =	vmax.f32 v21, v11;
	v9 =	vmax.f32 v21, v9;
	v17 =	vsel vm12, v19, v17  }
0x12e: {  	v19 =	vmax.f32 v21, v19;
	v16 =	vsel vm13, v16, v34;
	v14 =	vsel vm14, v14, v35  }
0x12f: {  	v15 =	vsel vm15, v15, v36;
	v9 =	vsel vm10, v12, v9;
	vm11 =	vgt.f32 v4, v7  }
0x130: {  	vm12 =	vgt.f32 v4, v8;
	vm13 =	vgt.f32 v4, v10;
	vm14 =	vgt.f32 v4, v23  }
0x131: {  	vm15 =	vgt.f32 v4, v13;
	v38 =	vmax.f32 v4, v23;
	v39 =	vmax.f32 v4, v20  }
0x132: {  	v37 =	vld [tilespmem:s9+$0x0];
	s23 =	sadd.s32 $0xF, s7;
	vm7 =	vgt.f32 v4, v20;
	vm8 =	vgt.f32 v4, v5;
	v3 =	vmax.f32 v4, v3  }
0x133: {  	v6 =	vsel vm0, s23, v6;
	v19 =	vsel vm0, v18, v19;
	v18 =	vmax.f32 v18, v21  }
0x134: {  	v40 =	vld [tilespmem:s19+$0x0];
	v21 =	vmax.f32 v21, v12;
	v12 =	vmax.f32 v4, v13;
	v22 =	vsel vm13, v10, v38  }
0x135: {  	v10 =	vmax.f32 v4, v10;
	v13 =	vsel vm15, v13, v39;
	v3 =	vsel vm8, v5, v3  }
0x136: {  	v2 =	vsel vm11, s23, v2;
	v11 =	vsel vm9, v11, v21;
	v12 =	vsel vm14, v23, v12  }
0x137: {  	v10 =	vsel vm12, v8, v10;
	v8 =	vmax.f32 v4, v8;
	v21 =	vmul.f32 v37, v0  }
0x138: {  	v8 =	vsel vm11, v7, v8;
	v7 =	vmax.f32 v7, v4;
	v4 =	vmax.f32 v4, v5  }
0x139: {  	v5 =	vmul.f32 v40, v1;
	v4 =	vsel vm7, v20, v4;
	vm0 =	vgt.f32 v21, v18  }
0x13a: {  	vm9 =	vgt.f32 v21, v19;
	vm10 =	vgt.f32 v21, v17;
	vm11 =	vgt.f32 v21, v16  }
0x13b: {  	vm12 =	vgt.f32 v21, v14;
	vm13 =	vgt.f32 v21, v15;
	v20 =	vmax.f32 v21, v17  }
0x13c: {  	vm14 =	vgt.f32 v21, v11;
	v41 =	vmax.f32 v21, v16;
	v42 =	vmax.f32 v21, v14  }
0x13d: {  	v43 =	vmax.f32 v21, v15;
	v9 =	vmax.f32 v21, v9;
	v20 =	vsel vm9, v19, v20  }
0x13e: {  	v19 =	vmax.f32 v21, v19;
	v17 =	vsel vm10, v17, v41;
	v16 =	vsel vm11, v16, v42  }
0x13f: {  	v14 =	vsel vm12, v14, v43;
	v9 =	vsel vm14, v11, v9;
	vm15 =	vgt.f32 v5, v7  }
0x140: {  	vm8 =	vgt.f32 v5, v8;
	vm9 =	vgt.f32 v5, v10;
	vm10 =	vgt.f32 v5, v22  }
0x141: {  	s23 =	sadd.s32 $0x10, s7;
	vm11 =	vgt.f32 v5, v12;
	v45 =	vmax.f32 v5, v22;
	v46 =	vmax.f32 v5, v13  }
0x142: {  	v44 =	vld [tilespmem:s9+$0x80];
	vm12 =	vgt.f32 v5, v13;
	v3 =	vmax.f32 v5, v3;
	v6 =	vsel vm0, s23, v6  }
0x143: {  	v19 =	vsel vm0, v18, v19;
	v18 =	vmax.f32 v18, v21;
	v21 =	vmax.f32 v21, v11  }
0x144: {  	v47 =	vld [tilespmem:s19+$0x80];
	v11 =	vmax.f32 v5, v12;
	v23 =	vsel vm9, v10, v45;
	v10 =	vmax.f32 v5, v10  }
0x145: {  	v12 =	vsel vm11, v12, v46;
	v2 =	vsel vm15, s23, v2;
	v15 =	vsel vm13, v15, v21  }
0x146: {  	v11 =	vsel vm10, v22, v11;
	v10 =	vsel vm8, v8, v10;
	v8 =	vmax.f32 v5, v8  }
0x147: {  	vm13 =	vgt.f32 v5, v4;
	v21 =	vmul.f32 v44, v0;
	v8 =	vsel vm15, v7, v8  }
0x148: {  	v7 =	vmax.f32 v7, v5;
	v5 =	vmax.f32 v5, v4;
	v3 =	vsel vm13, v4, v3  }
0x149: {  	v4 =	vmul.f32 v47, v1;
	v5 =	vsel vm12, v13, v5;
	vm0 =	vgt.f32 v21, v18  }
0x14a: {  	vm14 =	vgt.f32 v21, v19;
	vm15 =	vgt.f32 v21, v20;
	vm9 =	vgt.f32 v21, v17  }
0x14b: {  	vm10 =	vgt.f32 v21, v16;
	vm11 =	vgt.f32 v21, v14;
	v13 =	vmax.f32 v21, v20  }
0x14c: {  	vm12 =	vgt.f32 v21, v15;
	v48 =	vmax.f32 v21, v17;
	v49 =	vmax.f32 v21, v16  }
0x14d: {  	v50 =	vmax.f32 v21, v14;
	v9 =	vmax.f32 v21, v9;
	v13 =	vsel vm14, v19, v13  }
0x14e: {  	v19 =	vmax.f32 v21, v19;
	v20 =	vsel vm15, v20, v48;
	v17 =	vsel vm9, v17, v49  }
0x14f: {  	v16 =	vsel vm10, v16, v50;
	v9 =	vsel vm12, v15, v9;
	vm13 =	vgt.f32 v4, v7  }
0x150: {  	vm14 =	vgt.f32 v4, v8;
	vm15 =	vgt.f32 v4, v10;
	vm8 =	vgt.f32 v4, v23  }
0x151: {  	s23 =	sadd.s32 $0x11, s7;
	vm9 =	vgt.f32 v4, v11;
	v52 =	vmax.f32 v4, v23;
	v53 =	vmax.f32 v4, v12  }
0x152: {  	v51 =	vld [tilespmem:s9+$0x100];
	vm10 =	vgt.f32 v4, v12;
	v3 =	vmax.f32 v4, v3;
	v6 =	vsel vm0, s23, v6  }
0x153: {  	v19 =	vsel vm0, v18, v19;
	v18 =	vmax.f32 v18, v21;
	v21 =	vmax.f32 v21, v15  }
0x154: {  	v54 =	vld [tilespmem:s19+$0x100];
	v15 =	vmax.f32 v4, v11;
	v22 =	vsel vm15, v10, v52;
	v10 =	vmax.f32 v4, v10  }
0x155: {  	v11 =	vsel vm9, v11, v53;
	v2 =	vsel vm13, s23, v2;
	v14 =	vsel vm11, v14, v21  }
0x156: {  	v15 =	vsel vm8, v23, v15;
	v10 =	vsel vm14, v8, v10;
	v8 =	vmax.f32 v4, v8  }
0x157: {  	vm11 =	vgt.f32 v4, v5;
	v21 =	vmul.f32 v51, v0;
	v8 =	vsel vm13, v7, v8  }
0x158: {  	v7 =	vmax.f32 v7, v4;
	v4 =	vmax.f32 v4, v5;
	v3 =	vsel vm11, v5, v3  }
0x159: {  	v5 =	vmul.f32 v54, v1;
	v4 =	vsel vm10, v12, v4;
	vm0 =	vgt.f32 v21, v18  }
0x15a: {  	vm12 =	vgt.f32 v21, v19;
	vm13 =	vgt.f32 v21, v13;
	vm14 =	vgt.f32 v21, v20  }
0x15b: {  	vm15 =	vgt.f32 v21, v17;
	vm9 =	vgt.f32 v21, v16;
	v12 =	vmax.f32 v21, v13  }
0x15c: {  	vm10 =	vgt.f32 v21, v14;
	v55 =	vmax.f32 v21, v20;
	v56 =	vmax.f32 v21, v17  }
0x15d: {  	v57 =	vmax.f32 v21, v16;
	v9 =	vmax.f32 v21, v9;
	v12 =	vsel vm12, v19, v12  }
0x15e: {  	v19 =	vmax.f32 v21, v19;
	v13 =	vsel vm13, v13, v55;
	v20 =	vsel vm14, v20, v56  }
0x15f: {  	v17 =	vsel vm15, v17, v57;
	v9 =	vsel vm10, v14, v9;
	vm11 =	vgt.f32 v5, v7  }
0x160: {  	vm12 =	vgt.f32 v5, v8;
	vm13 =	vgt.f32 v5, v10;
	vm14 =	vgt.f32 v5, v22  }
0x161: {  	vm15 =	vgt.f32 v5, v15;
	v59 =	vmax.f32 v5, v22;
	v60 =	vmax.f32 v5, v11  }
0x162: {  	v58 =	vld [tilespmem:s9+$0x180];
	s23 =	sadd.s32 $0x12, s7;
	vm7 =	vgt.f32 v5, v11;
	vm8 =	vgt.f32 v5, v4;
	v3 =	vmax.f32 v5, v3  }
0x163: {  	v6 =	vsel vm0, s23, v6;
	v19 =	vsel vm0, v18, v19;
	v18 =	vmax.f32 v18, v21  }
0x164: {  	v61 =	vld [tilespmem:s19+$0x180];
	v21 =	vmax.f32 v21, v14;
	v14 =	vmax.f32 v5, v15;
	v23 =	vsel vm13, v10, v59  }
0x165: {  	v10 =	vmax.f32 v5, v10;
	v15 =	vsel vm15, v15, v60;
	v3 =	vsel vm8, v4, v3  }
0x166: {  	v2 =	vsel vm11, s23, v2;
	v16 =	vsel vm9, v16, v21;
	v14 =	vsel vm14, v22, v14  }
0x167: {  	v10 =	vsel vm12, v8, v10;
	v8 =	vmax.f32 v5, v8;
	v21 =	vmul.f32 v58, v0  }
0x168: {  	v8 =	vsel vm11, v7, v8;
	v7 =	vmax.f32 v7, v5;
	v5 =	vmax.f32 v5, v4  }
0x169: {  	v4 =	vmul.f32 v61, v1;
	v5 =	vsel vm7, v11, v5;
	vm0 =	vgt.f32 v21, v18  }
0x16a: {  	vm9 =	vgt.f32 v21, v19;
	vm10 =	vgt.f32 v21, v12;
	vm11 =	vgt.f32 v21, v13  }
0x16b: {  	vm12 =	vgt.f32 v21, v20;
	vm13 =	vgt.f32 v21, v17;
	v11 =	vmax.f32 v21, v12  }
0x16c: {  	vm14 =	vgt.f32 v21, v16;
	v62 =	vmax.f32 v21, v13;
	v63 =	vmax.f32 v21, v20  }
0x16d: {  	v24 =	vmax.f32 v21, v17;
	v9 =	vmax.f32 v21, v9;
	v11 =	vsel vm9, v19, v11  }
0x16e: {  	v19 =	vmax.f32 v21, v19;
	v12 =	vsel vm10, v12, v62;
	v13 =	vsel vm11, v13, v63  }
0x16f: {  	v20 =	vsel vm12, v20, v24;
	v9 =	vsel vm14, v16, v9;
	vm15 =	vgt.f32 v4, v7  }
0x170: {  	vm8 =	vgt.f32 v4, v8;
	vm9 =	vgt.f32 v4, v10;
	vm10 =	vgt.f32 v4, v23  }
0x171: {  	s23 =	sadd.s32 $0x13, s7;
	vm11 =	vgt.f32 v4, v14;
	v26 =	vmax.f32 v4, v23;
	v27 =	vmax.f32 v4, v15  }
0x172: {  	v25 =	vld [tilespmem:s9+$0x200];
	vm12 =	vgt.f32 v4, v15;
	v3 =	vmax.f32 v4, v3;
	v6 =	vsel vm0, s23, v6  }
0x173: {  	v19 =	vsel vm0, v18, v19;
	v18 =	vmax.f32 v18, v21;
	v21 =	vmax.f32 v21, v16  }
0x174: {  	v28 =	vld [tilespmem:s19+$0x200];
	v16 =	vmax.f32 v4, v14;
	v22 =	vsel vm9, v10, v26;
	v10 =	vmax.f32 v4, v10  }
0x175: {  	v14 =	vsel vm11, v14, v27;
	v2 =	vsel vm15, s23, v2;
	v17 =	vsel vm13, v17, v21  }
0x176: {  	v16 =	vsel vm10, v23, v16;
	v10 =	vsel vm8, v8, v10;
	v8 =	vmax.f32 v4, v8  }
0x177: {  	vm13 =	vgt.f32 v4, v5;
	v21 =	vmul.f32 v25, v0;
	v8 =	vsel vm15, v7, v8  }
0x178: {  	v7 =	vmax.f32 v7, v4;
	v4 =	vmax.f32 v4, v5;
	v3 =	vsel vm13, v5, v3  }
0x179: {  	v5 =	vmul.f32 v28, v1;
	v4 =	vsel vm12, v15, v4;
	vm0 =	vgt.f32 v21, v18  }
0x17a: {  	vm14 =	vgt.f32 v21, v19;
	vm15 =	vgt.f32 v21, v11;
	vm9 =	vgt.f32 v21, v12  }
0x17b: {  	vm10 =	vgt.f32 v21, v13;
	vm11 =	vgt.f32 v21, v20;
	v15 =	vmax.f32 v21, v11  }
0x17c: {  	vm12 =	vgt.f32 v21, v17;
	v29 =	vmax.f32 v21, v12;
	v30 =	vmax.f32 v21, v13  }
0x17d: {  	v31 =	vmax.f32 v21, v20;
	v9 =	vmax.f32 v21, v9;
	v15 =	vsel vm14, v19, v15  }
0x17e: {  	v19 =	vmax.f32 v21, v19;
	v11 =	vsel vm15, v11, v29;
	v12 =	vsel vm9, v12, v30  }
0x17f: {  	v13 =	vsel vm10, v13, v31;
	v9 =	vsel vm12, v17, v9;
	vm13 =	vgt.f32 v5, v7  }
0x180: {  	vm14 =	vgt.f32 v5, v8;
	vm15 =	vgt.f32 v5, v10;
	vm8 =	vgt.f32 v5, v22  }
0x181: {  	s23 =	sadd.s32 $0x14, s7;
	vm9 =	vgt.f32 v5, v16;
	v33 =	vmax.f32 v5, v22;
	v34 =	vmax.f32 v5, v14  }
0x182: {  	v32 =	vld [tilespmem:s9+$0x280];
	vm10 =	vgt.f32 v5, v14;
	v3 =	vmax.f32 v5, v3;
	v6 =	vsel vm0, s23, v6  }
0x183: {  	v19 =	vsel vm0, v18, v19;
	v18 =	vmax.f32 v18, v21;
	v21 =	vmax.f32 v21, v17  }
0x184: {  	v35 =	vld [tilespmem:s19+$0x280];
	v17 =	vmax.f32 v5, v16;
	v23 =	vsel vm15, v10, v33;
	v10 =	vmax.f32 v5, v10  }
0x185: {  	v16 =	vsel vm9, v16, v34;
	v2 =	vsel vm13, s23, v2;
	v20 =	vsel vm11, v20, v21  }
0x186: {  	v17 =	vsel vm8, v22, v17;
	v10 =	vsel vm14, v8, v10;
	v8 =	vmax.f32 v5, v8  }
0x187: {  	vm11 =	vgt.f32 v5, v4;
	v21 =	vmul.f32 v32, v0;
	v8 =	vsel vm13, v7, v8  }
0x188: {  	v7 =	vmax.f32 v7, v5;
	v5 =	vmax.f32 v5, v4;
	v3 =	vsel vm11, v4, v3  }
0x189: {  	v4 =	vmul.f32 v35, v1;
	v5 =	vsel vm10, v14, v5;
	vm0 =	vgt.f32 v21, v18  }
0x18a: {  	vm12 =	vgt.f32 v21, v19;
	vm13 =	vgt.f32 v21, v15;
	vm14 =	vgt.f32 v21, v11  }
0x18b: {  	vm15 =	vgt.f32 v21, v12;
	vm9 =	vgt.f32 v21, v13;
	v14 =	vmax.f32 v21, v15  }
0x18c: {  	vm10 =	vgt.f32 v21, v20;
	v36 =	vmax.f32 v21, v11;
	v37 =	vmax.f32 v21, v12  }
0x18d: {  	v38 =	vmax.f32 v21, v13;
	v9 =	vmax.f32 v21, v9;
	v14 =	vsel vm12, v19, v14  }
0x18e: {  	v19 =	vmax.f32 v21, v19;
	v15 =	vsel vm13, v15, v36;
	v11 =	vsel vm14, v11, v37  }
0x18f: {  	v12 =	vsel vm15, v12, v38;
	v9 =	vsel vm10, v20, v9;
	vm11 =	vgt.f32 v4, v7  }
0x190: {  	vm12 =	vgt.f32 v4, v8;
	vm13 =	vgt.f32 v4, v10;
	vm14 =	vgt.f32 v4, v23  }
0x191: {  	vm15 =	vgt.f32 v4, v17;
	v40 =	vmax.f32 v4, v23;
	v41 =	vmax.f32 v4, v16  }
0x192: {  	v39 =	vld [tilespmem:s9+$0x300];
	s23 =	sadd.s32 $0x15, s7;
	vm7 =	vgt.f32 v4, v16;
	vm8 =	vgt.f32 v4, v5;
	v3 =	vmax.f32 v4, v3  }
0x193: {  	v6 =	vsel vm0, s23, v6;
	v19 =	vsel vm0, v18, v19;
	v18 =	vmax.f32 v18, v21  }
0x194: {  	v42 =	vld [tilespmem:s19+$0x300];
	v21 =	vmax.f32 v21, v20;
	v20 =	vmax.f32 v4, v17;
	v22 =	vsel vm13, v10, v40  }
0x195: {  	v10 =	vmax.f32 v4, v10;
	v17 =	vsel vm15, v17, v41;
	v3 =	vsel vm8, v5, v3  }
0x196: {  	v2 =	vsel vm11, s23, v2;
	v13 =	vsel vm9, v13, v21;
	v20 =	vsel vm14, v23, v20  }
0x197: {  	v10 =	vsel vm12, v8, v10;
	v8 =	vmax.f32 v4, v8;
	v21 =	vmul.f32 v39, v0  }
0x198: {  	v8 =	vsel vm11, v7, v8;
	v7 =	vmax.f32 v7, v4;
	v4 =	vmax.f32 v4, v5  }
0x199: {  	v5 =	vmul.f32 v42, v1;
	v4 =	vsel vm7, v16, v4;
	vm0 =	vgt.f32 v21, v18  }
0x19a: {  	vm9 =	vgt.f32 v21, v19;
	vm10 =	vgt.f32 v21, v14;
	vm11 =	vgt.f32 v21, v15  }
0x19b: {  	vm12 =	vgt.f32 v21, v11;
	vm13 =	vgt.f32 v21, v12;
	v16 =	vmax.f32 v21, v14  }
0x19c: {  	vm14 =	vgt.f32 v21, v13;
	v43 =	vmax.f32 v21, v15;
	v44 =	vmax.f32 v21, v11  }
0x19d: {  	v45 =	vmax.f32 v21, v12;
	v9 =	vmax.f32 v21, v9;
	v16 =	vsel vm9, v19, v16  }
0x19e: {  	v19 =	vmax.f32 v21, v19;
	v14 =	vsel vm10, v14, v43;
	v15 =	vsel vm11, v15, v44  }
0x19f: {  	v11 =	vsel vm12, v11, v45;
	v9 =	vsel vm14, v13, v9;
	vm15 =	vgt.f32 v5, v7  }
0x1a0: {  	vm8 =	vgt.f32 v5, v8;
	vm9 =	vgt.f32 v5, v10;
	vm10 =	vgt.f32 v5, v22  }
0x1a1: {  	s23 =	sadd.s32 $0x16, s7;
	vm11 =	vgt.f32 v5, v20;
	v47 =	vmax.f32 v5, v22;
	v48 =	vmax.f32 v5, v17  }
0x1a2: {  	v46 =	vld [tilespmem:s9+$0x380];
	vm12 =	vgt.f32 v5, v17;
	v3 =	vmax.f32 v5, v3;
	v6 =	vsel vm0, s23, v6  }
0x1a3: {  	v19 =	vsel vm0, v18, v19;
	v18 =	vmax.f32 v18, v21;
	v21 =	vmax.f32 v21, v13  }
0x1a4: {  	v49 =	vld [tilespmem:s19+$0x380];
	v13 =	vmax.f32 v5, v20;
	v23 =	vsel vm9, v10, v47;
	v10 =	vmax.f32 v5, v10  }
0x1a5: {  	v20 =	vsel vm11, v20, v48;
	v2 =	vsel vm15, s23, v2;
	v12 =	vsel vm13, v12, v21  }
0x1a6: {  	v13 =	vsel vm10, v22, v13;
	v10 =	vsel vm8, v8, v10;
	v8 =	vmax.f32 v5, v8  }
0x1a7: {  	vm13 =	vgt.f32 v5, v4;
	v21 =	vmul.f32 v46, v0;
	v8 =	vsel vm15, v7, v8  }
0x1a8: {  	v7 =	vmax.f32 v7, v5;
	v5 =	vmax.f32 v5, v4;
	v3 =	vsel vm13, v4, v3  }
0x1a9: {  	v4 =	vmul.f32 v49, v1;
	v5 =	vsel vm12, v17, v5;
	vm0 =	vgt.f32 v21, v18  }
0x1aa: {  	vm14 =	vgt.f32 v21, v19;
	vm15 =	vgt.f32 v21, v16;
	vm9 =	vgt.f32 v21, v14  }
0x1ab: {  	vm10 =	vgt.f32 v21, v15;
	vm11 =	vgt.f32 v21, v11;
	v17 =	vmax.f32 v21, v16  }
0x1ac: {  	vm12 =	vgt.f32 v21, v12;
	v50 =	vmax.f32 v21, v14;
	v51 =	vmax.f32 v21, v15  }
0x1ad: {  	v52 =	vmax.f32 v21, v11;
	v9 =	vmax.f32 v21, v9;
	v17 =	vsel vm14, v19, v17  }
0x1ae: {  	v19 =	vmax.f32 v21, v19;
	v16 =	vsel vm15, v16, v50;
	v14 =	vsel vm9, v14, v51  }
0x1af: {  	v15 =	vsel vm10, v15, v52;
	v9 =	vsel vm12, v12, v9;
	vm13 =	vgt.f32 v4, v7  }
0x1b0: {  	vm14 =	vgt.f32 v4, v8;
	vm15 =	vgt.f32 v4, v10;
	vm8 =	vgt.f32 v4, v23  }
0x1b1: {  	s23 =	sadd.s32 $0x17, s7;
	vm9 =	vgt.f32 v4, v13;
	v54 =	vmax.f32 v4, v23;
	v55 =	vmax.f32 v4, v20  }
0x1b2: {  	v53 =	vld [tilespmem:s9+$0x800];
	vm10 =	vgt.f32 v4, v20;
	v3 =	vmax.f32 v4, v3;
	v6 =	vsel vm0, s23, v6  }
0x1b3: {  	v19 =	vsel vm0, v18, v19;
	v18 =	vmax.f32 v18, v21;
	v21 =	vmax.f32 v21, v12  }
0x1b4: {  	v56 =	vld [tilespmem:s19+$0x800];
	v12 =	vmax.f32 v4, v13;
	v22 =	vsel vm15, v10, v54;
	v10 =	vmax.f32 v4, v10  }
0x1b5: {  	v13 =	vsel vm9, v13, v55;
	v2 =	vsel vm13, s23, v2;
	v11 =	vsel vm11, v11, v21  }
0x1b6: {  	v12 =	vsel vm8, v23, v12;
	v10 =	vsel vm14, v8, v10;
	v8 =	vmax.f32 v4, v8  }
0x1b7: {  	vm11 =	vgt.f32 v4, v5;
	v21 =	vmul.f32 v53, v0;
	v8 =	vsel vm13, v7, v8  }
0x1b8: {  	v7 =	vmax.f32 v7, v4;
	v4 =	vmax.f32 v4, v5;
	v3 =	vsel vm11, v5, v3  }
0x1b9: {  	v5 =	vmul.f32 v56, v1;
	v4 =	vsel vm10, v20, v4;
	vm0 =	vgt.f32 v21, v18  }
0x1ba: {  	vm12 =	vgt.f32 v21, v19;
	vm13 =	vgt.f32 v21, v17;
	vm14 =	vgt.f32 v21, v16  }
0x1bb: {  	vm15 =	vgt.f32 v21, v14;
	vm9 =	vgt.f32 v21, v15;
	v20 =	vmax.f32 v21, v17  }
0x1bc: {  	vm10 =	vgt.f32 v21, v11;
	v57 =	vmax.f32 v21, v16;
	v58 =	vmax.f32 v21, v14  }
0x1bd: {  	v59 =	vmax.f32 v21, v15;
	v9 =	vmax.f32 v21, v9;
	v20 =	vsel vm12, v19, v20  }
0x1be: {  	v19 =	vmax.f32 v21, v19;
	v17 =	vsel vm13, v17, v57;
	v16 =	vsel vm14, v16, v58  }
0x1bf: {  	v14 =	vsel vm15, v14, v59;
	v9 =	vsel vm10, v11, v9;
	vm11 =	vgt.f32 v5, v7  }
0x1c0: {  	vm12 =	vgt.f32 v5, v8;
	vm13 =	vgt.f32 v5, v10;
	vm14 =	vgt.f32 v5, v22  }
0x1c1: {  	vm15 =	vgt.f32 v5, v12;
	v61 =	vmax.f32 v5, v22;
	v62 =	vmax.f32 v5, v13  }
0x1c2: {  	v60 =	vld [tilespmem:s9+$0x880];
	s23 =	sadd.s32 $0x18, s7;
	vm7 =	vgt.f32 v5, v13;
	vm8 =	vgt.f32 v5, v4;
	v3 =	vmax.f32 v5, v3  }
0x1c3: {  	v6 =	vsel vm0, s23, v6;
	v19 =	vsel vm0, v18, v19;
	v18 =	vmax.f32 v18, v21  }
0x1c4: {  	v63 =	vld [tilespmem:s19+$0x880];
	v21 =	vmax.f32 v21, v11;
	v11 =	vmax.f32 v5, v12;
	v23 =	vsel vm13, v10, v61  }
0x1c5: {  	v10 =	vmax.f32 v5, v10;
	v12 =	vsel vm15, v12, v62;
	v3 =	vsel vm8, v4, v3  }
0x1c6: {  	v2 =	vsel vm11, s23, v2;
	v15 =	vsel vm9, v15, v21;
	v11 =	vsel vm14, v22, v11  }
0x1c7: {  	v10 =	vsel vm12, v8, v10;
	v8 =	vmax.f32 v5, v8;
	v21 =	vmul.f32 v60, v0  }
0x1c8: {  	v8 =	vsel vm11, v7, v8;
	v7 =	vmax.f32 v7, v5;
	v5 =	vmax.f32 v5, v4  }
0x1c9: {  	v4 =	vmul.f32 v63, v1;
	v5 =	vsel vm7, v13, v5;
	vm0 =	vgt.f32 v21, v18  }
0x1ca: {  	vm9 =	vgt.f32 v21, v19;
	vm10 =	vgt.f32 v21, v20;
	vm11 =	vgt.f32 v21, v17  }
0x1cb: {  	vm12 =	vgt.f32 v21, v16;
	vm13 =	vgt.f32 v21, v14;
	v13 =	vmax.f32 v21, v20  }
0x1cc: {  	vm14 =	vgt.f32 v21, v15;
	v24 =	vmax.f32 v21, v17;
	v25 =	vmax.f32 v21, v16  }
0x1cd: {  	v26 =	vmax.f32 v21, v14;
	v9 =	vmax.f32 v21, v9;
	v13 =	vsel vm9, v19, v13  }
0x1ce: {  	v19 =	vmax.f32 v21, v19;
	v20 =	vsel vm10, v20, v24;
	v17 =	vsel vm11, v17, v25  }
0x1cf: {  	v16 =	vsel vm12, v16, v26;
	v9 =	vsel vm14, v15, v9;
	vm15 =	vgt.f32 v4, v7  }
0x1d0: {  	vm8 =	vgt.f32 v4, v8;
	vm9 =	vgt.f32 v4, v10;
	vm10 =	vgt.f32 v4, v23  }
0x1d1: {  	s23 =	sadd.s32 $0x19, s7;
	vm11 =	vgt.f32 v4, v11;
	v28 =	vmax.f32 v4, v23;
	v29 =	vmax.f32 v4, v12  }
0x1d2: {  	v27 =	vld [tilespmem:s9+$0x900];
	vm12 =	vgt.f32 v4, v12;
	v3 =	vmax.f32 v4, v3;
	v6 =	vsel vm0, s23, v6  }
0x1d3: {  	v19 =	vsel vm0, v18, v19;
	v18 =	vmax.f32 v18, v21;
	v21 =	vmax.f32 v21, v15  }
0x1d4: {  	v30 =	vld [tilespmem:s19+$0x900];
	v15 =	vmax.f32 v4, v11;
	v22 =	vsel vm9, v10, v28;
	v10 =	vmax.f32 v4, v10  }
0x1d5: {  	v11 =	vsel vm11, v11, v29;
	v2 =	vsel vm15, s23, v2;
	v14 =	vsel vm13, v14, v21  }
0x1d6: {  	v15 =	vsel vm10, v23, v15;
	v10 =	vsel vm8, v8, v10;
	v8 =	vmax.f32 v4, v8  }
0x1d7: {  	vm13 =	vgt.f32 v4, v5;
	v21 =	vmul.f32 v27, v0;
	v8 =	vsel vm15, v7, v8  }
0x1d8: {  	v7 =	vmax.f32 v7, v4;
	v4 =	vmax.f32 v4, v5;
	v3 =	vsel vm13, v5, v3  }
0x1d9: {  	v5 =	vmul.f32 v30, v1;
	v4 =	vsel vm12, v12, v4;
	vm0 =	vgt.f32 v21, v18  }
0x1da: {  	vm14 =	vgt.f32 v21, v19;
	vm15 =	vgt.f32 v21, v13;
	vm9 =	vgt.f32 v21, v20  }
0x1db: {  	vm10 =	vgt.f32 v21, v17;
	vm11 =	vgt.f32 v21, v16;
	v12 =	vmax.f32 v21, v13  }
0x1dc: {  	vm12 =	vgt.f32 v21, v14;
	v31 =	vmax.f32 v21, v20;
	v32 =	vmax.f32 v21, v17  }
0x1dd: {  	v33 =	vmax.f32 v21, v16;
	v9 =	vmax.f32 v21, v9;
	v12 =	vsel vm14, v19, v12  }
0x1de: {  	v19 =	vmax.f32 v21, v19;
	v13 =	vsel vm15, v13, v31;
	v20 =	vsel vm9, v20, v32  }
0x1df: {  	v17 =	vsel vm10, v17, v33;
	v9 =	vsel vm12, v14, v9;
	vm13 =	vgt.f32 v5, v7  }
0x1e0: {  	vm14 =	vgt.f32 v5, v8;
	vm15 =	vgt.f32 v5, v10;
	vm8 =	vgt.f32 v5, v22  }
0x1e1: {  	s23 =	sadd.s32 $0x1A, s7;
	vm9 =	vgt.f32 v5, v15;
	v35 =	vmax.f32 v5, v22;
	v36 =	vmax.f32 v5, v11  }
0x1e2: {  	v34 =	vld [tilespmem:s9+$0x980];
	vm10 =	vgt.f32 v5, v11;
	v3 =	vmax.f32 v5, v3;
	v6 =	vsel vm0, s23, v6  }
0x1e3: {  	v19 =	vsel vm0, v18, v19;
	v18 =	vmax.f32 v18, v21;
	v21 =	vmax.f32 v21, v14  }
0x1e4: {  	v37 =	vld [tilespmem:s19+$0x980];
	v14 =	vmax.f32 v5, v15;
	v23 =	vsel vm15, v10, v35;
	v10 =	vmax.f32 v5, v10  }
0x1e5: {  	v15 =	vsel vm9, v15, v36;
	v2 =	vsel vm13, s23, v2;
	v16 =	vsel vm11, v16, v21  }
0x1e6: {  	v14 =	vsel vm8, v22, v14;
	v10 =	vsel vm14, v8, v10;
	v8 =	vmax.f32 v5, v8  }
0x1e7: {  	vm11 =	vgt.f32 v5, v4;
	v21 =	vmul.f32 v34, v0;
	v8 =	vsel vm13, v7, v8  }
0x1e8: {  	v7 =	vmax.f32 v7, v5;
	v5 =	vmax.f32 v5, v4;
	v3 =	vsel vm11, v4, v3  }
0x1e9: {  	v4 =	vmul.f32 v37, v1;
	v5 =	vsel vm10, v11, v5;
	vm0 =	vgt.f32 v21, v18  }
0x1ea: {  	vm12 =	vgt.f32 v21, v19;
	vm13 =	vgt.f32 v21, v12;
	vm14 =	vgt.f32 v21, v13  }
0x1eb: {  	vm15 =	vgt.f32 v21, v20;
	vm9 =	vgt.f32 v21, v17;
	v11 =	vmax.f32 v21, v12  }
0x1ec: {  	vm10 =	vgt.f32 v21, v16;
	v38 =	vmax.f32 v21, v13;
	v39 =	vmax.f32 v21, v20  }
0x1ed: {  	v40 =	vmax.f32 v21, v17;
	v9 =	vmax.f32 v21, v9;
	v11 =	vsel vm12, v19, v11  }
0x1ee: {  	v19 =	vmax.f32 v21, v19;
	v12 =	vsel vm13, v12, v38;
	v13 =	vsel vm14, v13, v39  }
0x1ef: {  	v20 =	vsel vm15, v20, v40;
	v9 =	vsel vm10, v16, v9;
	vm11 =	vgt.f32 v4, v7  }
0x1f0: {  	vm12 =	vgt.f32 v4, v8;
	vm13 =	vgt.f32 v4, v10;
	vm14 =	vgt.f32 v4, v23  }
0x1f1: {  	vm15 =	vgt.f32 v4, v14;
	v42 =	vmax.f32 v4, v23;
	v43 =	vmax.f32 v4, v15  }
0x1f2: {  	v41 =	vld [tilespmem:s9+$0xA00];
	s23 =	sadd.s32 $0x1B, s7;
	vm7 =	vgt.f32 v4, v15;
	vm8 =	vgt.f32 v4, v5;
	v3 =	vmax.f32 v4, v3  }
0x1f3: {  	v6 =	vsel vm0, s23, v6;
	v19 =	vsel vm0, v18, v19;
	v18 =	vmax.f32 v18, v21  }
0x1f4: {  	v44 =	vld [tilespmem:s19+$0xA00];
	v21 =	vmax.f32 v21, v16;
	v16 =	vmax.f32 v4, v14;
	v22 =	vsel vm13, v10, v42  }
0x1f5: {  	v10 =	vmax.f32 v4, v10;
	v14 =	vsel vm15, v14, v43;
	v3 =	vsel vm8, v5, v3  }
0x1f6: {  	v2 =	vsel vm11, s23, v2;
	v17 =	vsel vm9, v17, v21;
	v16 =	vsel vm14, v23, v16  }
0x1f7: {  	v10 =	vsel vm12, v8, v10;
	v8 =	vmax.f32 v4, v8;
	v21 =	vmul.f32 v41, v0  }
0x1f8: {  	v8 =	vsel vm11, v7, v8;
	v7 =	vmax.f32 v7, v4;
	v4 =	vmax.f32 v4, v5  }
0x1f9: {  	v5 =	vmul.f32 v44, v1;
	v4 =	vsel vm7, v15, v4;
	vm0 =	vgt.f32 v21, v18  }
0x1fa: {  	vm9 =	vgt.f32 v21, v19;
	vm10 =	vgt.f32 v21, v11;
	vm11 =	vgt.f32 v21, v12  }
0x1fb: {  	vm12 =	vgt.f32 v21, v13;
	vm13 =	vgt.f32 v21, v20;
	v15 =	vmax.f32 v21, v11  }
0x1fc: {  	vm14 =	vgt.f32 v21, v17;
	v45 =	vmax.f32 v21, v12;
	v46 =	vmax.f32 v21, v13  }
0x1fd: {  	v47 =	vmax.f32 v21, v20;
	v9 =	vmax.f32 v21, v9;
	v15 =	vsel vm9, v19, v15  }
0x1fe: {  	v19 =	vmax.f32 v21, v19;
	v11 =	vsel vm10, v11, v45;
	v12 =	vsel vm11, v12, v46  }
0x1ff: {  	v13 =	vsel vm12, v13, v47;
	v9 =	vsel vm14, v17, v9;
	vm15 =	vgt.f32 v5, v7  }
0x200: {  	vm8 =	vgt.f32 v5, v8;
	vm9 =	vgt.f32 v5, v10;
	vm10 =	vgt.f32 v5, v22  }
0x201: {  	s23 =	sadd.s32 $0x1C, s7;
	vm11 =	vgt.f32 v5, v16;
	v49 =	vmax.f32 v5, v22;
	v50 =	vmax.f32 v5, v14  }
0x202: {  	v48 =	vld [tilespmem:s9+$0xA80];
	vm12 =	vgt.f32 v5, v14;
	v3 =	vmax.f32 v5, v3;
	v6 =	vsel vm0, s23, v6  }
0x203: {  	v19 =	vsel vm0, v18, v19;
	v18 =	vmax.f32 v18, v21;
	v21 =	vmax.f32 v21, v17  }
0x204: {  	v51 =	vld [tilespmem:s19+$0xA80];
	v17 =	vmax.f32 v5, v16;
	v23 =	vsel vm9, v10, v49;
	v10 =	vmax.f32 v5, v10  }
0x205: {  	v16 =	vsel vm11, v16, v50;
	v2 =	vsel vm15, s23, v2;
	v20 =	vsel vm13, v20, v21  }
0x206: {  	v17 =	vsel vm10, v22, v17;
	v10 =	vsel vm8, v8, v10;
	v8 =	vmax.f32 v5, v8  }
0x207: {  	vm13 =	vgt.f32 v5, v4;
	v21 =	vmul.f32 v48, v0;
	v8 =	vsel vm15, v7, v8  }
0x208: {  	v7 =	vmax.f32 v7, v5;
	v5 =	vmax.f32 v5, v4;
	v3 =	vsel vm13, v4, v3  }
0x209: {  	v4 =	vmul.f32 v51, v1;
	v5 =	vsel vm12, v14, v5;
	vm0 =	vgt.f32 v21, v18  }
0x20a: {  	vm14 =	vgt.f32 v21, v19;
	vm15 =	vgt.f32 v21, v15;
	vm9 =	vgt.f32 v21, v11  }
0x20b: {  	vm10 =	vgt.f32 v21, v12;
	vm11 =	vgt.f32 v21, v13;
	v14 =	vmax.f32 v21, v15  }
0x20c: {  	vm12 =	vgt.f32 v21, v20;
	v52 =	vmax.f32 v21, v11;
	v53 =	vmax.f32 v21, v12  }
0x20d: {  	v54 =	vmax.f32 v21, v13;
	v9 =	vmax.f32 v21, v9;
	v14 =	vsel vm14, v19, v14  }
0x20e: {  	v19 =	vmax.f32 v21, v19;
	v15 =	vsel vm15, v15, v52;
	v11 =	vsel vm9, v11, v53  }
0x20f: {  	v12 =	vsel vm10, v12, v54;
	v9 =	vsel vm12, v20, v9;
	vm13 =	vgt.f32 v4, v7  }
0x210: {  	vm14 =	vgt.f32 v4, v8;
	vm15 =	vgt.f32 v4, v10;
	vm8 =	vgt.f32 v4, v23  }
0x211: {  	s23 =	sadd.s32 $0x1D, s7;
	vm9 =	vgt.f32 v4, v17;
	v56 =	vmax.f32 v4, v23;
	v57 =	vmax.f32 v4, v16  }
0x212: {  	v55 =	vld [tilespmem:s9+$0xB00];
	vm10 =	vgt.f32 v4, v16;
	v3 =	vmax.f32 v4, v3;
	v6 =	vsel vm0, s23, v6  }
0x213: {  	v19 =	vsel vm0, v18, v19;
	v18 =	vmax.f32 v18, v21;
	v21 =	vmax.f32 v21, v20  }
0x214: {  	v58 =	vld [tilespmem:s19+$0xB00];
	v20 =	vmax.f32 v4, v17;
	v22 =	vsel vm15, v10, v56;
	v10 =	vmax.f32 v4, v10  }
0x215: {  	v17 =	vsel vm9, v17, v57;
	v2 =	vsel vm13, s23, v2;
	v13 =	vsel vm11, v13, v21  }
0x216: {  	v20 =	vsel vm8, v23, v20;
	v10 =	vsel vm14, v8, v10;
	v8 =	vmax.f32 v4, v8  }
0x217: {  	vm11 =	vgt.f32 v4, v5;
	v21 =	vmul.f32 v55, v0;
	v8 =	vsel vm13, v7, v8  }
0x218: {  	v7 =	vmax.f32 v7, v4;
	v4 =	vmax.f32 v4, v5;
	v3 =	vsel vm11, v5, v3  }
0x219: {  	v5 =	vmul.f32 v58, v1;
	v4 =	vsel vm10, v16, v4;
	vm0 =	vgt.f32 v21, v18  }
0x21a: {  	vm12 =	vgt.f32 v21, v19;
	vm13 =	vgt.f32 v21, v14;
	vm14 =	vgt.f32 v21, v15  }
0x21b: {  	vm15 =	vgt.f32 v21, v11;
	vm9 =	vgt.f32 v21, v12;
	v16 =	vmax.f32 v21, v14  }
0x21c: {  	vm10 =	vgt.f32 v21, v13;
	v59 =	vmax.f32 v21, v15;
	v60 =	vmax.f32 v21, v11  }
0x21d: {  	v61 =	vmax.f32 v21, v12;
	v9 =	vmax.f32 v21, v9;
	v16 =	vsel vm12, v19, v16  }
0x21e: {  	v19 =	vmax.f32 v21, v19;
	v14 =	vsel vm13, v14, v59;
	v15 =	vsel vm14, v15, v60  }
0x21f: {  	v11 =	vsel vm15, v11, v61;
	v9 =	vsel vm10, v13, v9;
	vm11 =	vgt.f32 v5, v7  }
0x220: {  	vm12 =	vgt.f32 v5, v8;
	vm13 =	vgt.f32 v5, v10;
	vm14 =	vgt.f32 v5, v22  }
0x221: {  	vm15 =	vgt.f32 v5, v20;
	v62 =	vmax.f32 v5, v22;
	vm7 =	vgt.f32 v5, v17  }
0x222: {  	s23 =	sadd.s32 $0x1E, s7;
	v19 =	vsel vm0, v18, v19;
	v18 =	vmax.f32 v18, v21;
	v21 =	vmax.f32 v21, v13;
	v13 =	vld [tilespmem:s9+$0xB80]  }
0x223: {  	vm8 =	vgt.f32 v5, v4;
	v3 =	vmax.f32 v5, v3;
	v6 =	vsel vm0, s23, v6  }
0x224: {  	v23 =	vsel vm13, v10, v62;
	v10 =	vmax.f32 v5, v10;
	v21 =	vsel vm9, v12, v21  }
0x225: {  	v12 =	vmax.f32 v5, v20;
	v24 =	vsel vm12, v8, v10;
	v8 =	vmax.f32 v5, v8  }
0x226: {  	v22 =	vsel vm14, v22, v12;
	v12 =	vmax.f32 v5, v17;
	v10 =	vsel vm11, v7, v8  }
0x227: {  	v8 =	vmax.f32 v7, v5;
	v20 =	vsel vm15, v20, v12;
	v12 =	vld [tilespmem:s19+$0xB80];
	v7 =	vmul.f32 v13, v0  }
0x228: {  	v3 =	vsel vm8, v4, v3;
	v2 =	vsel vm11, s23, v2;
	v5 =	vmax.f32 v5, v4  }
0x229: {  	v25 =	vsel vm7, v17, v5;
	vm9 =	vgt.f32 v7, v18;
	vm10 =	vgt.f32 v7, v19  }
0x22a: {  	vm11 =	vgt.f32 v7, v16;
	vm12 =	vgt.f32 v7, v14;
	vm13 =	vgt.f32 v7, v15  }
0x22b: {  	vm14 =	vgt.f32 v7, v11;
	v5 =	vmax.f32 v7, v16;
	vm15 =	vgt.f32 v7, v21  }
0x22c: {  	v9 =	vmax.f32 v7, v9;
	v4 =	vmul.f32 v12, v1;
	v17 =	vsel vm10, v19, v5  }
0x22d: {  	s23 =	sadd.s32 $0x1F, s7;
	v5 =	vmax.f32 v7, v14;
	v12 =	vmax.f32 v7, v19;
	v13 =	vsel vm15, v21, v9  }
0x22e: {  	v6 =	vsel vm9, s23, v6;
	v16 =	vsel vm11, v16, v5;
	v5 =	vmax.f32 v7, v15  }
0x22f: {  	v19 =	vsel vm9, v18, v12;
	v18 =	vmax.f32 v18, v7;
	v14 =	vsel vm12, v14, v5  }
0x230: {  	v5 =	vmax.f32 v7, v11;
	v7 =	vmax.f32 v7, v21;
	vm9 =	vgt.f32 v4, v8  }
0x231: {  	vm10 =	vgt.f32 v4, v10;
	vm11 =	vgt.f32 v4, v24;
	vm12 =	vgt.f32 v4, v23  }
0x232: {  	vm15 =	vgt.f32 v4, v25;
	v9 =	vmax.f32 v4, v22;
	v63 =	vmax.f32 v4, v25  }
0x233: {  	p1 =	slt.u32 s7, $0x60;
	v15 =	vsel vm13, v15, v5;
	v12 =	vsel vm14, v11, v7;
	vm13 =	vgt.f32 v4, v22  }
.Ltmp0:
0x234: {  	vm14 =	vgt.f32 v4, v20;
	v5 =	vmax.f32 v4, v10;
	v7 =	vmax.f32 v8, v4;
	(pc) =	sbr.rel @p1 .LBB2_4-.Ltmp0, $4  }
0x235: {  	v9 =	vsel vm12, v23, v9;
	v8 =	vsel vm9, v8, v5;
	v5 =	vmax.f32 v4, v24  }
0x236: {  	v2 =	vsel vm9, s23, v2;
	v10 =	vsel vm10, v10, v5;
	v5 =	vmax.f32 v4, v23  }
0x237: {  	v11 =	vsel vm11, v24, v5;
	v5 =	vmax.f32 v4, v20;
	v4 =	vmax.f32 v4, v3  }
0x238: {  	s9 =	sadd.s32 $0x2000, s9;
	s7 =	sadd.s32 $0x20, s7;
	s19 =	sadd.s32 $0x2000, s19;
	v3 =	vsel vm14, v20, v63;
	v5 =	vsel vm13, v22, v5;
	v4 =	vsel vm15, v25, v4  }
0x239: {  	s7 =	sadd.s32 $0x10E00, s13  }
0x23a: {  	s9 =	sadd.s32 s18, s7  }
0x23b: {  	[tilespmem:s9+$0x0] =	vst v18  }
0x23c: {  	[tilespmem:s9+$0x80] =	vst v19  }
0x23d: {  	[tilespmem:s9+$0x100] =	vst v17  }
0x23e: {  	[tilespmem:s9+$0x180] =	vst v16  }
0x23f: {  	[tilespmem:s9+$0x200] =	vst v14  }
0x240: {  	[tilespmem:s9+$0x280] =	vst v15  }
0x241: {  	[tilespmem:s9+$0x300] =	vst v12  }
0x242: {  	[tilespmem:s9+$0x380] =	vst v13  }
0x243: {  	s7 =	sadd.s32 s8, s7;
	[tilespmem:s15+$0x11600] =	vst v6  }
0x244: {  	[tilespmem:s7+$0x0] =	vst v7  }
0x245: {  	[tilespmem:s7+$0x80] =	vst v8  }
0x246: {  	s0 =	sadd.s32 $0x1, s0;
	[tilespmem:s7+$0x100] =	vst v10  }
0x247: {  	p1 =	sne.s32 s0, $0x8;
	[tilespmem:s7+$0x180] =	vst v11  }
.Ltmp1:
0x248: {  	[tilespmem:s7+$0x200] =	vst v9;
	(pc) =	sbr.rel @p1 .LBB2_3-.Ltmp1, $4  }
0x249: {  	[tilespmem:s7+$0x280] =	vst v5  }
0x24a: {  	[tilespmem:s7+$0x300] =	vst v3  }
0x24b: {  	[tilespmem:s7+$0x380] =	vst v4  }
0x24c: {  	s2 =	sadd.s32 $0x100, s2;
	s31 =	sadd.s32 $0x2, s31;
	s30 =	sadd.s32 $0x1, s30;
	[tilespmem:s16+$0x11600] =	vst v2  }
0x24d: {  	s0 =	sshll.u32 s25, $0x3  }
0x24e: {  	s2 =	sadd.s32 s11, s0  }
0x24f: {  	s2 =	sshrl.u32 s2, $0x3  }
0x250: {  	s2 =	sadd.s32 s5, s2  }
0x251: {  	[hbm4b:s2+s4] =	stream.linear.scatter [tilespmem:s20], [sflag:$0x3], $0x800, $0x38;
	[tilespmem:$0x11700] =	vst v63  }
0x252: {  	s0 =	sadd.s32 s12, s0;
	_ =	swait.ge [sflag:s17], $0x800  }
0x253: {  	p1 =	sne.s32 s24, $0xE;
	s0 =	sshrl.u32 s0, $0x3;
	[sflag:s17] =	ssyncset.done $0x0  }
.Ltmp2:
0x254: {  	s0 =	sadd.s32 s3, s0;
	[sflag:s17] =	ssyncadd.s32 $0xFFFFF800;
	(pc) =	sbr.rel @p1 .LBB2_2-.Ltmp2, $4  }
0x255: {  	[hbm4b:s0+s14] =	stream.strided.scatter [tilespmem:s22], [sflag:$0x3], $0x100, s21, s14, $0x38;
	[tilespmem:$0x11700] =	vst v63  }
0x256: {  	_ =	swait.ge [sflag:s17], $0x100  }
0x257: {  	[sflag:s17] =	ssyncset.done $0x0  }
0x258: {  	p0 =	por !p0, !p0;
	[sflag:s17] =	ssyncadd.s32 $0xFFFFFF00  }
0x259: {  	s0 =	simm.s32 $0x1  }
0x25a: {  	_ =	swait.ge [sflag:s0], $0x8000  }
0x25b: {  	s7 =	rddreg [dreg:$0x8]  }
0x25c: {  	s2 =	rddreg [dreg:$0x7];
	s7 =	sadd.s32 $0x1, s7  }
0x25d: {  	p0 =	sne.s32 s7, s2  }
.Ltmp3:
0x25e: {  	_ = 	snop;
	(pc) =	sbr.rel @p0 .LBB2_1-.Ltmp3, $3  }
0x25f: {  	_ =	sdelay $0x1  }
0x260: {  	[sflag:s0] =	ssyncset.done $0x0  }
0x261: {  	[sflag:s0] =	ssyncadd.s32 $0xFFFF8000  }
0x262: {  	_ =	sfence.sel $0x180000  }
0x263: {  	[bflag:$0x0] =	sbarrier.arrive $0xFFFF  }
0x264: {  	_ =	strace $0x90000047  }
0x265: {  	s0 =	stileid.u32;
	[bflag:$0x2] =	sbarrier.arrive $0xFFFF  }
0x266: {  	p0 =	sne.s32 s0, $0x0;
	s0 =	rddreg [dreg:$0x4]  }
0x267: {  	s0 =	sadd.s32 @!p0 $0x100000, s0  }
0x268: {  	[sflag:s0] =	ssyncadd.tile.s32 @!p0 $0x1;
	_ =	shalt  }
.Lfunc_end2:
_tile_overlayer_lowered:
.L_overlay_start_2:
0x269: {  	(tag) =	ssettag $0x2  }
0x26a: {  	s0 =	rddreg [dreg:$0x0];
	s2 =	stileid.u32  }
0x26b: {  	s1 =	rddreg [dreg:$0x1];
	p0 =	sne.s32 s2, $0x0  }
0x26c: {  	s3 =	rddreg [dreg:$0x2];
	[bflag:$0x3] =	sbarrier.arrive $0xFFFF;
	s2 =	simm.s32 @!p0 $0x1C03  }
0x26d: {  	[timem:s3], [sflag:s2] =	dma.local @!p0 [hbm:s0], s1  }
0x26e: {  	s0 =	simm.s32 @!p0 $0x3  }
0x26f: {  	_ =	swait.ge @!p0 [sflag:s0], s1  }
0x270: {  	s1 =	ssub.s32 @!p0 $0x0, s1;
	[sflag:s0] =	ssyncset.done @!p0 $0x0  }
0x271: {  	[sflag:s0] =	ssyncadd.s32 @!p0 s1  }
0x272: {  	[bflag:$0x3] =	sbarrier.arrive $0xFFFF  }
0x273: {  	_ =	shalt  }

</sc_bundles>
